<compile_context>
chip_gen: v7x
topology: tpu7x:2x2x1
jax: 0.10.2.dev20260603
libtpu: 0.0.44.dev20260713+nightly
codegen_flags: <defaults>
</compile_context>

<pallas_src>
import jax
import jax.numpy as jnp
from jax import lax
from jax.experimental import pallas as pl
from jax.experimental.pallas import tpu as pltpu
from jax.experimental.pallas import tpu_sc as plsc

M = 1024
L = 200
NEWS_DIM = 64
CAT_DIM = 16
D = NEWS_DIM + CAT_DIM
CATP = 1024

NC = 2
NS = 16
NW = NC * NS
DAYS_PER_W = M // NW
IDX_PER_W = DAYS_PER_W * L

NBUF = 2
GROUPS = L // 16
REM = L - GROUPS * 16


def _body(news_tab, catT, idxn_hbm, idxc_hbm, out_hbm,
          idxn_v, idxc_v, catT_v, rows, tbuf, out_v, sems, isem):
    wid = lax.axis_index("s") * NC + lax.axis_index("c")
    base = wid * IDX_PER_W
    idxn_v[pl.ds(IDX_PER_W, 16)] = jnp.zeros((16,), jnp.int32)
    idxc_v[pl.ds(IDX_PER_W, 16)] = jnp.zeros((16,), jnp.int32)
    c1 = pltpu.async_copy(idxn_hbm.at[pl.ds(base, IDX_PER_W)],
                          idxn_v.at[pl.ds(0, IDX_PER_W)], isem)
    c2 = pltpu.async_copy(idxc_hbm.at[pl.ds(base, IDX_PER_W)],
                          idxc_v.at[pl.ds(0, IDX_PER_W)], isem)
    c3 = pltpu.async_copy(catT, catT_v, isem)
    c1.wait()
    c2.wait()
    c3.wait()

    iota = lax.iota(jnp.int32, 16)
    lane_lt8 = iota < 8

    def issue_day(ld, buf):
        off = ld * L

        @plsc.parallel_loop(0, GROUPS * 16, step=16)
        def grp(g):
            ids = idxn_v[pl.ds(off + g, 16)]
            for j in range(16):
                rid = ids[j]
                pltpu.async_copy(news_tab.at[pl.ds(rid, 1)],
                                 rows.at[buf, pl.ds(g + j, 1)], sems[buf])

        ids = idxn_v[pl.ds(off + GROUPS * 16, 16)]
        for j in range(REM):
            rid = ids[j]
            pltpu.async_copy(news_tab.at[pl.ds(rid, 1)],
                             rows.at[buf, pl.ds(GROUPS * 16 + j, 1)],
                             sems[buf])

    def wait_day(buf):
        pltpu.make_async_copy(
            news_tab.at[pl.ds(0, L)], rows.at[buf], sems[buf]).wait()

    def cat_accumulate(ld):
        off = ld * L
        zero = jnp.zeros((16,), jnp.float32)

        @plsc.parallel_loop(0, GROUPS * 16, step=16,
                            carry=tuple([zero] * 16))
        def cacc(g, acc):
            ids = idxc_v[pl.ds(off + g, 16)]
            return tuple(
                acc[c] + plsc.load_gather(catT_v,
                                          [jnp.full((16,), c, jnp.int32),
                                           ids])
                for c in range(16))

        ids = idxc_v[pl.ds(off + GROUPS * 16, 16)]
        ids = jnp.where(lane_lt8, ids, jnp.int32(1000))
        accs = tuple(
            cacc[c] + plsc.load_gather(catT_v, [jnp.full((16,), c, jnp.int32),
                                                ids])
            for c in range(16))
        for c in range(16):
            tbuf[c, pl.ds(0, 16)] = accs[c]
        tot = jnp.zeros((16,), jnp.float32)
        for l in range(16):
            tot = tot + plsc.load_gather(tbuf, [iota,
                                                jnp.full((16,), l, jnp.int32)])
        out_v[ld, pl.ds(64, 16)] = tot * jnp.float32(1.0 / L)

    def news_accumulate(ld, buf):
        zero = jnp.zeros((16,), jnp.float32)

        @plsc.parallel_loop(0, L, step=1, unroll=8,
                            carry=(zero, zero, zero, zero))
        def racc(r, acc):
            a0, a1, a2, a3 = acc
            a0 = a0 + rows[buf, r, pl.ds(0, 16)]
            a1 = a1 + rows[buf, r, pl.ds(16, 16)]
            a2 = a2 + rows[buf, r, pl.ds(32, 16)]
            a3 = a3 + rows[buf, r, pl.ds(48, 16)]
            return (a0, a1, a2, a3)

        a0, a1, a2, a3 = racc
        s = jnp.float32(1.0 / L)
        out_v[ld, pl.ds(0, 16)] = a0 * s
        out_v[ld, pl.ds(16, 16)] = a1 * s
        out_v[ld, pl.ds(32, 16)] = a2 * s
        out_v[ld, pl.ds(48, 16)] = a3 * s

    issue_day(0, 0)
    issue_day(1, 1)

    def pair_body(i, carry):
        for buf in range(NBUF):
            ld = i * NBUF + buf
            cat_accumulate(ld)
            wait_day(buf)
            news_accumulate(ld, buf)

            @pl.when(ld + NBUF < DAYS_PER_W)
            def _():
                issue_day(ld + NBUF, buf)
        return carry

    lax.fori_loop(0, DAYS_PER_W // NBUF, pair_body, 0)
    pltpu.sync_copy(out_v, out_hbm.at[pl.ds(wid * DAYS_PER_W, DAYS_PER_W)])


@jax.jit
def _pooled(news_ids_flat, category_ids_flat, news_table, catT):
    mesh = plsc.VectorSubcoreMesh(core_axis_name="c", subcore_axis_name="s")
    return pl.kernel(
        _body,
        out_type=jax.ShapeDtypeStruct((M, D), jnp.float32),
        mesh=mesh,
        compiler_params=pltpu.CompilerParams(use_tc_tiling_on_sc=True,
                                             needs_layout_passes=False),
        scratch_types=[
            pltpu.VMEM((IDX_PER_W + 16,), jnp.int32),
            pltpu.VMEM((IDX_PER_W + 16,), jnp.int32),
            pltpu.VMEM((CAT_DIM, CATP), jnp.float32),
            pltpu.VMEM((NBUF, L, NEWS_DIM), jnp.float32),
            pltpu.VMEM((16, 16), jnp.float32),
            pltpu.VMEM((DAYS_PER_W, D), jnp.float32),
            [pltpu.SemaphoreType.DMA] * NBUF,
            pltpu.SemaphoreType.DMA,
        ],
    )(news_table, catT, news_ids_flat, category_ids_flat)


def kernel(news_ids, category_ids, delta_days, news_table, cat_table):
    idxn = news_ids.reshape(-1).astype(jnp.int32)
    idxc = category_ids.reshape(-1).astype(jnp.int32)
    catT = jnp.pad(cat_table.T.astype(jnp.float32),
                   ((0, 0), (0, CATP - cat_table.shape[0])))
    Z = _pooled(idxn, idxc, news_table, catT)
    return (Z, delta_days.astype(jnp.float32))

# --- scband reference (transcript-rebuilt; emitter-appended) ---
"""Pipeline reference for scband-long-term-embedding-18957985645139 (READ-ONLY COPY).

The authoritative reference and input builder live on the scoring server;
editing this copy changes nothing except your own understanding.
"""

import jax, jax.numpy as jnp
import numpy as np

NUM_NEWS = 1000000
NUM_CATEGORIES = 1000
NEWS_DIM = 64
CATEGORY_DIM = 16
M = 1024   # number of days in long-term sequence
L = 200    # interactions per day


def setup_inputs(seed: int = 0) -> dict:
    key = jax.random.key(seed)
    k1, k2, k3, k4, k5 = jax.random.split(key, 5)
    news_ids = jax.random.randint(k1, (M, L), 0, NUM_NEWS, dtype=jnp.int64) if jax.config.jax_enable_x64 else jax.random.randint(k1, (M, L), 0, NUM_NEWS, dtype=jnp.int32)
    category_ids = jax.random.randint(k2, (M, L), 0, NUM_CATEGORIES, dtype=jnp.int32)
    delta_days = jax.random.uniform(k3, (M,), dtype=jnp.float32)
    # Learned parameters of JointEmbedding: news table + category table
    news_table = jax.random.normal(k4, (NUM_NEWS, NEWS_DIM), dtype=jnp.float32) * 0.02
    cat_table = jax.random.normal(k5, (NUM_CATEGORIES, CATEGORY_DIM), dtype=jnp.float32) * 0.02
    return {
        "news_ids": news_ids,
        "category_ids": category_ids,
        "delta_days": delta_days,
        "news_table": news_table,
        "cat_table": cat_table,
    }


def reference(news_ids, category_ids, delta_days, news_table, cat_table):
    # JointEmbedding: lookup news + category embeddings, concat along feature dim
    news_emb = jnp.take(news_table, news_ids, axis=0)        # (M, L, NEWS_DIM)
    cat_emb = jnp.take(cat_table, category_ids, axis=0)      # (M, L, CATEGORY_DIM)
    interaction_emb = jnp.concatenate([news_emb, cat_emb], axis=-1)  # (M, L, D)
    # Mean pooling within each daily chunk -> daily preference vector
    Z = jnp.mean(interaction_emb, axis=1)                    # (M, D)
    delta_t = delta_days.astype(jnp.float32)                 # (M,)
    return (Z, delta_t)

if __name__ == "__main__":
    import jax
    _d = setup_inputs()
    print(jax.jit(kernel)(*tuple(_d.values())))

</pallas_src>

<mosaic_0001>
#map = affine_map<(d0, d1) -> (0, 0)>
#map1 = affine_map<(d0, d1) -> (0)>
module attributes {stable_mosaic.version = 14 : i64} {
  func.func @_body(%arg0: i32, %arg1: i32, %arg2: memref<1000000x64xf32, #tpu.memory_space<hbm>>, %arg3: memref<16x1024xf32, #tpu.memory_space<hbm>>, %arg4: memref<204800xi32, #tpu.memory_space<hbm>>, %arg5: memref<204800xi32, #tpu.memory_space<hbm>>, %arg6: memref<1024x80xf32, #tpu.memory_space<hbm>>, %arg7: memref<6416xi32, #tpu.memory_space<vmem>>, %arg8: memref<6416xi32, #tpu.memory_space<vmem>>, %arg9: memref<16x1024xf32, #tpu.memory_space<vmem>>, %arg10: memref<2x200x64xf32, #tpu.memory_space<vmem>>, %arg11: memref<16x16xf32, #tpu.memory_space<vmem>>, %arg12: memref<32x80xf32, #tpu.memory_space<vmem>>, %arg13: memref<!tpu.dma_semaphore, #tpu.memory_space<semaphore_mem>>, %arg14: memref<!tpu.dma_semaphore, #tpu.memory_space<semaphore_mem>>, %arg15: memref<!tpu.dma_semaphore, #tpu.memory_space<semaphore_mem>>) attributes {dimension_semantics = [#tpu.dimension_semantics<core_parallel>, #tpu.dimension_semantics<subcore_parallel>], iteration_bounds = array<i64: 2, 16>, scalar_prefetch = 0 : i64, scratch_operands = 9 : i64, tpu.core_type = #tpu.core_type<sc_vector_subcore>, window_params = [{transform_indices = #map}, {transform_indices = #map}, {transform_indices = #map1}, {transform_indices = #map1}, {transform_indices = #map}]} {
    %mul3A = arith.constant 2 : i32
    %mul3A_0 = arith.muli %arg1, %mul3A : i32
    %add3A = arith.addi %mul3A_0, %arg0 : i32
    %mul3A_1 = arith.constant 6400 : i32
    %mul3A_2 = arith.muli %add3A, %mul3A_1 : i32
    %broadcast_in_dim3A = arith.constant 0 : i32
    %broadcast_in_dim3A_3 = vector.broadcast %broadcast_in_dim3A : i32 to vector<16xi32>
    %swap3A = arith.constant 6400 : index
    %swap3A_4 = tpu.vector_load %arg7[%swap3A] {strides = array<i32>} : memref<6416xi32, #tpu.memory_space<vmem>>, vector<16xi32>,
    tpu.vector_store %arg7[%swap3A], %broadcast_in_dim3A_3 {strides = array<i32>} : memref<6416xi32, #tpu.memory_space<vmem>>, vector<16xi32>,
    %broadcast_in_dim3A_5 = arith.constant 0 : i32
    %broadcast_in_dim3A_6 = vector.broadcast %broadcast_in_dim3A_5 : i32 to vector<16xi32>
    %swap3A_7 = arith.constant 6400 : index
    %swap3A_8 = tpu.vector_load %arg8[%swap3A_7] {strides = array<i32>} : memref<6416xi32, #tpu.memory_space<vmem>>, vector<16xi32>,
    tpu.vector_store %arg8[%swap3A_7], %broadcast_in_dim3A_6 {strides = array<i32>} : memref<6416xi32, #tpu.memory_space<vmem>>, vector<16xi32>,
    %dma_start3A = arith.constant 0 : i32
    %dma_start3A_9 = tpu.memref_slice %arg7[%dma_start3A] : memref<6416xi32, #tpu.memory_space<vmem>> -> memref<6400xi32, #tpu.memory_space<vmem>>
    %dma_start3A_10 = tpu.memref_slice %arg4[%mul3A_2] : memref<204800xi32, #tpu.memory_space<hbm>> -> memref<6400xi32, #tpu.memory_space<hbm>>
    %dma_start3A_11 = arith.constant 0 : i32
    %dma_start3A_12 = tpu.memref_slice %arg7[%dma_start3A_11] : memref<6416xi32, #tpu.memory_space<vmem>> -> memref<6400xi32, #tpu.memory_space<vmem>>
    %dma_start3A_13 = tpu.memref_slice %arg4[%mul3A_2] : memref<204800xi32, #tpu.memory_space<hbm>> -> memref<6400xi32, #tpu.memory_space<hbm>>
    tpu.enqueue_dma source(%dma_start3A_13 : memref<6400xi32, #tpu.memory_space<hbm>>) target(%dma_start3A_12 : memref<6400xi32, #tpu.memory_space<vmem>>) target_semaphore(%arg15 : memref<!tpu.dma_semaphore, #tpu.memory_space<semaphore_mem>>)
    %dma_start3A_14 = arith.constant 0 : i32
    %dma_start3A_15 = tpu.memref_slice %arg8[%dma_start3A_14] : memref<6416xi32, #tpu.memory_space<vmem>> -> memref<6400xi32, #tpu.memory_space<vmem>>
    %dma_start3A_16 = tpu.memref_slice %arg5[%mul3A_2] : memref<204800xi32, #tpu.memory_space<hbm>> -> memref<6400xi32, #tpu.memory_space<hbm>>
    %dma_start3A_17 = arith.constant 0 : i32
    %dma_start3A_18 = tpu.memref_slice %arg8[%dma_start3A_17] : memref<6416xi32, #tpu.memory_space<vmem>> -> memref<6400xi32, #tpu.memory_space<vmem>>
    %dma_start3A_19 = tpu.memref_slice %arg5[%mul3A_2] : memref<204800xi32, #tpu.memory_space<hbm>> -> memref<6400xi32, #tpu.memory_space<hbm>>
    tpu.enqueue_dma source(%dma_start3A_19 : memref<6400xi32, #tpu.memory_space<hbm>>) target(%dma_start3A_18 : memref<6400xi32, #tpu.memory_space<vmem>>) target_semaphore(%arg15 : memref<!tpu.dma_semaphore, #tpu.memory_space<semaphore_mem>>)
    tpu.enqueue_dma source(%arg3 : memref<16x1024xf32, #tpu.memory_space<hbm>>) target(%arg9 : memref<16x1024xf32, #tpu.memory_space<vmem>>) target_semaphore(%arg15 : memref<!tpu.dma_semaphore, #tpu.memory_space<semaphore_mem>>)
    %dma_wait3A = arith.constant 0 : i32
    %dma_wait3A_20 = tpu.memref_slice %arg7[%dma_wait3A] : memref<6416xi32, #tpu.memory_space<vmem>> -> memref<6400xi32, #tpu.memory_space<vmem>>
    %dma_wait3A_21 = tpu.memref_slice %arg4[%mul3A_2] : memref<204800xi32, #tpu.memory_space<hbm>> -> memref<6400xi32, #tpu.memory_space<hbm>>
    %dma_wait3A_22 = arith.constant 0 : i32
    %dma_wait3A_23 = tpu.memref_slice %arg7[%dma_wait3A_22] : memref<6416xi32, #tpu.memory_space<vmem>> -> memref<6400xi32, #tpu.memory_space<vmem>>
    %dma_wait3A_24 = tpu.memref_slice %arg4[%mul3A_2] : memref<204800xi32, #tpu.memory_space<hbm>> -> memref<6400xi32, #tpu.memory_space<hbm>>
    tpu.wait_dma2 semaphore(%arg15 : memref<!tpu.dma_semaphore, #tpu.memory_space<semaphore_mem>>) src(%dma_wait3A_24 : memref<6400xi32, #tpu.memory_space<hbm>>) dst(%dma_wait3A_23 : memref<6400xi32, #tpu.memory_space<vmem>>)
    %dma_wait3A_25 = arith.constant 0 : i32
    %dma_wait3A_26 = tpu.memref_slice %arg8[%dma_wait3A_25] : memref<6416xi32, #tpu.memory_space<vmem>> -> memref<6400xi32, #tpu.memory_space<vmem>>
    %dma_wait3A_27 = tpu.memref_slice %arg5[%mul3A_2] : memref<204800xi32, #tpu.memory_space<hbm>> -> memref<6400xi32, #tpu.memory_space<hbm>>
    %dma_wait3A_28 = arith.constant 0 : i32
    %dma_wait3A_29 = tpu.memref_slice %arg8[%dma_wait3A_28] : memref<6416xi32, #tpu.memory_space<vmem>> -> memref<6400xi32, #tpu.memory_space<vmem>>
    %dma_wait3A_30 = tpu.memref_slice %arg5[%mul3A_2] : memref<204800xi32, #tpu.memory_space<hbm>> -> memref<6400xi32, #tpu.memory_space<hbm>>
    tpu.wait_dma2 semaphore(%arg15 : memref<!tpu.dma_semaphore, #tpu.memory_space<semaphore_mem>>) src(%dma_wait3A_30 : memref<6400xi32, #tpu.memory_space<hbm>>) dst(%dma_wait3A_29 : memref<6400xi32, #tpu.memory_space<vmem>>)
    tpu.wait_dma2 semaphore(%arg15 : memref<!tpu.dma_semaphore, #tpu.memory_space<semaphore_mem>>) src(%arg3 : memref<16x1024xf32, #tpu.memory_space<hbm>>) dst(%arg9 : memref<16x1024xf32, #tpu.memory_space<vmem>>)
    %iota3A = tpu.iota {dimensions = array<i32: 0>} : vector<16xi32>
    %lt3A = arith.constant 8 : i32
    %lt3A_31 = vector.broadcast %lt3A : i32 to vector<16xi32>
    %lt3A_32 = arith.cmpi slt, %iota3A, %lt3A_31 : vector<16xi32>
    %parallel_loop3A = arith.constant 0 : i32
    %parallel_loop3A_33 = arith.constant 192 : i32
    %parallel_loop3A_34 = arith.constant 16 : i32
    scf.for %parallel_loop3A_286 = %parallel_loop3A to %parallel_loop3A_33 step %parallel_loop3A_34  : i32 {
      %parallel_loop3A_287 = arith.constant 0 : i32
      %parallel_loop3A_288 = arith.addi %parallel_loop3A_287, %parallel_loop3A_286 : i32
      %parallel_loop3A_289 = arith.index_cast %parallel_loop3A_288 : i32 to index
      %parallel_loop3A_290 = tpu.vector_load %arg7[%parallel_loop3A_289] {strides = array<i32>} : memref<6416xi32, #tpu.memory_space<vmem>>, vector<16xi32>,
      %parallel_loop3A_291 = vector.extract_strided_slice %parallel_loop3A_290 {offsets = [0], sizes = [1], strides = [1]} : vector<16xi32> to vector<1xi32>
      %parallel_loop3A_292 = vector.extract %parallel_loop3A_291[0] : i32 from vector<1xi32>
      %parallel_loop3A_293 = arith.constant 0 : i32
      %parallel_loop3A_294 = arith.addi %parallel_loop3A_286, %parallel_loop3A_293 : i32
      %parallel_loop3A_295 = arith.constant 0 : i32
      %parallel_loop3A_296 = arith.constant 0 : i32
      %parallel_loop3A_297 = tpu.memref_slice %arg10[%parallel_loop3A_295, %parallel_loop3A_294, %parallel_loop3A_296] : memref<2x200x64xf32, #tpu.memory_space<vmem>> -> memref<1x1x64xf32, #tpu.memory_space<vmem>>
      %parallel_loop3A_298 = tpu.memref_squeeze %parallel_loop3A_297 : memref<1x1x64xf32, #tpu.memory_space<vmem>> -> memref<1x64xf32, #tpu.memory_space<vmem>>
      %parallel_loop3A_299 = arith.constant 0 : i32
      %parallel_loop3A_300 = tpu.memref_slice %arg2[%parallel_loop3A_292, %parallel_loop3A_299] : memref<1000000x64xf32, #tpu.memory_space<hbm>> -> memref<1x64xf32, #tpu.memory_space<hbm>>
      %parallel_loop3A_301 = arith.constant 0 : i32
      %parallel_loop3A_302 = tpu.memref_slice %arg10[%parallel_loop3A_295, %parallel_loop3A_294, %parallel_loop3A_301] : memref<2x200x64xf32, #tpu.memory_space<vmem>> -> memref<1x1x64xf32, #tpu.memory_space<vmem>>
      %parallel_loop3A_303 = tpu.memref_squeeze %parallel_loop3A_302 : memref<1x1x64xf32, #tpu.memory_space<vmem>> -> memref<1x64xf32, #tpu.memory_space<vmem>>
      %parallel_loop3A_304 = arith.constant 0 : i32
      %parallel_loop3A_305 = tpu.memref_slice %arg2[%parallel_loop3A_292, %parallel_loop3A_304] : memref<1000000x64xf32, #tpu.memory_space<hbm>> -> memref<1x64xf32, #tpu.memory_space<hbm>>
      tpu.enqueue_dma source(%parallel_loop3A_305 : memref<1x64xf32, #tpu.memory_space<hbm>>) target(%parallel_loop3A_303 : memref<1x64xf32, #tpu.memory_space<vmem>>) target_semaphore(%arg13 : memref<!tpu.dma_semaphore, #tpu.memory_space<semaphore_mem>>)
      %parallel_loop3A_306 = vector.extract_strided_slice %parallel_loop3A_290 {offsets = [1], sizes = [1], strides = [1]} : vector<16xi32> to vector<1xi32>
      %parallel_loop3A_307 = vector.extract %parallel_loop3A_306[0] : i32 from vector<1xi32>
      %parallel_loop3A_308 = arith.constant 1 : i32
      %parallel_loop3A_309 = arith.addi %parallel_loop3A_286, %parallel_loop3A_308 : i32
      %parallel_loop3A_310 = arith.constant 0 : i32
      %parallel_loop3A_311 = arith.constant 0 : i32
      %parallel_loop3A_312 = tpu.memref_slice %arg10[%parallel_loop3A_310, %parallel_loop3A_309, %parallel_loop3A_311] : memref<2x200x64xf32, #tpu.memory_space<vmem>> -> memref<1x1x64xf32, #tpu.memory_space<vmem>>
      %parallel_loop3A_313 = tpu.memref_squeeze %parallel_loop3A_312 : memref<1x1x64xf32, #tpu.memory_space<vmem>> -> memref<1x64xf32, #tpu.memory_space<vmem>>
      %parallel_loop3A_314 = arith.constant 0 : i32
      %parallel_loop3A_315 = tpu.memref_slice %arg2[%parallel_loop3A_307, %parallel_loop3A_314] : memref<1000000x64xf32, #tpu.memory_space<hbm>> -> memref<1x64xf32, #tpu.memory_space<hbm>>
      %parallel_loop3A_316 = arith.constant 0 : i32
      %parallel_loop3A_317 = tpu.memref_slice %arg10[%parallel_loop3A_310, %parallel_loop3A_309, %parallel_loop3A_316] : memref<2x200x64xf32, #tpu.memory_space<vmem>> -> memref<1x1x64xf32, #tpu.memory_space<vmem>>
      %parallel_loop3A_318 = tpu.memref_squeeze %parallel_loop3A_317 : memref<1x1x64xf32, #tpu.memory_space<vmem>> -> memref<1x64xf32, #tpu.memory_space<vmem>>
      %parallel_loop3A_319 = arith.constant 0 : i32
      %parallel_loop3A_320 = tpu.memref_slice %arg2[%parallel_loop3A_307, %parallel_loop3A_319] : memref<1000000x64xf32, #tpu.memory_space<hbm>> -> memref<1x64xf32, #tpu.memory_space<hbm>>
      tpu.enqueue_dma source(%parallel_loop3A_320 : memref<1x64xf32, #tpu.memory_space<hbm>>) target(%parallel_loop3A_318 : memref<1x64xf32, #tpu.memory_space<vmem>>) target_semaphore(%arg13 : memref<!tpu.dma_semaphore, #tpu.memory_space<semaphore_mem>>)
      %parallel_loop3A_321 = vector.extract_strided_slice %parallel_loop3A_290 {offsets = [2], sizes = [1], strides = [1]} : vector<16xi32> to vector<1xi32>
      %parallel_loop3A_322 = vector.extract %parallel_loop3A_321[0] : i32 from vector<1xi32>
      %parallel_loop3A_323 = arith.constant 2 : i32
      %parallel_loop3A_324 = arith.addi %parallel_loop3A_286, %parallel_loop3A_323 : i32
      %parallel_loop3A_325 = arith.constant 0 : i32
      %parallel_loop3A_326 = arith.constant 0 : i32
      %parallel_loop3A_327 = tpu.memref_slice %arg10[%parallel_loop3A_325, %parallel_loop3A_324, %parallel_loop3A_326] : memref<2x200x64xf32, #tpu.memory_space<vmem>> -> memref<1x1x64xf32, #tpu.memory_space<vmem>>
      %parallel_loop3A_328 = tpu.memref_squeeze %parallel_loop3A_327 : memref<1x1x64xf32, #tpu.memory_space<vmem>> -> memref<1x64xf32, #tpu.memory_space<vmem>>
      %parallel_loop3A_329 = arith.constant 0 : i32
      %parallel_loop3A_330 = tpu.memref_slice %arg2[%parallel_loop3A_322, %parallel_loop3A_329] : memref<1000000x64xf32, #tpu.memory_space<hbm>> -> memref<1x64xf32, #tpu.memory_space<hbm>>
      %parallel_loop3A_331 = arith.constant 0 : i32
      %parallel_loop3A_332 = tpu.memref_slice %arg10[%parallel_loop3A_325, %parallel_loop3A_324, %parallel_loop3A_331] : memref<2x200x64xf32, #tpu.memory_space<vmem>> -> memref<1x1x64xf32, #tpu.memory_space<vmem>>
      %parallel_loop3A_333 = tpu.memref_squeeze %parallel_loop3A_332 : memref<1x1x64xf32, #tpu.memory_space<vmem>> -> memref<1x64xf32, #tpu.memory_space<vmem>>
      %parallel_loop3A_334 = arith.constant 0 : i32
      %parallel_loop3A_335 = tpu.memref_slice %arg2[%parallel_loop3A_322, %parallel_loop3A_334] : memref<1000000x64xf32, #tpu.memory_space<hbm>> -> memref<1x64xf32, #tpu.memory_space<hbm>>
      tpu.enqueue_dma source(%parallel_loop3A_335 : memref<1x64xf32, #tpu.memory_space<hbm>>) target(%parallel_loop3A_333 : memref<1x64xf32, #tpu.memory_space<vmem>>) target_semaphore(%arg13 : memref<!tpu.dma_semaphore, #tpu.memory_space<semaphore_mem>>)
      %parallel_loop3A_336 = vector.extract_strided_slice %parallel_loop3A_290 {offsets = [3], sizes = [1], strides = [1]} : vector<16xi32> to vector<1xi32>
      %parallel_loop3A_337 = vector.extract %parallel_loop3A_336[0] : i32 from vector<1xi32>
      %parallel_loop3A_338 = arith.constant 3 : i32
      %parallel_loop3A_339 = arith.addi %parallel_loop3A_286, %parallel_loop3A_338 : i32
      %parallel_loop3A_340 = arith.constant 0 : i32
      %parallel_loop3A_341 = arith.constant 0 : i32
      %parallel_loop3A_342 = tpu.memref_slice %arg10[%parallel_loop3A_340, %parallel_loop3A_339, %parallel_loop3A_341] : memref<2x200x64xf32, #tpu.memory_space<vmem>> -> memref<1x1x64xf32, #tpu.memory_space<vmem>>
      %parallel_loop3A_343 = tpu.memref_squeeze %parallel_loop3A_342 : memref<1x1x64xf32, #tpu.memory_space<vmem>> -> memref<1x64xf32, #tpu.memory_space<vmem>>
      %parallel_loop3A_344 = arith.constant 0 : i32
      %parallel_loop3A_345 = tpu.memref_slice %arg2[%parallel_loop3A_337, %parallel_loop3A_344] : memref<1000000x64xf32, #tpu.memory_space<hbm>> -> memref<1x64xf32, #tpu.memory_space<hbm>>
      %parallel_loop3A_346 = arith.constant 0 : i32
      %parallel_loop3A_347 = tpu.memref_slice %arg10[%parallel_loop3A_340, %parallel_loop3A_339, %parallel_loop3A_346] : memref<2x200x64xf32, #tpu.memory_space<vmem>> -> memref<1x1x64xf32, #tpu.memory_space<vmem>>
      %parallel_loop3A_348 = tpu.memref_squeeze %parallel_loop3A_347 : memref<1x1x64xf32, #tpu.memory_space<vmem>> -> memref<1x64xf32, #tpu.memory_space<vmem>>
      %parallel_loop3A_349 = arith.constant 0 : i32
      %parallel_loop3A_350 = tpu.memref_slice %arg2[%parallel_loop3A_337, %parallel_loop3A_349] : memref<1000000x64xf32, #tpu.memory_space<hbm>> -> memref<1x64xf32, #tpu.memory_space<hbm>>
      tpu.enqueue_dma source(%parallel_loop3A_350 : memref<1x64xf32, #tpu.memory_space<hbm>>) target(%parallel_loop3A_348 : memref<1x64xf32, #tpu.memory_space<vmem>>) target_semaphore(%arg13 : memref<!tpu.dma_semaphore, #tpu.memory_space<semaphore_mem>>)
      %parallel_loop3A_351 = vector.extract_strided_slice %parallel_loop3A_290 {offsets = [4], sizes = [1], strides = [1]} : vector<16xi32> to vector<1xi32>
      %parallel_loop3A_352 = vector.extract %parallel_loop3A_351[0] : i32 from vector<1xi32>
      %parallel_loop3A_353 = arith.constant 4 : i32
      %parallel_loop3A_354 = arith.addi %parallel_loop3A_286, %parallel_loop3A_353 : i32
      %parallel_loop3A_355 = arith.constant 0 : i32
      %parallel_loop3A_356 = arith.constant 0 : i32
      %parallel_loop3A_357 = tpu.memref_slice %arg10[%parallel_loop3A_355, %parallel_loop3A_354, %parallel_loop3A_356] : memref<2x200x64xf32, #tpu.memory_space<vmem>> -> memref<1x1x64xf32, #tpu.memory_space<vmem>>
      %parallel_loop3A_358 = tpu.memref_squeeze %parallel_loop3A_357 : memref<1x1x64xf32, #tpu.memory_space<vmem>> -> memref<1x64xf32, #tpu.memory_space<vmem>>
      %parallel_loop3A_359 = arith.constant 0 : i32
      %parallel_loop3A_360 = tpu.memref_slice %arg2[%parallel_loop3A_352, %parallel_loop3A_359] : memref<1000000x64xf32, #tpu.memory_space<hbm>> -> memref<1x64xf32, #tpu.memory_space<hbm>>
      %parallel_loop3A_361 = arith.constant 0 : i32
      %parallel_loop3A_362 = tpu.memref_slice %arg10[%parallel_loop3A_355, %parallel_loop3A_354, %parallel_loop3A_361] : memref<2x200x64xf32, #tpu.memory_space<vmem>> -> memref<1x1x64xf32, #tpu.memory_space<vmem>>
      %parallel_loop3A_363 = tpu.memref_squeeze %parallel_loop3A_362 : memref<1x1x64xf32, #tpu.memory_space<vmem>> -> memref<1x64xf32, #tpu.memory_space<vmem>>
      %parallel_loop3A_364 = arith.constant 0 : i32
      %parallel_loop3A_365 = tpu.memref_slice %arg2[%parallel_loop3A_352, %parallel_loop3A_364] : memref<1000000x64xf32, #tpu.memory_space<hbm>> -> memref<1x64xf32, #tpu.memory_space<hbm>>
      tpu.enqueue_dma source(%parallel_loop3A_365 : memref<1x64xf32, #tpu.memory_space<hbm>>) target(%parallel_loop3A_363 : memref<1x64xf32, #tpu.memory_space<vmem>>) target_semaphore(%arg13 : memref<!tpu.dma_semaphore, #tpu.memory_space<semaphore_mem>>)
      %parallel_loop3A_366 = vector.extract_strided_slice %parallel_loop3A_290 {offsets = [5], sizes = [1], strides = [1]} : vector<16xi32> to vector<1xi32>
      %parallel_loop3A_367 = vector.extract %parallel_loop3A_366[0] : i32 from vector<1xi32>
      %parallel_loop3A_368 = arith.constant 5 : i32
      %parallel_loop3A_369 = arith.addi %parallel_loop3A_286, %parallel_loop3A_368 : i32
      %parallel_loop3A_370 = arith.constant 0 : i32
      %parallel_loop3A_371 = arith.constant 0 : i32
      %parallel_loop3A_372 = tpu.memref_slice %arg10[%parallel_loop3A_370, %parallel_loop3A_369, %parallel_loop3A_371] : memref<2x200x64xf32, #tpu.memory_space<vmem>> -> memref<1x1x64xf32, #tpu.memory_space<vmem>>
      %parallel_loop3A_373 = tpu.memref_squeeze %parallel_loop3A_372 : memref<1x1x64xf32, #tpu.memory_space<vmem>> -> memref<1x64xf32, #tpu.memory_space<vmem>>
      %parallel_loop3A_374 = arith.constant 0 : i32
      %parallel_loop3A_375 = tpu.memref_slice %arg2[%parallel_loop3A_367, %parallel_loop3A_374] : memref<1000000x64xf32, #tpu.memory_space<hbm>> -> memref<1x64xf32, #tpu.memory_space<hbm>>
      %parallel_loop3A_376 = arith.constant 0 : i32
      %parallel_loop3A_377 = tpu.memref_slice %arg10[%parallel_loop3A_370, %parallel_loop3A_369, %parallel_loop3A_376] : memref<2x200x64xf32, #tpu.memory_space<vmem>> -> memref<1x1x64xf32, #tpu.memory_space<vmem>>
      %parallel_loop3A_378 = tpu.memref_squeeze %parallel_loop3A_377 : memref<1x1x64xf32, #tpu.memory_space<vmem>> -> memref<1x64xf32, #tpu.memory_space<vmem>>
      %parallel_loop3A_379 = arith.constant 0 : i32
      %parallel_loop3A_380 = tpu.memref_slice %arg2[%parallel_loop3A_367, %parallel_loop3A_379] : memref<1000000x64xf32, #tpu.memory_space<hbm>> -> memref<1x64xf32, #tpu.memory_space<hbm>>
      tpu.enqueue_dma source(%parallel_loop3A_380 : memref<1x64xf32, #tpu.memory_space<hbm>>) target(%parallel_loop3A_378 : memref<1x64xf32, #tpu.memory_space<vmem>>) target_semaphore(%arg13 : memref<!tpu.dma_semaphore, #tpu.memory_space<semaphore_mem>>)
      %parallel_loop3A_381 = vector.extract_strided_slice %parallel_loop3A_290 {offsets = [6], sizes = [1], strides = [1]} : vector<16xi32> to vector<1xi32>
      %parallel_loop3A_382 = vector.extract %parallel_loop3A_381[0] : i32 from vector<1xi32>
      %parallel_loop3A_383 = arith.constant 6 : i32
      %parallel_loop3A_384 = arith.addi %parallel_loop3A_286, %parallel_loop3A_383 : i32
      %parallel_loop3A_385 = arith.constant 0 : i32
      %parallel_loop3A_386 = arith.constant 0 : i32
      %parallel_loop3A_387 = tpu.memref_slice %arg10[%parallel_loop3A_385, %parallel_loop3A_384, %parallel_loop3A_386] : memref<2x200x64xf32, #tpu.memory_space<vmem>> -> memref<1x1x64xf32, #tpu.memory_space<vmem>>
      %parallel_loop3A_388 = tpu.memref_squeeze %parallel_loop3A_387 : memref<1x1x64xf32, #tpu.memory_space<vmem>> -> memref<1x64xf32, #tpu.memory_space<vmem>>
      %parallel_loop3A_389 = arith.constant 0 : i32
      %parallel_loop3A_390 = tpu.memref_slice %arg2[%parallel_loop3A_382, %parallel_loop3A_389] : memref<1000000x64xf32, #tpu.memory_space<hbm>> -> memref<1x64xf32, #tpu.memory_space<hbm>>
      %parallel_loop3A_391 = arith.constant 0 : i32
      %parallel_loop3A_392 = tpu.memref_slice %arg10[%parallel_loop3A_385, %parallel_loop3A_384, %parallel_loop3A_391] : memref<2x200x64xf32, #tpu.memory_space<vmem>> -> memref<1x1x64xf32, #tpu.memory_space<vmem>>
      %parallel_loop3A_393 = tpu.memref_squeeze %parallel_loop3A_392 : memref<1x1x64xf32, #tpu.memory_space<vmem>> -> memref<1x64xf32, #tpu.memory_space<vmem>>
      %parallel_loop3A_394 = arith.constant 0 : i32
      %parallel_loop3A_395 = tpu.memref_slice %arg2[%parallel_loop3A_382, %parallel_loop3A_394] : memref<1000000x64xf32, #tpu.memory_space<hbm>> -> memref<1x64xf32, #tpu.memory_space<hbm>>
      tpu.enqueue_dma source(%parallel_loop3A_395 : memref<1x64xf32, #tpu.memory_space<hbm>>) target(%parallel_loop3A_393 : memref<1x64xf32, #tpu.memory_space<vmem>>) target_semaphore(%arg13 : memref<!tpu.dma_semaphore, #tpu.memory_space<semaphore_mem>>)
      %parallel_loop3A_396 = vector.extract_strided_slice %parallel_loop3A_290 {offsets = [7], sizes = [1], strides = [1]} : vector<16xi32> to vector<1xi32>
      %parallel_loop3A_397 = vector.extract %parallel_loop3A_396[0] : i32 from vector<1xi32>
      %parallel_loop3A_398 = arith.constant 7 : i32
      %parallel_loop3A_399 = arith.addi %parallel_loop3A_286, %parallel_loop3A_398 : i32
      %parallel_loop3A_400 = arith.constant 0 : i32
      %parallel_loop3A_401 = arith.constant 0 : i32
      %parallel_loop3A_402 = tpu.memref_slice %arg10[%parallel_loop3A_400, %parallel_loop3A_399, %parallel_loop3A_401] : memref<2x200x64xf32, #tpu.memory_space<vmem>> -> memref<1x1x64xf32, #tpu.memory_space<vmem>>
      %parallel_loop3A_403 = tpu.memref_squeeze %parallel_loop3A_402 : memref<1x1x64xf32, #tpu.memory_space<vmem>> -> memref<1x64xf32, #tpu.memory_space<vmem>>
      %parallel_loop3A_404 = arith.constant 0 : i32
      %parallel_loop3A_405 = tpu.memref_slice %arg2[%parallel_loop3A_397, %parallel_loop3A_404] : memref<1000000x64xf32, #tpu.memory_space<hbm>> -> memref<1x64xf32, #tpu.memory_space<hbm>>
      %parallel_loop3A_406 = arith.constant 0 : i32
      %parallel_loop3A_407 = tpu.memref_slice %arg10[%parallel_loop3A_400, %parallel_loop3A_399, %parallel_loop3A_406] : memref<2x200x64xf32, #tpu.memory_space<vmem>> -> memref<1x1x64xf32, #tpu.memory_space<vmem>>
      %parallel_loop3A_408 = tpu.memref_squeeze %parallel_loop3A_407 : memref<1x1x64xf32, #tpu.memory_space<vmem>> -> memref<1x64xf32, #tpu.memory_space<vmem>>
      %parallel_loop3A_409 = arith.constant 0 : i32
      %parallel_loop3A_410 = tpu.memref_slice %arg2[%parallel_loop3A_397, %parallel_loop3A_409] : memref<1000000x64xf32, #tpu.memory_space<hbm>> -> memref<1x64xf32, #tpu.memory_space<hbm>>
      tpu.enqueue_dma source(%parallel_loop3A_410 : memref<1x64xf32, #tpu.memory_space<hbm>>) target(%parallel_loop3A_408 : memref<1x64xf32, #tpu.memory_space<vmem>>) target_semaphore(%arg13 : memref<!tpu.dma_semaphore, #tpu.memory_space<semaphore_mem>>)
      %parallel_loop3A_411 = vector.extract_strided_slice %parallel_loop3A_290 {offsets = [8], sizes = [1], strides = [1]} : vector<16xi32> to vector<1xi32>
      %parallel_loop3A_412 = vector.extract %parallel_loop3A_411[0] : i32 from vector<1xi32>
      %parallel_loop3A_413 = arith.constant 8 : i32
      %parallel_loop3A_414 = arith.addi %parallel_loop3A_286, %parallel_loop3A_413 : i32
      %parallel_loop3A_415 = arith.constant 0 : i32
      %parallel_loop3A_416 = arith.constant 0 : i32
      %parallel_loop3A_417 = tpu.memref_slice %arg10[%parallel_loop3A_415, %parallel_loop3A_414, %parallel_loop3A_416] : memref<2x200x64xf32, #tpu.memory_space<vmem>> -> memref<1x1x64xf32, #tpu.memory_space<vmem>>
      %parallel_loop3A_418 = tpu.memref_squeeze %parallel_loop3A_417 : memref<1x1x64xf32, #tpu.memory_space<vmem>> -> memref<1x64xf32, #tpu.memory_space<vmem>>
      %parallel_loop3A_419 = arith.constant 0 : i32
      %parallel_loop3A_420 = tpu.memref_slice %arg2[%parallel_loop3A_412, %parallel_loop3A_419] : memref<1000000x64xf32, #tpu.memory_space<hbm>> -> memref<1x64xf32, #tpu.memory_space<hbm>>
      %parallel_loop3A_421 = arith.constant 0 : i32
      %parallel_loop3A_422 = tpu.memref_slice %arg10[%parallel_loop3A_415, %parallel_loop3A_414, %parallel_loop3A_421] : memref<2x200x64xf32, #tpu.memory_space<vmem>> -> memref<1x1x64xf32, #tpu.memory_space<vmem>>
      %parallel_loop3A_423 = tpu.memref_squeeze %parallel_loop3A_422 : memref<1x1x64xf32, #tpu.memory_space<vmem>> -> memref<1x64xf32, #tpu.memory_space<vmem>>
      %parallel_loop3A_424 = arith.constant 0 : i32
      %parallel_loop3A_425 = tpu.memref_slice %arg2[%parallel_loop3A_412, %parallel_loop3A_424] : memref<1000000x64xf32, #tpu.memory_space<hbm>> -> memref<1x64xf32, #tpu.memory_space<hbm>>
      tpu.enqueue_dma source(%parallel_loop3A_425 : memref<1x64xf32, #tpu.memory_space<hbm>>) target(%parallel_loop3A_423 : memref<1x64xf32, #tpu.memory_space<vmem>>) target_semaphore(%arg13 : memref<!tpu.dma_semaphore, #tpu.memory_space<semaphore_mem>>)
      %parallel_loop3A_426 = vector.extract_strided_slice %parallel_loop3A_290 {offsets = [9], sizes = [1], strides = [1]} : vector<16xi32> to vector<1xi32>
      %parallel_loop3A_427 = vector.extract %parallel_loop3A_426[0] : i32 from vector<1xi32>
      %parallel_loop3A_428 = arith.constant 9 : i32
      %parallel_loop3A_429 = arith.addi %parallel_loop3A_286, %parallel_loop3A_428 : i32
      %parallel_loop3A_430 = arith.constant 0 : i32
      %parallel_loop3A_431 = arith.constant 0 : i32
      %parallel_loop3A_432 = tpu.memref_slice %arg10[%parallel_loop3A_430, %parallel_loop3A_429, %parallel_loop3A_431] : memref<2x200x64xf32, #tpu.memory_space<vmem>> -> memref<1x1x64xf32, #tpu.memory_space<vmem>>
      %parallel_loop3A_433 = tpu.memref_squeeze %parallel_loop3A_432 : memref<1x1x64xf32, #tpu.memory_space<vmem>> -> memref<1x64xf32, #tpu.memory_space<vmem>>
      %parallel_loop3A_434 = arith.constant 0 : i32
      %parallel_loop3A_435 = tpu.memref_slice %arg2[%parallel_loop3A_427, %parallel_loop3A_434] : memref<1000000x64xf32, #tpu.memory_space<hbm>> -> memref<1x64xf32, #tpu.memory_space<hbm>>
      %parallel_loop3A_436 = arith.constant 0 : i32
      %parallel_loop3A_437 = tpu.memref_slice %arg10[%parallel_loop3A_430, %parallel_loop3A_429, %parallel_loop3A_436] : memref<2x200x64xf32, #tpu.memory_space<vmem>> -> memref<1x1x64xf32, #tpu.memory_space<vmem>>
      %parallel_loop3A_438 = tpu.memref_squeeze %parallel_loop3A_437 : memref<1x1x64xf32, #tpu.memory_space<vmem>> -> memref<1x64xf32, #tpu.memory_space<vmem>>
      %parallel_loop3A_439 = arith.constant 0 : i32
      %parallel_loop3A_440 = tpu.memref_slice %arg2[%parallel_loop3A_427, %parallel_loop3A_439] : memref<1000000x64xf32, #tpu.memory_space<hbm>> -> memref<1x64xf32, #tpu.memory_space<hbm>>
      tpu.enqueue_dma source(%parallel_loop3A_440 : memref<1x64xf32, #tpu.memory_space<hbm>>) target(%parallel_loop3A_438 : memref<1x64xf32, #tpu.memory_space<vmem>>) target_semaphore(%arg13 : memref<!tpu.dma_semaphore, #tpu.memory_space<semaphore_mem>>)
      %parallel_loop3A_441 = vector.extract_strided_slice %parallel_loop3A_290 {offsets = [10], sizes = [1], strides = [1]} : vector<16xi32> to vector<1xi32>
      %parallel_loop3A_442 = vector.extract %parallel_loop3A_441[0] : i32 from vector<1xi32>
      %parallel_loop3A_443 = arith.constant 10 : i32
      %parallel_loop3A_444 = arith.addi %parallel_loop3A_286, %parallel_loop3A_443 : i32
      %parallel_loop3A_445 = arith.constant 0 : i32
      %parallel_loop3A_446 = arith.constant 0 : i32
      %parallel_loop3A_447 = tpu.memref_slice %arg10[%parallel_loop3A_445, %parallel_loop3A_444, %parallel_loop3A_446] : memref<2x200x64xf32, #tpu.memory_space<vmem>> -> memref<1x1x64xf32, #tpu.memory_space<vmem>>
      %parallel_loop3A_448 = tpu.memref_squeeze %parallel_loop3A_447 : memref<1x1x64xf32, #tpu.memory_space<vmem>> -> memref<1x64xf32, #tpu.memory_space<vmem>>
      %parallel_loop3A_449 = arith.constant 0 : i32
      %parallel_loop3A_450 = tpu.memref_slice %arg2[%parallel_loop3A_442, %parallel_loop3A_449] : memref<1000000x64xf32, #tpu.memory_space<hbm>> -> memref<1x64xf32, #tpu.memory_space<hbm>>
      %parallel_loop3A_451 = arith.constant 0 : i32
      %parallel_loop3A_452 = tpu.memref_slice %arg10[%parallel_loop3A_445, %parallel_loop3A_444, %parallel_loop3A_451] : memref<2x200x64xf32, #tpu.memory_space<vmem>> -> memref<1x1x64xf32, #tpu.memory_space<vmem>>
      %parallel_loop3A_453 = tpu.memref_squeeze %parallel_loop3A_452 : memref<1x1x64xf32, #tpu.memory_space<vmem>> -> memref<1x64xf32, #tpu.memory_space<vmem>>
      %parallel_loop3A_454 = arith.constant 0 : i32
      %parallel_loop3A_455 = tpu.memref_slice %arg2[%parallel_loop3A_442, %parallel_loop3A_454] : memref<1000000x64xf32, #tpu.memory_space<hbm>> -> memref<1x64xf32, #tpu.memory_space<hbm>>
      tpu.enqueue_dma source(%parallel_loop3A_455 : memref<1x64xf32, #tpu.memory_space<hbm>>) target(%parallel_loop3A_453 : memref<1x64xf32, #tpu.memory_space<vmem>>) target_semaphore(%arg13 : memref<!tpu.dma_semaphore, #tpu.memory_space<semaphore_mem>>)
      %parallel_loop3A_456 = vector.extract_strided_slice %parallel_loop3A_290 {offsets = [11], sizes = [1], strides = [1]} : vector<16xi32> to vector<1xi32>
      %parallel_loop3A_457 = vector.extract %parallel_loop3A_456[0] : i32 from vector<1xi32>
      %parallel_loop3A_458 = arith.constant 11 : i32
      %parallel_loop3A_459 = arith.addi %parallel_loop3A_286, %parallel_loop3A_458 : i32
      %parallel_loop3A_460 = arith.constant 0 : i32
      %parallel_loop3A_461 = arith.constant 0 : i32
      %parallel_loop3A_462 = tpu.memref_slice %arg10[%parallel_loop3A_460, %parallel_loop3A_459, %parallel_loop3A_461] : memref<2x200x64xf32, #tpu.memory_space<vmem>> -> memref<1x1x64xf32, #tpu.memory_space<vmem>>
      %parallel_loop3A_463 = tpu.memref_squeeze %parallel_loop3A_462 : memref<1x1x64xf32, #tpu.memory_space<vmem>> -> memref<1x64xf32, #tpu.memory_space<vmem>>
      %parallel_loop3A_464 = arith.constant 0 : i32
      %parallel_loop3A_465 = tpu.memref_slice %arg2[%parallel_loop3A_457, %parallel_loop3A_464] : memref<1000000x64xf32, #tpu.memory_space<hbm>> -> memref<1x64xf32, #tpu.memory_space<hbm>>
      %parallel_loop3A_466 = arith.constant 0 : i32
      %parallel_loop3A_467 = tpu.memref_slice %arg10[%parallel_loop3A_460, %parallel_loop3A_459, %parallel_loop3A_466] : memref<2x200x64xf32, #tpu.memory_space<vmem>> -> memref<1x1x64xf32, #tpu.memory_space<vmem>>
      %parallel_loop3A_468 = tpu.memref_squeeze %parallel_loop3A_467 : memref<1x1x64xf32, #tpu.memory_space<vmem>> -> memref<1x64xf32, #tpu.memory_space<vmem>>
      %parallel_loop3A_469 = arith.constant 0 : i32
      %parallel_loop3A_470 = tpu.memref_slice %arg2[%parallel_loop3A_457, %parallel_loop3A_469] : memref<1000000x64xf32, #tpu.memory_space<hbm>> -> memref<1x64xf32, #tpu.memory_space<hbm>>
      tpu.enqueue_dma source(%parallel_loop3A_470 : memref<1x64xf32, #tpu.memory_space<hbm>>) target(%parallel_loop3A_468 : memref<1x64xf32, #tpu.memory_space<vmem>>) target_semaphore(%arg13 : memref<!tpu.dma_semaphore, #tpu.memory_space<semaphore_mem>>)
      %parallel_loop3A_471 = vector.extract_strided_slice %parallel_loop3A_290 {offsets = [12], sizes = [1], strides = [1]} : vector<16xi32> to vector<1xi32>
      %parallel_loop3A_472 = vector.extract %parallel_loop3A_471[0] : i32 from vector<1xi32>
      %parallel_loop3A_473 = arith.constant 12 : i32
      %parallel_loop3A_474 = arith.addi %parallel_loop3A_286, %parallel_loop3A_473 : i32
      %parallel_loop3A_475 = arith.constant 0 : i32
      %parallel_loop3A_476 = arith.constant 0 : i32
      %parallel_loop3A_477 = tpu.memref_slice %arg10[%parallel_loop3A_475, %parallel_loop3A_474, %parallel_loop3A_476] : memref<2x200x64xf32, #tpu.memory_space<vmem>> -> memref<1x1x64xf32, #tpu.memory_space<vmem>>
      %parallel_loop3A_478 = tpu.memref_squeeze %parallel_loop3A_477 : memref<1x1x64xf32, #tpu.memory_space<vmem>> -> memref<1x64xf32, #tpu.memory_space<vmem>>
      %parallel_loop3A_479 = arith.constant 0 : i32
      %parallel_loop3A_480 = tpu.memref_slice %arg2[%parallel_loop3A_472, %parallel_loop3A_479] : memref<1000000x64xf32, #tpu.memory_space<hbm>> -> memref<1x64xf32, #tpu.memory_space<hbm>>
      %parallel_loop3A_481 = arith.constant 0 : i32
      %parallel_loop3A_482 = tpu.memref_slice %arg10[%parallel_loop3A_475, %parallel_loop3A_474, %parallel_loop3A_481] : memref<2x200x64xf32, #tpu.memory_space<vmem>> -> memref<1x1x64xf32, #tpu.memory_space<vmem>>
      %parallel_loop3A_483 = tpu.memref_squeeze %parallel_loop3A_482 : memref<1x1x64xf32, #tpu.memory_space<vmem>> -> memref<1x64xf32, #tpu.memory_space<vmem>>
      %parallel_loop3A_484 = arith.constant 0 : i32
      %parallel_loop3A_485 = tpu.memref_slice %arg2[%parallel_loop3A_472, %parallel_loop3A_484] : memref<1000000x64xf32, #tpu.memory_space<hbm>> -> memref<1x64xf32, #tpu.memory_space<hbm>>
      tpu.enqueue_dma source(%parallel_loop3A_485 : memref<1x64xf32, #tpu.memory_space<hbm>>) target(%parallel_loop3A_483 : memref<1x64xf32, #tpu.memory_space<vmem>>) target_semaphore(%arg13 : memref<!tpu.dma_semaphore, #tpu.memory_space<semaphore_mem>>)
      %parallel_loop3A_486 = vector.extract_strided_slice %parallel_loop3A_290 {offsets = [13], sizes = [1], strides = [1]} : vector<16xi32> to vector<1xi32>
      %parallel_loop3A_487 = vector.extract %parallel_loop3A_486[0] : i32 from vector<1xi32>
      %parallel_loop3A_488 = arith.constant 13 : i32
      %parallel_loop3A_489 = arith.addi %parallel_loop3A_286, %parallel_loop3A_488 : i32
      %parallel_loop3A_490 = arith.constant 0 : i32
      %parallel_loop3A_491 = arith.constant 0 : i32
      %parallel_loop3A_492 = tpu.memref_slice %arg10[%parallel_loop3A_490, %parallel_loop3A_489, %parallel_loop3A_491] : memref<2x200x64xf32, #tpu.memory_space<vmem>> -> memref<1x1x64xf32, #tpu.memory_space<vmem>>
      %parallel_loop3A_493 = tpu.memref_squeeze %parallel_loop3A_492 : memref<1x1x64xf32, #tpu.memory_space<vmem>> -> memref<1x64xf32, #tpu.memory_space<vmem>>
      %parallel_loop3A_494 = arith.constant 0 : i32
      %parallel_loop3A_495 = tpu.memref_slice %arg2[%parallel_loop3A_487, %parallel_loop3A_494] : memref<1000000x64xf32, #tpu.memory_space<hbm>> -> memref<1x64xf32, #tpu.memory_space<hbm>>
      %parallel_loop3A_496 = arith.constant 0 : i32
      %parallel_loop3A_497 = tpu.memref_slice %arg10[%parallel_loop3A_490, %parallel_loop3A_489, %parallel_loop3A_496] : memref<2x200x64xf32, #tpu.memory_space<vmem>> -> memref<1x1x64xf32, #tpu.memory_space<vmem>>
      %parallel_loop3A_498 = tpu.memref_squeeze %parallel_loop3A_497 : memref<1x1x64xf32, #tpu.memory_space<vmem>> -> memref<1x64xf32, #tpu.memory_space<vmem>>
      %parallel_loop3A_499 = arith.constant 0 : i32
      %parallel_loop3A_500 = tpu.memref_slice %arg2[%parallel_loop3A_487, %parallel_loop3A_499] : memref<1000000x64xf32, #tpu.memory_space<hbm>> -> memref<1x64xf32, #tpu.memory_space<hbm>>
      tpu.enqueue_dma source(%parallel_loop3A_500 : memref<1x64xf32, #tpu.memory_space<hbm>>) target(%parallel_loop3A_498 : memref<1x64xf32, #tpu.memory_space<vmem>>) target_semaphore(%arg13 : memref<!tpu.dma_semaphore, #tpu.memory_space<semaphore_mem>>)
      %parallel_loop3A_501 = vector.extract_strided_slice %parallel_loop3A_290 {offsets = [14], sizes = [1], strides = [1]} : vector<16xi32> to vector<1xi32>
      %parallel_loop3A_502 = vector.extract %parallel_loop3A_501[0] : i32 from vector<1xi32>
      %parallel_loop3A_503 = arith.constant 14 : i32
      %parallel_loop3A_504 = arith.addi %parallel_loop3A_286, %parallel_loop3A_503 : i32
      %parallel_loop3A_505 = arith.constant 0 : i32
      %parallel_loop3A_506 = arith.constant 0 : i32
      %parallel_loop3A_507 = tpu.memref_slice %arg10[%parallel_loop3A_505, %parallel_loop3A_504, %parallel_loop3A_506] : memref<2x200x64xf32, #tpu.memory_space<vmem>> -> memref<1x1x64xf32, #tpu.memory_space<vmem>>
      %parallel_loop3A_508 = tpu.memref_squeeze %parallel_loop3A_507 : memref<1x1x64xf32, #tpu.memory_space<vmem>> -> memref<1x64xf32, #tpu.memory_space<vmem>>
      %parallel_loop3A_509 = arith.constant 0 : i32
      %parallel_loop3A_510 = tpu.memref_slice %arg2[%parallel_loop3A_502, %parallel_loop3A_509] : memref<1000000x64xf32, #tpu.memory_space<hbm>> -> memref<1x64xf32, #tpu.memory_space<hbm>>
      %parallel_loop3A_511 = arith.constant 0 : i32
      %parallel_loop3A_512 = tpu.memref_slice %arg10[%parallel_loop3A_505, %parallel_loop3A_504, %parallel_loop3A_511] : memref<2x200x64xf32, #tpu.memory_space<vmem>> -> memref<1x1x64xf32, #tpu.memory_space<vmem>>
      %parallel_loop3A_513 = tpu.memref_squeeze %parallel_loop3A_512 : memref<1x1x64xf32, #tpu.memory_space<vmem>> -> memref<1x64xf32, #tpu.memory_space<vmem>>
      %parallel_loop3A_514 = arith.constant 0 : i32
      %parallel_loop3A_515 = tpu.memref_slice %arg2[%parallel_loop3A_502, %parallel_loop3A_514] : memref<1000000x64xf32, #tpu.memory_space<hbm>> -> memref<1x64xf32, #tpu.memory_space<hbm>>
      tpu.enqueue_dma source(%parallel_loop3A_515 : memref<1x64xf32, #tpu.memory_space<hbm>>) target(%parallel_loop3A_513 : memref<1x64xf32, #tpu.memory_space<vmem>>) target_semaphore(%arg13 : memref<!tpu.dma_semaphore, #tpu.memory_space<semaphore_mem>>)
      %parallel_loop3A_516 = vector.extract_strided_slice %parallel_loop3A_290 {offsets = [15], sizes = [1], strides = [1]} : vector<16xi32> to vector<1xi32>
      %parallel_loop3A_517 = vector.extract %parallel_loop3A_516[0] : i32 from vector<1xi32>
      %parallel_loop3A_518 = arith.constant 15 : i32
      %parallel_loop3A_519 = arith.addi %parallel_loop3A_286, %parallel_loop3A_518 : i32
      %parallel_loop3A_520 = arith.constant 0 : i32
      %parallel_loop3A_521 = arith.constant 0 : i32
      %parallel_loop3A_522 = tpu.memref_slice %arg10[%parallel_loop3A_520, %parallel_loop3A_519, %parallel_loop3A_521] : memref<2x200x64xf32, #tpu.memory_space<vmem>> -> memref<1x1x64xf32, #tpu.memory_space<vmem>>
      %parallel_loop3A_523 = tpu.memref_squeeze %parallel_loop3A_522 : memref<1x1x64xf32, #tpu.memory_space<vmem>> -> memref<1x64xf32, #tpu.memory_space<vmem>>
      %parallel_loop3A_524 = arith.constant 0 : i32
      %parallel_loop3A_525 = tpu.memref_slice %arg2[%parallel_loop3A_517, %parallel_loop3A_524] : memref<1000000x64xf32, #tpu.memory_space<hbm>> -> memref<1x64xf32, #tpu.memory_space<hbm>>
      %parallel_loop3A_526 = arith.constant 0 : i32
      %parallel_loop3A_527 = tpu.memref_slice %arg10[%parallel_loop3A_520, %parallel_loop3A_519, %parallel_loop3A_526] : memref<2x200x64xf32, #tpu.memory_space<vmem>> -> memref<1x1x64xf32, #tpu.memory_space<vmem>>
      %parallel_loop3A_528 = tpu.memref_squeeze %parallel_loop3A_527 : memref<1x1x64xf32, #tpu.memory_space<vmem>> -> memref<1x64xf32, #tpu.memory_space<vmem>>
      %parallel_loop3A_529 = arith.constant 0 : i32
      %parallel_loop3A_530 = tpu.memref_slice %arg2[%parallel_loop3A_517, %parallel_loop3A_529] : memref<1000000x64xf32, #tpu.memory_space<hbm>> -> memref<1x64xf32, #tpu.memory_space<hbm>>
      tpu.enqueue_dma source(%parallel_loop3A_530 : memref<1x64xf32, #tpu.memory_space<hbm>>) target(%parallel_loop3A_528 : memref<1x64xf32, #tpu.memory_space<vmem>>) target_semaphore(%arg13 : memref<!tpu.dma_semaphore, #tpu.memory_space<semaphore_mem>>)
    } {sc.loop_unroll_factor = 1 : i64, sc.parallel_access}
    %get3A = arith.constant 192 : index
    %get3A_35 = tpu.vector_load %arg7[%get3A] {strides = array<i32>} : memref<6416xi32, #tpu.memory_space<vmem>>, vector<16xi32>,
    %slice3A = vector.extract_strided_slice %get3A_35 {offsets = [0], sizes = [1], strides = [1]} : vector<16xi32> to vector<1xi32>
    %squeeze3A = vector.extract %slice3A[0] : i32 from vector<1xi32>
    %dma_start3A_36 = arith.constant 0 : i32
    %dma_start3A_37 = arith.constant 192 : i32
    %dma_start3A_38 = arith.constant 0 : i32
    %dma_start3A_39 = tpu.memref_slice %arg10[%dma_start3A_36, %dma_start3A_37, %dma_start3A_38] : memref<2x200x64xf32, #tpu.memory_space<vmem>> -> memref<1x1x64xf32, #tpu.memory_space<vmem>>
    %dma_start3A_40 = tpu.memref_squeeze %dma_start3A_39 : memref<1x1x64xf32, #tpu.memory_space<vmem>> -> memref<1x64xf32, #tpu.memory_space<vmem>>
    %dma_start3A_41 = arith.constant 0 : i32
    %dma_start3A_42 = tpu.memref_slice %arg2[%squeeze3A, %dma_start3A_41] : memref<1000000x64xf32, #tpu.memory_space<hbm>> -> memref<1x64xf32, #tpu.memory_space<hbm>>
    %dma_start3A_43 = arith.constant 192 : i32
    %dma_start3A_44 = arith.constant 0 : i32
    %dma_start3A_45 = tpu.memref_slice %arg10[%dma_start3A_36, %dma_start3A_43, %dma_start3A_44] : memref<2x200x64xf32, #tpu.memory_space<vmem>> -> memref<1x1x64xf32, #tpu.memory_space<vmem>>
    %dma_start3A_46 = tpu.memref_squeeze %dma_start3A_45 : memref<1x1x64xf32, #tpu.memory_space<vmem>> -> memref<1x64xf32, #tpu.memory_space<vmem>>
    %dma_start3A_47 = arith.constant 0 : i32
    %dma_start3A_48 = tpu.memref_slice %arg2[%squeeze3A, %dma_start3A_47] : memref<1000000x64xf32, #tpu.memory_space<hbm>> -> memref<1x64xf32, #tpu.memory_space<hbm>>
    tpu.enqueue_dma source(%dma_start3A_48 : memref<1x64xf32, #tpu.memory_space<hbm>>) target(%dma_start3A_46 : memref<1x64xf32, #tpu.memory_space<vmem>>) target_semaphore(%arg13 : memref<!tpu.dma_semaphore, #tpu.memory_space<semaphore_mem>>)
    %slice3A_49 = vector.extract_strided_slice %get3A_35 {offsets = [1], sizes = [1], strides = [1]} : vector<16xi32> to vector<1xi32>
    %squeeze3A_50 = vector.extract %slice3A_49[0] : i32 from vector<1xi32>
    %dma_start3A_51 = arith.constant 0 : i32
    %dma_start3A_52 = arith.constant 193 : i32
    %dma_start3A_53 = arith.constant 0 : i32
    %dma_start3A_54 = tpu.memref_slice %arg10[%dma_start3A_51, %dma_start3A_52, %dma_start3A_53] : memref<2x200x64xf32, #tpu.memory_space<vmem>> -> memref<1x1x64xf32, #tpu.memory_space<vmem>>
    %dma_start3A_55 = tpu.memref_squeeze %dma_start3A_54 : memref<1x1x64xf32, #tpu.memory_space<vmem>> -> memref<1x64xf32, #tpu.memory_space<vmem>>
    %dma_start3A_56 = arith.constant 0 : i32
    %dma_start3A_57 = tpu.memref_slice %arg2[%squeeze3A_50, %dma_start3A_56] : memref<1000000x64xf32, #tpu.memory_space<hbm>> -> memref<1x64xf32, #tpu.memory_space<hbm>>
    %dma_start3A_58 = arith.constant 193 : i32
    %dma_start3A_59 = arith.constant 0 : i32
    %dma_start3A_60 = tpu.memref_slice %arg10[%dma_start3A_51, %dma_start3A_58, %dma_start3A_59] : memref<2x200x64xf32, #tpu.memory_space<vmem>> -> memref<1x1x64xf32, #tpu.memory_space<vmem>>
    %dma_start3A_61 = tpu.memref_squeeze %dma_start3A_60 : memref<1x1x64xf32, #tpu.memory_space<vmem>> -> memref<1x64xf32, #tpu.memory_space<vmem>>
    %dma_start3A_62 = arith.constant 0 : i32
    %dma_start3A_63 = tpu.memref_slice %arg2[%squeeze3A_50, %dma_start3A_62] : memref<1000000x64xf32, #tpu.memory_space<hbm>> -> memref<1x64xf32, #tpu.memory_space<hbm>>
    tpu.enqueue_dma source(%dma_start3A_63 : memref<1x64xf32, #tpu.memory_space<hbm>>) target(%dma_start3A_61 : memref<1x64xf32, #tpu.memory_space<vmem>>) target_semaphore(%arg13 : memref<!tpu.dma_semaphore, #tpu.memory_space<semaphore_mem>>)
    %slice3A_64 = vector.extract_strided_slice %get3A_35 {offsets = [2], sizes = [1], strides = [1]} : vector<16xi32> to vector<1xi32>
    %squeeze3A_65 = vector.extract %slice3A_64[0] : i32 from vector<1xi32>
    %dma_start3A_66 = arith.constant 0 : i32
    %dma_start3A_67 = arith.constant 194 : i32
    %dma_start3A_68 = arith.constant 0 : i32
    %dma_start3A_69 = tpu.memref_slice %arg10[%dma_start3A_66, %dma_start3A_67, %dma_start3A_68] : memref<2x200x64xf32, #tpu.memory_space<vmem>> -> memref<1x1x64xf32, #tpu.memory_space<vmem>>
    %dma_start3A_70 = tpu.memref_squeeze %dma_start3A_69 : memref<1x1x64xf32, #tpu.memory_space<vmem>> -> memref<1x64xf32, #tpu.memory_space<vmem>>
    %dma_start3A_71 = arith.constant 0 : i32
    %dma_start3A_72 = tpu.memref_slice %arg2[%squeeze3A_65, %dma_start3A_71] : memref<1000000x64xf32, #tpu.memory_space<hbm>> -> memref<1x64xf32, #tpu.memory_space<hbm>>
    %dma_start3A_73 = arith.constant 194 : i32
    %dma_start3A_74 = arith.constant 0 : i32
    %dma_start3A_75 = tpu.memref_slice %arg10[%dma_start3A_66, %dma_start3A_73, %dma_start3A_74] : memref<2x200x64xf32, #tpu.memory_space<vmem>> -> memref<1x1x64xf32, #tpu.memory_space<vmem>>
    %dma_start3A_76 = tpu.memref_squeeze %dma_start3A_75 : memref<1x1x64xf32, #tpu.memory_space<vmem>> -> memref<1x64xf32, #tpu.memory_space<vmem>>
    %dma_start3A_77 = arith.constant 0 : i32
    %dma_start3A_78 = tpu.memref_slice %arg2[%squeeze3A_65, %dma_start3A_77] : memref<1000000x64xf32, #tpu.memory_space<hbm>> -> memref<1x64xf32, #tpu.memory_space<hbm>>
    tpu.enqueue_dma source(%dma_start3A_78 : memref<1x64xf32, #tpu.memory_space<hbm>>) target(%dma_start3A_76 : memref<1x64xf32, #tpu.memory_space<vmem>>) target_semaphore(%arg13 : memref<!tpu.dma_semaphore, #tpu.memory_space<semaphore_mem>>)
    %slice3A_79 = vector.extract_strided_slice %get3A_35 {offsets = [3], sizes = [1], strides = [1]} : vector<16xi32> to vector<1xi32>
    %squeeze3A_80 = vector.extract %slice3A_79[0] : i32 from vector<1xi32>
    %dma_start3A_81 = arith.constant 0 : i32
    %dma_start3A_82 = arith.constant 195 : i32
    %dma_start3A_83 = arith.constant 0 : i32
    %dma_start3A_84 = tpu.memref_slice %arg10[%dma_start3A_81, %dma_start3A_82, %dma_start3A_83] : memref<2x200x64xf32, #tpu.memory_space<vmem>> -> memref<1x1x64xf32, #tpu.memory_space<vmem>>
    %dma_start3A_85 = tpu.memref_squeeze %dma_start3A_84 : memref<1x1x64xf32, #tpu.memory_space<vmem>> -> memref<1x64xf32, #tpu.memory_space<vmem>>
    %dma_start3A_86 = arith.constant 0 : i32
    %dma_start3A_87 = tpu.memref_slice %arg2[%squeeze3A_80, %dma_start3A_86] : memref<1000000x64xf32, #tpu.memory_space<hbm>> -> memref<1x64xf32, #tpu.memory_space<hbm>>
    %dma_start3A_88 = arith.constant 195 : i32
    %dma_start3A_89 = arith.constant 0 : i32
    %dma_start3A_90 = tpu.memref_slice %arg10[%dma_start3A_81, %dma_start3A_88, %dma_start3A_89] : memref<2x200x64xf32, #tpu.memory_space<vmem>> -> memref<1x1x64xf32, #tpu.memory_space<vmem>>
    %dma_start3A_91 = tpu.memref_squeeze %dma_start3A_90 : memref<1x1x64xf32, #tpu.memory_space<vmem>> -> memref<1x64xf32, #tpu.memory_space<vmem>>
    %dma_start3A_92 = arith.constant 0 : i32
    %dma_start3A_93 = tpu.memref_slice %arg2[%squeeze3A_80, %dma_start3A_92] : memref<1000000x64xf32, #tpu.memory_space<hbm>> -> memref<1x64xf32, #tpu.memory_space<hbm>>
    tpu.enqueue_dma source(%dma_start3A_93 : memref<1x64xf32, #tpu.memory_space<hbm>>) target(%dma_start3A_91 : memref<1x64xf32, #tpu.memory_space<vmem>>) target_semaphore(%arg13 : memref<!tpu.dma_semaphore, #tpu.memory_space<semaphore_mem>>)
    %slice3A_94 = vector.extract_strided_slice %get3A_35 {offsets = [4], sizes = [1], strides = [1]} : vector<16xi32> to vector<1xi32>
    %squeeze3A_95 = vector.extract %slice3A_94[0] : i32 from vector<1xi32>
    %dma_start3A_96 = arith.constant 0 : i32
    %dma_start3A_97 = arith.constant 196 : i32
    %dma_start3A_98 = arith.constant 0 : i32
    %dma_start3A_99 = tpu.memref_slice %arg10[%dma_start3A_96, %dma_start3A_97, %dma_start3A_98] : memref<2x200x64xf32, #tpu.memory_space<vmem>> -> memref<1x1x64xf32, #tpu.memory_space<vmem>>
    %dma_start3A_100 = tpu.memref_squeeze %dma_start3A_99 : memref<1x1x64xf32, #tpu.memory_space<vmem>> -> memref<1x64xf32, #tpu.memory_space<vmem>>
    %dma_start3A_101 = arith.constant 0 : i32
    %dma_start3A_102 = tpu.memref_slice %arg2[%squeeze3A_95, %dma_start3A_101] : memref<1000000x64xf32, #tpu.memory_space<hbm>> -> memref<1x64xf32, #tpu.memory_space<hbm>>
    %dma_start3A_103 = arith.constant 196 : i32
    %dma_start3A_104 = arith.constant 0 : i32
    %dma_start3A_105 = tpu.memref_slice %arg10[%dma_start3A_96, %dma_start3A_103, %dma_start3A_104] : memref<2x200x64xf32, #tpu.memory_space<vmem>> -> memref<1x1x64xf32, #tpu.memory_space<vmem>>
    %dma_start3A_106 = tpu.memref_squeeze %dma_start3A_105 : memref<1x1x64xf32, #tpu.memory_space<vmem>> -> memref<1x64xf32, #tpu.memory_space<vmem>>
    %dma_start3A_107 = arith.constant 0 : i32
    %dma_start3A_108 = tpu.memref_slice %arg2[%squeeze3A_95, %dma_start3A_107] : memref<1000000x64xf32, #tpu.memory_space<hbm>> -> memref<1x64xf32, #tpu.memory_space<hbm>>
    tpu.enqueue_dma source(%dma_start3A_108 : memref<1x64xf32, #tpu.memory_space<hbm>>) target(%dma_start3A_106 : memref<1x64xf32, #tpu.memory_space<vmem>>) target_semaphore(%arg13 : memref<!tpu.dma_semaphore, #tpu.memory_space<semaphore_mem>>)
    %slice3A_109 = vector.extract_strided_slice %get3A_35 {offsets = [5], sizes = [1], strides = [1]} : vector<16xi32> to vector<1xi32>
    %squeeze3A_110 = vector.extract %slice3A_109[0] : i32 from vector<1xi32>
    %dma_start3A_111 = arith.constant 0 : i32
    %dma_start3A_112 = arith.constant 197 : i32
    %dma_start3A_113 = arith.constant 0 : i32
    %dma_start3A_114 = tpu.memref_slice %arg10[%dma_start3A_111, %dma_start3A_112, %dma_start3A_113] : memref<2x200x64xf32, #tpu.memory_space<vmem>> -> memref<1x1x64xf32, #tpu.memory_space<vmem>>
    %dma_start3A_115 = tpu.memref_squeeze %dma_start3A_114 : memref<1x1x64xf32, #tpu.memory_space<vmem>> -> memref<1x64xf32, #tpu.memory_space<vmem>>
    %dma_start3A_116 = arith.constant 0 : i32
    %dma_start3A_117 = tpu.memref_slice %arg2[%squeeze3A_110, %dma_start3A_116] : memref<1000000x64xf32, #tpu.memory_space<hbm>> -> memref<1x64xf32, #tpu.memory_space<hbm>>
    %dma_start3A_118 = arith.constant 197 : i32
    %dma_start3A_119 = arith.constant 0 : i32
    %dma_start3A_120 = tpu.memref_slice %arg10[%dma_start3A_111, %dma_start3A_118, %dma_start3A_119] : memref<2x200x64xf32, #tpu.memory_space<vmem>> -> memref<1x1x64xf32, #tpu.memory_space<vmem>>
    %dma_start3A_121 = tpu.memref_squeeze %dma_start3A_120 : memref<1x1x64xf32, #tpu.memory_space<vmem>> -> memref<1x64xf32, #tpu.memory_space<vmem>>
    %dma_start3A_122 = arith.constant 0 : i32
    %dma_start3A_123 = tpu.memref_slice %arg2[%squeeze3A_110, %dma_start3A_122] : memref<1000000x64xf32, #tpu.memory_space<hbm>> -> memref<1x64xf32, #tpu.memory_space<hbm>>
    tpu.enqueue_dma source(%dma_start3A_123 : memref<1x64xf32, #tpu.memory_space<hbm>>) target(%dma_start3A_121 : memref<1x64xf32, #tpu.memory_space<vmem>>) target_semaphore(%arg13 : memref<!tpu.dma_semaphore, #tpu.memory_space<semaphore_mem>>)
    %slice3A_124 = vector.extract_strided_slice %get3A_35 {offsets = [6], sizes = [1], strides = [1]} : vector<16xi32> to vector<1xi32>
    %squeeze3A_125 = vector.extract %slice3A_124[0] : i32 from vector<1xi32>
    %dma_start3A_126 = arith.constant 0 : i32
    %dma_start3A_127 = arith.constant 198 : i32
    %dma_start3A_128 = arith.constant 0 : i32
    %dma_start3A_129 = tpu.memref_slice %arg10[%dma_start3A_126, %dma_start3A_127, %dma_start3A_128] : memref<2x200x64xf32, #tpu.memory_space<vmem>> -> memref<1x1x64xf32, #tpu.memory_space<vmem>>
    %dma_start3A_130 = tpu.memref_squeeze %dma_start3A_129 : memref<1x1x64xf32, #tpu.memory_space<vmem>> -> memref<1x64xf32, #tpu.memory_space<vmem>>
    %dma_start3A_131 = arith.constant 0 : i32
    %dma_start3A_132 = tpu.memref_slice %arg2[%squeeze3A_125, %dma_start3A_131] : memref<1000000x64xf32, #tpu.memory_space<hbm>> -> memref<1x64xf32, #tpu.memory_space<hbm>>
    %dma_start3A_133 = arith.constant 198 : i32
    %dma_start3A_134 = arith.constant 0 : i32
    %dma_start3A_135 = tpu.memref_slice %arg10[%dma_start3A_126, %dma_start3A_133, %dma_start3A_134] : memref<2x200x64xf32, #tpu.memory_space<vmem>> -> memref<1x1x64xf32, #tpu.memory_space<vmem>>
    %dma_start3A_136 = tpu.memref_squeeze %dma_start3A_135 : memref<1x1x64xf32, #tpu.memory_space<vmem>> -> memref<1x64xf32, #tpu.memory_space<vmem>>
    %dma_start3A_137 = arith.constant 0 : i32
    %dma_start3A_138 = tpu.memref_slice %arg2[%squeeze3A_125, %dma_start3A_137] : memref<1000000x64xf32, #tpu.memory_space<hbm>> -> memref<1x64xf32, #tpu.memory_space<hbm>>
    tpu.enqueue_dma source(%dma_start3A_138 : memref<1x64xf32, #tpu.memory_space<hbm>>) target(%dma_start3A_136 : memref<1x64xf32, #tpu.memory_space<vmem>>) target_semaphore(%arg13 : memref<!tpu.dma_semaphore, #tpu.memory_space<semaphore_mem>>)
    %slice3A_139 = vector.extract_strided_slice %get3A_35 {offsets = [7], sizes = [1], strides = [1]} : vector<16xi32> to vector<1xi32>
    %squeeze3A_140 = vector.extract %slice3A_139[0] : i32 from vector<1xi32>
    %dma_start3A_141 = arith.constant 0 : i32
    %dma_start3A_142 = arith.constant 199 : i32
    %dma_start3A_143 = arith.constant 0 : i32
    %dma_start3A_144 = tpu.memref_slice %arg10[%dma_start3A_141, %dma_start3A_142, %dma_start3A_143] : memref<2x200x64xf32, #tpu.memory_space<vmem>> -> memref<1x1x64xf32, #tpu.memory_space<vmem>>
    %dma_start3A_145 = tpu.memref_squeeze %dma_start3A_144 : memref<1x1x64xf32, #tpu.memory_space<vmem>> -> memref<1x64xf32, #tpu.memory_space<vmem>>
    %dma_start3A_146 = arith.constant 0 : i32
    %dma_start3A_147 = tpu.memref_slice %arg2[%squeeze3A_140, %dma_start3A_146] : memref<1000000x64xf32, #tpu.memory_space<hbm>> -> memref<1x64xf32, #tpu.memory_space<hbm>>
    %dma_start3A_148 = arith.constant 199 : i32
    %dma_start3A_149 = arith.constant 0 : i32
    %dma_start3A_150 = tpu.memref_slice %arg10[%dma_start3A_141, %dma_start3A_148, %dma_start3A_149] : memref<2x200x64xf32, #tpu.memory_space<vmem>> -> memref<1x1x64xf32, #tpu.memory_space<vmem>>
    %dma_start3A_151 = tpu.memref_squeeze %dma_start3A_150 : memref<1x1x64xf32, #tpu.memory_space<vmem>> -> memref<1x64xf32, #tpu.memory_space<vmem>>
    %dma_start3A_152 = arith.constant 0 : i32
    %dma_start3A_153 = tpu.memref_slice %arg2[%squeeze3A_140, %dma_start3A_152] : memref<1000000x64xf32, #tpu.memory_space<hbm>> -> memref<1x64xf32, #tpu.memory_space<hbm>>
    tpu.enqueue_dma source(%dma_start3A_153 : memref<1x64xf32, #tpu.memory_space<hbm>>) target(%dma_start3A_151 : memref<1x64xf32, #tpu.memory_space<vmem>>) target_semaphore(%arg13 : memref<!tpu.dma_semaphore, #tpu.memory_space<semaphore_mem>>)
    %parallel_loop3A_154 = arith.constant 0 : i32
    %parallel_loop3A_155 = arith.constant 192 : i32
    %parallel_loop3A_156 = arith.constant 16 : i32
    scf.for %parallel_loop3A_286 = %parallel_loop3A_154 to %parallel_loop3A_155 step %parallel_loop3A_156  : i32 {
      %parallel_loop3A_287 = arith.constant 200 : i32
      %parallel_loop3A_288 = arith.addi %parallel_loop3A_287, %parallel_loop3A_286 : i32
      %parallel_loop3A_289 = arith.index_cast %parallel_loop3A_288 : i32 to index
      %parallel_loop3A_290 = tpu.vector_load %arg7[%parallel_loop3A_289] {strides = array<i32>} : memref<6416xi32, #tpu.memory_space<vmem>>, vector<16xi32>,
      %parallel_loop3A_291 = vector.extract_strided_slice %parallel_loop3A_290 {offsets = [0], sizes = [1], strides = [1]} : vector<16xi32> to vector<1xi32>
      %parallel_loop3A_292 = vector.extract %parallel_loop3A_291[0] : i32 from vector<1xi32>
      %parallel_loop3A_293 = arith.constant 0 : i32
      %parallel_loop3A_294 = arith.addi %parallel_loop3A_286, %parallel_loop3A_293 : i32
      %parallel_loop3A_295 = arith.constant 1 : i32
      %parallel_loop3A_296 = arith.constant 0 : i32
      %parallel_loop3A_297 = tpu.memref_slice %arg10[%parallel_loop3A_295, %parallel_loop3A_294, %parallel_loop3A_296] : memref<2x200x64xf32, #tpu.memory_space<vmem>> -> memref<1x1x64xf32, #tpu.memory_space<vmem>>
      %parallel_loop3A_298 = tpu.memref_squeeze %parallel_loop3A_297 : memref<1x1x64xf32, #tpu.memory_space<vmem>> -> memref<1x64xf32, #tpu.memory_space<vmem>>
      %parallel_loop3A_299 = arith.constant 0 : i32
      %parallel_loop3A_300 = tpu.memref_slice %arg2[%parallel_loop3A_292, %parallel_loop3A_299] : memref<1000000x64xf32, #tpu.memory_space<hbm>> -> memref<1x64xf32, #tpu.memory_space<hbm>>
      %parallel_loop3A_301 = arith.constant 0 : i32
      %parallel_loop3A_302 = tpu.memref_slice %arg10[%parallel_loop3A_295, %parallel_loop3A_294, %parallel_loop3A_301] : memref<2x200x64xf32, #tpu.memory_space<vmem>> -> memref<1x1x64xf32, #tpu.memory_space<vmem>>
      %parallel_loop3A_303 = tpu.memref_squeeze %parallel_loop3A_302 : memref<1x1x64xf32, #tpu.memory_space<vmem>> -> memref<1x64xf32, #tpu.memory_space<vmem>>
      %parallel_loop3A_304 = arith.constant 0 : i32
      %parallel_loop3A_305 = tpu.memref_slice %arg2[%parallel_loop3A_292, %parallel_loop3A_304] : memref<1000000x64xf32, #tpu.memory_space<hbm>> -> memref<1x64xf32, #tpu.memory_space<hbm>>
      tpu.enqueue_dma source(%parallel_loop3A_305 : memref<1x64xf32, #tpu.memory_space<hbm>>) target(%parallel_loop3A_303 : memref<1x64xf32, #tpu.memory_space<vmem>>) target_semaphore(%arg14 : memref<!tpu.dma_semaphore, #tpu.memory_space<semaphore_mem>>)
      %parallel_loop3A_306 = vector.extract_strided_slice %parallel_loop3A_290 {offsets = [1], sizes = [1], strides = [1]} : vector<16xi32> to vector<1xi32>
      %parallel_loop3A_307 = vector.extract %parallel_loop3A_306[0] : i32 from vector<1xi32>
      %parallel_loop3A_308 = arith.constant 1 : i32
      %parallel_loop3A_309 = arith.addi %parallel_loop3A_286, %parallel_loop3A_308 : i32
      %parallel_loop3A_310 = arith.constant 1 : i32
      %parallel_loop3A_311 = arith.constant 0 : i32
      %parallel_loop3A_312 = tpu.memref_slice %arg10[%parallel_loop3A_310, %parallel_loop3A_309, %parallel_loop3A_311] : memref<2x200x64xf32, #tpu.memory_space<vmem>> -> memref<1x1x64xf32, #tpu.memory_space<vmem>>
      %parallel_loop3A_313 = tpu.memref_squeeze %parallel_loop3A_312 : memref<1x1x64xf32, #tpu.memory_space<vmem>> -> memref<1x64xf32, #tpu.memory_space<vmem>>
      %parallel_loop3A_314 = arith.constant 0 : i32
      %parallel_loop3A_315 = tpu.memref_slice %arg2[%parallel_loop3A_307, %parallel_loop3A_314] : memref<1000000x64xf32, #tpu.memory_space<hbm>> -> memref<1x64xf32, #tpu.memory_space<hbm>>
      %parallel_loop3A_316 = arith.constant 0 : i32
      %parallel_loop3A_317 = tpu.memref_slice %arg10[%parallel_loop3A_310, %parallel_loop3A_309, %parallel_loop3A_316] : memref<2x200x64xf32, #tpu.memory_space<vmem>> -> memref<1x1x64xf32, #tpu.memory_space<vmem>>
      %parallel_loop3A_318 = tpu.memref_squeeze %parallel_loop3A_317 : memref<1x1x64xf32, #tpu.memory_space<vmem>> -> memref<1x64xf32, #tpu.memory_space<vmem>>
      %parallel_loop3A_319 = arith.constant 0 : i32
      %parallel_loop3A_320 = tpu.memref_slice %arg2[%parallel_loop3A_307, %parallel_loop3A_319] : memref<1000000x64xf32, #tpu.memory_space<hbm>> -> memref<1x64xf32, #tpu.memory_space<hbm>>
      tpu.enqueue_dma source(%parallel_loop3A_320 : memref<1x64xf32, #tpu.memory_space<hbm>>) target(%parallel_loop3A_318 : memref<1x64xf32, #tpu.memory_space<vmem>>) target_semaphore(%arg14 : memref<!tpu.dma_semaphore, #tpu.memory_space<semaphore_mem>>)
      %parallel_loop3A_321 = vector.extract_strided_slice %parallel_loop3A_290 {offsets = [2], sizes = [1], strides = [1]} : vector<16xi32> to vector<1xi32>
      %parallel_loop3A_322 = vector.extract %parallel_loop3A_321[0] : i32 from vector<1xi32>
      %parallel_loop3A_323 = arith.constant 2 : i32
      %parallel_loop3A_324 = arith.addi %parallel_loop3A_286, %parallel_loop3A_323 : i32
      %parallel_loop3A_325 = arith.constant 1 : i32
      %parallel_loop3A_326 = arith.constant 0 : i32
      %parallel_loop3A_327 = tpu.memref_slice %arg10[%parallel_loop3A_325, %parallel_loop3A_324, %parallel_loop3A_326] : memref<2x200x64xf32, #tpu.memory_space<vmem>> -> memref<1x1x64xf32, #tpu.memory_space<vmem>>
      %parallel_loop3A_328 = tpu.memref_squeeze %parallel_loop3A_327 : memref<1x1x64xf32, #tpu.memory_space<vmem>> -> memref<1x64xf32, #tpu.memory_space<vmem>>
      %parallel_loop3A_329 = arith.constant 0 : i32
      %parallel_loop3A_330 = tpu.memref_slice %arg2[%parallel_loop3A_322, %parallel_loop3A_329] : memref<1000000x64xf32, #tpu.memory_space<hbm>> -> memref<1x64xf32, #tpu.memory_space<hbm>>
      %parallel_loop3A_331 = arith.constant 0 : i32
      %parallel_loop3A_332 = tpu.memref_slice %arg10[%parallel_loop3A_325, %parallel_loop3A_324, %parallel_loop3A_331] : memref<2x200x64xf32, #tpu.memory_space<vmem>> -> memref<1x1x64xf32, #tpu.memory_space<vmem>>
      %parallel_loop3A_333 = tpu.memref_squeeze %parallel_loop3A_332 : memref<1x1x64xf32, #tpu.memory_space<vmem>> -> memref<1x64xf32, #tpu.memory_space<vmem>>
      %parallel_loop3A_334 = arith.constant 0 : i32
      %parallel_loop3A_335 = tpu.memref_slice %arg2[%parallel_loop3A_322, %parallel_loop3A_334] : memref<1000000x64xf32, #tpu.memory_space<hbm>> -> memref<1x64xf32, #tpu.memory_space<hbm>>
      tpu.enqueue_dma source(%parallel_loop3A_335 : memref<1x64xf32, #tpu.memory_space<hbm>>) target(%parallel_loop3A_333 : memref<1x64xf32, #tpu.memory_space<vmem>>) target_semaphore(%arg14 : memref<!tpu.dma_semaphore, #tpu.memory_space<semaphore_mem>>)
      %parallel_loop3A_336 = vector.extract_strided_slice %parallel_loop3A_290 {offsets = [3], sizes = [1], strides = [1]} : vector<16xi32> to vector<1xi32>
      %parallel_loop3A_337 = vector.extract %parallel_loop3A_336[0] : i32 from vector<1xi32>
      %parallel_loop3A_338 = arith.constant 3 : i32
      %parallel_loop3A_339 = arith.addi %parallel_loop3A_286, %parallel_loop3A_338 : i32
      %parallel_loop3A_340 = arith.constant 1 : i32
      %parallel_loop3A_341 = arith.constant 0 : i32
      %parallel_loop3A_342 = tpu.memref_slice %arg10[%parallel_loop3A_340, %parallel_loop3A_339, %parallel_loop3A_341] : memref<2x200x64xf32, #tpu.memory_space<vmem>> -> memref<1x1x64xf32, #tpu.memory_space<vmem>>
      %parallel_loop3A_343 = tpu.memref_squeeze %parallel_loop3A_342 : memref<1x1x64xf32, #tpu.memory_space<vmem>> -> memref<1x64xf32, #tpu.memory_space<vmem>>
      %parallel_loop3A_344 = arith.constant 0 : i32
      %parallel_loop3A_345 = tpu.memref_slice %arg2[%parallel_loop3A_337, %parallel_loop3A_344] : memref<1000000x64xf32, #tpu.memory_space<hbm>> -> memref<1x64xf32, #tpu.memory_space<hbm>>
      %parallel_loop3A_346 = arith.constant 0 : i32
      %parallel_loop3A_347 = tpu.memref_slice %arg10[%parallel_loop3A_340, %parallel_loop3A_339, %parallel_loop3A_346] : memref<2x200x64xf32, #tpu.memory_space<vmem>> -> memref<1x1x64xf32, #tpu.memory_space<vmem>>
      %parallel_loop3A_348 = tpu.memref_squeeze %parallel_loop3A_347 : memref<1x1x64xf32, #tpu.memory_space<vmem>> -> memref<1x64xf32, #tpu.memory_space<vmem>>
      %parallel_loop3A_349 = arith.constant 0 : i32
      %parallel_loop3A_350 = tpu.memref_slice %arg2[%parallel_loop3A_337, %parallel_loop3A_349] : memref<1000000x64xf32, #tpu.memory_space<hbm>> -> memref<1x64xf32, #tpu.memory_space<hbm>>
      tpu.enqueue_dma source(%parallel_loop3A_350 : memref<1x64xf32, #tpu.memory_space<hbm>>) target(%parallel_loop3A_348 : memref<1x64xf32, #tpu.memory_space<vmem>>) target_semaphore(%arg14 : memref<!tpu.dma_semaphore, #tpu.memory_space<semaphore_mem>>)
      %parallel_loop3A_351 = vector.extract_strided_slice %parallel_loop3A_290 {offsets = [4], sizes = [1], strides = [1]} : vector<16xi32> to vector<1xi32>
      %parallel_loop3A_352 = vector.extract %parallel_loop3A_351[0] : i32 from vector<1xi32>
      %parallel_loop3A_353 = arith.constant 4 : i32
      %parallel_loop3A_354 = arith.addi %parallel_loop3A_286, %parallel_loop3A_353 : i32
      %parallel_loop3A_355 = arith.constant 1 : i32
      %parallel_loop3A_356 = arith.constant 0 : i32
      %parallel_loop3A_357 = tpu.memref_slice %arg10[%parallel_loop3A_355, %parallel_loop3A_354, %parallel_loop3A_356] : memref<2x200x64xf32, #tpu.memory_space<vmem>> -> memref<1x1x64xf32, #tpu.memory_space<vmem>>
      %parallel_loop3A_358 = tpu.memref_squeeze %parallel_loop3A_357 : memref<1x1x64xf32, #tpu.memory_space<vmem>> -> memref<1x64xf32, #tpu.memory_space<vmem>>
      %parallel_loop3A_359 = arith.constant 0 : i32
      %parallel_loop3A_360 = tpu.memref_slice %arg2[%parallel_loop3A_352, %parallel_loop3A_359] : memref<1000000x64xf32, #tpu.memory_space<hbm>> -> memref<1x64xf32, #tpu.memory_space<hbm>>
      %parallel_loop3A_361 = arith.constant 0 : i32
      %parallel_loop3A_362 = tpu.memref_slice %arg10[%parallel_loop3A_355, %parallel_loop3A_354, %parallel_loop3A_361] : memref<2x200x64xf32, #tpu.memory_space<vmem>> -> memref<1x1x64xf32, #tpu.memory_space<vmem>>
      %parallel_loop3A_363 = tpu.memref_squeeze %parallel_loop3A_362 : memref<1x1x64xf32, #tpu.memory_space<vmem>> -> memref<1x64xf32, #tpu.memory_space<vmem>>
      %parallel_loop3A_364 = arith.constant 0 : i32
      %parallel_loop3A_365 = tpu.memref_slice %arg2[%parallel_loop3A_352, %parallel_loop3A_364] : memref<1000000x64xf32, #tpu.memory_space<hbm>> -> memref<1x64xf32, #tpu.memory_space<hbm>>
      tpu.enqueue_dma source(%parallel_loop3A_365 : memref<1x64xf32, #tpu.memory_space<hbm>>) target(%parallel_loop3A_363 : memref<1x64xf32, #tpu.memory_space<vmem>>) target_semaphore(%arg14 : memref<!tpu.dma_semaphore, #tpu.memory_space<semaphore_mem>>)
      %parallel_loop3A_366 = vector.extract_strided_slice %parallel_loop3A_290 {offsets = [5], sizes = [1], strides = [1]} : vector<16xi32> to vector<1xi32>
      %parallel_loop3A_367 = vector.extract %parallel_loop3A_366[0] : i32 from vector<1xi32>
      %parallel_loop3A_368 = arith.constant 5 : i32
      %parallel_loop3A_369 = arith.addi %parallel_loop3A_286, %parallel_loop3A_368 : i32
      %parallel_loop3A_370 = arith.constant 1 : i32
      %parallel_loop3A_371 = arith.constant 0 : i32
      %parallel_loop3A_372 = tpu.memref_slice %arg10[%parallel_loop3A_370, %parallel_loop3A_369, %parallel_loop3A_371] : memref<2x200x64xf32, #tpu.memory_space<vmem>> -> memref<1x1x64xf32, #tpu.memory_space<vmem>>
      %parallel_loop3A_373 = tpu.memref_squeeze %parallel_loop3A_372 : memref<1x1x64xf32, #tpu.memory_space<vmem>> -> memref<1x64xf32, #tpu.memory_space<vmem>>
      %parallel_loop3A_374 = arith.constant 0 : i32
      %parallel_loop3A_375 = tpu.memref_slice %arg2[%parallel_loop3A_367, %parallel_loop3A_374] : memref<1000000x64xf32, #tpu.memory_space<hbm>> -> memref<1x64xf32, #tpu.memory_space<hbm>>
      %parallel_loop3A_376 = arith.constant 0 : i32
      %parallel_loop3A_377 = tpu.memref_slice %arg10[%parallel_loop3A_370, %parallel_loop3A_369, %parallel_loop3A_376] : memref<2x200x64xf32, #tpu.memory_space<vmem>> -> memref<1x1x64xf32, #tpu.memory_space<vmem>>
      %parallel_loop3A_378 = tpu.memref_squeeze %parallel_loop3A_377 : memref<1x1x64xf32, #tpu.memory_space<vmem>> -> memref<1x64xf32, #tpu.memory_space<vmem>>
      %parallel_loop3A_379 = arith.constant 0 : i32
      %parallel_loop3A_380 = tpu.memref_slice %arg2[%parallel_loop3A_367, %parallel_loop3A_379] : memref<1000000x64xf32, #tpu.memory_space<hbm>> -> memref<1x64xf32, #tpu.memory_space<hbm>>
      tpu.enqueue_dma source(%parallel_loop3A_380 : memref<1x64xf32, #tpu.memory_space<hbm>>) target(%parallel_loop3A_378 : memref<1x64xf32, #tpu.memory_space<vmem>>) target_semaphore(%arg14 : memref<!tpu.dma_semaphore, #tpu.memory_space<semaphore_mem>>)
      %parallel_loop3A_381 = vector.extract_strided_slice %parallel_loop3A_290 {offsets = [6], sizes = [1], strides = [1]} : vector<16xi32> to vector<1xi32>
      %parallel_loop3A_382 = vector.extract %parallel_loop3A_381[0] : i32 from vector<1xi32>
      %parallel_loop3A_383 = arith.constant 6 : i32
      %parallel_loop3A_384 = arith.addi %parallel_loop3A_286, %parallel_loop3A_383 : i32
      %parallel_loop3A_385 = arith.constant 1 : i32
      %parallel_loop3A_386 = arith.constant 0 : i32
      %parallel_loop3A_387 = tpu.memref_slice %arg10[%parallel_loop3A_385, %parallel_loop3A_384, %parallel_loop3A_386] : memref<2x200x64xf32, #tpu.memory_space<vmem>> -> memref<1x1x64xf32, #tpu.memory_space<vmem>>
      %parallel_loop3A_388 = tpu.memref_squeeze %parallel_loop3A_387 : memref<1x1x64xf32, #tpu.memory_space<vmem>> -> memref<1x64xf32, #tpu.memory_space<vmem>>
      %parallel_loop3A_389 = arith.constant 0 : i32
      %parallel_loop3A_390 = tpu.memref_slice %arg2[%parallel_loop3A_382, %parallel_loop3A_389] : memref<1000000x64xf32, #tpu.memory_space<hbm>> -> memref<1x64xf32, #tpu.memory_space<hbm>>
      %parallel_loop3A_391 = arith.constant 0 : i32
      %parallel_loop3A_392 = tpu.memref_slice %arg10[%parallel_loop3A_385, %parallel_loop3A_384, %parallel_loop3A_391] : memref<2x200x64xf32, #tpu.memory_space<vmem>> -> memref<1x1x64xf32, #tpu.memory_space<vmem>>
      %parallel_loop3A_393 = tpu.memref_squeeze %parallel_loop3A_392 : memref<1x1x64xf32, #tpu.memory_space<vmem>> -> memref<1x64xf32, #tpu.memory_space<vmem>>
      %parallel_loop3A_394 = arith.constant 0 : i32
      %parallel_loop3A_395 = tpu.memref_slice %arg2[%parallel_loop3A_382, %parallel_loop3A_394] : memref<1000000x64xf32, #tpu.memory_space<hbm>> -> memref<1x64xf32, #tpu.memory_space<hbm>>
      tpu.enqueue_dma source(%parallel_loop3A_395 : memref<1x64xf32, #tpu.memory_space<hbm>>) target(%parallel_loop3A_393 : memref<1x64xf32, #tpu.memory_space<vmem>>) target_semaphore(%arg14 : memref<!tpu.dma_semaphore, #tpu.memory_space<semaphore_mem>>)
      %parallel_loop3A_396 = vector.extract_strided_slice %parallel_loop3A_290 {offsets = [7], sizes = [1], strides = [1]} : vector<16xi32> to vector<1xi32>
      %parallel_loop3A_397 = vector.extract %parallel_loop3A_396[0] : i32 from vector<1xi32>
      %parallel_loop3A_398 = arith.constant 7 : i32
      %parallel_loop3A_399 = arith.addi %parallel_loop3A_286, %parallel_loop3A_398 : i32
      %parallel_loop3A_400 = arith.constant 1 : i32
      %parallel_loop3A_401 = arith.constant 0 : i32
      %parallel_loop3A_402 = tpu.memref_slice %arg10[%parallel_loop3A_400, %parallel_loop3A_399, %parallel_loop3A_401] : memref<2x200x64xf32, #tpu.memory_space<vmem>> -> memref<1x1x64xf32, #tpu.memory_space<vmem>>
      %parallel_loop3A_403 = tpu.memref_squeeze %parallel_loop3A_402 : memref<1x1x64xf32, #tpu.memory_space<vmem>> -> memref<1x64xf32, #tpu.memory_space<vmem>>
      %parallel_loop3A_404 = arith.constant 0 : i32
      %parallel_loop3A_405 = tpu.memref_slice %arg2[%parallel_loop3A_397, %parallel_loop3A_404] : memref<1000000x64xf32, #tpu.memory_space<hbm>> -> memref<1x64xf32, #tpu.memory_space<hbm>>
      %parallel_loop3A_406 = arith.constant 0 : i32
      %parallel_loop3A_407 = tpu.memref_slice %arg10[%parallel_loop3A_400, %parallel_loop3A_399, %parallel_loop3A_406] : memref<2x200x64xf32, #tpu.memory_space<vmem>> -> memref<1x1x64xf32, #tpu.memory_space<vmem>>
      %parallel_loop3A_408 = tpu.memref_squeeze %parallel_loop3A_407 : memref<1x1x64xf32, #tpu.memory_space<vmem>> -> memref<1x64xf32, #tpu.memory_space<vmem>>
      %parallel_loop3A_409 = arith.constant 0 : i32
      %parallel_loop3A_410 = tpu.memref_slice %arg2[%parallel_loop3A_397, %parallel_loop3A_409] : memref<1000000x64xf32, #tpu.memory_space<hbm>> -> memref<1x64xf32, #tpu.memory_space<hbm>>
      tpu.enqueue_dma source(%parallel_loop3A_410 : memref<1x64xf32, #tpu.memory_space<hbm>>) target(%parallel_loop3A_408 : memref<1x64xf32, #tpu.memory_space<vmem>>) target_semaphore(%arg14 : memref<!tpu.dma_semaphore, #tpu.memory_space<semaphore_mem>>)
      %parallel_loop3A_411 = vector.extract_strided_slice %parallel_loop3A_290 {offsets = [8], sizes = [1], strides = [1]} : vector<16xi32> to vector<1xi32>
      %parallel_loop3A_412 = vector.extract %parallel_loop3A_411[0] : i32 from vector<1xi32>
      %parallel_loop3A_413 = arith.constant 8 : i32
      %parallel_loop3A_414 = arith.addi %parallel_loop3A_286, %parallel_loop3A_413 : i32
      %parallel_loop3A_415 = arith.constant 1 : i32
      %parallel_loop3A_416 = arith.constant 0 : i32
      %parallel_loop3A_417 = tpu.memref_slice %arg10[%parallel_loop3A_415, %parallel_loop3A_414, %parallel_loop3A_416] : memref<2x200x64xf32, #tpu.memory_space<vmem>> -> memref<1x1x64xf32, #tpu.memory_space<vmem>>
      %parallel_loop3A_418 = tpu.memref_squeeze %parallel_loop3A_417 : memref<1x1x64xf32, #tpu.memory_space<vmem>> -> memref<1x64xf32, #tpu.memory_space<vmem>>
      %parallel_loop3A_419 = arith.constant 0 : i32
      %parallel_loop3A_420 = tpu.memref_slice %arg2[%parallel_loop3A_412, %parallel_loop3A_419] : memref<1000000x64xf32, #tpu.memory_space<hbm>> -> memref<1x64xf32, #tpu.memory_space<hbm>>
      %parallel_loop3A_421 = arith.constant 0 : i32
      %parallel_loop3A_422 = tpu.memref_slice %arg10[%parallel_loop3A_415, %parallel_loop3A_414, %parallel_loop3A_421] : memref<2x200x64xf32, #tpu.memory_space<vmem>> -> memref<1x1x64xf32, #tpu.memory_space<vmem>>
      %parallel_loop3A_423 = tpu.memref_squeeze %parallel_loop3A_422 : memref<1x1x64xf32, #tpu.memory_space<vmem>> -> memref<1x64xf32, #tpu.memory_space<vmem>>
      %parallel_loop3A_424 = arith.constant 0 : i32
      %parallel_loop3A_425 = tpu.memref_slice %arg2[%parallel_loop3A_412, %parallel_loop3A_424] : memref<1000000x64xf32, #tpu.memory_space<hbm>> -> memref<1x64xf32, #tpu.memory_space<hbm>>
      tpu.enqueue_dma source(%parallel_loop3A_425 : memref<1x64xf32, #tpu.memory_space<hbm>>) target(%parallel_loop3A_423 : memref<1x64xf32, #tpu.memory_space<vmem>>) target_semaphore(%arg14 : memref<!tpu.dma_semaphore, #tpu.memory_space<semaphore_mem>>)
      %parallel_loop3A_426 = vector.extract_strided_slice %parallel_loop3A_290 {offsets = [9], sizes = [1], strides = [1]} : vector<16xi32> to vector<1xi32>
      %parallel_loop3A_427 = vector.extract %parallel_loop3A_426[0] : i32 from vector<1xi32>
      %parallel_loop3A_428 = arith.constant 9 : i32
      %parallel_loop3A_429 = arith.addi %parallel_loop3A_286, %parallel_loop3A_428 : i32
      %parallel_loop3A_430 = arith.constant 1 : i32
      %parallel_loop3A_431 = arith.constant 0 : i32
      %parallel_loop3A_432 = tpu.memref_slice %arg10[%parallel_loop3A_430, %parallel_loop3A_429, %parallel_loop3A_431] : memref<2x200x64xf32, #tpu.memory_space<vmem>> -> memref<1x1x64xf32, #tpu.memory_space<vmem>>
      %parallel_loop3A_433 = tpu.memref_squeeze %parallel_loop3A_432 : memref<1x1x64xf32, #tpu.memory_space<vmem>> -> memref<1x64xf32, #tpu.memory_space<vmem>>
      %parallel_loop3A_434 = arith.constant 0 : i32
      %parallel_loop3A_435 = tpu.memref_slice %arg2[%parallel_loop3A_427, %parallel_loop3A_434] : memref<1000000x64xf32, #tpu.memory_space<hbm>> -> memref<1x64xf32, #tpu.memory_space<hbm>>
      %parallel_loop3A_436 = arith.constant 0 : i32
      %parallel_loop3A_437 = tpu.memref_slice %arg10[%parallel_loop3A_430, %parallel_loop3A_429, %parallel_loop3A_436] : memref<2x200x64xf32, #tpu.memory_space<vmem>> -> memref<1x1x64xf32, #tpu.memory_space<vmem>>
      %parallel_loop3A_438 = tpu.memref_squeeze %parallel_loop3A_437 : memref<1x1x64xf32, #tpu.memory_space<vmem>> -> memref<1x64xf32, #tpu.memory_space<vmem>>
      %parallel_loop3A_439 = arith.constant 0 : i32
      %parallel_loop3A_440 = tpu.memref_slice %arg2[%parallel_loop3A_427, %parallel_loop3A_439] : memref<1000000x64xf32, #tpu.memory_space<hbm>> -> memref<1x64xf32, #tpu.memory_space<hbm>>
      tpu.enqueue_dma source(%parallel_loop3A_440 : memref<1x64xf32, #tpu.memory_space<hbm>>) target(%parallel_loop3A_438 : memref<1x64xf32, #tpu.memory_space<vmem>>) target_semaphore(%arg14 : memref<!tpu.dma_semaphore, #tpu.memory_space<semaphore_mem>>)
      %parallel_loop3A_441 = vector.extract_strided_slice %parallel_loop3A_290 {offsets = [10], sizes = [1], strides = [1]} : vector<16xi32> to vector<1xi32>
      %parallel_loop3A_442 = vector.extract %parallel_loop3A_441[0] : i32 from vector<1xi32>
      %parallel_loop3A_443 = arith.constant 10 : i32
      %parallel_loop3A_444 = arith.addi %parallel_loop3A_286, %parallel_loop3A_443 : i32
      %parallel_loop3A_445 = arith.constant 1 : i32
      %parallel_loop3A_446 = arith.constant 0 : i32
      %parallel_loop3A_447 = tpu.memref_slice %arg10[%parallel_loop3A_445, %parallel_loop3A_444, %parallel_loop3A_446] : memref<2x200x64xf32, #tpu.memory_space<vmem>> -> memref<1x1x64xf32, #tpu.memory_space<vmem>>
      %parallel_loop3A_448 = tpu.memref_squeeze %parallel_loop3A_447 : memref<1x1x64xf32, #tpu.memory_space<vmem>> -> memref<1x64xf32, #tpu.memory_space<vmem>>
      %parallel_loop3A_449 = arith.constant 0 : i32
      %parallel_loop3A_450 = tpu.memref_slice %arg2[%parallel_loop3A_442, %parallel_loop3A_449] : memref<1000000x64xf32, #tpu.memory_space<hbm>> -> memref<1x64xf32, #tpu.memory_space<hbm>>
      %parallel_loop3A_451 = arith.constant 0 : i32
      %parallel_loop3A_452 = tpu.memref_slice %arg10[%parallel_loop3A_445, %parallel_loop3A_444, %parallel_loop3A_451] : memref<2x200x64xf32, #tpu.memory_space<vmem>> -> memref<1x1x64xf32, #tpu.memory_space<vmem>>
      %parallel_loop3A_453 = tpu.memref_squeeze %parallel_loop3A_452 : memref<1x1x64xf32, #tpu.memory_space<vmem>> -> memref<1x64xf32, #tpu.memory_space<vmem>>
      %parallel_loop3A_454 = arith.constant 0 : i32
      %parallel_loop3A_455 = tpu.memref_slice %arg2[%parallel_loop3A_442, %parallel_loop3A_454] : memref<1000000x64xf32, #tpu.memory_space<hbm>> -> memref<1x64xf32, #tpu.memory_space<hbm>>
      tpu.enqueue_dma source(%parallel_loop3A_455 : memref<1x64xf32, #tpu.memory_space<hbm>>) target(%parallel_loop3A_453 : memref<1x64xf32, #tpu.memory_space<vmem>>) target_semaphore(%arg14 : memref<!tpu.dma_semaphore, #tpu.memory_space<semaphore_mem>>)
      %parallel_loop3A_456 = vector.extract_strided_slice %parallel_loop3A_290 {offsets = [11], sizes = [1], strides = [1]} : vector<16xi32> to vector<1xi32>
      %parallel_loop3A_457 = vector.extract %parallel_loop3A_456[0] : i32 from vector<1xi32>
      %parallel_loop3A_458 = arith.constant 11 : i32
      %parallel_loop3A_459 = arith.addi %parallel_loop3A_286, %parallel_loop3A_458 : i32
      %parallel_loop3A_460 = arith.constant 1 : i32
      %parallel_loop3A_461 = arith.constant 0 : i32
      %parallel_loop3A_462 = tpu.memref_slice %arg10[%parallel_loop3A_460, %parallel_loop3A_459, %parallel_loop3A_461] : memref<2x200x64xf32, #tpu.memory_space<vmem>> -> memref<1x1x64xf32, #tpu.memory_space<vmem>>
      %parallel_loop3A_463 = tpu.memref_squeeze %parallel_loop3A_462 : memref<1x1x64xf32, #tpu.memory_space<vmem>> -> memref<1x64xf32, #tpu.memory_space<vmem>>
      %parallel_loop3A_464 = arith.constant 0 : i32
      %parallel_loop3A_465 = tpu.memref_slice %arg2[%parallel_loop3A_457, %parallel_loop3A_464] : memref<1000000x64xf32, #tpu.memory_space<hbm>> -> memref<1x64xf32, #tpu.memory_space<hbm>>
      %parallel_loop3A_466 = arith.constant 0 : i32
      %parallel_loop3A_467 = tpu.memref_slice %arg10[%parallel_loop3A_460, %parallel_loop3A_459, %parallel_loop3A_466] : memref<2x200x64xf32, #tpu.memory_space<vmem>> -> memref<1x1x64xf32, #tpu.memory_space<vmem>>
      %parallel_loop3A_468 = tpu.memref_squeeze %parallel_loop3A_467 : memref<1x1x64xf32, #tpu.memory_space<vmem>> -> memref<1x64xf32, #tpu.memory_space<vmem>>
      %parallel_loop3A_469 = arith.constant 0 : i32
      %parallel_loop3A_470 = tpu.memref_slice %arg2[%parallel_loop3A_457, %parallel_loop3A_469] : memref<1000000x64xf32, #tpu.memory_space<hbm>> -> memref<1x64xf32, #tpu.memory_space<hbm>>
      tpu.enqueue_dma source(%parallel_loop3A_470 : memref<1x64xf32, #tpu.memory_space<hbm>>) target(%parallel_loop3A_468 : memref<1x64xf32, #tpu.memory_space<vmem>>) target_semaphore(%arg14 : memref<!tpu.dma_semaphore, #tpu.memory_space<semaphore_mem>>)
      %parallel_loop3A_471 = vector.extract_strided_slice %parallel_loop3A_290 {offsets = [12], sizes = [1], strides = [1]} : vector<16xi32> to vector<1xi32>
      %parallel_loop3A_472 = vector.extract %parallel_loop3A_471[0] : i32 from vector<1xi32>
      %parallel_loop3A_473 = arith.constant 12 : i32
      %parallel_loop3A_474 = arith.addi %parallel_loop3A_286, %parallel_loop3A_473 : i32
      %parallel_loop3A_475 = arith.constant 1 : i32
      %parallel_loop3A_476 = arith.constant 0 : i32
      %parallel_loop3A_477 = tpu.memref_slice %arg10[%parallel_loop3A_475, %parallel_loop3A_474, %parallel_loop3A_476] : memref<2x200x64xf32, #tpu.memory_space<vmem>> -> memref<1x1x64xf32, #tpu.memory_space<vmem>>
      %parallel_loop3A_478 = tpu.memref_squeeze %parallel_loop3A_477 : memref<1x1x64xf32, #tpu.memory_space<vmem>> -> memref<1x64xf32, #tpu.memory_space<vmem>>
      %parallel_loop3A_479 = arith.constant 0 : i32
      %parallel_loop3A_480 = tpu.memref_slice %arg2[%parallel_loop3A_472, %parallel_loop3A_479] : memref<1000000x64xf32, #tpu.memory_space<hbm>> -> memref<1x64xf32, #tpu.memory_space<hbm>>
      %parallel_loop3A_481 = arith.constant 0 : i32
      %parallel_loop3A_482 = tpu.memref_slice %arg10[%parallel_loop3A_475, %parallel_loop3A_474, %parallel_loop3A_481] : memref<2x200x64xf32, #tpu.memory_space<vmem>> -> memref<1x1x64xf32, #tpu.memory_space<vmem>>
      %parallel_loop3A_483 = tpu.memref_squeeze %parallel_loop3A_482 : memref<1x1x64xf32, #tpu.memory_space<vmem>> -> memref<1x64xf32, #tpu.memory_space<vmem>>
      %parallel_loop3A_484 = arith.constant 0 : i32
      %parallel_loop3A_485 = tpu.memref_slice %arg2[%parallel_loop3A_472, %parallel_loop3A_484] : memref<1000000x64xf32, #tpu.memory_space<hbm>> -> memref<1x64xf32, #tpu.memory_space<hbm>>
      tpu.enqueue_dma source(%parallel_loop3A_485 : memref<1x64xf32, #tpu.memory_space<hbm>>) target(%parallel_loop3A_483 : memref<1x64xf32, #tpu.memory_space<vmem>>) target_semaphore(%arg14 : memref<!tpu.dma_semaphore, #tpu.memory_space<semaphore_mem>>)
      %parallel_loop3A_486 = vector.extract_strided_slice %parallel_loop3A_290 {offsets = [13], sizes = [1], strides = [1]} : vector<16xi32> to vector<1xi32>
      %parallel_loop3A_487 = vector.extract %parallel_loop3A_486[0] : i32 from vector<1xi32>
      %parallel_loop3A_488 = arith.constant 13 : i32
      %parallel_loop3A_489 = arith.addi %parallel_loop3A_286, %parallel_loop3A_488 : i32
      %parallel_loop3A_490 = arith.constant 1 : i32
      %parallel_loop3A_491 = arith.constant 0 : i32
      %parallel_loop3A_492 = tpu.memref_slice %arg10[%parallel_loop3A_490, %parallel_loop3A_489, %parallel_loop3A_491] : memref<2x200x64xf32, #tpu.memory_space<vmem>> -> memref<1x1x64xf32, #tpu.memory_space<vmem>>
      %parallel_loop3A_493 = tpu.memref_squeeze %parallel_loop3A_492 : memref<1x1x64xf32, #tpu.memory_space<vmem>> -> memref<1x64xf32, #tpu.memory_space<vmem>>
      %parallel_loop3A_494 = arith.constant 0 : i32
      %parallel_loop3A_495 = tpu.memref_slice %arg2[%parallel_loop3A_487, %parallel_loop3A_494] : memref<1000000x64xf32, #tpu.memory_space<hbm>> -> memref<1x64xf32, #tpu.memory_space<hbm>>
      %parallel_loop3A_496 = arith.constant 0 : i32
      %parallel_loop3A_497 = tpu.memref_slice %arg10[%parallel_loop3A_490, %parallel_loop3A_489, %parallel_loop3A_496] : memref<2x200x64xf32, #tpu.memory_space<vmem>> -> memref<1x1x64xf32, #tpu.memory_space<vmem>>
      %parallel_loop3A_498 = tpu.memref_squeeze %parallel_loop3A_497 : memref<1x1x64xf32, #tpu.memory_space<vmem>> -> memref<1x64xf32, #tpu.memory_space<vmem>>
      %parallel_loop3A_499 = arith.constant 0 : i32
      %parallel_loop3A_500 = tpu.memref_slice %arg2[%parallel_loop3A_487, %parallel_loop3A_499] : memref<1000000x64xf32, #tpu.memory_space<hbm>> -> memref<1x64xf32, #tpu.memory_space<hbm>>
      tpu.enqueue_dma source(%parallel_loop3A_500 : memref<1x64xf32, #tpu.memory_space<hbm>>) target(%parallel_loop3A_498 : memref<1x64xf32, #tpu.memory_space<vmem>>) target_semaphore(%arg14 : memref<!tpu.dma_semaphore, #tpu.memory_space<semaphore_mem>>)
      %parallel_loop3A_501 = vector.extract_strided_slice %parallel_loop3A_290 {offsets = [14], sizes = [1], strides = [1]} : vector<16xi32> to vector<1xi32>
      %parallel_loop3A_502 = vector.extract %parallel_loop3A_501[0] : i32 from vector<1xi32>
      %parallel_loop3A_503 = arith.constant 14 : i32
      %parallel_loop3A_504 = arith.addi %parallel_loop3A_286, %parallel_loop3A_503 : i32
      %parallel_loop3A_505 = arith.constant 1 : i32
      %parallel_loop3A_506 = arith.constant 0 : i32
      %parallel_loop3A_507 = tpu.memref_slice %arg10[%parallel_loop3A_505, %parallel_loop3A_504, %parallel_loop3A_506] : memref<2x200x64xf32, #tpu.memory_space<vmem>> -> memref<1x1x64xf32, #tpu.memory_space<vmem>>
      %parallel_loop3A_508 = tpu.memref_squeeze %parallel_loop3A_507 : memref<1x1x64xf32, #tpu.memory_space<vmem>> -> memref<1x64xf32, #tpu.memory_space<vmem>>
      %parallel_loop3A_509 = arith.constant 0 : i32
      %parallel_loop3A_510 = tpu.memref_slice %arg2[%parallel_loop3A_502, %parallel_loop3A_509] : memref<1000000x64xf32, #tpu.memory_space<hbm>> -> memref<1x64xf32, #tpu.memory_space<hbm>>
      %parallel_loop3A_511 = arith.constant 0 : i32
      %parallel_loop3A_512 = tpu.memref_slice %arg10[%parallel_loop3A_505, %parallel_loop3A_504, %parallel_loop3A_511] : memref<2x200x64xf32, #tpu.memory_space<vmem>> -> memref<1x1x64xf32, #tpu.memory_space<vmem>>
      %parallel_loop3A_513 = tpu.memref_squeeze %parallel_loop3A_512 : memref<1x1x64xf32, #tpu.memory_space<vmem>> -> memref<1x64xf32, #tpu.memory_space<vmem>>
      %parallel_loop3A_514 = arith.constant 0 : i32
      %parallel_loop3A_515 = tpu.memref_slice %arg2[%parallel_loop3A_502, %parallel_loop3A_514] : memref<1000000x64xf32, #tpu.memory_space<hbm>> -> memref<1x64xf32, #tpu.memory_space<hbm>>
      tpu.enqueue_dma source(%parallel_loop3A_515 : memref<1x64xf32, #tpu.memory_space<hbm>>) target(%parallel_loop3A_513 : memref<1x64xf32, #tpu.memory_space<vmem>>) target_semaphore(%arg14 : memref<!tpu.dma_semaphore, #tpu.memory_space<semaphore_mem>>)
      %parallel_loop3A_516 = vector.extract_strided_slice %parallel_loop3A_290 {offsets = [15], sizes = [1], strides = [1]} : vector<16xi32> to vector<1xi32>
      %parallel_loop3A_517 = vector.extract %parallel_loop3A_516[0] : i32 from vector<1xi32>
      %parallel_loop3A_518 = arith.constant 15 : i32
      %parallel_loop3A_519 = arith.addi %parallel_loop3A_286, %parallel_loop3A_518 : i32
      %parallel_loop3A_520 = arith.constant 1 : i32
      %parallel_loop3A_521 = arith.constant 0 : i32
      %parallel_loop3A_522 = tpu.memref_slice %arg10[%parallel_loop3A_520, %parallel_loop3A_519, %parallel_loop3A_521] : memref<2x200x64xf32, #tpu.memory_space<vmem>> -> memref<1x1x64xf32, #tpu.memory_space<vmem>>
      %parallel_loop3A_523 = tpu.memref_squeeze %parallel_loop3A_522 : memref<1x1x64xf32, #tpu.memory_space<vmem>> -> memref<1x64xf32, #tpu.memory_space<vmem>>
      %parallel_loop3A_524 = arith.constant 0 : i32
      %parallel_loop3A_525 = tpu.memref_slice %arg2[%parallel_loop3A_517, %parallel_loop3A_524] : memref<1000000x64xf32, #tpu.memory_space<hbm>> -> memref<1x64xf32, #tpu.memory_space<hbm>>
      %parallel_loop3A_526 = arith.constant 0 : i32
      %parallel_loop3A_527 = tpu.memref_slice %arg10[%parallel_loop3A_520, %parallel_loop3A_519, %parallel_loop3A_526] : memref<2x200x64xf32, #tpu.memory_space<vmem>> -> memref<1x1x64xf32, #tpu.memory_space<vmem>>
      %parallel_loop3A_528 = tpu.memref_squeeze %parallel_loop3A_527 : memref<1x1x64xf32, #tpu.memory_space<vmem>> -> memref<1x64xf32, #tpu.memory_space<vmem>>
      %parallel_loop3A_529 = arith.constant 0 : i32
      %parallel_loop3A_530 = tpu.memref_slice %arg2[%parallel_loop3A_517, %parallel_loop3A_529] : memref<1000000x64xf32, #tpu.memory_space<hbm>> -> memref<1x64xf32, #tpu.memory_space<hbm>>
      tpu.enqueue_dma source(%parallel_loop3A_530 : memref<1x64xf32, #tpu.memory_space<hbm>>) target(%parallel_loop3A_528 : memref<1x64xf32, #tpu.memory_space<vmem>>) target_semaphore(%arg14 : memref<!tpu.dma_semaphore, #tpu.memory_space<semaphore_mem>>)
    } {sc.loop_unroll_factor = 1 : i64, sc.parallel_access}
    %get3A_157 = arith.constant 392 : index
    %get3A_158 = tpu.vector_load %arg7[%get3A_157] {strides = array<i32>} : memref<6416xi32, #tpu.memory_space<vmem>>, vector<16xi32>,
    %slice3A_159 = vector.extract_strided_slice %get3A_158 {offsets = [0], sizes = [1], strides = [1]} : vector<16xi32> to vector<1xi32>
    %squeeze3A_160 = vector.extract %slice3A_159[0] : i32 from vector<1xi32>
    %dma_start3A_161 = arith.constant 1 : i32
    %dma_start3A_162 = arith.constant 192 : i32
    %dma_start3A_163 = arith.constant 0 : i32
    %dma_start3A_164 = tpu.memref_slice %arg10[%dma_start3A_161, %dma_start3A_162, %dma_start3A_163] : memref<2x200x64xf32, #tpu.memory_space<vmem>> -> memref<1x1x64xf32, #tpu.memory_space<vmem>>
    %dma_start3A_165 = tpu.memref_squeeze %dma_start3A_164 : memref<1x1x64xf32, #tpu.memory_space<vmem>> -> memref<1x64xf32, #tpu.memory_space<vmem>>
    %dma_start3A_166 = arith.constant 0 : i32
    %dma_start3A_167 = tpu.memref_slice %arg2[%squeeze3A_160, %dma_start3A_166] : memref<1000000x64xf32, #tpu.memory_space<hbm>> -> memref<1x64xf32, #tpu.memory_space<hbm>>
    %dma_start3A_168 = arith.constant 192 : i32
    %dma_start3A_169 = arith.constant 0 : i32
    %dma_start3A_170 = tpu.memref_slice %arg10[%dma_start3A_161, %dma_start3A_168, %dma_start3A_169] : memref<2x200x64xf32, #tpu.memory_space<vmem>> -> memref<1x1x64xf32, #tpu.memory_space<vmem>>
    %dma_start3A_171 = tpu.memref_squeeze %dma_start3A_170 : memref<1x1x64xf32, #tpu.memory_space<vmem>> -> memref<1x64xf32, #tpu.memory_space<vmem>>
    %dma_start3A_172 = arith.constant 0 : i32
    %dma_start3A_173 = tpu.memref_slice %arg2[%squeeze3A_160, %dma_start3A_172] : memref<1000000x64xf32, #tpu.memory_space<hbm>> -> memref<1x64xf32, #tpu.memory_space<hbm>>
    tpu.enqueue_dma source(%dma_start3A_173 : memref<1x64xf32, #tpu.memory_space<hbm>>) target(%dma_start3A_171 : memref<1x64xf32, #tpu.memory_space<vmem>>) target_semaphore(%arg14 : memref<!tpu.dma_semaphore, #tpu.memory_space<semaphore_mem>>)
    %slice3A_174 = vector.extract_strided_slice %get3A_158 {offsets = [1], sizes = [1], strides = [1]} : vector<16xi32> to vector<1xi32>
    %squeeze3A_175 = vector.extract %slice3A_174[0] : i32 from vector<1xi32>
    %dma_start3A_176 = arith.constant 1 : i32
    %dma_start3A_177 = arith.constant 193 : i32
    %dma_start3A_178 = arith.constant 0 : i32
    %dma_start3A_179 = tpu.memref_slice %arg10[%dma_start3A_176, %dma_start3A_177, %dma_start3A_178] : memref<2x200x64xf32, #tpu.memory_space<vmem>> -> memref<1x1x64xf32, #tpu.memory_space<vmem>>
    %dma_start3A_180 = tpu.memref_squeeze %dma_start3A_179 : memref<1x1x64xf32, #tpu.memory_space<vmem>> -> memref<1x64xf32, #tpu.memory_space<vmem>>
    %dma_start3A_181 = arith.constant 0 : i32
    %dma_start3A_182 = tpu.memref_slice %arg2[%squeeze3A_175, %dma_start3A_181] : memref<1000000x64xf32, #tpu.memory_space<hbm>> -> memref<1x64xf32, #tpu.memory_space<hbm>>
    %dma_start3A_183 = arith.constant 193 : i32
    %dma_start3A_184 = arith.constant 0 : i32
    %dma_start3A_185 = tpu.memref_slice %arg10[%dma_start3A_176, %dma_start3A_183, %dma_start3A_184] : memref<2x200x64xf32, #tpu.memory_space<vmem>> -> memref<1x1x64xf32, #tpu.memory_space<vmem>>
    %dma_start3A_186 = tpu.memref_squeeze %dma_start3A_185 : memref<1x1x64xf32, #tpu.memory_space<vmem>> -> memref<1x64xf32, #tpu.memory_space<vmem>>
    %dma_start3A_187 = arith.constant 0 : i32
    %dma_start3A_188 = tpu.memref_slice %arg2[%squeeze3A_175, %dma_start3A_187] : memref<1000000x64xf32, #tpu.memory_space<hbm>> -> memref<1x64xf32, #tpu.memory_space<hbm>>
    tpu.enqueue_dma source(%dma_start3A_188 : memref<1x64xf32, #tpu.memory_space<hbm>>) target(%dma_start3A_186 : memref<1x64xf32, #tpu.memory_space<vmem>>) target_semaphore(%arg14 : memref<!tpu.dma_semaphore, #tpu.memory_space<semaphore_mem>>)
    %slice3A_189 = vector.extract_strided_slice %get3A_158 {offsets = [2], sizes = [1], strides = [1]} : vector<16xi32> to vector<1xi32>
    %squeeze3A_190 = vector.extract %slice3A_189[0] : i32 from vector<1xi32>
    %dma_start3A_191 = arith.constant 1 : i32
    %dma_start3A_192 = arith.constant 194 : i32
    %dma_start3A_193 = arith.constant 0 : i32
    %dma_start3A_194 = tpu.memref_slice %arg10[%dma_start3A_191, %dma_start3A_192, %dma_start3A_193] : memref<2x200x64xf32, #tpu.memory_space<vmem>> -> memref<1x1x64xf32, #tpu.memory_space<vmem>>
    %dma_start3A_195 = tpu.memref_squeeze %dma_start3A_194 : memref<1x1x64xf32, #tpu.memory_space<vmem>> -> memref<1x64xf32, #tpu.memory_space<vmem>>
    %dma_start3A_196 = arith.constant 0 : i32
    %dma_start3A_197 = tpu.memref_slice %arg2[%squeeze3A_190, %dma_start3A_196] : memref<1000000x64xf32, #tpu.memory_space<hbm>> -> memref<1x64xf32, #tpu.memory_space<hbm>>
    %dma_start3A_198 = arith.constant 194 : i32
    %dma_start3A_199 = arith.constant 0 : i32
    %dma_start3A_200 = tpu.memref_slice %arg10[%dma_start3A_191, %dma_start3A_198, %dma_start3A_199] : memref<2x200x64xf32, #tpu.memory_space<vmem>> -> memref<1x1x64xf32, #tpu.memory_space<vmem>>
    %dma_start3A_201 = tpu.memref_squeeze %dma_start3A_200 : memref<1x1x64xf32, #tpu.memory_space<vmem>> -> memref<1x64xf32, #tpu.memory_space<vmem>>
    %dma_start3A_202 = arith.constant 0 : i32
    %dma_start3A_203 = tpu.memref_slice %arg2[%squeeze3A_190, %dma_start3A_202] : memref<1000000x64xf32, #tpu.memory_space<hbm>> -> memref<1x64xf32, #tpu.memory_space<hbm>>
    tpu.enqueue_dma source(%dma_start3A_203 : memref<1x64xf32, #tpu.memory_space<hbm>>) target(%dma_start3A_201 : memref<1x64xf32, #tpu.memory_space<vmem>>) target_semaphore(%arg14 : memref<!tpu.dma_semaphore, #tpu.memory_space<semaphore_mem>>)
    %slice3A_204 = vector.extract_strided_slice %get3A_158 {offsets = [3], sizes = [1], strides = [1]} : vector<16xi32> to vector<1xi32>
    %squeeze3A_205 = vector.extract %slice3A_204[0] : i32 from vector<1xi32>
    %dma_start3A_206 = arith.constant 1 : i32
    %dma_start3A_207 = arith.constant 195 : i32
    %dma_start3A_208 = arith.constant 0 : i32
    %dma_start3A_209 = tpu.memref_slice %arg10[%dma_start3A_206, %dma_start3A_207, %dma_start3A_208] : memref<2x200x64xf32, #tpu.memory_space<vmem>> -> memref<1x1x64xf32, #tpu.memory_space<vmem>>
    %dma_start3A_210 = tpu.memref_squeeze %dma_start3A_209 : memref<1x1x64xf32, #tpu.memory_space<vmem>> -> memref<1x64xf32, #tpu.memory_space<vmem>>
    %dma_start3A_211 = arith.constant 0 : i32
    %dma_start3A_212 = tpu.memref_slice %arg2[%squeeze3A_205, %dma_start3A_211] : memref<1000000x64xf32, #tpu.memory_space<hbm>> -> memref<1x64xf32, #tpu.memory_space<hbm>>
    %dma_start3A_213 = arith.constant 195 : i32
    %dma_start3A_214 = arith.constant 0 : i32
    %dma_start3A_215 = tpu.memref_slice %arg10[%dma_start3A_206, %dma_start3A_213, %dma_start3A_214] : memref<2x200x64xf32, #tpu.memory_space<vmem>> -> memref<1x1x64xf32, #tpu.memory_space<vmem>>
    %dma_start3A_216 = tpu.memref_squeeze %dma_start3A_215 : memref<1x1x64xf32, #tpu.memory_space<vmem>> -> memref<1x64xf32, #tpu.memory_space<vmem>>
    %dma_start3A_217 = arith.constant 0 : i32
    %dma_start3A_218 = tpu.memref_slice %arg2[%squeeze3A_205, %dma_start3A_217] : memref<1000000x64xf32, #tpu.memory_space<hbm>> -> memref<1x64xf32, #tpu.memory_space<hbm>>
    tpu.enqueue_dma source(%dma_start3A_218 : memref<1x64xf32, #tpu.memory_space<hbm>>) target(%dma_start3A_216 : memref<1x64xf32, #tpu.memory_space<vmem>>) target_semaphore(%arg14 : memref<!tpu.dma_semaphore, #tpu.memory_space<semaphore_mem>>)
    %slice3A_219 = vector.extract_strided_slice %get3A_158 {offsets = [4], sizes = [1], strides = [1]} : vector<16xi32> to vector<1xi32>
    %squeeze3A_220 = vector.extract %slice3A_219[0] : i32 from vector<1xi32>
    %dma_start3A_221 = arith.constant 1 : i32
    %dma_start3A_222 = arith.constant 196 : i32
    %dma_start3A_223 = arith.constant 0 : i32
    %dma_start3A_224 = tpu.memref_slice %arg10[%dma_start3A_221, %dma_start3A_222, %dma_start3A_223] : memref<2x200x64xf32, #tpu.memory_space<vmem>> -> memref<1x1x64xf32, #tpu.memory_space<vmem>>
    %dma_start3A_225 = tpu.memref_squeeze %dma_start3A_224 : memref<1x1x64xf32, #tpu.memory_space<vmem>> -> memref<1x64xf32, #tpu.memory_space<vmem>>
    %dma_start3A_226 = arith.constant 0 : i32
    %dma_start3A_227 = tpu.memref_slice %arg2[%squeeze3A_220, %dma_start3A_226] : memref<1000000x64xf32, #tpu.memory_space<hbm>> -> memref<1x64xf32, #tpu.memory_space<hbm>>
    %dma_start3A_228 = arith.constant 196 : i32
    %dma_start3A_229 = arith.constant 0 : i32
    %dma_start3A_230 = tpu.memref_slice %arg10[%dma_start3A_221, %dma_start3A_228, %dma_start3A_229] : memref<2x200x64xf32, #tpu.memory_space<vmem>> -> memref<1x1x64xf32, #tpu.memory_space<vmem>>
    %dma_start3A_231 = tpu.memref_squeeze %dma_start3A_230 : memref<1x1x64xf32, #tpu.memory_space<vmem>> -> memref<1x64xf32, #tpu.memory_space<vmem>>
    %dma_start3A_232 = arith.constant 0 : i32
    %dma_start3A_233 = tpu.memref_slice %arg2[%squeeze3A_220, %dma_start3A_232] : memref<1000000x64xf32, #tpu.memory_space<hbm>> -> memref<1x64xf32, #tpu.memory_space<hbm>>
    tpu.enqueue_dma source(%dma_start3A_233 : memref<1x64xf32, #tpu.memory_space<hbm>>) target(%dma_start3A_231 : memref<1x64xf32, #tpu.memory_space<vmem>>) target_semaphore(%arg14 : memref<!tpu.dma_semaphore, #tpu.memory_space<semaphore_mem>>)
    %slice3A_234 = vector.extract_strided_slice %get3A_158 {offsets = [5], sizes = [1], strides = [1]} : vector<16xi32> to vector<1xi32>
    %squeeze3A_235 = vector.extract %slice3A_234[0] : i32 from vector<1xi32>
    %dma_start3A_236 = arith.constant 1 : i32
    %dma_start3A_237 = arith.constant 197 : i32
    %dma_start3A_238 = arith.constant 0 : i32
    %dma_start3A_239 = tpu.memref_slice %arg10[%dma_start3A_236, %dma_start3A_237, %dma_start3A_238] : memref<2x200x64xf32, #tpu.memory_space<vmem>> -> memref<1x1x64xf32, #tpu.memory_space<vmem>>
    %dma_start3A_240 = tpu.memref_squeeze %dma_start3A_239 : memref<1x1x64xf32, #tpu.memory_space<vmem>> -> memref<1x64xf32, #tpu.memory_space<vmem>>
    %dma_start3A_241 = arith.constant 0 : i32
    %dma_start3A_242 = tpu.memref_slice %arg2[%squeeze3A_235, %dma_start3A_241] : memref<1000000x64xf32, #tpu.memory_space<hbm>> -> memref<1x64xf32, #tpu.memory_space<hbm>>
    %dma_start3A_243 = arith.constant 197 : i32
    %dma_start3A_244 = arith.constant 0 : i32
    %dma_start3A_245 = tpu.memref_slice %arg10[%dma_start3A_236, %dma_start3A_243, %dma_start3A_244] : memref<2x200x64xf32, #tpu.memory_space<vmem>> -> memref<1x1x64xf32, #tpu.memory_space<vmem>>
    %dma_start3A_246 = tpu.memref_squeeze %dma_start3A_245 : memref<1x1x64xf32, #tpu.memory_space<vmem>> -> memref<1x64xf32, #tpu.memory_space<vmem>>
    %dma_start3A_247 = arith.constant 0 : i32
    %dma_start3A_248 = tpu.memref_slice %arg2[%squeeze3A_235, %dma_start3A_247] : memref<1000000x64xf32, #tpu.memory_space<hbm>> -> memref<1x64xf32, #tpu.memory_space<hbm>>
    tpu.enqueue_dma source(%dma_start3A_248 : memref<1x64xf32, #tpu.memory_space<hbm>>) target(%dma_start3A_246 : memref<1x64xf32, #tpu.memory_space<vmem>>) target_semaphore(%arg14 : memref<!tpu.dma_semaphore, #tpu.memory_space<semaphore_mem>>)
    %slice3A_249 = vector.extract_strided_slice %get3A_158 {offsets = [6], sizes = [1], strides = [1]} : vector<16xi32> to vector<1xi32>
    %squeeze3A_250 = vector.extract %slice3A_249[0] : i32 from vector<1xi32>
    %dma_start3A_251 = arith.constant 1 : i32
    %dma_start3A_252 = arith.constant 198 : i32
    %dma_start3A_253 = arith.constant 0 : i32
    %dma_start3A_254 = tpu.memref_slice %arg10[%dma_start3A_251, %dma_start3A_252, %dma_start3A_253] : memref<2x200x64xf32, #tpu.memory_space<vmem>> -> memref<1x1x64xf32, #tpu.memory_space<vmem>>
    %dma_start3A_255 = tpu.memref_squeeze %dma_start3A_254 : memref<1x1x64xf32, #tpu.memory_space<vmem>> -> memref<1x64xf32, #tpu.memory_space<vmem>>
    %dma_start3A_256 = arith.constant 0 : i32
    %dma_start3A_257 = tpu.memref_slice %arg2[%squeeze3A_250, %dma_start3A_256] : memref<1000000x64xf32, #tpu.memory_space<hbm>> -> memref<1x64xf32, #tpu.memory_space<hbm>>
    %dma_start3A_258 = arith.constant 198 : i32
    %dma_start3A_259 = arith.constant 0 : i32
    %dma_start3A_260 = tpu.memref_slice %arg10[%dma_start3A_251, %dma_start3A_258, %dma_start3A_259] : memref<2x200x64xf32, #tpu.memory_space<vmem>> -> memref<1x1x64xf32, #tpu.memory_space<vmem>>
    %dma_start3A_261 = tpu.memref_squeeze %dma_start3A_260 : memref<1x1x64xf32, #tpu.memory_space<vmem>> -> memref<1x64xf32, #tpu.memory_space<vmem>>
    %dma_start3A_262 = arith.constant 0 : i32
    %dma_start3A_263 = tpu.memref_slice %arg2[%squeeze3A_250, %dma_start3A_262] : memref<1000000x64xf32, #tpu.memory_space<hbm>> -> memref<1x64xf32, #tpu.memory_space<hbm>>
    tpu.enqueue_dma source(%dma_start3A_263 : memref<1x64xf32, #tpu.memory_space<hbm>>) target(%dma_start3A_261 : memref<1x64xf32, #tpu.memory_space<vmem>>) target_semaphore(%arg14 : memref<!tpu.dma_semaphore, #tpu.memory_space<semaphore_mem>>)
    %slice3A_264 = vector.extract_strided_slice %get3A_158 {offsets = [7], sizes = [1], strides = [1]} : vector<16xi32> to vector<1xi32>
    %squeeze3A_265 = vector.extract %slice3A_264[0] : i32 from vector<1xi32>
    %dma_start3A_266 = arith.constant 1 : i32
    %dma_start3A_267 = arith.constant 199 : i32
    %dma_start3A_268 = arith.constant 0 : i32
    %dma_start3A_269 = tpu.memref_slice %arg10[%dma_start3A_266, %dma_start3A_267, %dma_start3A_268] : memref<2x200x64xf32, #tpu.memory_space<vmem>> -> memref<1x1x64xf32, #tpu.memory_space<vmem>>
    %dma_start3A_270 = tpu.memref_squeeze %dma_start3A_269 : memref<1x1x64xf32, #tpu.memory_space<vmem>> -> memref<1x64xf32, #tpu.memory_space<vmem>>
    %dma_start3A_271 = arith.constant 0 : i32
    %dma_start3A_272 = tpu.memref_slice %arg2[%squeeze3A_265, %dma_start3A_271] : memref<1000000x64xf32, #tpu.memory_space<hbm>> -> memref<1x64xf32, #tpu.memory_space<hbm>>
    %dma_start3A_273 = arith.constant 199 : i32
    %dma_start3A_274 = arith.constant 0 : i32
    %dma_start3A_275 = tpu.memref_slice %arg10[%dma_start3A_266, %dma_start3A_273, %dma_start3A_274] : memref<2x200x64xf32, #tpu.memory_space<vmem>> -> memref<1x1x64xf32, #tpu.memory_space<vmem>>
    %dma_start3A_276 = tpu.memref_squeeze %dma_start3A_275 : memref<1x1x64xf32, #tpu.memory_space<vmem>> -> memref<1x64xf32, #tpu.memory_space<vmem>>
    %dma_start3A_277 = arith.constant 0 : i32
    %dma_start3A_278 = tpu.memref_slice %arg2[%squeeze3A_265, %dma_start3A_277] : memref<1000000x64xf32, #tpu.memory_space<hbm>> -> memref<1x64xf32, #tpu.memory_space<hbm>>
    tpu.enqueue_dma source(%dma_start3A_278 : memref<1x64xf32, #tpu.memory_space<hbm>>) target(%dma_start3A_276 : memref<1x64xf32, #tpu.memory_space<vmem>>) target_semaphore(%arg14 : memref<!tpu.dma_semaphore, #tpu.memory_space<semaphore_mem>>)
    %scan3A = arith.constant 0 : i32
    %scan3A_279 = arith.constant 0 : i32
    %scan3A_280 = arith.constant 16 : i32
    %scan3A_281 = arith.addi %scan3A_279, %scan3A_280 : i32
    %scan3A_282 = arith.constant 1 : i32
    scf.for %scan3A_286 = %scan3A_279 to %scan3A_281 step %scan3A_282  : i32 {
      %mul3A_287 = arith.constant 2 : i32
      %mul3A_288 = arith.muli %scan3A_286, %mul3A_287 : i32
      %add3A_289 = arith.constant 0 : i32
      %add3A_290 = arith.addi %mul3A_288, %add3A_289 : i32
      %mul3A_291 = arith.constant 200 : i32
      %mul3A_292 = arith.muli %add3A_290, %mul3A_291 : i32
      %broadcast_in_dim3A_293 = arith.constant 0.000000e+00 : f32
      %broadcast_in_dim3A_294 = vector.broadcast %broadcast_in_dim3A_293 : f32 to vector<16xf32>
      %parallel_loop3A_295 = arith.constant 0 : i32
      %parallel_loop3A_296 = arith.constant 192 : i32
      %parallel_loop3A_297 = arith.constant 16 : i32
      %parallel_loop3A_298:16 = scf.for %parallel_loop3A_824 = %parallel_loop3A_295 to %parallel_loop3A_296 step %parallel_loop3A_297 iter_args(%parallel_loop3A_825 = %broadcast_in_dim3A_294, %parallel_loop3A_826 = %broadcast_in_dim3A_294, %parallel_loop3A_827 = %broadcast_in_dim3A_294, %parallel_loop3A_828 = %broadcast_in_dim3A_294, %parallel_loop3A_829 = %broadcast_in_dim3A_294, %parallel_loop3A_830 = %broadcast_in_dim3A_294, %parallel_loop3A_831 = %broadcast_in_dim3A_294, %parallel_loop3A_832 = %broadcast_in_dim3A_294, %parallel_loop3A_833 = %broadcast_in_dim3A_294, %parallel_loop3A_834 = %broadcast_in_dim3A_294, %parallel_loop3A_835 = %broadcast_in_dim3A_294, %parallel_loop3A_836 = %broadcast_in_dim3A_294, %parallel_loop3A_837 = %broadcast_in_dim3A_294, %parallel_loop3A_838 = %broadcast_in_dim3A_294, %parallel_loop3A_839 = %broadcast_in_dim3A_294, %parallel_loop3A_840 = %broadcast_in_dim3A_294) -> (vector<16xf32>, vector<16xf32>, vector<16xf32>, vector<16xf32>, vector<16xf32>, vector<16xf32>, vector<16xf32>, vector<16xf32>, vector<16xf32>, vector<16xf32>, vector<16xf32>, vector<16xf32>, vector<16xf32>, vector<16xf32>, vector<16xf32>, vector<16xf32>)  : i32 {
        %parallel_loop3A_841 = arith.addi %mul3A_292, %parallel_loop3A_824 : i32
        %parallel_loop3A_842 = arith.index_cast %parallel_loop3A_841 : i32 to index
        %parallel_loop3A_843 = tpu.vector_load %arg8[%parallel_loop3A_842] {strides = array<i32>} : memref<6416xi32, #tpu.memory_space<vmem>>, vector<16xi32>,
        %parallel_loop3A_844 = arith.constant 0 : i32
        %parallel_loop3A_845 = vector.broadcast %parallel_loop3A_844 : i32 to vector<16xi32>
        %parallel_loop3A_846 = tpu.vector_load_idx %arg9[%parallel_loop3A_845, %parallel_loop3A_843] : memref<16x1024xf32, #tpu.memory_space<vmem>>[vector<16xi32>, vector<16xi32>], vector<16xf32>,
        %parallel_loop3A_847 = arith.addf %parallel_loop3A_825, %parallel_loop3A_846 : vector<16xf32>
        %parallel_loop3A_848 = arith.constant 1 : i32
        %parallel_loop3A_849 = vector.broadcast %parallel_loop3A_848 : i32 to vector<16xi32>
        %parallel_loop3A_850 = tpu.vector_load_idx %arg9[%parallel_loop3A_849, %parallel_loop3A_843] : memref<16x1024xf32, #tpu.memory_space<vmem>>[vector<16xi32>, vector<16xi32>], vector<16xf32>,
        %parallel_loop3A_851 = arith.addf %parallel_loop3A_826, %parallel_loop3A_850 : vector<16xf32>
        %parallel_loop3A_852 = arith.constant 2 : i32
        %parallel_loop3A_853 = vector.broadcast %parallel_loop3A_852 : i32 to vector<16xi32>
        %parallel_loop3A_854 = tpu.vector_load_idx %arg9[%parallel_loop3A_853, %parallel_loop3A_843] : memref<16x1024xf32, #tpu.memory_space<vmem>>[vector<16xi32>, vector<16xi32>], vector<16xf32>,
        %parallel_loop3A_855 = arith.addf %parallel_loop3A_827, %parallel_loop3A_854 : vector<16xf32>
        %parallel_loop3A_856 = arith.constant 3 : i32
        %parallel_loop3A_857 = vector.broadcast %parallel_loop3A_856 : i32 to vector<16xi32>
        %parallel_loop3A_858 = tpu.vector_load_idx %arg9[%parallel_loop3A_857, %parallel_loop3A_843] : memref<16x1024xf32, #tpu.memory_space<vmem>>[vector<16xi32>, vector<16xi32>], vector<16xf32>,
        %parallel_loop3A_859 = arith.addf %parallel_loop3A_828, %parallel_loop3A_858 : vector<16xf32>
        %parallel_loop3A_860 = arith.constant 4 : i32
        %parallel_loop3A_861 = vector.broadcast %parallel_loop3A_860 : i32 to vector<16xi32>
        %parallel_loop3A_862 = tpu.vector_load_idx %arg9[%parallel_loop3A_861, %parallel_loop3A_843] : memref<16x1024xf32, #tpu.memory_space<vmem>>[vector<16xi32>, vector<16xi32>], vector<16xf32>,
        %parallel_loop3A_863 = arith.addf %parallel_loop3A_829, %parallel_loop3A_862 : vector<16xf32>
        %parallel_loop3A_864 = arith.constant 5 : i32
        %parallel_loop3A_865 = vector.broadcast %parallel_loop3A_864 : i32 to vector<16xi32>
        %parallel_loop3A_866 = tpu.vector_load_idx %arg9[%parallel_loop3A_865, %parallel_loop3A_843] : memref<16x1024xf32, #tpu.memory_space<vmem>>[vector<16xi32>, vector<16xi32>], vector<16xf32>,
        %parallel_loop3A_867 = arith.addf %parallel_loop3A_830, %parallel_loop3A_866 : vector<16xf32>
        %parallel_loop3A_868 = arith.constant 6 : i32
        %parallel_loop3A_869 = vector.broadcast %parallel_loop3A_868 : i32 to vector<16xi32>
        %parallel_loop3A_870 = tpu.vector_load_idx %arg9[%parallel_loop3A_869, %parallel_loop3A_843] : memref<16x1024xf32, #tpu.memory_space<vmem>>[vector<16xi32>, vector<16xi32>], vector<16xf32>,
        %parallel_loop3A_871 = arith.addf %parallel_loop3A_831, %parallel_loop3A_870 : vector<16xf32>
        %parallel_loop3A_872 = arith.constant 7 : i32
        %parallel_loop3A_873 = vector.broadcast %parallel_loop3A_872 : i32 to vector<16xi32>
        %parallel_loop3A_874 = tpu.vector_load_idx %arg9[%parallel_loop3A_873, %parallel_loop3A_843] : memref<16x1024xf32, #tpu.memory_space<vmem>>[vector<16xi32>, vector<16xi32>], vector<16xf32>,
        %parallel_loop3A_875 = arith.addf %parallel_loop3A_832, %parallel_loop3A_874 : vector<16xf32>
        %parallel_loop3A_876 = arith.constant 8 : i32
        %parallel_loop3A_877 = vector.broadcast %parallel_loop3A_876 : i32 to vector<16xi32>
        %parallel_loop3A_878 = tpu.vector_load_idx %arg9[%parallel_loop3A_877, %parallel_loop3A_843] : memref<16x1024xf32, #tpu.memory_space<vmem>>[vector<16xi32>, vector<16xi32>], vector<16xf32>,
        %parallel_loop3A_879 = arith.addf %parallel_loop3A_833, %parallel_loop3A_878 : vector<16xf32>
        %parallel_loop3A_880 = arith.constant 9 : i32
        %parallel_loop3A_881 = vector.broadcast %parallel_loop3A_880 : i32 to vector<16xi32>
        %parallel_loop3A_882 = tpu.vector_load_idx %arg9[%parallel_loop3A_881, %parallel_loop3A_843] : memref<16x1024xf32, #tpu.memory_space<vmem>>[vector<16xi32>, vector<16xi32>], vector<16xf32>,
        %parallel_loop3A_883 = arith.addf %parallel_loop3A_834, %parallel_loop3A_882 : vector<16xf32>
        %parallel_loop3A_884 = arith.constant 10 : i32
        %parallel_loop3A_885 = vector.broadcast %parallel_loop3A_884 : i32 to vector<16xi32>
        %parallel_loop3A_886 = tpu.vector_load_idx %arg9[%parallel_loop3A_885, %parallel_loop3A_843] : memref<16x1024xf32, #tpu.memory_space<vmem>>[vector<16xi32>, vector<16xi32>], vector<16xf32>,
        %parallel_loop3A_887 = arith.addf %parallel_loop3A_835, %parallel_loop3A_886 : vector<16xf32>
        %parallel_loop3A_888 = arith.constant 11 : i32
        %parallel_loop3A_889 = vector.broadcast %parallel_loop3A_888 : i32 to vector<16xi32>
        %parallel_loop3A_890 = tpu.vector_load_idx %arg9[%parallel_loop3A_889, %parallel_loop3A_843] : memref<16x1024xf32, #tpu.memory_space<vmem>>[vector<16xi32>, vector<16xi32>], vector<16xf32>,
        %parallel_loop3A_891 = arith.addf %parallel_loop3A_836, %parallel_loop3A_890 : vector<16xf32>
        %parallel_loop3A_892 = arith.constant 12 : i32
        %parallel_loop3A_893 = vector.broadcast %parallel_loop3A_892 : i32 to vector<16xi32>
        %parallel_loop3A_894 = tpu.vector_load_idx %arg9[%parallel_loop3A_893, %parallel_loop3A_843] : memref<16x1024xf32, #tpu.memory_space<vmem>>[vector<16xi32>, vector<16xi32>], vector<16xf32>,
        %parallel_loop3A_895 = arith.addf %parallel_loop3A_837, %parallel_loop3A_894 : vector<16xf32>
        %parallel_loop3A_896 = arith.constant 13 : i32
        %parallel_loop3A_897 = vector.broadcast %parallel_loop3A_896 : i32 to vector<16xi32>
        %parallel_loop3A_898 = tpu.vector_load_idx %arg9[%parallel_loop3A_897, %parallel_loop3A_843] : memref<16x1024xf32, #tpu.memory_space<vmem>>[vector<16xi32>, vector<16xi32>], vector<16xf32>,
        %parallel_loop3A_899 = arith.addf %parallel_loop3A_838, %parallel_loop3A_898 : vector<16xf32>
        %parallel_loop3A_900 = arith.constant 14 : i32
        %parallel_loop3A_901 = vector.broadcast %parallel_loop3A_900 : i32 to vector<16xi32>
        %parallel_loop3A_902 = tpu.vector_load_idx %arg9[%parallel_loop3A_901, %parallel_loop3A_843] : memref<16x1024xf32, #tpu.memory_space<vmem>>[vector<16xi32>, vector<16xi32>], vector<16xf32>,
        %parallel_loop3A_903 = arith.addf %parallel_loop3A_839, %parallel_loop3A_902 : vector<16xf32>
        %parallel_loop3A_904 = arith.constant 15 : i32
        %parallel_loop3A_905 = vector.broadcast %parallel_loop3A_904 : i32 to vector<16xi32>
        %parallel_loop3A_906 = tpu.vector_load_idx %arg9[%parallel_loop3A_905, %parallel_loop3A_843] : memref<16x1024xf32, #tpu.memory_space<vmem>>[vector<16xi32>, vector<16xi32>], vector<16xf32>,
        %parallel_loop3A_907 = arith.addf %parallel_loop3A_840, %parallel_loop3A_906 : vector<16xf32>
        scf.yield %parallel_loop3A_847, %parallel_loop3A_851, %parallel_loop3A_855, %parallel_loop3A_859, %parallel_loop3A_863, %parallel_loop3A_867, %parallel_loop3A_871, %parallel_loop3A_875, %parallel_loop3A_879, %parallel_loop3A_883, %parallel_loop3A_887, %parallel_loop3A_891, %parallel_loop3A_895, %parallel_loop3A_899, %parallel_loop3A_903, %parallel_loop3A_907 : vector<16xf32>, vector<16xf32>, vector<16xf32>, vector<16xf32>, vector<16xf32>, vector<16xf32>, vector<16xf32>, vector<16xf32>, vector<16xf32>, vector<16xf32>, vector<16xf32>, vector<16xf32>, vector<16xf32>, vector<16xf32>, vector<16xf32>, vector<16xf32>
      } {sc.loop_unroll_factor = 1 : i64, sc.parallel_access}
      %add3A_299 = arith.constant 192 : i32
      %add3A_300 = arith.addi %mul3A_292, %add3A_299 : i32
      %get3A_301 = arith.index_cast %add3A_300 : i32 to index
      %get3A_302 = tpu.vector_load %arg8[%get3A_301] {strides = array<i32>} : memref<6416xi32, #tpu.memory_space<vmem>>, vector<16xi32>,
      %jit3A = arith.constant 1000 : i32
      %broadcast_in_dim3A_303 = vector.broadcast %jit3A : i32 to vector<16xi32>
      %select_n3A = arith.select %lt3A_32, %get3A_302, %broadcast_in_dim3A_303 : vector<16xi1>, vector<16xi32>
      %broadcast_in_dim3A_304 = arith.constant 0 : i32
      %broadcast_in_dim3A_305 = vector.broadcast %broadcast_in_dim3A_304 : i32 to vector<16xi32>
      %gather3A = tpu.vector_load_idx %arg9[%broadcast_in_dim3A_305, %select_n3A] : memref<16x1024xf32, #tpu.memory_space<vmem>>[vector<16xi32>, vector<16xi32>], vector<16xf32>,
      %add3A_306 = arith.addf %parallel_loop3A_298#0, %gather3A : vector<16xf32>
      %broadcast_in_dim3A_307 = arith.constant 1 : i32
      %broadcast_in_dim3A_308 = vector.broadcast %broadcast_in_dim3A_307 : i32 to vector<16xi32>
      %gather3A_309 = tpu.vector_load_idx %arg9[%broadcast_in_dim3A_308, %select_n3A] : memref<16x1024xf32, #tpu.memory_space<vmem>>[vector<16xi32>, vector<16xi32>], vector<16xf32>,
      %add3A_310 = arith.addf %parallel_loop3A_298#1, %gather3A_309 : vector<16xf32>
      %broadcast_in_dim3A_311 = arith.constant 2 : i32
      %broadcast_in_dim3A_312 = vector.broadcast %broadcast_in_dim3A_311 : i32 to vector<16xi32>
      %gather3A_313 = tpu.vector_load_idx %arg9[%broadcast_in_dim3A_312, %select_n3A] : memref<16x1024xf32, #tpu.memory_space<vmem>>[vector<16xi32>, vector<16xi32>], vector<16xf32>,
      %add3A_314 = arith.addf %parallel_loop3A_298#2, %gather3A_313 : vector<16xf32>
      %broadcast_in_dim3A_315 = arith.constant 3 : i32
      %broadcast_in_dim3A_316 = vector.broadcast %broadcast_in_dim3A_315 : i32 to vector<16xi32>
      %gather3A_317 = tpu.vector_load_idx %arg9[%broadcast_in_dim3A_316, %select_n3A] : memref<16x1024xf32, #tpu.memory_space<vmem>>[vector<16xi32>, vector<16xi32>], vector<16xf32>,
      %add3A_318 = arith.addf %parallel_loop3A_298#3, %gather3A_317 : vector<16xf32>
      %broadcast_in_dim3A_319 = arith.constant 4 : i32
      %broadcast_in_dim3A_320 = vector.broadcast %broadcast_in_dim3A_319 : i32 to vector<16xi32>
      %gather3A_321 = tpu.vector_load_idx %arg9[%broadcast_in_dim3A_320, %select_n3A] : memref<16x1024xf32, #tpu.memory_space<vmem>>[vector<16xi32>, vector<16xi32>], vector<16xf32>,
      %add3A_322 = arith.addf %parallel_loop3A_298#4, %gather3A_321 : vector<16xf32>
      %broadcast_in_dim3A_323 = arith.constant 5 : i32
      %broadcast_in_dim3A_324 = vector.broadcast %broadcast_in_dim3A_323 : i32 to vector<16xi32>
      %gather3A_325 = tpu.vector_load_idx %arg9[%broadcast_in_dim3A_324, %select_n3A] : memref<16x1024xf32, #tpu.memory_space<vmem>>[vector<16xi32>, vector<16xi32>], vector<16xf32>,
      %add3A_326 = arith.addf %parallel_loop3A_298#5, %gather3A_325 : vector<16xf32>
      %broadcast_in_dim3A_327 = arith.constant 6 : i32
      %broadcast_in_dim3A_328 = vector.broadcast %broadcast_in_dim3A_327 : i32 to vector<16xi32>
      %gather3A_329 = tpu.vector_load_idx %arg9[%broadcast_in_dim3A_328, %select_n3A] : memref<16x1024xf32, #tpu.memory_space<vmem>>[vector<16xi32>, vector<16xi32>], vector<16xf32>,
      %add3A_330 = arith.addf %parallel_loop3A_298#6, %gather3A_329 : vector<16xf32>
      %broadcast_in_dim3A_331 = arith.constant 7 : i32
      %broadcast_in_dim3A_332 = vector.broadcast %broadcast_in_dim3A_331 : i32 to vector<16xi32>
      %gather3A_333 = tpu.vector_load_idx %arg9[%broadcast_in_dim3A_332, %select_n3A] : memref<16x1024xf32, #tpu.memory_space<vmem>>[vector<16xi32>, vector<16xi32>], vector<16xf32>,
      %add3A_334 = arith.addf %parallel_loop3A_298#7, %gather3A_333 : vector<16xf32>
      %broadcast_in_dim3A_335 = arith.constant 8 : i32
      %broadcast_in_dim3A_336 = vector.broadcast %broadcast_in_dim3A_335 : i32 to vector<16xi32>
      %gather3A_337 = tpu.vector_load_idx %arg9[%broadcast_in_dim3A_336, %select_n3A] : memref<16x1024xf32, #tpu.memory_space<vmem>>[vector<16xi32>, vector<16xi32>], vector<16xf32>,
      %add3A_338 = arith.addf %parallel_loop3A_298#8, %gather3A_337 : vector<16xf32>
      %broadcast_in_dim3A_339 = arith.constant 9 : i32
      %broadcast_in_dim3A_340 = vector.broadcast %broadcast_in_dim3A_339 : i32 to vector<16xi32>
      %gather3A_341 = tpu.vector_load_idx %arg9[%broadcast_in_dim3A_340, %select_n3A] : memref<16x1024xf32, #tpu.memory_space<vmem>>[vector<16xi32>, vector<16xi32>], vector<16xf32>,
      %add3A_342 = arith.addf %parallel_loop3A_298#9, %gather3A_341 : vector<16xf32>
      %broadcast_in_dim3A_343 = arith.constant 10 : i32
      %broadcast_in_dim3A_344 = vector.broadcast %broadcast_in_dim3A_343 : i32 to vector<16xi32>
      %gather3A_345 = tpu.vector_load_idx %arg9[%broadcast_in_dim3A_344, %select_n3A] : memref<16x1024xf32, #tpu.memory_space<vmem>>[vector<16xi32>, vector<16xi32>], vector<16xf32>,
      %add3A_346 = arith.addf %parallel_loop3A_298#10, %gather3A_345 : vector<16xf32>
      %broadcast_in_dim3A_347 = arith.constant 11 : i32
      %broadcast_in_dim3A_348 = vector.broadcast %broadcast_in_dim3A_347 : i32 to vector<16xi32>
      %gather3A_349 = tpu.vector_load_idx %arg9[%broadcast_in_dim3A_348, %select_n3A] : memref<16x1024xf32, #tpu.memory_space<vmem>>[vector<16xi32>, vector<16xi32>], vector<16xf32>,
      %add3A_350 = arith.addf %parallel_loop3A_298#11, %gather3A_349 : vector<16xf32>
      %broadcast_in_dim3A_351 = arith.constant 12 : i32
      %broadcast_in_dim3A_352 = vector.broadcast %broadcast_in_dim3A_351 : i32 to vector<16xi32>
      %gather3A_353 = tpu.vector_load_idx %arg9[%broadcast_in_dim3A_352, %select_n3A] : memref<16x1024xf32, #tpu.memory_space<vmem>>[vector<16xi32>, vector<16xi32>], vector<16xf32>,
      %add3A_354 = arith.addf %parallel_loop3A_298#12, %gather3A_353 : vector<16xf32>
      %broadcast_in_dim3A_355 = arith.constant 13 : i32
      %broadcast_in_dim3A_356 = vector.broadcast %broadcast_in_dim3A_355 : i32 to vector<16xi32>
      %gather3A_357 = tpu.vector_load_idx %arg9[%broadcast_in_dim3A_356, %select_n3A] : memref<16x1024xf32, #tpu.memory_space<vmem>>[vector<16xi32>, vector<16xi32>], vector<16xf32>,
      %add3A_358 = arith.addf %parallel_loop3A_298#13, %gather3A_357 : vector<16xf32>
      %broadcast_in_dim3A_359 = arith.constant 14 : i32
      %broadcast_in_dim3A_360 = vector.broadcast %broadcast_in_dim3A_359 : i32 to vector<16xi32>
      %gather3A_361 = tpu.vector_load_idx %arg9[%broadcast_in_dim3A_360, %select_n3A] : memref<16x1024xf32, #tpu.memory_space<vmem>>[vector<16xi32>, vector<16xi32>], vector<16xf32>,
      %add3A_362 = arith.addf %parallel_loop3A_298#14, %gather3A_361 : vector<16xf32>
      %broadcast_in_dim3A_363 = arith.constant 15 : i32
      %broadcast_in_dim3A_364 = vector.broadcast %broadcast_in_dim3A_363 : i32 to vector<16xi32>
      %gather3A_365 = tpu.vector_load_idx %arg9[%broadcast_in_dim3A_364, %select_n3A] : memref<16x1024xf32, #tpu.memory_space<vmem>>[vector<16xi32>, vector<16xi32>], vector<16xf32>,
      %add3A_366 = arith.addf %parallel_loop3A_298#15, %gather3A_365 : vector<16xf32>
      %swap3A_367 = arith.constant 0 : i32
      %swap3A_368 = arith.index_cast %swap3A_367 : i32 to index
      %swap3A_369 = arith.constant 0 : index
      %swap3A_370 = tpu.vector_load %arg11[%swap3A_368, %swap3A_369] {strides = array<i32>} : memref<16x16xf32, #tpu.memory_space<vmem>>, vector<16xf32>,
      tpu.vector_store %arg11[%swap3A_368, %swap3A_369], %add3A_306 {strides = array<i32>} : memref<16x16xf32, #tpu.memory_space<vmem>>, vector<16xf32>,
      %swap3A_371 = arith.constant 1 : i32
      %swap3A_372 = arith.index_cast %swap3A_371 : i32 to index
      %swap3A_373 = arith.constant 0 : index
      %swap3A_374 = tpu.vector_load %arg11[%swap3A_372, %swap3A_373] {strides = array<i32>} : memref<16x16xf32, #tpu.memory_space<vmem>>, vector<16xf32>,
      tpu.vector_store %arg11[%swap3A_372, %swap3A_373], %add3A_310 {strides = array<i32>} : memref<16x16xf32, #tpu.memory_space<vmem>>, vector<16xf32>,
      %swap3A_375 = arith.constant 2 : i32
      %swap3A_376 = arith.index_cast %swap3A_375 : i32 to index
      %swap3A_377 = arith.constant 0 : index
      %swap3A_378 = tpu.vector_load %arg11[%swap3A_376, %swap3A_377] {strides = array<i32>} : memref<16x16xf32, #tpu.memory_space<vmem>>, vector<16xf32>,
      tpu.vector_store %arg11[%swap3A_376, %swap3A_377], %add3A_314 {strides = array<i32>} : memref<16x16xf32, #tpu.memory_space<vmem>>, vector<16xf32>,
      %swap3A_379 = arith.constant 3 : i32
      %swap3A_380 = arith.index_cast %swap3A_379 : i32 to index
      %swap3A_381 = arith.constant 0 : index
      %swap3A_382 = tpu.vector_load %arg11[%swap3A_380, %swap3A_381] {strides = array<i32>} : memref<16x16xf32, #tpu.memory_space<vmem>>, vector<16xf32>,
      tpu.vector_store %arg11[%swap3A_380, %swap3A_381], %add3A_318 {strides = array<i32>} : memref<16x16xf32, #tpu.memory_space<vmem>>, vector<16xf32>,
      %swap3A_383 = arith.constant 4 : i32
      %swap3A_384 = arith.index_cast %swap3A_383 : i32 to index
      %swap3A_385 = arith.constant 0 : index
      %swap3A_386 = tpu.vector_load %arg11[%swap3A_384, %swap3A_385] {strides = array<i32>} : memref<16x16xf32, #tpu.memory_space<vmem>>, vector<16xf32>,
      tpu.vector_store %arg11[%swap3A_384, %swap3A_385], %add3A_322 {strides = array<i32>} : memref<16x16xf32, #tpu.memory_space<vmem>>, vector<16xf32>,
      %swap3A_387 = arith.constant 5 : i32
      %swap3A_388 = arith.index_cast %swap3A_387 : i32 to index
      %swap3A_389 = arith.constant 0 : index
      %swap3A_390 = tpu.vector_load %arg11[%swap3A_388, %swap3A_389] {strides = array<i32>} : memref<16x16xf32, #tpu.memory_space<vmem>>, vector<16xf32>,
      tpu.vector_store %arg11[%swap3A_388, %swap3A_389], %add3A_326 {strides = array<i32>} : memref<16x16xf32, #tpu.memory_space<vmem>>, vector<16xf32>,
      %swap3A_391 = arith.constant 6 : i32
      %swap3A_392 = arith.index_cast %swap3A_391 : i32 to index
      %swap3A_393 = arith.constant 0 : index
      %swap3A_394 = tpu.vector_load %arg11[%swap3A_392, %swap3A_393] {strides = array<i32>} : memref<16x16xf32, #tpu.memory_space<vmem>>, vector<16xf32>,
      tpu.vector_store %arg11[%swap3A_392, %swap3A_393], %add3A_330 {strides = array<i32>} : memref<16x16xf32, #tpu.memory_space<vmem>>, vector<16xf32>,
      %swap3A_395 = arith.constant 7 : i32
      %swap3A_396 = arith.index_cast %swap3A_395 : i32 to index
      %swap3A_397 = arith.constant 0 : index
      %swap3A_398 = tpu.vector_load %arg11[%swap3A_396, %swap3A_397] {strides = array<i32>} : memref<16x16xf32, #tpu.memory_space<vmem>>, vector<16xf32>,
      tpu.vector_store %arg11[%swap3A_396, %swap3A_397], %add3A_334 {strides = array<i32>} : memref<16x16xf32, #tpu.memory_space<vmem>>, vector<16xf32>,
      %swap3A_399 = arith.constant 8 : i32
      %swap3A_400 = arith.index_cast %swap3A_399 : i32 to index
      %swap3A_401 = arith.constant 0 : index
      %swap3A_402 = tpu.vector_load %arg11[%swap3A_400, %swap3A_401] {strides = array<i32>} : memref<16x16xf32, #tpu.memory_space<vmem>>, vector<16xf32>,
      tpu.vector_store %arg11[%swap3A_400, %swap3A_401], %add3A_338 {strides = array<i32>} : memref<16x16xf32, #tpu.memory_space<vmem>>, vector<16xf32>,
      %swap3A_403 = arith.constant 9 : i32
      %swap3A_404 = arith.index_cast %swap3A_403 : i32 to index
      %swap3A_405 = arith.constant 0 : index
      %swap3A_406 = tpu.vector_load %arg11[%swap3A_404, %swap3A_405] {strides = array<i32>} : memref<16x16xf32, #tpu.memory_space<vmem>>, vector<16xf32>,
      tpu.vector_store %arg11[%swap3A_404, %swap3A_405], %add3A_342 {strides = array<i32>} : memref<16x16xf32, #tpu.memory_space<vmem>>, vector<16xf32>,
      %swap3A_407 = arith.constant 10 : i32
      %swap3A_408 = arith.index_cast %swap3A_407 : i32 to index
      %swap3A_409 = arith.constant 0 : index
      %swap3A_410 = tpu.vector_load %arg11[%swap3A_408, %swap3A_409] {strides = array<i32>} : memref<16x16xf32, #tpu.memory_space<vmem>>, vector<16xf32>,
      tpu.vector_store %arg11[%swap3A_408, %swap3A_409], %add3A_346 {strides = array<i32>} : memref<16x16xf32, #tpu.memory_space<vmem>>, vector<16xf32>,
      %swap3A_411 = arith.constant 11 : i32
      %swap3A_412 = arith.index_cast %swap3A_411 : i32 to index
      %swap3A_413 = arith.constant 0 : index
      %swap3A_414 = tpu.vector_load %arg11[%swap3A_412, %swap3A_413] {strides = array<i32>} : memref<16x16xf32, #tpu.memory_space<vmem>>, vector<16xf32>,
      tpu.vector_store %arg11[%swap3A_412, %swap3A_413], %add3A_350 {strides = array<i32>} : memref<16x16xf32, #tpu.memory_space<vmem>>, vector<16xf32>,
      %swap3A_415 = arith.constant 12 : i32
      %swap3A_416 = arith.index_cast %swap3A_415 : i32 to index
      %swap3A_417 = arith.constant 0 : index
      %swap3A_418 = tpu.vector_load %arg11[%swap3A_416, %swap3A_417] {strides = array<i32>} : memref<16x16xf32, #tpu.memory_space<vmem>>, vector<16xf32>,
      tpu.vector_store %arg11[%swap3A_416, %swap3A_417], %add3A_354 {strides = array<i32>} : memref<16x16xf32, #tpu.memory_space<vmem>>, vector<16xf32>,
      %swap3A_419 = arith.constant 13 : i32
      %swap3A_420 = arith.index_cast %swap3A_419 : i32 to index
      %swap3A_421 = arith.constant 0 : index
      %swap3A_422 = tpu.vector_load %arg11[%swap3A_420, %swap3A_421] {strides = array<i32>} : memref<16x16xf32, #tpu.memory_space<vmem>>, vector<16xf32>,
      tpu.vector_store %arg11[%swap3A_420, %swap3A_421], %add3A_358 {strides = array<i32>} : memref<16x16xf32, #tpu.memory_space<vmem>>, vector<16xf32>,
      %swap3A_423 = arith.constant 14 : i32
      %swap3A_424 = arith.index_cast %swap3A_423 : i32 to index
      %swap3A_425 = arith.constant 0 : index
      %swap3A_426 = tpu.vector_load %arg11[%swap3A_424, %swap3A_425] {strides = array<i32>} : memref<16x16xf32, #tpu.memory_space<vmem>>, vector<16xf32>,
      tpu.vector_store %arg11[%swap3A_424, %swap3A_425], %add3A_362 {strides = array<i32>} : memref<16x16xf32, #tpu.memory_space<vmem>>, vector<16xf32>,
      %swap3A_427 = arith.constant 15 : i32
      %swap3A_428 = arith.index_cast %swap3A_427 : i32 to index
      %swap3A_429 = arith.constant 0 : index
      %swap3A_430 = tpu.vector_load %arg11[%swap3A_428, %swap3A_429] {strides = array<i32>} : memref<16x16xf32, #tpu.memory_space<vmem>>, vector<16xf32>,
      tpu.vector_store %arg11[%swap3A_428, %swap3A_429], %add3A_366 {strides = array<i32>} : memref<16x16xf32, #tpu.memory_space<vmem>>, vector<16xf32>,
      %broadcast_in_dim3A_431 = arith.constant 0.000000e+00 : f32
      %broadcast_in_dim3A_432 = vector.broadcast %broadcast_in_dim3A_431 : f32 to vector<16xf32>
      %broadcast_in_dim3A_433 = arith.constant 0 : i32
      %broadcast_in_dim3A_434 = vector.broadcast %broadcast_in_dim3A_433 : i32 to vector<16xi32>
      %gather3A_435 = tpu.vector_load_idx %arg11[%iota3A, %broadcast_in_dim3A_434] : memref<16x16xf32, #tpu.memory_space<vmem>>[vector<16xi32>, vector<16xi32>], vector<16xf32>,
      %add3A_436 = arith.addf %broadcast_in_dim3A_432, %gather3A_435 : vector<16xf32>
      %broadcast_in_dim3A_437 = arith.constant 1 : i32
      %broadcast_in_dim3A_438 = vector.broadcast %broadcast_in_dim3A_437 : i32 to vector<16xi32>
      %gather3A_439 = tpu.vector_load_idx %arg11[%iota3A, %broadcast_in_dim3A_438] : memref<16x16xf32, #tpu.memory_space<vmem>>[vector<16xi32>, vector<16xi32>], vector<16xf32>,
      %add3A_440 = arith.addf %add3A_436, %gather3A_439 : vector<16xf32>
      %broadcast_in_dim3A_441 = arith.constant 2 : i32
      %broadcast_in_dim3A_442 = vector.broadcast %broadcast_in_dim3A_441 : i32 to vector<16xi32>
      %gather3A_443 = tpu.vector_load_idx %arg11[%iota3A, %broadcast_in_dim3A_442] : memref<16x16xf32, #tpu.memory_space<vmem>>[vector<16xi32>, vector<16xi32>], vector<16xf32>,
      %add3A_444 = arith.addf %add3A_440, %gather3A_443 : vector<16xf32>
      %broadcast_in_dim3A_445 = arith.constant 3 : i32
      %broadcast_in_dim3A_446 = vector.broadcast %broadcast_in_dim3A_445 : i32 to vector<16xi32>
      %gather3A_447 = tpu.vector_load_idx %arg11[%iota3A, %broadcast_in_dim3A_446] : memref<16x16xf32, #tpu.memory_space<vmem>>[vector<16xi32>, vector<16xi32>], vector<16xf32>,
      %add3A_448 = arith.addf %add3A_444, %gather3A_447 : vector<16xf32>
      %broadcast_in_dim3A_449 = arith.constant 4 : i32
      %broadcast_in_dim3A_450 = vector.broadcast %broadcast_in_dim3A_449 : i32 to vector<16xi32>
      %gather3A_451 = tpu.vector_load_idx %arg11[%iota3A, %broadcast_in_dim3A_450] : memref<16x16xf32, #tpu.memory_space<vmem>>[vector<16xi32>, vector<16xi32>], vector<16xf32>,
      %add3A_452 = arith.addf %add3A_448, %gather3A_451 : vector<16xf32>
      %broadcast_in_dim3A_453 = arith.constant 5 : i32
      %broadcast_in_dim3A_454 = vector.broadcast %broadcast_in_dim3A_453 : i32 to vector<16xi32>
      %gather3A_455 = tpu.vector_load_idx %arg11[%iota3A, %broadcast_in_dim3A_454] : memref<16x16xf32, #tpu.memory_space<vmem>>[vector<16xi32>, vector<16xi32>], vector<16xf32>,
      %add3A_456 = arith.addf %add3A_452, %gather3A_455 : vector<16xf32>
      %broadcast_in_dim3A_457 = arith.constant 6 : i32
      %broadcast_in_dim3A_458 = vector.broadcast %broadcast_in_dim3A_457 : i32 to vector<16xi32>
      %gather3A_459 = tpu.vector_load_idx %arg11[%iota3A, %broadcast_in_dim3A_458] : memref<16x16xf32, #tpu.memory_space<vmem>>[vector<16xi32>, vector<16xi32>], vector<16xf32>,
      %add3A_460 = arith.addf %add3A_456, %gather3A_459 : vector<16xf32>
      %broadcast_in_dim3A_461 = arith.constant 7 : i32
      %broadcast_in_dim3A_462 = vector.broadcast %broadcast_in_dim3A_461 : i32 to vector<16xi32>
      %gather3A_463 = tpu.vector_load_idx %arg11[%iota3A, %broadcast_in_dim3A_462] : memref<16x16xf32, #tpu.memory_space<vmem>>[vector<16xi32>, vector<16xi32>], vector<16xf32>,
      %add3A_464 = arith.addf %add3A_460, %gather3A_463 : vector<16xf32>
      %broadcast_in_dim3A_465 = arith.constant 8 : i32
      %broadcast_in_dim3A_466 = vector.broadcast %broadcast_in_dim3A_465 : i32 to vector<16xi32>
      %gather3A_467 = tpu.vector_load_idx %arg11[%iota3A, %broadcast_in_dim3A_466] : memref<16x16xf32, #tpu.memory_space<vmem>>[vector<16xi32>, vector<16xi32>], vector<16xf32>,
      %add3A_468 = arith.addf %add3A_464, %gather3A_467 : vector<16xf32>
      %broadcast_in_dim3A_469 = arith.constant 9 : i32
      %broadcast_in_dim3A_470 = vector.broadcast %broadcast_in_dim3A_469 : i32 to vector<16xi32>
      %gather3A_471 = tpu.vector_load_idx %arg11[%iota3A, %broadcast_in_dim3A_470] : memref<16x16xf32, #tpu.memory_space<vmem>>[vector<16xi32>, vector<16xi32>], vector<16xf32>,
      %add3A_472 = arith.addf %add3A_468, %gather3A_471 : vector<16xf32>
      %broadcast_in_dim3A_473 = arith.constant 10 : i32
      %broadcast_in_dim3A_474 = vector.broadcast %broadcast_in_dim3A_473 : i32 to vector<16xi32>
      %gather3A_475 = tpu.vector_load_idx %arg11[%iota3A, %broadcast_in_dim3A_474] : memref<16x16xf32, #tpu.memory_space<vmem>>[vector<16xi32>, vector<16xi32>], vector<16xf32>,
      %add3A_476 = arith.addf %add3A_472, %gather3A_475 : vector<16xf32>
      %broadcast_in_dim3A_477 = arith.constant 11 : i32
      %broadcast_in_dim3A_478 = vector.broadcast %broadcast_in_dim3A_477 : i32 to vector<16xi32>
      %gather3A_479 = tpu.vector_load_idx %arg11[%iota3A, %broadcast_in_dim3A_478] : memref<16x16xf32, #tpu.memory_space<vmem>>[vector<16xi32>, vector<16xi32>], vector<16xf32>,
      %add3A_480 = arith.addf %add3A_476, %gather3A_479 : vector<16xf32>
      %broadcast_in_dim3A_481 = arith.constant 12 : i32
      %broadcast_in_dim3A_482 = vector.broadcast %broadcast_in_dim3A_481 : i32 to vector<16xi32>
      %gather3A_483 = tpu.vector_load_idx %arg11[%iota3A, %broadcast_in_dim3A_482] : memref<16x16xf32, #tpu.memory_space<vmem>>[vector<16xi32>, vector<16xi32>], vector<16xf32>,
      %add3A_484 = arith.addf %add3A_480, %gather3A_483 : vector<16xf32>
      %broadcast_in_dim3A_485 = arith.constant 13 : i32
      %broadcast_in_dim3A_486 = vector.broadcast %broadcast_in_dim3A_485 : i32 to vector<16xi32>
      %gather3A_487 = tpu.vector_load_idx %arg11[%iota3A, %broadcast_in_dim3A_486] : memref<16x16xf32, #tpu.memory_space<vmem>>[vector<16xi32>, vector<16xi32>], vector<16xf32>,
      %add3A_488 = arith.addf %add3A_484, %gather3A_487 : vector<16xf32>
      %broadcast_in_dim3A_489 = arith.constant 14 : i32
      %broadcast_in_dim3A_490 = vector.broadcast %broadcast_in_dim3A_489 : i32 to vector<16xi32>
      %gather3A_491 = tpu.vector_load_idx %arg11[%iota3A, %broadcast_in_dim3A_490] : memref<16x16xf32, #tpu.memory_space<vmem>>[vector<16xi32>, vector<16xi32>], vector<16xf32>,
      %add3A_492 = arith.addf %add3A_488, %gather3A_491 : vector<16xf32>
      %broadcast_in_dim3A_493 = arith.constant 15 : i32
      %broadcast_in_dim3A_494 = vector.broadcast %broadcast_in_dim3A_493 : i32 to vector<16xi32>
      %gather3A_495 = tpu.vector_load_idx %arg11[%iota3A, %broadcast_in_dim3A_494] : memref<16x16xf32, #tpu.memory_space<vmem>>[vector<16xi32>, vector<16xi32>], vector<16xf32>,
      %add3A_496 = arith.addf %add3A_492, %gather3A_495 : vector<16xf32>
      %mul3A_497 = arith.constant 5.000000e-03 : f32
      %mul3A_498 = vector.broadcast %mul3A_497 : f32 to vector<16xf32>
      %mul3A_499 = arith.mulf %add3A_496, %mul3A_498 : vector<16xf32>
      %swap3A_500 = arith.index_cast %add3A_290 : i32 to index
      %swap3A_501 = arith.constant 64 : index
      %swap3A_502 = tpu.vector_load %arg12[%swap3A_500, %swap3A_501] {strides = array<i32>} : memref<32x80xf32, #tpu.memory_space<vmem>>, vector<16xf32>,
      tpu.vector_store %arg12[%swap3A_500, %swap3A_501], %mul3A_499 {strides = array<i32>} : memref<32x80xf32, #tpu.memory_space<vmem>>, vector<16xf32>,
      %dma_wait3A_503 = arith.constant 0 : i32
      %dma_wait3A_504 = arith.constant 0 : i32
      %dma_wait3A_505 = arith.constant 0 : i32
      %dma_wait3A_506 = tpu.memref_slice %arg10[%dma_wait3A_503, %dma_wait3A_504, %dma_wait3A_505] : memref<2x200x64xf32, #tpu.memory_space<vmem>> -> memref<1x200x64xf32, #tpu.memory_space<vmem>>
      %dma_wait3A_507 = tpu.memref_squeeze %dma_wait3A_506 : memref<1x200x64xf32, #tpu.memory_space<vmem>> -> memref<200x64xf32, #tpu.memory_space<vmem>>
      %dma_wait3A_508 = arith.constant 0 : i32
      %dma_wait3A_509 = arith.constant 0 : i32
      %dma_wait3A_510 = tpu.memref_slice %arg2[%dma_wait3A_508, %dma_wait3A_509] : memref<1000000x64xf32, #tpu.memory_space<hbm>> -> memref<200x64xf32, #tpu.memory_space<hbm>>
      %dma_wait3A_511 = arith.constant 0 : i32
      %dma_wait3A_512 = arith.constant 0 : i32
      %dma_wait3A_513 = tpu.memref_slice %arg10[%dma_wait3A_503, %dma_wait3A_511, %dma_wait3A_512] : memref<2x200x64xf32, #tpu.memory_space<vmem>> -> memref<1x200x64xf32, #tpu.memory_space<vmem>>
      %dma_wait3A_514 = tpu.memref_squeeze %dma_wait3A_513 : memref<1x200x64xf32, #tpu.memory_space<vmem>> -> memref<200x64xf32, #tpu.memory_space<vmem>>
      %dma_wait3A_515 = arith.constant 0 : i32
      %dma_wait3A_516 = arith.constant 0 : i32
      %dma_wait3A_517 = tpu.memref_slice %arg2[%dma_wait3A_515, %dma_wait3A_516] : memref<1000000x64xf32, #tpu.memory_space<hbm>> -> memref<200x64xf32, #tpu.memory_space<hbm>>
      tpu.wait_dma2 semaphore(%arg13 : memref<!tpu.dma_semaphore, #tpu.memory_space<semaphore_mem>>) src(%dma_wait3A_517 : memref<200x64xf32, #tpu.memory_space<hbm>>) dst(%dma_wait3A_514 : memref<200x64xf32, #tpu.memory_space<vmem>>)
      %broadcast_in_dim3A_518 = arith.constant 0.000000e+00 : f32
      %broadcast_in_dim3A_519 = vector.broadcast %broadcast_in_dim3A_518 : f32 to vector<16xf32>
      %parallel_loop3A_520 = arith.constant 0 : i32
      %parallel_loop3A_521 = arith.constant 200 : i32
      %parallel_loop3A_522 = arith.constant 1 : i32
      %parallel_loop3A_523:4 = scf.for %parallel_loop3A_824 = %parallel_loop3A_520 to %parallel_loop3A_521 step %parallel_loop3A_522 iter_args(%parallel_loop3A_825 = %broadcast_in_dim3A_519, %parallel_loop3A_826 = %broadcast_in_dim3A_519, %parallel_loop3A_827 = %broadcast_in_dim3A_519, %parallel_loop3A_828 = %broadcast_in_dim3A_519) -> (vector<16xf32>, vector<16xf32>, vector<16xf32>, vector<16xf32>)  : i32 {
        %parallel_loop3A_829 = arith.constant 0 : i32
        %parallel_loop3A_830 = arith.index_cast %parallel_loop3A_829 : i32 to index
        %parallel_loop3A_831 = arith.index_cast %parallel_loop3A_824 : i32 to index
        %parallel_loop3A_832 = arith.constant 0 : index
        %parallel_loop3A_833 = tpu.vector_load %arg10[%parallel_loop3A_830, %parallel_loop3A_831, %parallel_loop3A_832] {strides = array<i32>} : memref<2x200x64xf32, #tpu.memory_space<vmem>>, vector<16xf32>,
        %parallel_loop3A_834 = arith.addf %parallel_loop3A_825, %parallel_loop3A_833 : vector<16xf32>
        %parallel_loop3A_835 = arith.constant 0 : i32
        %parallel_loop3A_836 = arith.index_cast %parallel_loop3A_835 : i32 to index
        %parallel_loop3A_837 = arith.index_cast %parallel_loop3A_824 : i32 to index
        %parallel_loop3A_838 = arith.constant 16 : index
        %parallel_loop3A_839 = tpu.vector_load %arg10[%parallel_loop3A_836, %parallel_loop3A_837, %parallel_loop3A_838] {strides = array<i32>} : memref<2x200x64xf32, #tpu.memory_space<vmem>>, vector<16xf32>,
        %parallel_loop3A_840 = arith.addf %parallel_loop3A_826, %parallel_loop3A_839 : vector<16xf32>
        %parallel_loop3A_841 = arith.constant 0 : i32
        %parallel_loop3A_842 = arith.index_cast %parallel_loop3A_841 : i32 to index
        %parallel_loop3A_843 = arith.index_cast %parallel_loop3A_824 : i32 to index
        %parallel_loop3A_844 = arith.constant 32 : index
        %parallel_loop3A_845 = tpu.vector_load %arg10[%parallel_loop3A_842, %parallel_loop3A_843, %parallel_loop3A_844] {strides = array<i32>} : memref<2x200x64xf32, #tpu.memory_space<vmem>>, vector<16xf32>,
        %parallel_loop3A_846 = arith.addf %parallel_loop3A_827, %parallel_loop3A_845 : vector<16xf32>
        %parallel_loop3A_847 = arith.constant 0 : i32
        %parallel_loop3A_848 = arith.index_cast %parallel_loop3A_847 : i32 to index
        %parallel_loop3A_849 = arith.index_cast %parallel_loop3A_824 : i32 to index
        %parallel_loop3A_850 = arith.constant 48 : index
        %parallel_loop3A_851 = tpu.vector_load %arg10[%parallel_loop3A_848, %parallel_loop3A_849, %parallel_loop3A_850] {strides = array<i32>} : memref<2x200x64xf32, #tpu.memory_space<vmem>>, vector<16xf32>,
        %parallel_loop3A_852 = arith.addf %parallel_loop3A_828, %parallel_loop3A_851 : vector<16xf32>
        scf.yield %parallel_loop3A_834, %parallel_loop3A_840, %parallel_loop3A_846, %parallel_loop3A_852 : vector<16xf32>, vector<16xf32>, vector<16xf32>, vector<16xf32>
      } {sc.loop_unroll_factor = 8 : i64, sc.parallel_access}
      %mul3A_524 = arith.constant 5.000000e-03 : f32
      %mul3A_525 = vector.broadcast %mul3A_524 : f32 to vector<16xf32>
      %mul3A_526 = arith.mulf %parallel_loop3A_523#0, %mul3A_525 : vector<16xf32>
      %swap3A_527 = arith.index_cast %add3A_290 : i32 to index
      %swap3A_528 = arith.constant 0 : index
      %swap3A_529 = tpu.vector_load %arg12[%swap3A_527, %swap3A_528] {strides = array<i32>} : memref<32x80xf32, #tpu.memory_space<vmem>>, vector<16xf32>,
      tpu.vector_store %arg12[%swap3A_527, %swap3A_528], %mul3A_526 {strides = array<i32>} : memref<32x80xf32, #tpu.memory_space<vmem>>, vector<16xf32>,
      %mul3A_530 = arith.constant 5.000000e-03 : f32
      %mul3A_531 = vector.broadcast %mul3A_530 : f32 to vector<16xf32>
      %mul3A_532 = arith.mulf %parallel_loop3A_523#1, %mul3A_531 : vector<16xf32>
      %swap3A_533 = arith.index_cast %add3A_290 : i32 to index
      %swap3A_534 = arith.constant 16 : index
      %swap3A_535 = tpu.vector_load %arg12[%swap3A_533, %swap3A_534] {strides = array<i32>} : memref<32x80xf32, #tpu.memory_space<vmem>>, vector<16xf32>,
      tpu.vector_store %arg12[%swap3A_533, %swap3A_534], %mul3A_532 {strides = array<i32>} : memref<32x80xf32, #tpu.memory_space<vmem>>, vector<16xf32>,
      %mul3A_536 = arith.constant 5.000000e-03 : f32
      %mul3A_537 = vector.broadcast %mul3A_536 : f32 to vector<16xf32>
      %mul3A_538 = arith.mulf %parallel_loop3A_523#2, %mul3A_537 : vector<16xf32>
      %swap3A_539 = arith.index_cast %add3A_290 : i32 to index
      %swap3A_540 = arith.constant 32 : index
      %swap3A_541 = tpu.vector_load %arg12[%swap3A_539, %swap3A_540] {strides = array<i32>} : memref<32x80xf32, #tpu.memory_space<vmem>>, vector<16xf32>,
      tpu.vector_store %arg12[%swap3A_539, %swap3A_540], %mul3A_538 {strides = array<i32>} : memref<32x80xf32, #tpu.memory_space<vmem>>, vector<16xf32>,
      %mul3A_542 = arith.constant 5.000000e-03 : f32
      %mul3A_543 = vector.broadcast %mul3A_542 : f32 to vector<16xf32>
      %mul3A_544 = arith.mulf %parallel_loop3A_523#3, %mul3A_543 : vector<16xf32>
      %swap3A_545 = arith.index_cast %add3A_290 : i32 to index
      %swap3A_546 = arith.constant 48 : index
      %swap3A_547 = tpu.vector_load %arg12[%swap3A_545, %swap3A_546] {strides = array<i32>} : memref<32x80xf32, #tpu.memory_space<vmem>>, vector<16xf32>,
      tpu.vector_store %arg12[%swap3A_545, %swap3A_546], %mul3A_544 {strides = array<i32>} : memref<32x80xf32, #tpu.memory_space<vmem>>, vector<16xf32>,
      %add3A_548 = arith.constant 2 : i32
      %add3A_549 = arith.addi %add3A_290, %add3A_548 : i32
      %lt3A_550 = arith.constant 32 : i32
      %lt3A_551 = arith.cmpi slt, %add3A_549, %lt3A_550 : i32
      %convert_element_type3A = arith.extui %lt3A_551 : i1 to i32
      %cond3A = arith.constant 0 : i32
      %cond3A_552 = arith.cmpi ne, %convert_element_type3A, %cond3A : i32
      scf.if %cond3A_552 {
        %add3A_824 = arith.constant 2 : i32
        %add3A_825 = arith.addi %add3A_290, %add3A_824 : i32
        %mul3A_826 = arith.constant 200 : i32
        %mul3A_827 = arith.muli %add3A_825, %mul3A_826 : i32
        %parallel_loop3A_828 = arith.constant 0 : i32
        %parallel_loop3A_829 = arith.constant 192 : i32
        %parallel_loop3A_830 = arith.constant 16 : i32
        scf.for %parallel_loop3A_955 = %parallel_loop3A_828 to %parallel_loop3A_829 step %parallel_loop3A_830  : i32 {
          %parallel_loop3A_956 = arith.addi %mul3A_827, %parallel_loop3A_955 : i32
          %parallel_loop3A_957 = arith.index_cast %parallel_loop3A_956 : i32 to index
          %parallel_loop3A_958 = tpu.vector_load %arg7[%parallel_loop3A_957] {strides = array<i32>} : memref<6416xi32, #tpu.memory_space<vmem>>, vector<16xi32>,
          %parallel_loop3A_959 = vector.extract_strided_slice %parallel_loop3A_958 {offsets = [0], sizes = [1], strides = [1]} : vector<16xi32> to vector<1xi32>
          %parallel_loop3A_960 = vector.extract %parallel_loop3A_959[0] : i32 from vector<1xi32>
          %parallel_loop3A_961 = arith.constant 0 : i32
          %parallel_loop3A_962 = arith.addi %parallel_loop3A_955, %parallel_loop3A_961 : i32
          %parallel_loop3A_963 = arith.constant 0 : i32
          %parallel_loop3A_964 = arith.constant 0 : i32
          %parallel_loop3A_965 = tpu.memref_slice %arg10[%parallel_loop3A_963, %parallel_loop3A_962, %parallel_loop3A_964] : memref<2x200x64xf32, #tpu.memory_space<vmem>> -> memref<1x1x64xf32, #tpu.memory_space<vmem>>
          %parallel_loop3A_966 = tpu.memref_squeeze %parallel_loop3A_965 : memref<1x1x64xf32, #tpu.memory_space<vmem>> -> memref<1x64xf32, #tpu.memory_space<vmem>>
          %parallel_loop3A_967 = arith.constant 0 : i32
          %parallel_loop3A_968 = tpu.memref_slice %arg2[%parallel_loop3A_960, %parallel_loop3A_967] : memref<1000000x64xf32, #tpu.memory_space<hbm>> -> memref<1x64xf32, #tpu.memory_space<hbm>>
          %parallel_loop3A_969 = arith.constant 0 : i32
          %parallel_loop3A_970 = tpu.memref_slice %arg10[%parallel_loop3A_963, %parallel_loop3A_962, %parallel_loop3A_969] : memref<2x200x64xf32, #tpu.memory_space<vmem>> -> memref<1x1x64xf32, #tpu.memory_space<vmem>>
          %parallel_loop3A_971 = tpu.memref_squeeze %parallel_loop3A_970 : memref<1x1x64xf32, #tpu.memory_space<vmem>> -> memref<1x64xf32, #tpu.memory_space<vmem>>
          %parallel_loop3A_972 = arith.constant 0 : i32
          %parallel_loop3A_973 = tpu.memref_slice %arg2[%parallel_loop3A_960, %parallel_loop3A_972] : memref<1000000x64xf32, #tpu.memory_space<hbm>> -> memref<1x64xf32, #tpu.memory_space<hbm>>
          tpu.enqueue_dma source(%parallel_loop3A_973 : memref<1x64xf32, #tpu.memory_space<hbm>>) target(%parallel_loop3A_971 : memref<1x64xf32, #tpu.memory_space<vmem>>) target_semaphore(%arg13 : memref<!tpu.dma_semaphore, #tpu.memory_space<semaphore_mem>>)
          %parallel_loop3A_974 = vector.extract_strided_slice %parallel_loop3A_958 {offsets = [1], sizes = [1], strides = [1]} : vector<16xi32> to vector<1xi32>
          %parallel_loop3A_975 = vector.extract %parallel_loop3A_974[0] : i32 from vector<1xi32>
          %parallel_loop3A_976 = arith.constant 1 : i32
          %parallel_loop3A_977 = arith.addi %parallel_loop3A_955, %parallel_loop3A_976 : i32
          %parallel_loop3A_978 = arith.constant 0 : i32
          %parallel_loop3A_979 = arith.constant 0 : i32
          %parallel_loop3A_980 = tpu.memref_slice %arg10[%parallel_loop3A_978, %parallel_loop3A_977, %parallel_loop3A_979] : memref<2x200x64xf32, #tpu.memory_space<vmem>> -> memref<1x1x64xf32, #tpu.memory_space<vmem>>
          %parallel_loop3A_981 = tpu.memref_squeeze %parallel_loop3A_980 : memref<1x1x64xf32, #tpu.memory_space<vmem>> -> memref<1x64xf32, #tpu.memory_space<vmem>>
          %parallel_loop3A_982 = arith.constant 0 : i32
          %parallel_loop3A_983 = tpu.memref_slice %arg2[%parallel_loop3A_975, %parallel_loop3A_982] : memref<1000000x64xf32, #tpu.memory_space<hbm>> -> memref<1x64xf32, #tpu.memory_space<hbm>>
          %parallel_loop3A_984 = arith.constant 0 : i32
          %parallel_loop3A_985 = tpu.memref_slice %arg10[%parallel_loop3A_978, %parallel_loop3A_977, %parallel_loop3A_984] : memref<2x200x64xf32, #tpu.memory_space<vmem>> -> memref<1x1x64xf32, #tpu.memory_space<vmem>>
          %parallel_loop3A_986 = tpu.memref_squeeze %parallel_loop3A_985 : memref<1x1x64xf32, #tpu.memory_space<vmem>> -> memref<1x64xf32, #tpu.memory_space<vmem>>
          %parallel_loop3A_987 = arith.constant 0 : i32
          %parallel_loop3A_988 = tpu.memref_slice %arg2[%parallel_loop3A_975, %parallel_loop3A_987] : memref<1000000x64xf32, #tpu.memory_space<hbm>> -> memref<1x64xf32, #tpu.memory_space<hbm>>
          tpu.enqueue_dma source(%parallel_loop3A_988 : memref<1x64xf32, #tpu.memory_space<hbm>>) target(%parallel_loop3A_986 : memref<1x64xf32, #tpu.memory_space<vmem>>) target_semaphore(%arg13 : memref<!tpu.dma_semaphore, #tpu.memory_space<semaphore_mem>>)
          %parallel_loop3A_989 = vector.extract_strided_slice %parallel_loop3A_958 {offsets = [2], sizes = [1], strides = [1]} : vector<16xi32> to vector<1xi32>
          %parallel_loop3A_990 = vector.extract %parallel_loop3A_989[0] : i32 from vector<1xi32>
          %parallel_loop3A_991 = arith.constant 2 : i32
          %parallel_loop3A_992 = arith.addi %parallel_loop3A_955, %parallel_loop3A_991 : i32
          %parallel_loop3A_993 = arith.constant 0 : i32
          %parallel_loop3A_994 = arith.constant 0 : i32
          %parallel_loop3A_995 = tpu.memref_slice %arg10[%parallel_loop3A_993, %parallel_loop3A_992, %parallel_loop3A_994] : memref<2x200x64xf32, #tpu.memory_space<vmem>> -> memref<1x1x64xf32, #tpu.memory_space<vmem>>
          %parallel_loop3A_996 = tpu.memref_squeeze %parallel_loop3A_995 : memref<1x1x64xf32, #tpu.memory_space<vmem>> -> memref<1x64xf32, #tpu.memory_space<vmem>>
          %parallel_loop3A_997 = arith.constant 0 : i32
          %parallel_loop3A_998 = tpu.memref_slice %arg2[%parallel_loop3A_990, %parallel_loop3A_997] : memref<1000000x64xf32, #tpu.memory_space<hbm>> -> memref<1x64xf32, #tpu.memory_space<hbm>>
          %parallel_loop3A_999 = arith.constant 0 : i32
          %parallel_loop3A_1000 = tpu.memref_slice %arg10[%parallel_loop3A_993, %parallel_loop3A_992, %parallel_loop3A_999] : memref<2x200x64xf32, #tpu.memory_space<vmem>> -> memref<1x1x64xf32, #tpu.memory_space<vmem>>
          %parallel_loop3A_1001 = tpu.memref_squeeze %parallel_loop3A_1000 : memref<1x1x64xf32, #tpu.memory_space<vmem>> -> memref<1x64xf32, #tpu.memory_space<vmem>>
          %parallel_loop3A_1002 = arith.constant 0 : i32
          %parallel_loop3A_1003 = tpu.memref_slice %arg2[%parallel_loop3A_990, %parallel_loop3A_1002] : memref<1000000x64xf32, #tpu.memory_space<hbm>> -> memref<1x64xf32, #tpu.memory_space<hbm>>
          tpu.enqueue_dma source(%parallel_loop3A_1003 : memref<1x64xf32, #tpu.memory_space<hbm>>) target(%parallel_loop3A_1001 : memref<1x64xf32, #tpu.memory_space<vmem>>) target_semaphore(%arg13 : memref<!tpu.dma_semaphore, #tpu.memory_space<semaphore_mem>>)
          %parallel_loop3A_1004 = vector.extract_strided_slice %parallel_loop3A_958 {offsets = [3], sizes = [1], strides = [1]} : vector<16xi32> to vector<1xi32>
          %parallel_loop3A_1005 = vector.extract %parallel_loop3A_1004[0] : i32 from vector<1xi32>
          %parallel_loop3A_1006 = arith.constant 3 : i32
          %parallel_loop3A_1007 = arith.addi %parallel_loop3A_955, %parallel_loop3A_1006 : i32
          %parallel_loop3A_1008 = arith.constant 0 : i32
          %parallel_loop3A_1009 = arith.constant 0 : i32
          %parallel_loop3A_1010 = tpu.memref_slice %arg10[%parallel_loop3A_1008, %parallel_loop3A_1007, %parallel_loop3A_1009] : memref<2x200x64xf32, #tpu.memory_space<vmem>> -> memref<1x1x64xf32, #tpu.memory_space<vmem>>
          %parallel_loop3A_1011 = tpu.memref_squeeze %parallel_loop3A_1010 : memref<1x1x64xf32, #tpu.memory_space<vmem>> -> memref<1x64xf32, #tpu.memory_space<vmem>>
          %parallel_loop3A_1012 = arith.constant 0 : i32
          %parallel_loop3A_1013 = tpu.memref_slice %arg2[%parallel_loop3A_1005, %parallel_loop3A_1012] : memref<1000000x64xf32, #tpu.memory_space<hbm>> -> memref<1x64xf32, #tpu.memory_space<hbm>>
          %parallel_loop3A_1014 = arith.constant 0 : i32
          %parallel_loop3A_1015 = tpu.memref_slice %arg10[%parallel_loop3A_1008, %parallel_loop3A_1007, %parallel_loop3A_1014] : memref<2x200x64xf32, #tpu.memory_space<vmem>> -> memref<1x1x64xf32, #tpu.memory_space<vmem>>
          %parallel_loop3A_1016 = tpu.memref_squeeze %parallel_loop3A_1015 : memref<1x1x64xf32, #tpu.memory_space<vmem>> -> memref<1x64xf32, #tpu.memory_space<vmem>>
          %parallel_loop3A_1017 = arith.constant 0 : i32
          %parallel_loop3A_1018 = tpu.memref_slice %arg2[%parallel_loop3A_1005, %parallel_loop3A_1017] : memref<1000000x64xf32, #tpu.memory_space<hbm>> -> memref<1x64xf32, #tpu.memory_space<hbm>>
          tpu.enqueue_dma source(%parallel_loop3A_1018 : memref<1x64xf32, #tpu.memory_space<hbm>>) target(%parallel_loop3A_1016 : memref<1x64xf32, #tpu.memory_space<vmem>>) target_semaphore(%arg13 : memref<!tpu.dma_semaphore, #tpu.memory_space<semaphore_mem>>)
          %parallel_loop3A_1019 = vector.extract_strided_slice %parallel_loop3A_958 {offsets = [4], sizes = [1], strides = [1]} : vector<16xi32> to vector<1xi32>
          %parallel_loop3A_1020 = vector.extract %parallel_loop3A_1019[0] : i32 from vector<1xi32>
          %parallel_loop3A_1021 = arith.constant 4 : i32
          %parallel_loop3A_1022 = arith.addi %parallel_loop3A_955, %parallel_loop3A_1021 : i32
          %parallel_loop3A_1023 = arith.constant 0 : i32
          %parallel_loop3A_1024 = arith.constant 0 : i32
          %parallel_loop3A_1025 = tpu.memref_slice %arg10[%parallel_loop3A_1023, %parallel_loop3A_1022, %parallel_loop3A_1024] : memref<2x200x64xf32, #tpu.memory_space<vmem>> -> memref<1x1x64xf32, #tpu.memory_space<vmem>>
          %parallel_loop3A_1026 = tpu.memref_squeeze %parallel_loop3A_1025 : memref<1x1x64xf32, #tpu.memory_space<vmem>> -> memref<1x64xf32, #tpu.memory_space<vmem>>
          %parallel_loop3A_1027 = arith.constant 0 : i32
          %parallel_loop3A_1028 = tpu.memref_slice %arg2[%parallel_loop3A_1020, %parallel_loop3A_1027] : memref<1000000x64xf32, #tpu.memory_space<hbm>> -> memref<1x64xf32, #tpu.memory_space<hbm>>
          %parallel_loop3A_1029 = arith.constant 0 : i32
          %parallel_loop3A_1030 = tpu.memref_slice %arg10[%parallel_loop3A_1023, %parallel_loop3A_1022, %parallel_loop3A_1029] : memref<2x200x64xf32, #tpu.memory_space<vmem>> -> memref<1x1x64xf32, #tpu.memory_space<vmem>>
          %parallel_loop3A_1031 = tpu.memref_squeeze %parallel_loop3A_1030 : memref<1x1x64xf32, #tpu.memory_space<vmem>> -> memref<1x64xf32, #tpu.memory_space<vmem>>
          %parallel_loop3A_1032 = arith.constant 0 : i32
          %parallel_loop3A_1033 = tpu.memref_slice %arg2[%parallel_loop3A_1020, %parallel_loop3A_1032] : memref<1000000x64xf32, #tpu.memory_space<hbm>> -> memref<1x64xf32, #tpu.memory_space<hbm>>
          tpu.enqueue_dma source(%parallel_loop3A_1033 : memref<1x64xf32, #tpu.memory_space<hbm>>) target(%parallel_loop3A_1031 : memref<1x64xf32, #tpu.memory_space<vmem>>) target_semaphore(%arg13 : memref<!tpu.dma_semaphore, #tpu.memory_space<semaphore_mem>>)
          %parallel_loop3A_1034 = vector.extract_strided_slice %parallel_loop3A_958 {offsets = [5], sizes = [1], strides = [1]} : vector<16xi32> to vector<1xi32>
          %parallel_loop3A_1035 = vector.extract %parallel_loop3A_1034[0] : i32 from vector<1xi32>
          %parallel_loop3A_1036 = arith.constant 5 : i32
          %parallel_loop3A_1037 = arith.addi %parallel_loop3A_955, %parallel_loop3A_1036 : i32
          %parallel_loop3A_1038 = arith.constant 0 : i32
          %parallel_loop3A_1039 = arith.constant 0 : i32
          %parallel_loop3A_1040 = tpu.memref_slice %arg10[%parallel_loop3A_1038, %parallel_loop3A_1037, %parallel_loop3A_1039] : memref<2x200x64xf32, #tpu.memory_space<vmem>> -> memref<1x1x64xf32, #tpu.memory_space<vmem>>
          %parallel_loop3A_1041 = tpu.memref_squeeze %parallel_loop3A_1040 : memref<1x1x64xf32, #tpu.memory_space<vmem>> -> memref<1x64xf32, #tpu.memory_space<vmem>>
          %parallel_loop3A_1042 = arith.constant 0 : i32
          %parallel_loop3A_1043 = tpu.memref_slice %arg2[%parallel_loop3A_1035, %parallel_loop3A_1042] : memref<1000000x64xf32, #tpu.memory_space<hbm>> -> memref<1x64xf32, #tpu.memory_space<hbm>>
          %parallel_loop3A_1044 = arith.constant 0 : i32
          %parallel_loop3A_1045 = tpu.memref_slice %arg10[%parallel_loop3A_1038, %parallel_loop3A_1037, %parallel_loop3A_1044] : memref<2x200x64xf32, #tpu.memory_space<vmem>> -> memref<1x1x64xf32, #tpu.memory_space<vmem>>
          %parallel_loop3A_1046 = tpu.memref_squeeze %parallel_loop3A_1045 : memref<1x1x64xf32, #tpu.memory_space<vmem>> -> memref<1x64xf32, #tpu.memory_space<vmem>>
          %parallel_loop3A_1047 = arith.constant 0 : i32
          %parallel_loop3A_1048 = tpu.memref_slice %arg2[%parallel_loop3A_1035, %parallel_loop3A_1047] : memref<1000000x64xf32, #tpu.memory_space<hbm>> -> memref<1x64xf32, #tpu.memory_space<hbm>>
          tpu.enqueue_dma source(%parallel_loop3A_1048 : memref<1x64xf32, #tpu.memory_space<hbm>>) target(%parallel_loop3A_1046 : memref<1x64xf32, #tpu.memory_space<vmem>>) target_semaphore(%arg13 : memref<!tpu.dma_semaphore, #tpu.memory_space<semaphore_mem>>)
          %parallel_loop3A_1049 = vector.extract_strided_slice %parallel_loop3A_958 {offsets = [6], sizes = [1], strides = [1]} : vector<16xi32> to vector<1xi32>
          %parallel_loop3A_1050 = vector.extract %parallel_loop3A_1049[0] : i32 from vector<1xi32>
          %parallel_loop3A_1051 = arith.constant 6 : i32
          %parallel_loop3A_1052 = arith.addi %parallel_loop3A_955, %parallel_loop3A_1051 : i32
          %parallel_loop3A_1053 = arith.constant 0 : i32
          %parallel_loop3A_1054 = arith.constant 0 : i32
          %parallel_loop3A_1055 = tpu.memref_slice %arg10[%parallel_loop3A_1053, %parallel_loop3A_1052, %parallel_loop3A_1054] : memref<2x200x64xf32, #tpu.memory_space<vmem>> -> memref<1x1x64xf32, #tpu.memory_space<vmem>>
          %parallel_loop3A_1056 = tpu.memref_squeeze %parallel_loop3A_1055 : memref<1x1x64xf32, #tpu.memory_space<vmem>> -> memref<1x64xf32, #tpu.memory_space<vmem>>
          %parallel_loop3A_1057 = arith.constant 0 : i32
          %parallel_loop3A_1058 = tpu.memref_slice %arg2[%parallel_loop3A_1050, %parallel_loop3A_1057] : memref<1000000x64xf32, #tpu.memory_space<hbm>> -> memref<1x64xf32, #tpu.memory_space<hbm>>
          %parallel_loop3A_1059 = arith.constant 0 : i32
          %parallel_loop3A_1060 = tpu.memref_slice %arg10[%parallel_loop3A_1053, %parallel_loop3A_1052, %parallel_loop3A_1059] : memref<2x200x64xf32, #tpu.memory_space<vmem>> -> memref<1x1x64xf32, #tpu.memory_space<vmem>>
          %parallel_loop3A_1061 = tpu.memref_squeeze %parallel_loop3A_1060 : memref<1x1x64xf32, #tpu.memory_space<vmem>> -> memref<1x64xf32, #tpu.memory_space<vmem>>
          %parallel_loop3A_1062 = arith.constant 0 : i32
          %parallel_loop3A_1063 = tpu.memref_slice %arg2[%parallel_loop3A_1050, %parallel_loop3A_1062] : memref<1000000x64xf32, #tpu.memory_space<hbm>> -> memref<1x64xf32, #tpu.memory_space<hbm>>
          tpu.enqueue_dma source(%parallel_loop3A_1063 : memref<1x64xf32, #tpu.memory_space<hbm>>) target(%parallel_loop3A_1061 : memref<1x64xf32, #tpu.memory_space<vmem>>) target_semaphore(%arg13 : memref<!tpu.dma_semaphore, #tpu.memory_space<semaphore_mem>>)
          %parallel_loop3A_1064 = vector.extract_strided_slice %parallel_loop3A_958 {offsets = [7], sizes = [1], strides = [1]} : vector<16xi32> to vector<1xi32>
          %parallel_loop3A_1065 = vector.extract %parallel_loop3A_1064[0] : i32 from vector<1xi32>
          %parallel_loop3A_1066 = arith.constant 7 : i32
          %parallel_loop3A_1067 = arith.addi %parallel_loop3A_955, %parallel_loop3A_1066 : i32
          %parallel_loop3A_1068 = arith.constant 0 : i32
          %parallel_loop3A_1069 = arith.constant 0 : i32
          %parallel_loop3A_1070 = tpu.memref_slice %arg10[%parallel_loop3A_1068, %parallel_loop3A_1067, %parallel_loop3A_1069] : memref<2x200x64xf32, #tpu.memory_space<vmem>> -> memref<1x1x64xf32, #tpu.memory_space<vmem>>
          %parallel_loop3A_1071 = tpu.memref_squeeze %parallel_loop3A_1070 : memref<1x1x64xf32, #tpu.memory_space<vmem>> -> memref<1x64xf32, #tpu.memory_space<vmem>>
          %parallel_loop3A_1072 = arith.constant 0 : i32
          %parallel_loop3A_1073 = tpu.memref_slice %arg2[%parallel_loop3A_1065, %parallel_loop3A_1072] : memref<1000000x64xf32, #tpu.memory_space<hbm>> -> memref<1x64xf32, #tpu.memory_space<hbm>>
          %parallel_loop3A_1074 = arith.constant 0 : i32
          %parallel_loop3A_1075 = tpu.memref_slice %arg10[%parallel_loop3A_1068, %parallel_loop3A_1067, %parallel_loop3A_1074] : memref<2x200x64xf32, #tpu.memory_space<vmem>> -> memref<1x1x64xf32, #tpu.memory_space<vmem>>
          %parallel_loop3A_1076 = tpu.memref_squeeze %parallel_loop3A_1075 : memref<1x1x64xf32, #tpu.memory_space<vmem>> -> memref<1x64xf32, #tpu.memory_space<vmem>>
          %parallel_loop3A_1077 = arith.constant 0 : i32
          %parallel_loop3A_1078 = tpu.memref_slice %arg2[%parallel_loop3A_1065, %parallel_loop3A_1077] : memref<1000000x64xf32, #tpu.memory_space<hbm>> -> memref<1x64xf32, #tpu.memory_space<hbm>>
          tpu.enqueue_dma source(%parallel_loop3A_1078 : memref<1x64xf32, #tpu.memory_space<hbm>>) target(%parallel_loop3A_1076 : memref<1x64xf32, #tpu.memory_space<vmem>>) target_semaphore(%arg13 : memref<!tpu.dma_semaphore, #tpu.memory_space<semaphore_mem>>)
          %parallel_loop3A_1079 = vector.extract_strided_slice %parallel_loop3A_958 {offsets = [8], sizes = [1], strides = [1]} : vector<16xi32> to vector<1xi32>
          %parallel_loop3A_1080 = vector.extract %parallel_loop3A_1079[0] : i32 from vector<1xi32>
          %parallel_loop3A_1081 = arith.constant 8 : i32
          %parallel_loop3A_1082 = arith.addi %parallel_loop3A_955, %parallel_loop3A_1081 : i32
          %parallel_loop3A_1083 = arith.constant 0 : i32
          %parallel_loop3A_1084 = arith.constant 0 : i32
          %parallel_loop3A_1085 = tpu.memref_slice %arg10[%parallel_loop3A_1083, %parallel_loop3A_1082, %parallel_loop3A_1084] : memref<2x200x64xf32, #tpu.memory_space<vmem>> -> memref<1x1x64xf32, #tpu.memory_space<vmem>>
          %parallel_loop3A_1086 = tpu.memref_squeeze %parallel_loop3A_1085 : memref<1x1x64xf32, #tpu.memory_space<vmem>> -> memref<1x64xf32, #tpu.memory_space<vmem>>
          %parallel_loop3A_1087 = arith.constant 0 : i32
          %parallel_loop3A_1088 = tpu.memref_slice %arg2[%parallel_loop3A_1080, %parallel_loop3A_1087] : memref<1000000x64xf32, #tpu.memory_space<hbm>> -> memref<1x64xf32, #tpu.memory_space<hbm>>
          %parallel_loop3A_1089 = arith.constant 0 : i32
          %parallel_loop3A_1090 = tpu.memref_slice %arg10[%parallel_loop3A_1083, %parallel_loop3A_1082, %parallel_loop3A_1089] : memref<2x200x64xf32, #tpu.memory_space<vmem>> -> memref<1x1x64xf32, #tpu.memory_space<vmem>>
          %parallel_loop3A_1091 = tpu.memref_squeeze %parallel_loop3A_1090 : memref<1x1x64xf32, #tpu.memory_space<vmem>> -> memref<1x64xf32, #tpu.memory_space<vmem>>
          %parallel_loop3A_1092 = arith.constant 0 : i32
          %parallel_loop3A_1093 = tpu.memref_slice %arg2[%parallel_loop3A_1080, %parallel_loop3A_1092] : memref<1000000x64xf32, #tpu.memory_space<hbm>> -> memref<1x64xf32, #tpu.memory_space<hbm>>
          tpu.enqueue_dma source(%parallel_loop3A_1093 : memref<1x64xf32, #tpu.memory_space<hbm>>) target(%parallel_loop3A_1091 : memref<1x64xf32, #tpu.memory_space<vmem>>) target_semaphore(%arg13 : memref<!tpu.dma_semaphore, #tpu.memory_space<semaphore_mem>>)
          %parallel_loop3A_1094 = vector.extract_strided_slice %parallel_loop3A_958 {offsets = [9], sizes = [1], strides = [1]} : vector<16xi32> to vector<1xi32>
          %parallel_loop3A_1095 = vector.extract %parallel_loop3A_1094[0] : i32 from vector<1xi32>
          %parallel_loop3A_1096 = arith.constant 9 : i32
          %parallel_loop3A_1097 = arith.addi %parallel_loop3A_955, %parallel_loop3A_1096 : i32
          %parallel_loop3A_1098 = arith.constant 0 : i32
          %parallel_loop3A_1099 = arith.constant 0 : i32
          %parallel_loop3A_1100 = tpu.memref_slice %arg10[%parallel_loop3A_1098, %parallel_loop3A_1097, %parallel_loop3A_1099] : memref<2x200x64xf32, #tpu.memory_space<vmem>> -> memref<1x1x64xf32, #tpu.memory_space<vmem>>
          %parallel_loop3A_1101 = tpu.memref_squeeze %parallel_loop3A_1100 : memref<1x1x64xf32, #tpu.memory_space<vmem>> -> memref<1x64xf32, #tpu.memory_space<vmem>>
          %parallel_loop3A_1102 = arith.constant 0 : i32
          %parallel_loop3A_1103 = tpu.memref_slice %arg2[%parallel_loop3A_1095, %parallel_loop3A_1102] : memref<1000000x64xf32, #tpu.memory_space<hbm>> -> memref<1x64xf32, #tpu.memory_space<hbm>>
          %parallel_loop3A_1104 = arith.constant 0 : i32
          %parallel_loop3A_1105 = tpu.memref_slice %arg10[%parallel_loop3A_1098, %parallel_loop3A_1097, %parallel_loop3A_1104] : memref<2x200x64xf32, #tpu.memory_space<vmem>> -> memref<1x1x64xf32, #tpu.memory_space<vmem>>
          %parallel_loop3A_1106 = tpu.memref_squeeze %parallel_loop3A_1105 : memref<1x1x64xf32, #tpu.memory_space<vmem>> -> memref<1x64xf32, #tpu.memory_space<vmem>>
          %parallel_loop3A_1107 = arith.constant 0 : i32
          %parallel_loop3A_1108 = tpu.memref_slice %arg2[%parallel_loop3A_1095, %parallel_loop3A_1107] : memref<1000000x64xf32, #tpu.memory_space<hbm>> -> memref<1x64xf32, #tpu.memory_space<hbm>>
          tpu.enqueue_dma source(%parallel_loop3A_1108 : memref<1x64xf32, #tpu.memory_space<hbm>>) target(%parallel_loop3A_1106 : memref<1x64xf32, #tpu.memory_space<vmem>>) target_semaphore(%arg13 : memref<!tpu.dma_semaphore, #tpu.memory_space<semaphore_mem>>)
          %parallel_loop3A_1109 = vector.extract_strided_slice %parallel_loop3A_958 {offsets = [10], sizes = [1], strides = [1]} : vector<16xi32> to vector<1xi32>
          %parallel_loop3A_1110 = vector.extract %parallel_loop3A_1109[0] : i32 from vector<1xi32>
          %parallel_loop3A_1111 = arith.constant 10 : i32
          %parallel_loop3A_1112 = arith.addi %parallel_loop3A_955, %parallel_loop3A_1111 : i32
          %parallel_loop3A_1113 = arith.constant 0 : i32
          %parallel_loop3A_1114 = arith.constant 0 : i32
          %parallel_loop3A_1115 = tpu.memref_slice %arg10[%parallel_loop3A_1113, %parallel_loop3A_1112, %parallel_loop3A_1114] : memref<2x200x64xf32, #tpu.memory_space<vmem>> -> memref<1x1x64xf32, #tpu.memory_space<vmem>>
          %parallel_loop3A_1116 = tpu.memref_squeeze %parallel_loop3A_1115 : memref<1x1x64xf32, #tpu.memory_space<vmem>> -> memref<1x64xf32, #tpu.memory_space<vmem>>
          %parallel_loop3A_1117 = arith.constant 0 : i32
          %parallel_loop3A_1118 = tpu.memref_slice %arg2[%parallel_loop3A_1110, %parallel_loop3A_1117] : memref<1000000x64xf32, #tpu.memory_space<hbm>> -> memref<1x64xf32, #tpu.memory_space<hbm>>
          %parallel_loop3A_1119 = arith.constant 0 : i32
          %parallel_loop3A_1120 = tpu.memref_slice %arg10[%parallel_loop3A_1113, %parallel_loop3A_1112, %parallel_loop3A_1119] : memref<2x200x64xf32, #tpu.memory_space<vmem>> -> memref<1x1x64xf32, #tpu.memory_space<vmem>>
          %parallel_loop3A_1121 = tpu.memref_squeeze %parallel_loop3A_1120 : memref<1x1x64xf32, #tpu.memory_space<vmem>> -> memref<1x64xf32, #tpu.memory_space<vmem>>
          %parallel_loop3A_1122 = arith.constant 0 : i32
          %parallel_loop3A_1123 = tpu.memref_slice %arg2[%parallel_loop3A_1110, %parallel_loop3A_1122] : memref<1000000x64xf32, #tpu.memory_space<hbm>> -> memref<1x64xf32, #tpu.memory_space<hbm>>
          tpu.enqueue_dma source(%parallel_loop3A_1123 : memref<1x64xf32, #tpu.memory_space<hbm>>) target(%parallel_loop3A_1121 : memref<1x64xf32, #tpu.memory_space<vmem>>) target_semaphore(%arg13 : memref<!tpu.dma_semaphore, #tpu.memory_space<semaphore_mem>>)
          %parallel_loop3A_1124 = vector.extract_strided_slice %parallel_loop3A_958 {offsets = [11], sizes = [1], strides = [1]} : vector<16xi32> to vector<1xi32>
          %parallel_loop3A_1125 = vector.extract %parallel_loop3A_1124[0] : i32 from vector<1xi32>
          %parallel_loop3A_1126 = arith.constant 11 : i32
          %parallel_loop3A_1127 = arith.addi %parallel_loop3A_955, %parallel_loop3A_1126 : i32
          %parallel_loop3A_1128 = arith.constant 0 : i32
          %parallel_loop3A_1129 = arith.constant 0 : i32
          %parallel_loop3A_1130 = tpu.memref_slice %arg10[%parallel_loop3A_1128, %parallel_loop3A_1127, %parallel_loop3A_1129] : memref<2x200x64xf32, #tpu.memory_space<vmem>> -> memref<1x1x64xf32, #tpu.memory_space<vmem>>
          %parallel_loop3A_1131 = tpu.memref_squeeze %parallel_loop3A_1130 : memref<1x1x64xf32, #tpu.memory_space<vmem>> -> memref<1x64xf32, #tpu.memory_space<vmem>>
          %parallel_loop3A_1132 = arith.constant 0 : i32
          %parallel_loop3A_1133 = tpu.memref_slice %arg2[%parallel_loop3A_1125, %parallel_loop3A_1132] : memref<1000000x64xf32, #tpu.memory_space<hbm>> -> memref<1x64xf32, #tpu.memory_space<hbm>>
          %parallel_loop3A_1134 = arith.constant 0 : i32
          %parallel_loop3A_1135 = tpu.memref_slice %arg10[%parallel_loop3A_1128, %parallel_loop3A_1127, %parallel_loop3A_1134] : memref<2x200x64xf32, #tpu.memory_space<vmem>> -> memref<1x1x64xf32, #tpu.memory_space<vmem>>
          %parallel_loop3A_1136 = tpu.memref_squeeze %parallel_loop3A_1135 : memref<1x1x64xf32, #tpu.memory_space<vmem>> -> memref<1x64xf32, #tpu.memory_space<vmem>>
          %parallel_loop3A_1137 = arith.constant 0 : i32
          %parallel_loop3A_1138 = tpu.memref_slice %arg2[%parallel_loop3A_1125, %parallel_loop3A_1137] : memref<1000000x64xf32, #tpu.memory_space<hbm>> -> memref<1x64xf32, #tpu.memory_space<hbm>>
          tpu.enqueue_dma source(%parallel_loop3A_1138 : memref<1x64xf32, #tpu.memory_space<hbm>>) target(%parallel_loop3A_1136 : memref<1x64xf32, #tpu.memory_space<vmem>>) target_semaphore(%arg13 : memref<!tpu.dma_semaphore, #tpu.memory_space<semaphore_mem>>)
          %parallel_loop3A_1139 = vector.extract_strided_slice %parallel_loop3A_958 {offsets = [12], sizes = [1], strides = [1]} : vector<16xi32> to vector<1xi32>
          %parallel_loop3A_1140 = vector.extract %parallel_loop3A_1139[0] : i32 from vector<1xi32>
          %parallel_loop3A_1141 = arith.constant 12 : i32
          %parallel_loop3A_1142 = arith.addi %parallel_loop3A_955, %parallel_loop3A_1141 : i32
          %parallel_loop3A_1143 = arith.constant 0 : i32
          %parallel_loop3A_1144 = arith.constant 0 : i32
          %parallel_loop3A_1145 = tpu.memref_slice %arg10[%parallel_loop3A_1143, %parallel_loop3A_1142, %parallel_loop3A_1144] : memref<2x200x64xf32, #tpu.memory_space<vmem>> -> memref<1x1x64xf32, #tpu.memory_space<vmem>>
          %parallel_loop3A_1146 = tpu.memref_squeeze %parallel_loop3A_1145 : memref<1x1x64xf32, #tpu.memory_space<vmem>> -> memref<1x64xf32, #tpu.memory_space<vmem>>
          %parallel_loop3A_1147 = arith.constant 0 : i32
          %parallel_loop3A_1148 = tpu.memref_slice %arg2[%parallel_loop3A_1140, %parallel_loop3A_1147] : memref<1000000x64xf32, #tpu.memory_space<hbm>> -> memref<1x64xf32, #tpu.memory_space<hbm>>
          %parallel_loop3A_1149 = arith.constant 0 : i32
          %parallel_loop3A_1150 = tpu.memref_slice %arg10[%parallel_loop3A_1143, %parallel_loop3A_1142, %parallel_loop3A_1149] : memref<2x200x64xf32, #tpu.memory_space<vmem>> -> memref<1x1x64xf32, #tpu.memory_space<vmem>>
          %parallel_loop3A_1151 = tpu.memref_squeeze %parallel_loop3A_1150 : memref<1x1x64xf32, #tpu.memory_space<vmem>> -> memref<1x64xf32, #tpu.memory_space<vmem>>
          %parallel_loop3A_1152 = arith.constant 0 : i32
          %parallel_loop3A_1153 = tpu.memref_slice %arg2[%parallel_loop3A_1140, %parallel_loop3A_1152] : memref<1000000x64xf32, #tpu.memory_space<hbm>> -> memref<1x64xf32, #tpu.memory_space<hbm>>
          tpu.enqueue_dma source(%parallel_loop3A_1153 : memref<1x64xf32, #tpu.memory_space<hbm>>) target(%parallel_loop3A_1151 : memref<1x64xf32, #tpu.memory_space<vmem>>) target_semaphore(%arg13 : memref<!tpu.dma_semaphore, #tpu.memory_space<semaphore_mem>>)
          %parallel_loop3A_1154 = vector.extract_strided_slice %parallel_loop3A_958 {offsets = [13], sizes = [1], strides = [1]} : vector<16xi32> to vector<1xi32>
          %parallel_loop3A_1155 = vector.extract %parallel_loop3A_1154[0] : i32 from vector<1xi32>
          %parallel_loop3A_1156 = arith.constant 13 : i32
          %parallel_loop3A_1157 = arith.addi %parallel_loop3A_955, %parallel_loop3A_1156 : i32
          %parallel_loop3A_1158 = arith.constant 0 : i32
          %parallel_loop3A_1159 = arith.constant 0 : i32
          %parallel_loop3A_1160 = tpu.memref_slice %arg10[%parallel_loop3A_1158, %parallel_loop3A_1157, %parallel_loop3A_1159] : memref<2x200x64xf32, #tpu.memory_space<vmem>> -> memref<1x1x64xf32, #tpu.memory_space<vmem>>
          %parallel_loop3A_1161 = tpu.memref_squeeze %parallel_loop3A_1160 : memref<1x1x64xf32, #tpu.memory_space<vmem>> -> memref<1x64xf32, #tpu.memory_space<vmem>>
          %parallel_loop3A_1162 = arith.constant 0 : i32
          %parallel_loop3A_1163 = tpu.memref_slice %arg2[%parallel_loop3A_1155, %parallel_loop3A_1162] : memref<1000000x64xf32, #tpu.memory_space<hbm>> -> memref<1x64xf32, #tpu.memory_space<hbm>>
          %parallel_loop3A_1164 = arith.constant 0 : i32
          %parallel_loop3A_1165 = tpu.memref_slice %arg10[%parallel_loop3A_1158, %parallel_loop3A_1157, %parallel_loop3A_1164] : memref<2x200x64xf32, #tpu.memory_space<vmem>> -> memref<1x1x64xf32, #tpu.memory_space<vmem>>
          %parallel_loop3A_1166 = tpu.memref_squeeze %parallel_loop3A_1165 : memref<1x1x64xf32, #tpu.memory_space<vmem>> -> memref<1x64xf32, #tpu.memory_space<vmem>>
          %parallel_loop3A_1167 = arith.constant 0 : i32
          %parallel_loop3A_1168 = tpu.memref_slice %arg2[%parallel_loop3A_1155, %parallel_loop3A_1167] : memref<1000000x64xf32, #tpu.memory_space<hbm>> -> memref<1x64xf32, #tpu.memory_space<hbm>>
          tpu.enqueue_dma source(%parallel_loop3A_1168 : memref<1x64xf32, #tpu.memory_space<hbm>>) target(%parallel_loop3A_1166 : memref<1x64xf32, #tpu.memory_space<vmem>>) target_semaphore(%arg13 : memref<!tpu.dma_semaphore, #tpu.memory_space<semaphore_mem>>)
          %parallel_loop3A_1169 = vector.extract_strided_slice %parallel_loop3A_958 {offsets = [14], sizes = [1], strides = [1]} : vector<16xi32> to vector<1xi32>
          %parallel_loop3A_1170 = vector.extract %parallel_loop3A_1169[0] : i32 from vector<1xi32>
          %parallel_loop3A_1171 = arith.constant 14 : i32
          %parallel_loop3A_1172 = arith.addi %parallel_loop3A_955, %parallel_loop3A_1171 : i32
          %parallel_loop3A_1173 = arith.constant 0 : i32
          %parallel_loop3A_1174 = arith.constant 0 : i32
          %parallel_loop3A_1175 = tpu.memref_slice %arg10[%parallel_loop3A_1173, %parallel_loop3A_1172, %parallel_loop3A_1174] : memref<2x200x64xf32, #tpu.memory_space<vmem>> -> memref<1x1x64xf32, #tpu.memory_space<vmem>>
          %parallel_loop3A_1176 = tpu.memref_squeeze %parallel_loop3A_1175 : memref<1x1x64xf32, #tpu.memory_space<vmem>> -> memref<1x64xf32, #tpu.memory_space<vmem>>
          %parallel_loop3A_1177 = arith.constant 0 : i32
          %parallel_loop3A_1178 = tpu.memref_slice %arg2[%parallel_loop3A_1170, %parallel_loop3A_1177] : memref<1000000x64xf32, #tpu.memory_space<hbm>> -> memref<1x64xf32, #tpu.memory_space<hbm>>
          %parallel_loop3A_1179 = arith.constant 0 : i32
          %parallel_loop3A_1180 = tpu.memref_slice %arg10[%parallel_loop3A_1173, %parallel_loop3A_1172, %parallel_loop3A_1179] : memref<2x200x64xf32, #tpu.memory_space<vmem>> -> memref<1x1x64xf32, #tpu.memory_space<vmem>>
          %parallel_loop3A_1181 = tpu.memref_squeeze %parallel_loop3A_1180 : memref<1x1x64xf32, #tpu.memory_space<vmem>> -> memref<1x64xf32, #tpu.memory_space<vmem>>
          %parallel_loop3A_1182 = arith.constant 0 : i32
          %parallel_loop3A_1183 = tpu.memref_slice %arg2[%parallel_loop3A_1170, %parallel_loop3A_1182] : memref<1000000x64xf32, #tpu.memory_space<hbm>> -> memref<1x64xf32, #tpu.memory_space<hbm>>
          tpu.enqueue_dma source(%parallel_loop3A_1183 : memref<1x64xf32, #tpu.memory_space<hbm>>) target(%parallel_loop3A_1181 : memref<1x64xf32, #tpu.memory_space<vmem>>) target_semaphore(%arg13 : memref<!tpu.dma_semaphore, #tpu.memory_space<semaphore_mem>>)
          %parallel_loop3A_1184 = vector.extract_strided_slice %parallel_loop3A_958 {offsets = [15], sizes = [1], strides = [1]} : vector<16xi32> to vector<1xi32>
          %parallel_loop3A_1185 = vector.extract %parallel_loop3A_1184[0] : i32 from vector<1xi32>
          %parallel_loop3A_1186 = arith.constant 15 : i32
          %parallel_loop3A_1187 = arith.addi %parallel_loop3A_955, %parallel_loop3A_1186 : i32
          %parallel_loop3A_1188 = arith.constant 0 : i32
          %parallel_loop3A_1189 = arith.constant 0 : i32
          %parallel_loop3A_1190 = tpu.memref_slice %arg10[%parallel_loop3A_1188, %parallel_loop3A_1187, %parallel_loop3A_1189] : memref<2x200x64xf32, #tpu.memory_space<vmem>> -> memref<1x1x64xf32, #tpu.memory_space<vmem>>
          %parallel_loop3A_1191 = tpu.memref_squeeze %parallel_loop3A_1190 : memref<1x1x64xf32, #tpu.memory_space<vmem>> -> memref<1x64xf32, #tpu.memory_space<vmem>>
          %parallel_loop3A_1192 = arith.constant 0 : i32
          %parallel_loop3A_1193 = tpu.memref_slice %arg2[%parallel_loop3A_1185, %parallel_loop3A_1192] : memref<1000000x64xf32, #tpu.memory_space<hbm>> -> memref<1x64xf32, #tpu.memory_space<hbm>>
          %parallel_loop3A_1194 = arith.constant 0 : i32
          %parallel_loop3A_1195 = tpu.memref_slice %arg10[%parallel_loop3A_1188, %parallel_loop3A_1187, %parallel_loop3A_1194] : memref<2x200x64xf32, #tpu.memory_space<vmem>> -> memref<1x1x64xf32, #tpu.memory_space<vmem>>
          %parallel_loop3A_1196 = tpu.memref_squeeze %parallel_loop3A_1195 : memref<1x1x64xf32, #tpu.memory_space<vmem>> -> memref<1x64xf32, #tpu.memory_space<vmem>>
          %parallel_loop3A_1197 = arith.constant 0 : i32
          %parallel_loop3A_1198 = tpu.memref_slice %arg2[%parallel_loop3A_1185, %parallel_loop3A_1197] : memref<1000000x64xf32, #tpu.memory_space<hbm>> -> memref<1x64xf32, #tpu.memory_space<hbm>>
          tpu.enqueue_dma source(%parallel_loop3A_1198 : memref<1x64xf32, #tpu.memory_space<hbm>>) target(%parallel_loop3A_1196 : memref<1x64xf32, #tpu.memory_space<vmem>>) target_semaphore(%arg13 : memref<!tpu.dma_semaphore, #tpu.memory_space<semaphore_mem>>)
        } {sc.loop_unroll_factor = 1 : i64, sc.parallel_access}
        %add3A_831 = arith.constant 192 : i32
        %add3A_832 = arith.addi %mul3A_827, %add3A_831 : i32
        %get3A_833 = arith.index_cast %add3A_832 : i32 to index
        %get3A_834 = tpu.vector_load %arg7[%get3A_833] {strides = array<i32>} : memref<6416xi32, #tpu.memory_space<vmem>>, vector<16xi32>,
        %slice3A_835 = vector.extract_strided_slice %get3A_834 {offsets = [0], sizes = [1], strides = [1]} : vector<16xi32> to vector<1xi32>
        %squeeze3A_836 = vector.extract %slice3A_835[0] : i32 from vector<1xi32>
        %dma_start3A_837 = arith.constant 0 : i32
        %dma_start3A_838 = arith.constant 192 : i32
        %dma_start3A_839 = arith.constant 0 : i32
        %dma_start3A_840 = tpu.memref_slice %arg10[%dma_start3A_837, %dma_start3A_838, %dma_start3A_839] : memref<2x200x64xf32, #tpu.memory_space<vmem>> -> memref<1x1x64xf32, #tpu.memory_space<vmem>>
        %dma_start3A_841 = tpu.memref_squeeze %dma_start3A_840 : memref<1x1x64xf32, #tpu.memory_space<vmem>> -> memref<1x64xf32, #tpu.memory_space<vmem>>
        %dma_start3A_842 = arith.constant 0 : i32
        %dma_start3A_843 = tpu.memref_slice %arg2[%squeeze3A_836, %dma_start3A_842] : memref<1000000x64xf32, #tpu.memory_space<hbm>> -> memref<1x64xf32, #tpu.memory_space<hbm>>
        %dma_start3A_844 = arith.constant 192 : i32
        %dma_start3A_845 = arith.constant 0 : i32
        %dma_start3A_846 = tpu.memref_slice %arg10[%dma_start3A_837, %dma_start3A_844, %dma_start3A_845] : memref<2x200x64xf32, #tpu.memory_space<vmem>> -> memref<1x1x64xf32, #tpu.memory_space<vmem>>
        %dma_start3A_847 = tpu.memref_squeeze %dma_start3A_846 : memref<1x1x64xf32, #tpu.memory_space<vmem>> -> memref<1x64xf32, #tpu.memory_space<vmem>>
        %dma_start3A_848 = arith.constant 0 : i32
        %dma_start3A_849 = tpu.memref_slice %arg2[%squeeze3A_836, %dma_start3A_848] : memref<1000000x64xf32, #tpu.memory_space<hbm>> -> memref<1x64xf32, #tpu.memory_space<hbm>>
        tpu.enqueue_dma source(%dma_start3A_849 : memref<1x64xf32, #tpu.memory_space<hbm>>) target(%dma_start3A_847 : memref<1x64xf32, #tpu.memory_space<vmem>>) target_semaphore(%arg13 : memref<!tpu.dma_semaphore, #tpu.memory_space<semaphore_mem>>)
        %slice3A_850 = vector.extract_strided_slice %get3A_834 {offsets = [1], sizes = [1], strides = [1]} : vector<16xi32> to vector<1xi32>
        %squeeze3A_851 = vector.extract %slice3A_850[0] : i32 from vector<1xi32>
        %dma_start3A_852 = arith.constant 0 : i32
        %dma_start3A_853 = arith.constant 193 : i32
        %dma_start3A_854 = arith.constant 0 : i32
        %dma_start3A_855 = tpu.memref_slice %arg10[%dma_start3A_852, %dma_start3A_853, %dma_start3A_854] : memref<2x200x64xf32, #tpu.memory_space<vmem>> -> memref<1x1x64xf32, #tpu.memory_space<vmem>>
        %dma_start3A_856 = tpu.memref_squeeze %dma_start3A_855 : memref<1x1x64xf32, #tpu.memory_space<vmem>> -> memref<1x64xf32, #tpu.memory_space<vmem>>
        %dma_start3A_857 = arith.constant 0 : i32
        %dma_start3A_858 = tpu.memref_slice %arg2[%squeeze3A_851, %dma_start3A_857] : memref<1000000x64xf32, #tpu.memory_space<hbm>> -> memref<1x64xf32, #tpu.memory_space<hbm>>
        %dma_start3A_859 = arith.constant 193 : i32
        %dma_start3A_860 = arith.constant 0 : i32
        %dma_start3A_861 = tpu.memref_slice %arg10[%dma_start3A_852, %dma_start3A_859, %dma_start3A_860] : memref<2x200x64xf32, #tpu.memory_space<vmem>> -> memref<1x1x64xf32, #tpu.memory_space<vmem>>
        %dma_start3A_862 = tpu.memref_squeeze %dma_start3A_861 : memref<1x1x64xf32, #tpu.memory_space<vmem>> -> memref<1x64xf32, #tpu.memory_space<vmem>>
        %dma_start3A_863 = arith.constant 0 : i32
        %dma_start3A_864 = tpu.memref_slice %arg2[%squeeze3A_851, %dma_start3A_863] : memref<1000000x64xf32, #tpu.memory_space<hbm>> -> memref<1x64xf32, #tpu.memory_space<hbm>>
        tpu.enqueue_dma source(%dma_start3A_864 : memref<1x64xf32, #tpu.memory_space<hbm>>) target(%dma_start3A_862 : memref<1x64xf32, #tpu.memory_space<vmem>>) target_semaphore(%arg13 : memref<!tpu.dma_semaphore, #tpu.memory_space<semaphore_mem>>)
        %slice3A_865 = vector.extract_strided_slice %get3A_834 {offsets = [2], sizes = [1], strides = [1]} : vector<16xi32> to vector<1xi32>
        %squeeze3A_866 = vector.extract %slice3A_865[0] : i32 from vector<1xi32>
        %dma_start3A_867 = arith.constant 0 : i32
        %dma_start3A_868 = arith.constant 194 : i32
        %dma_start3A_869 = arith.constant 0 : i32
        %dma_start3A_870 = tpu.memref_slice %arg10[%dma_start3A_867, %dma_start3A_868, %dma_start3A_869] : memref<2x200x64xf32, #tpu.memory_space<vmem>> -> memref<1x1x64xf32, #tpu.memory_space<vmem>>
        %dma_start3A_871 = tpu.memref_squeeze %dma_start3A_870 : memref<1x1x64xf32, #tpu.memory_space<vmem>> -> memref<1x64xf32, #tpu.memory_space<vmem>>
        %dma_start3A_872 = arith.constant 0 : i32
        %dma_start3A_873 = tpu.memref_slice %arg2[%squeeze3A_866, %dma_start3A_872] : memref<1000000x64xf32, #tpu.memory_space<hbm>> -> memref<1x64xf32, #tpu.memory_space<hbm>>
        %dma_start3A_874 = arith.constant 194 : i32
        %dma_start3A_875 = arith.constant 0 : i32
        %dma_start3A_876 = tpu.memref_slice %arg10[%dma_start3A_867, %dma_start3A_874, %dma_start3A_875] : memref<2x200x64xf32, #tpu.memory_space<vmem>> -> memref<1x1x64xf32, #tpu.memory_space<vmem>>
        %dma_start3A_877 = tpu.memref_squeeze %dma_start3A_876 : memref<1x1x64xf32, #tpu.memory_space<vmem>> -> memref<1x64xf32, #tpu.memory_space<vmem>>
        %dma_start3A_878 = arith.constant 0 : i32
        %dma_start3A_879 = tpu.memref_slice %arg2[%squeeze3A_866, %dma_start3A_878] : memref<1000000x64xf32, #tpu.memory_space<hbm>> -> memref<1x64xf32, #tpu.memory_space<hbm>>
        tpu.enqueue_dma source(%dma_start3A_879 : memref<1x64xf32, #tpu.memory_space<hbm>>) target(%dma_start3A_877 : memref<1x64xf32, #tpu.memory_space<vmem>>) target_semaphore(%arg13 : memref<!tpu.dma_semaphore, #tpu.memory_space<semaphore_mem>>)
        %slice3A_880 = vector.extract_strided_slice %get3A_834 {offsets = [3], sizes = [1], strides = [1]} : vector<16xi32> to vector<1xi32>
        %squeeze3A_881 = vector.extract %slice3A_880[0] : i32 from vector<1xi32>
        %dma_start3A_882 = arith.constant 0 : i32
        %dma_start3A_883 = arith.constant 195 : i32
        %dma_start3A_884 = arith.constant 0 : i32
        %dma_start3A_885 = tpu.memref_slice %arg10[%dma_start3A_882, %dma_start3A_883, %dma_start3A_884] : memref<2x200x64xf32, #tpu.memory_space<vmem>> -> memref<1x1x64xf32, #tpu.memory_space<vmem>>
        %dma_start3A_886 = tpu.memref_squeeze %dma_start3A_885 : memref<1x1x64xf32, #tpu.memory_space<vmem>> -> memref<1x64xf32, #tpu.memory_space<vmem>>
        %dma_start3A_887 = arith.constant 0 : i32
        %dma_start3A_888 = tpu.memref_slice %arg2[%squeeze3A_881, %dma_start3A_887] : memref<1000000x64xf32, #tpu.memory_space<hbm>> -> memref<1x64xf32, #tpu.memory_space<hbm>>
        %dma_start3A_889 = arith.constant 195 : i32
        %dma_start3A_890 = arith.constant 0 : i32
        %dma_start3A_891 = tpu.memref_slice %arg10[%dma_start3A_882, %dma_start3A_889, %dma_start3A_890] : memref<2x200x64xf32, #tpu.memory_space<vmem>> -> memref<1x1x64xf32, #tpu.memory_space<vmem>>
        %dma_start3A_892 = tpu.memref_squeeze %dma_start3A_891 : memref<1x1x64xf32, #tpu.memory_space<vmem>> -> memref<1x64xf32, #tpu.memory_space<vmem>>
        %dma_start3A_893 = arith.constant 0 : i32
        %dma_start3A_894 = tpu.memref_slice %arg2[%squeeze3A_881, %dma_start3A_893] : memref<1000000x64xf32, #tpu.memory_space<hbm>> -> memref<1x64xf32, #tpu.memory_space<hbm>>
        tpu.enqueue_dma source(%dma_start3A_894 : memref<1x64xf32, #tpu.memory_space<hbm>>) target(%dma_start3A_892 : memref<1x64xf32, #tpu.memory_space<vmem>>) target_semaphore(%arg13 : memref<!tpu.dma_semaphore, #tpu.memory_space<semaphore_mem>>)
        %slice3A_895 = vector.extract_strided_slice %get3A_834 {offsets = [4], sizes = [1], strides = [1]} : vector<16xi32> to vector<1xi32>
        %squeeze3A_896 = vector.extract %slice3A_895[0] : i32 from vector<1xi32>
        %dma_start3A_897 = arith.constant 0 : i32
        %dma_start3A_898 = arith.constant 196 : i32
        %dma_start3A_899 = arith.constant 0 : i32
        %dma_start3A_900 = tpu.memref_slice %arg10[%dma_start3A_897, %dma_start3A_898, %dma_start3A_899] : memref<2x200x64xf32, #tpu.memory_space<vmem>> -> memref<1x1x64xf32, #tpu.memory_space<vmem>>
        %dma_start3A_901 = tpu.memref_squeeze %dma_start3A_900 : memref<1x1x64xf32, #tpu.memory_space<vmem>> -> memref<1x64xf32, #tpu.memory_space<vmem>>
        %dma_start3A_902 = arith.constant 0 : i32
        %dma_start3A_903 = tpu.memref_slice %arg2[%squeeze3A_896, %dma_start3A_902] : memref<1000000x64xf32, #tpu.memory_space<hbm>> -> memref<1x64xf32, #tpu.memory_space<hbm>>
        %dma_start3A_904 = arith.constant 196 : i32
        %dma_start3A_905 = arith.constant 0 : i32
        %dma_start3A_906 = tpu.memref_slice %arg10[%dma_start3A_897, %dma_start3A_904, %dma_start3A_905] : memref<2x200x64xf32, #tpu.memory_space<vmem>> -> memref<1x1x64xf32, #tpu.memory_space<vmem>>
        %dma_start3A_907 = tpu.memref_squeeze %dma_start3A_906 : memref<1x1x64xf32, #tpu.memory_space<vmem>> -> memref<1x64xf32, #tpu.memory_space<vmem>>
        %dma_start3A_908 = arith.constant 0 : i32
        %dma_start3A_909 = tpu.memref_slice %arg2[%squeeze3A_896, %dma_start3A_908] : memref<1000000x64xf32, #tpu.memory_space<hbm>> -> memref<1x64xf32, #tpu.memory_space<hbm>>
        tpu.enqueue_dma source(%dma_start3A_909 : memref<1x64xf32, #tpu.memory_space<hbm>>) target(%dma_start3A_907 : memref<1x64xf32, #tpu.memory_space<vmem>>) target_semaphore(%arg13 : memref<!tpu.dma_semaphore, #tpu.memory_space<semaphore_mem>>)
        %slice3A_910 = vector.extract_strided_slice %get3A_834 {offsets = [5], sizes = [1], strides = [1]} : vector<16xi32> to vector<1xi32>
        %squeeze3A_911 = vector.extract %slice3A_910[0] : i32 from vector<1xi32>
        %dma_start3A_912 = arith.constant 0 : i32
        %dma_start3A_913 = arith.constant 197 : i32
        %dma_start3A_914 = arith.constant 0 : i32
        %dma_start3A_915 = tpu.memref_slice %arg10[%dma_start3A_912, %dma_start3A_913, %dma_start3A_914] : memref<2x200x64xf32, #tpu.memory_space<vmem>> -> memref<1x1x64xf32, #tpu.memory_space<vmem>>
        %dma_start3A_916 = tpu.memref_squeeze %dma_start3A_915 : memref<1x1x64xf32, #tpu.memory_space<vmem>> -> memref<1x64xf32, #tpu.memory_space<vmem>>
        %dma_start3A_917 = arith.constant 0 : i32
        %dma_start3A_918 = tpu.memref_slice %arg2[%squeeze3A_911, %dma_start3A_917] : memref<1000000x64xf32, #tpu.memory_space<hbm>> -> memref<1x64xf32, #tpu.memory_space<hbm>>
        %dma_start3A_919 = arith.constant 197 : i32
        %dma_start3A_920 = arith.constant 0 : i32
        %dma_start3A_921 = tpu.memref_slice %arg10[%dma_start3A_912, %dma_start3A_919, %dma_start3A_920] : memref<2x200x64xf32, #tpu.memory_space<vmem>> -> memref<1x1x64xf32, #tpu.memory_space<vmem>>
        %dma_start3A_922 = tpu.memref_squeeze %dma_start3A_921 : memref<1x1x64xf32, #tpu.memory_space<vmem>> -> memref<1x64xf32, #tpu.memory_space<vmem>>
        %dma_start3A_923 = arith.constant 0 : i32
        %dma_start3A_924 = tpu.memref_slice %arg2[%squeeze3A_911, %dma_start3A_923] : memref<1000000x64xf32, #tpu.memory_space<hbm>> -> memref<1x64xf32, #tpu.memory_space<hbm>>
        tpu.enqueue_dma source(%dma_start3A_924 : memref<1x64xf32, #tpu.memory_space<hbm>>) target(%dma_start3A_922 : memref<1x64xf32, #tpu.memory_space<vmem>>) target_semaphore(%arg13 : memref<!tpu.dma_semaphore, #tpu.memory_space<semaphore_mem>>)
        %slice3A_925 = vector.extract_strided_slice %get3A_834 {offsets = [6], sizes = [1], strides = [1]} : vector<16xi32> to vector<1xi32>
        %squeeze3A_926 = vector.extract %slice3A_925[0] : i32 from vector<1xi32>
        %dma_start3A_927 = arith.constant 0 : i32
        %dma_start3A_928 = arith.constant 198 : i32
        %dma_start3A_929 = arith.constant 0 : i32
        %dma_start3A_930 = tpu.memref_slice %arg10[%dma_start3A_927, %dma_start3A_928, %dma_start3A_929] : memref<2x200x64xf32, #tpu.memory_space<vmem>> -> memref<1x1x64xf32, #tpu.memory_space<vmem>>
        %dma_start3A_931 = tpu.memref_squeeze %dma_start3A_930 : memref<1x1x64xf32, #tpu.memory_space<vmem>> -> memref<1x64xf32, #tpu.memory_space<vmem>>
        %dma_start3A_932 = arith.constant 0 : i32
        %dma_start3A_933 = tpu.memref_slice %arg2[%squeeze3A_926, %dma_start3A_932] : memref<1000000x64xf32, #tpu.memory_space<hbm>> -> memref<1x64xf32, #tpu.memory_space<hbm>>
        %dma_start3A_934 = arith.constant 198 : i32
        %dma_start3A_935 = arith.constant 0 : i32
        %dma_start3A_936 = tpu.memref_slice %arg10[%dma_start3A_927, %dma_start3A_934, %dma_start3A_935] : memref<2x200x64xf32, #tpu.memory_space<vmem>> -> memref<1x1x64xf32, #tpu.memory_space<vmem>>
        %dma_start3A_937 = tpu.memref_squeeze %dma_start3A_936 : memref<1x1x64xf32, #tpu.memory_space<vmem>> -> memref<1x64xf32, #tpu.memory_space<vmem>>
        %dma_start3A_938 = arith.constant 0 : i32
        %dma_start3A_939 = tpu.memref_slice %arg2[%squeeze3A_926, %dma_start3A_938] : memref<1000000x64xf32, #tpu.memory_space<hbm>> -> memref<1x64xf32, #tpu.memory_space<hbm>>
        tpu.enqueue_dma source(%dma_start3A_939 : memref<1x64xf32, #tpu.memory_space<hbm>>) target(%dma_start3A_937 : memref<1x64xf32, #tpu.memory_space<vmem>>) target_semaphore(%arg13 : memref<!tpu.dma_semaphore, #tpu.memory_space<semaphore_mem>>)
        %slice3A_940 = vector.extract_strided_slice %get3A_834 {offsets = [7], sizes = [1], strides = [1]} : vector<16xi32> to vector<1xi32>
        %squeeze3A_941 = vector.extract %slice3A_940[0] : i32 from vector<1xi32>
        %dma_start3A_942 = arith.constant 0 : i32
        %dma_start3A_943 = arith.constant 199 : i32
        %dma_start3A_944 = arith.constant 0 : i32
        %dma_start3A_945 = tpu.memref_slice %arg10[%dma_start3A_942, %dma_start3A_943, %dma_start3A_944] : memref<2x200x64xf32, #tpu.memory_space<vmem>> -> memref<1x1x64xf32, #tpu.memory_space<vmem>>
        %dma_start3A_946 = tpu.memref_squeeze %dma_start3A_945 : memref<1x1x64xf32, #tpu.memory_space<vmem>> -> memref<1x64xf32, #tpu.memory_space<vmem>>
        %dma_start3A_947 = arith.constant 0 : i32
        %dma_start3A_948 = tpu.memref_slice %arg2[%squeeze3A_941, %dma_start3A_947] : memref<1000000x64xf32, #tpu.memory_space<hbm>> -> memref<1x64xf32, #tpu.memory_space<hbm>>
        %dma_start3A_949 = arith.constant 199 : i32
        %dma_start3A_950 = arith.constant 0 : i32
        %dma_start3A_951 = tpu.memref_slice %arg10[%dma_start3A_942, %dma_start3A_949, %dma_start3A_950] : memref<2x200x64xf32, #tpu.memory_space<vmem>> -> memref<1x1x64xf32, #tpu.memory_space<vmem>>
        %dma_start3A_952 = tpu.memref_squeeze %dma_start3A_951 : memref<1x1x64xf32, #tpu.memory_space<vmem>> -> memref<1x64xf32, #tpu.memory_space<vmem>>
        %dma_start3A_953 = arith.constant 0 : i32
        %dma_start3A_954 = tpu.memref_slice %arg2[%squeeze3A_941, %dma_start3A_953] : memref<1000000x64xf32, #tpu.memory_space<hbm>> -> memref<1x64xf32, #tpu.memory_space<hbm>>
        tpu.enqueue_dma source(%dma_start3A_954 : memref<1x64xf32, #tpu.memory_space<hbm>>) target(%dma_start3A_952 : memref<1x64xf32, #tpu.memory_space<vmem>>) target_semaphore(%arg13 : memref<!tpu.dma_semaphore, #tpu.memory_space<semaphore_mem>>)
      } else {
      }
      %mul3A_553 = arith.constant 2 : i32
      %mul3A_554 = arith.muli %scan3A_286, %mul3A_553 : i32
      %add3A_555 = arith.constant 1 : i32
      %add3A_556 = arith.addi %mul3A_554, %add3A_555 : i32
      %mul3A_557 = arith.constant 200 : i32
      %mul3A_558 = arith.muli %add3A_556, %mul3A_557 : i32
      %broadcast_in_dim3A_559 = arith.constant 0.000000e+00 : f32
      %broadcast_in_dim3A_560 = vector.broadcast %broadcast_in_dim3A_559 : f32 to vector<16xf32>
      %parallel_loop3A_561 = arith.constant 0 : i32
      %parallel_loop3A_562 = arith.constant 192 : i32
      %parallel_loop3A_563 = arith.constant 16 : i32
      %parallel_loop3A_564:16 = scf.for %parallel_loop3A_824 = %parallel_loop3A_561 to %parallel_loop3A_562 step %parallel_loop3A_563 iter_args(%parallel_loop3A_825 = %broadcast_in_dim3A_560, %parallel_loop3A_826 = %broadcast_in_dim3A_560, %parallel_loop3A_827 = %broadcast_in_dim3A_560, %parallel_loop3A_828 = %broadcast_in_dim3A_560, %parallel_loop3A_829 = %broadcast_in_dim3A_560, %parallel_loop3A_830 = %broadcast_in_dim3A_560, %parallel_loop3A_831 = %broadcast_in_dim3A_560, %parallel_loop3A_832 = %broadcast_in_dim3A_560, %parallel_loop3A_833 = %broadcast_in_dim3A_560, %parallel_loop3A_834 = %broadcast_in_dim3A_560, %parallel_loop3A_835 = %broadcast_in_dim3A_560, %parallel_loop3A_836 = %broadcast_in_dim3A_560, %parallel_loop3A_837 = %broadcast_in_dim3A_560, %parallel_loop3A_838 = %broadcast_in_dim3A_560, %parallel_loop3A_839 = %broadcast_in_dim3A_560, %parallel_loop3A_840 = %broadcast_in_dim3A_560) -> (vector<16xf32>, vector<16xf32>, vector<16xf32>, vector<16xf32>, vector<16xf32>, vector<16xf32>, vector<16xf32>, vector<16xf32>, vector<16xf32>, vector<16xf32>, vector<16xf32>, vector<16xf32>, vector<16xf32>, vector<16xf32>, vector<16xf32>, vector<16xf32>)  : i32 {
        %parallel_loop3A_841 = arith.addi %mul3A_558, %parallel_loop3A_824 : i32
        %parallel_loop3A_842 = arith.index_cast %parallel_loop3A_841 : i32 to index
        %parallel_loop3A_843 = tpu.vector_load %arg8[%parallel_loop3A_842] {strides = array<i32>} : memref<6416xi32, #tpu.memory_space<vmem>>, vector<16xi32>,
        %parallel_loop3A_844 = arith.constant 0 : i32
        %parallel_loop3A_845 = vector.broadcast %parallel_loop3A_844 : i32 to vector<16xi32>
        %parallel_loop3A_846 = tpu.vector_load_idx %arg9[%parallel_loop3A_845, %parallel_loop3A_843] : memref<16x1024xf32, #tpu.memory_space<vmem>>[vector<16xi32>, vector<16xi32>], vector<16xf32>,
        %parallel_loop3A_847 = arith.addf %parallel_loop3A_825, %parallel_loop3A_846 : vector<16xf32>
        %parallel_loop3A_848 = arith.constant 1 : i32
        %parallel_loop3A_849 = vector.broadcast %parallel_loop3A_848 : i32 to vector<16xi32>
        %parallel_loop3A_850 = tpu.vector_load_idx %arg9[%parallel_loop3A_849, %parallel_loop3A_843] : memref<16x1024xf32, #tpu.memory_space<vmem>>[vector<16xi32>, vector<16xi32>], vector<16xf32>,
        %parallel_loop3A_851 = arith.addf %parallel_loop3A_826, %parallel_loop3A_850 : vector<16xf32>
        %parallel_loop3A_852 = arith.constant 2 : i32
        %parallel_loop3A_853 = vector.broadcast %parallel_loop3A_852 : i32 to vector<16xi32>
        %parallel_loop3A_854 = tpu.vector_load_idx %arg9[%parallel_loop3A_853, %parallel_loop3A_843] : memref<16x1024xf32, #tpu.memory_space<vmem>>[vector<16xi32>, vector<16xi32>], vector<16xf32>,
        %parallel_loop3A_855 = arith.addf %parallel_loop3A_827, %parallel_loop3A_854 : vector<16xf32>
        %parallel_loop3A_856 = arith.constant 3 : i32
        %parallel_loop3A_857 = vector.broadcast %parallel_loop3A_856 : i32 to vector<16xi32>
        %parallel_loop3A_858 = tpu.vector_load_idx %arg9[%parallel_loop3A_857, %parallel_loop3A_843] : memref<16x1024xf32, #tpu.memory_space<vmem>>[vector<16xi32>, vector<16xi32>], vector<16xf32>,
        %parallel_loop3A_859 = arith.addf %parallel_loop3A_828, %parallel_loop3A_858 : vector<16xf32>
        %parallel_loop3A_860 = arith.constant 4 : i32
        %parallel_loop3A_861 = vector.broadcast %parallel_loop3A_860 : i32 to vector<16xi32>
        %parallel_loop3A_862 = tpu.vector_load_idx %arg9[%parallel_loop3A_861, %parallel_loop3A_843] : memref<16x1024xf32, #tpu.memory_space<vmem>>[vector<16xi32>, vector<16xi32>], vector<16xf32>,
        %parallel_loop3A_863 = arith.addf %parallel_loop3A_829, %parallel_loop3A_862 : vector<16xf32>
        %parallel_loop3A_864 = arith.constant 5 : i32
        %parallel_loop3A_865 = vector.broadcast %parallel_loop3A_864 : i32 to vector<16xi32>
        %parallel_loop3A_866 = tpu.vector_load_idx %arg9[%parallel_loop3A_865, %parallel_loop3A_843] : memref<16x1024xf32, #tpu.memory_space<vmem>>[vector<16xi32>, vector<16xi32>], vector<16xf32>,
        %parallel_loop3A_867 = arith.addf %parallel_loop3A_830, %parallel_loop3A_866 : vector<16xf32>
        %parallel_loop3A_868 = arith.constant 6 : i32
        %parallel_loop3A_869 = vector.broadcast %parallel_loop3A_868 : i32 to vector<16xi32>
        %parallel_loop3A_870 = tpu.vector_load_idx %arg9[%parallel_loop3A_869, %parallel_loop3A_843] : memref<16x1024xf32, #tpu.memory_space<vmem>>[vector<16xi32>, vector<16xi32>], vector<16xf32>,
        %parallel_loop3A_871 = arith.addf %parallel_loop3A_831, %parallel_loop3A_870 : vector<16xf32>
        %parallel_loop3A_872 = arith.constant 7 : i32
        %parallel_loop3A_873 = vector.broadcast %parallel_loop3A_872 : i32 to vector<16xi32>
        %parallel_loop3A_874 = tpu.vector_load_idx %arg9[%parallel_loop3A_873, %parallel_loop3A_843] : memref<16x1024xf32, #tpu.memory_space<vmem>>[vector<16xi32>, vector<16xi32>], vector<16xf32>,
        %parallel_loop3A_875 = arith.addf %parallel_loop3A_832, %parallel_loop3A_874 : vector<16xf32>
        %parallel_loop3A_876 = arith.constant 8 : i32
        %parallel_loop3A_877 = vector.broadcast %parallel_loop3A_876 : i32 to vector<16xi32>
        %parallel_loop3A_878 = tpu.vector_load_idx %arg9[%parallel_loop3A_877, %parallel_loop3A_843] : memref<16x1024xf32, #tpu.memory_space<vmem>>[vector<16xi32>, vector<16xi32>], vector<16xf32>,
        %parallel_loop3A_879 = arith.addf %parallel_loop3A_833, %parallel_loop3A_878 : vector<16xf32>
        %parallel_loop3A_880 = arith.constant 9 : i32
        %parallel_loop3A_881 = vector.broadcast %parallel_loop3A_880 : i32 to vector<16xi32>
        %parallel_loop3A_882 = tpu.vector_load_idx %arg9[%parallel_loop3A_881, %parallel_loop3A_843] : memref<16x1024xf32, #tpu.memory_space<vmem>>[vector<16xi32>, vector<16xi32>], vector<16xf32>,
        %parallel_loop3A_883 = arith.addf %parallel_loop3A_834, %parallel_loop3A_882 : vector<16xf32>
        %parallel_loop3A_884 = arith.constant 10 : i32
        %parallel_loop3A_885 = vector.broadcast %parallel_loop3A_884 : i32 to vector<16xi32>
        %parallel_loop3A_886 = tpu.vector_load_idx %arg9[%parallel_loop3A_885, %parallel_loop3A_843] : memref<16x1024xf32, #tpu.memory_space<vmem>>[vector<16xi32>, vector<16xi32>], vector<16xf32>,
        %parallel_loop3A_887 = arith.addf %parallel_loop3A_835, %parallel_loop3A_886 : vector<16xf32>
        %parallel_loop3A_888 = arith.constant 11 : i32
        %parallel_loop3A_889 = vector.broadcast %parallel_loop3A_888 : i32 to vector<16xi32>
        %parallel_loop3A_890 = tpu.vector_load_idx %arg9[%parallel_loop3A_889, %parallel_loop3A_843] : memref<16x1024xf32, #tpu.memory_space<vmem>>[vector<16xi32>, vector<16xi32>], vector<16xf32>,
        %parallel_loop3A_891 = arith.addf %parallel_loop3A_836, %parallel_loop3A_890 : vector<16xf32>
        %parallel_loop3A_892 = arith.constant 12 : i32
        %parallel_loop3A_893 = vector.broadcast %parallel_loop3A_892 : i32 to vector<16xi32>
        %parallel_loop3A_894 = tpu.vector_load_idx %arg9[%parallel_loop3A_893, %parallel_loop3A_843] : memref<16x1024xf32, #tpu.memory_space<vmem>>[vector<16xi32>, vector<16xi32>], vector<16xf32>,
        %parallel_loop3A_895 = arith.addf %parallel_loop3A_837, %parallel_loop3A_894 : vector<16xf32>
        %parallel_loop3A_896 = arith.constant 13 : i32
        %parallel_loop3A_897 = vector.broadcast %parallel_loop3A_896 : i32 to vector<16xi32>
        %parallel_loop3A_898 = tpu.vector_load_idx %arg9[%parallel_loop3A_897, %parallel_loop3A_843] : memref<16x1024xf32, #tpu.memory_space<vmem>>[vector<16xi32>, vector<16xi32>], vector<16xf32>,
        %parallel_loop3A_899 = arith.addf %parallel_loop3A_838, %parallel_loop3A_898 : vector<16xf32>
        %parallel_loop3A_900 = arith.constant 14 : i32
        %parallel_loop3A_901 = vector.broadcast %parallel_loop3A_900 : i32 to vector<16xi32>
        %parallel_loop3A_902 = tpu.vector_load_idx %arg9[%parallel_loop3A_901, %parallel_loop3A_843] : memref<16x1024xf32, #tpu.memory_space<vmem>>[vector<16xi32>, vector<16xi32>], vector<16xf32>,
        %parallel_loop3A_903 = arith.addf %parallel_loop3A_839, %parallel_loop3A_902 : vector<16xf32>
        %parallel_loop3A_904 = arith.constant 15 : i32
        %parallel_loop3A_905 = vector.broadcast %parallel_loop3A_904 : i32 to vector<16xi32>
        %parallel_loop3A_906 = tpu.vector_load_idx %arg9[%parallel_loop3A_905, %parallel_loop3A_843] : memref<16x1024xf32, #tpu.memory_space<vmem>>[vector<16xi32>, vector<16xi32>], vector<16xf32>,
        %parallel_loop3A_907 = arith.addf %parallel_loop3A_840, %parallel_loop3A_906 : vector<16xf32>
        scf.yield %parallel_loop3A_847, %parallel_loop3A_851, %parallel_loop3A_855, %parallel_loop3A_859, %parallel_loop3A_863, %parallel_loop3A_867, %parallel_loop3A_871, %parallel_loop3A_875, %parallel_loop3A_879, %parallel_loop3A_883, %parallel_loop3A_887, %parallel_loop3A_891, %parallel_loop3A_895, %parallel_loop3A_899, %parallel_loop3A_903, %parallel_loop3A_907 : vector<16xf32>, vector<16xf32>, vector<16xf32>, vector<16xf32>, vector<16xf32>, vector<16xf32>, vector<16xf32>, vector<16xf32>, vector<16xf32>, vector<16xf32>, vector<16xf32>, vector<16xf32>, vector<16xf32>, vector<16xf32>, vector<16xf32>, vector<16xf32>
      } {sc.loop_unroll_factor = 1 : i64, sc.parallel_access}
      %add3A_565 = arith.constant 192 : i32
      %add3A_566 = arith.addi %mul3A_558, %add3A_565 : i32
      %get3A_567 = arith.index_cast %add3A_566 : i32 to index
      %get3A_568 = tpu.vector_load %arg8[%get3A_567] {strides = array<i32>} : memref<6416xi32, #tpu.memory_space<vmem>>, vector<16xi32>,
      %jit3A_569 = arith.constant 1000 : i32
      %broadcast_in_dim3A_570 = vector.broadcast %jit3A_569 : i32 to vector<16xi32>
      %select_n3A_571 = arith.select %lt3A_32, %get3A_568, %broadcast_in_dim3A_570 : vector<16xi1>, vector<16xi32>
      %broadcast_in_dim3A_572 = arith.constant 0 : i32
      %broadcast_in_dim3A_573 = vector.broadcast %broadcast_in_dim3A_572 : i32 to vector<16xi32>
      %gather3A_574 = tpu.vector_load_idx %arg9[%broadcast_in_dim3A_573, %select_n3A_571] : memref<16x1024xf32, #tpu.memory_space<vmem>>[vector<16xi32>, vector<16xi32>], vector<16xf32>,
      %add3A_575 = arith.addf %parallel_loop3A_564#0, %gather3A_574 : vector<16xf32>
      %broadcast_in_dim3A_576 = arith.constant 1 : i32
      %broadcast_in_dim3A_577 = vector.broadcast %broadcast_in_dim3A_576 : i32 to vector<16xi32>
      %gather3A_578 = tpu.vector_load_idx %arg9[%broadcast_in_dim3A_577, %select_n3A_571] : memref<16x1024xf32, #tpu.memory_space<vmem>>[vector<16xi32>, vector<16xi32>], vector<16xf32>,
      %add3A_579 = arith.addf %parallel_loop3A_564#1, %gather3A_578 : vector<16xf32>
      %broadcast_in_dim3A_580 = arith.constant 2 : i32
      %broadcast_in_dim3A_581 = vector.broadcast %broadcast_in_dim3A_580 : i32 to vector<16xi32>
      %gather3A_582 = tpu.vector_load_idx %arg9[%broadcast_in_dim3A_581, %select_n3A_571] : memref<16x1024xf32, #tpu.memory_space<vmem>>[vector<16xi32>, vector<16xi32>], vector<16xf32>,
      %add3A_583 = arith.addf %parallel_loop3A_564#2, %gather3A_582 : vector<16xf32>
      %broadcast_in_dim3A_584 = arith.constant 3 : i32
      %broadcast_in_dim3A_585 = vector.broadcast %broadcast_in_dim3A_584 : i32 to vector<16xi32>
      %gather3A_586 = tpu.vector_load_idx %arg9[%broadcast_in_dim3A_585, %select_n3A_571] : memref<16x1024xf32, #tpu.memory_space<vmem>>[vector<16xi32>, vector<16xi32>], vector<16xf32>,
      %add3A_587 = arith.addf %parallel_loop3A_564#3, %gather3A_586 : vector<16xf32>
      %broadcast_in_dim3A_588 = arith.constant 4 : i32
      %broadcast_in_dim3A_589 = vector.broadcast %broadcast_in_dim3A_588 : i32 to vector<16xi32>
      %gather3A_590 = tpu.vector_load_idx %arg9[%broadcast_in_dim3A_589, %select_n3A_571] : memref<16x1024xf32, #tpu.memory_space<vmem>>[vector<16xi32>, vector<16xi32>], vector<16xf32>,
      %add3A_591 = arith.addf %parallel_loop3A_564#4, %gather3A_590 : vector<16xf32>
      %broadcast_in_dim3A_592 = arith.constant 5 : i32
      %broadcast_in_dim3A_593 = vector.broadcast %broadcast_in_dim3A_592 : i32 to vector<16xi32>
      %gather3A_594 = tpu.vector_load_idx %arg9[%broadcast_in_dim3A_593, %select_n3A_571] : memref<16x1024xf32, #tpu.memory_space<vmem>>[vector<16xi32>, vector<16xi32>], vector<16xf32>,
      %add3A_595 = arith.addf %parallel_loop3A_564#5, %gather3A_594 : vector<16xf32>
      %broadcast_in_dim3A_596 = arith.constant 6 : i32
      %broadcast_in_dim3A_597 = vector.broadcast %broadcast_in_dim3A_596 : i32 to vector<16xi32>
      %gather3A_598 = tpu.vector_load_idx %arg9[%broadcast_in_dim3A_597, %select_n3A_571] : memref<16x1024xf32, #tpu.memory_space<vmem>>[vector<16xi32>, vector<16xi32>], vector<16xf32>,
      %add3A_599 = arith.addf %parallel_loop3A_564#6, %gather3A_598 : vector<16xf32>
      %broadcast_in_dim3A_600 = arith.constant 7 : i32
      %broadcast_in_dim3A_601 = vector.broadcast %broadcast_in_dim3A_600 : i32 to vector<16xi32>
      %gather3A_602 = tpu.vector_load_idx %arg9[%broadcast_in_dim3A_601, %select_n3A_571] : memref<16x1024xf32, #tpu.memory_space<vmem>>[vector<16xi32>, vector<16xi32>], vector<16xf32>,
      %add3A_603 = arith.addf %parallel_loop3A_564#7, %gather3A_602 : vector<16xf32>
      %broadcast_in_dim3A_604 = arith.constant 8 : i32
      %broadcast_in_dim3A_605 = vector.broadcast %broadcast_in_dim3A_604 : i32 to vector<16xi32>
      %gather3A_606 = tpu.vector_load_idx %arg9[%broadcast_in_dim3A_605, %select_n3A_571] : memref<16x1024xf32, #tpu.memory_space<vmem>>[vector<16xi32>, vector<16xi32>], vector<16xf32>,
      %add3A_607 = arith.addf %parallel_loop3A_564#8, %gather3A_606 : vector<16xf32>
      %broadcast_in_dim3A_608 = arith.constant 9 : i32
      %broadcast_in_dim3A_609 = vector.broadcast %broadcast_in_dim3A_608 : i32 to vector<16xi32>
      %gather3A_610 = tpu.vector_load_idx %arg9[%broadcast_in_dim3A_609, %select_n3A_571] : memref<16x1024xf32, #tpu.memory_space<vmem>>[vector<16xi32>, vector<16xi32>], vector<16xf32>,
      %add3A_611 = arith.addf %parallel_loop3A_564#9, %gather3A_610 : vector<16xf32>
      %broadcast_in_dim3A_612 = arith.constant 10 : i32
      %broadcast_in_dim3A_613 = vector.broadcast %broadcast_in_dim3A_612 : i32 to vector<16xi32>
      %gather3A_614 = tpu.vector_load_idx %arg9[%broadcast_in_dim3A_613, %select_n3A_571] : memref<16x1024xf32, #tpu.memory_space<vmem>>[vector<16xi32>, vector<16xi32>], vector<16xf32>,
      %add3A_615 = arith.addf %parallel_loop3A_564#10, %gather3A_614 : vector<16xf32>
      %broadcast_in_dim3A_616 = arith.constant 11 : i32
      %broadcast_in_dim3A_617 = vector.broadcast %broadcast_in_dim3A_616 : i32 to vector<16xi32>
      %gather3A_618 = tpu.vector_load_idx %arg9[%broadcast_in_dim3A_617, %select_n3A_571] : memref<16x1024xf32, #tpu.memory_space<vmem>>[vector<16xi32>, vector<16xi32>], vector<16xf32>,
      %add3A_619 = arith.addf %parallel_loop3A_564#11, %gather3A_618 : vector<16xf32>
      %broadcast_in_dim3A_620 = arith.constant 12 : i32
      %broadcast_in_dim3A_621 = vector.broadcast %broadcast_in_dim3A_620 : i32 to vector<16xi32>
      %gather3A_622 = tpu.vector_load_idx %arg9[%broadcast_in_dim3A_621, %select_n3A_571] : memref<16x1024xf32, #tpu.memory_space<vmem>>[vector<16xi32>, vector<16xi32>], vector<16xf32>,
      %add3A_623 = arith.addf %parallel_loop3A_564#12, %gather3A_622 : vector<16xf32>
      %broadcast_in_dim3A_624 = arith.constant 13 : i32
      %broadcast_in_dim3A_625 = vector.broadcast %broadcast_in_dim3A_624 : i32 to vector<16xi32>
      %gather3A_626 = tpu.vector_load_idx %arg9[%broadcast_in_dim3A_625, %select_n3A_571] : memref<16x1024xf32, #tpu.memory_space<vmem>>[vector<16xi32>, vector<16xi32>], vector<16xf32>,
      %add3A_627 = arith.addf %parallel_loop3A_564#13, %gather3A_626 : vector<16xf32>
      %broadcast_in_dim3A_628 = arith.constant 14 : i32
      %broadcast_in_dim3A_629 = vector.broadcast %broadcast_in_dim3A_628 : i32 to vector<16xi32>
      %gather3A_630 = tpu.vector_load_idx %arg9[%broadcast_in_dim3A_629, %select_n3A_571] : memref<16x1024xf32, #tpu.memory_space<vmem>>[vector<16xi32>, vector<16xi32>], vector<16xf32>,
      %add3A_631 = arith.addf %parallel_loop3A_564#14, %gather3A_630 : vector<16xf32>
      %broadcast_in_dim3A_632 = arith.constant 15 : i32
      %broadcast_in_dim3A_633 = vector.broadcast %broadcast_in_dim3A_632 : i32 to vector<16xi32>
      %gather3A_634 = tpu.vector_load_idx %arg9[%broadcast_in_dim3A_633, %select_n3A_571] : memref<16x1024xf32, #tpu.memory_space<vmem>>[vector<16xi32>, vector<16xi32>], vector<16xf32>,
      %add3A_635 = arith.addf %parallel_loop3A_564#15, %gather3A_634 : vector<16xf32>
      %swap3A_636 = arith.constant 0 : i32
      %swap3A_637 = arith.index_cast %swap3A_636 : i32 to index
      %swap3A_638 = arith.constant 0 : index
      %swap3A_639 = tpu.vector_load %arg11[%swap3A_637, %swap3A_638] {strides = array<i32>} : memref<16x16xf32, #tpu.memory_space<vmem>>, vector<16xf32>,
      tpu.vector_store %arg11[%swap3A_637, %swap3A_638], %add3A_575 {strides = array<i32>} : memref<16x16xf32, #tpu.memory_space<vmem>>, vector<16xf32>,
      %swap3A_640 = arith.constant 1 : i32
      %swap3A_641 = arith.index_cast %swap3A_640 : i32 to index
      %swap3A_642 = arith.constant 0 : index
      %swap3A_643 = tpu.vector_load %arg11[%swap3A_641, %swap3A_642] {strides = array<i32>} : memref<16x16xf32, #tpu.memory_space<vmem>>, vector<16xf32>,
      tpu.vector_store %arg11[%swap3A_641, %swap3A_642], %add3A_579 {strides = array<i32>} : memref<16x16xf32, #tpu.memory_space<vmem>>, vector<16xf32>,
      %swap3A_644 = arith.constant 2 : i32
      %swap3A_645 = arith.index_cast %swap3A_644 : i32 to index
      %swap3A_646 = arith.constant 0 : index
      %swap3A_647 = tpu.vector_load %arg11[%swap3A_645, %swap3A_646] {strides = array<i32>} : memref<16x16xf32, #tpu.memory_space<vmem>>, vector<16xf32>,
      tpu.vector_store %arg11[%swap3A_645, %swap3A_646], %add3A_583 {strides = array<i32>} : memref<16x16xf32, #tpu.memory_space<vmem>>, vector<16xf32>,
      %swap3A_648 = arith.constant 3 : i32
      %swap3A_649 = arith.index_cast %swap3A_648 : i32 to index
      %swap3A_650 = arith.constant 0 : index
      %swap3A_651 = tpu.vector_load %arg11[%swap3A_649, %swap3A_650] {strides = array<i32>} : memref<16x16xf32, #tpu.memory_space<vmem>>, vector<16xf32>,
      tpu.vector_store %arg11[%swap3A_649, %swap3A_650], %add3A_587 {strides = array<i32>} : memref<16x16xf32, #tpu.memory_space<vmem>>, vector<16xf32>,
      %swap3A_652 = arith.constant 4 : i32
      %swap3A_653 = arith.index_cast %swap3A_652 : i32 to index
      %swap3A_654 = arith.constant 0 : index
      %swap3A_655 = tpu.vector_load %arg11[%swap3A_653, %swap3A_654] {strides = array<i32>} : memref<16x16xf32, #tpu.memory_space<vmem>>, vector<16xf32>,
      tpu.vector_store %arg11[%swap3A_653, %swap3A_654], %add3A_591 {strides = array<i32>} : memref<16x16xf32, #tpu.memory_space<vmem>>, vector<16xf32>,
      %swap3A_656 = arith.constant 5 : i32
      %swap3A_657 = arith.index_cast %swap3A_656 : i32 to index
      %swap3A_658 = arith.constant 0 : index
      %swap3A_659 = tpu.vector_load %arg11[%swap3A_657, %swap3A_658] {strides = array<i32>} : memref<16x16xf32, #tpu.memory_space<vmem>>, vector<16xf32>,
      tpu.vector_store %arg11[%swap3A_657, %swap3A_658], %add3A_595 {strides = array<i32>} : memref<16x16xf32, #tpu.memory_space<vmem>>, vector<16xf32>,
      %swap3A_660 = arith.constant 6 : i32
      %swap3A_661 = arith.index_cast %swap3A_660 : i32 to index
      %swap3A_662 = arith.constant 0 : index
      %swap3A_663 = tpu.vector_load %arg11[%swap3A_661, %swap3A_662] {strides = array<i32>} : memref<16x16xf32, #tpu.memory_space<vmem>>, vector<16xf32>,
      tpu.vector_store %arg11[%swap3A_661, %swap3A_662], %add3A_599 {strides = array<i32>} : memref<16x16xf32, #tpu.memory_space<vmem>>, vector<16xf32>,
      %swap3A_664 = arith.constant 7 : i32
      %swap3A_665 = arith.index_cast %swap3A_664 : i32 to index
      %swap3A_666 = arith.constant 0 : index
      %swap3A_667 = tpu.vector_load %arg11[%swap3A_665, %swap3A_666] {strides = array<i32>} : memref<16x16xf32, #tpu.memory_space<vmem>>, vector<16xf32>,
      tpu.vector_store %arg11[%swap3A_665, %swap3A_666], %add3A_603 {strides = array<i32>} : memref<16x16xf32, #tpu.memory_space<vmem>>, vector<16xf32>,
      %swap3A_668 = arith.constant 8 : i32
      %swap3A_669 = arith.index_cast %swap3A_668 : i32 to index
      %swap3A_670 = arith.constant 0 : index
      %swap3A_671 = tpu.vector_load %arg11[%swap3A_669, %swap3A_670] {strides = array<i32>} : memref<16x16xf32, #tpu.memory_space<vmem>>, vector<16xf32>,
      tpu.vector_store %arg11[%swap3A_669, %swap3A_670], %add3A_607 {strides = array<i32>} : memref<16x16xf32, #tpu.memory_space<vmem>>, vector<16xf32>,
      %swap3A_672 = arith.constant 9 : i32
      %swap3A_673 = arith.index_cast %swap3A_672 : i32 to index
      %swap3A_674 = arith.constant 0 : index
      %swap3A_675 = tpu.vector_load %arg11[%swap3A_673, %swap3A_674] {strides = array<i32>} : memref<16x16xf32, #tpu.memory_space<vmem>>, vector<16xf32>,
      tpu.vector_store %arg11[%swap3A_673, %swap3A_674], %add3A_611 {strides = array<i32>} : memref<16x16xf32, #tpu.memory_space<vmem>>, vector<16xf32>,
      %swap3A_676 = arith.constant 10 : i32
      %swap3A_677 = arith.index_cast %swap3A_676 : i32 to index
      %swap3A_678 = arith.constant 0 : index
      %swap3A_679 = tpu.vector_load %arg11[%swap3A_677, %swap3A_678] {strides = array<i32>} : memref<16x16xf32, #tpu.memory_space<vmem>>, vector<16xf32>,
      tpu.vector_store %arg11[%swap3A_677, %swap3A_678], %add3A_615 {strides = array<i32>} : memref<16x16xf32, #tpu.memory_space<vmem>>, vector<16xf32>,
      %swap3A_680 = arith.constant 11 : i32
      %swap3A_681 = arith.index_cast %swap3A_680 : i32 to index
      %swap3A_682 = arith.constant 0 : index
      %swap3A_683 = tpu.vector_load %arg11[%swap3A_681, %swap3A_682] {strides = array<i32>} : memref<16x16xf32, #tpu.memory_space<vmem>>, vector<16xf32>,
      tpu.vector_store %arg11[%swap3A_681, %swap3A_682], %add3A_619 {strides = array<i32>} : memref<16x16xf32, #tpu.memory_space<vmem>>, vector<16xf32>,
      %swap3A_684 = arith.constant 12 : i32
      %swap3A_685 = arith.index_cast %swap3A_684 : i32 to index
      %swap3A_686 = arith.constant 0 : index
      %swap3A_687 = tpu.vector_load %arg11[%swap3A_685, %swap3A_686] {strides = array<i32>} : memref<16x16xf32, #tpu.memory_space<vmem>>, vector<16xf32>,
      tpu.vector_store %arg11[%swap3A_685, %swap3A_686], %add3A_623 {strides = array<i32>} : memref<16x16xf32, #tpu.memory_space<vmem>>, vector<16xf32>,
      %swap3A_688 = arith.constant 13 : i32
      %swap3A_689 = arith.index_cast %swap3A_688 : i32 to index
      %swap3A_690 = arith.constant 0 : index
      %swap3A_691 = tpu.vector_load %arg11[%swap3A_689, %swap3A_690] {strides = array<i32>} : memref<16x16xf32, #tpu.memory_space<vmem>>, vector<16xf32>,
      tpu.vector_store %arg11[%swap3A_689, %swap3A_690], %add3A_627 {strides = array<i32>} : memref<16x16xf32, #tpu.memory_space<vmem>>, vector<16xf32>,
      %swap3A_692 = arith.constant 14 : i32
      %swap3A_693 = arith.index_cast %swap3A_692 : i32 to index
      %swap3A_694 = arith.constant 0 : index
      %swap3A_695 = tpu.vector_load %arg11[%swap3A_693, %swap3A_694] {strides = array<i32>} : memref<16x16xf32, #tpu.memory_space<vmem>>, vector<16xf32>,
      tpu.vector_store %arg11[%swap3A_693, %swap3A_694], %add3A_631 {strides = array<i32>} : memref<16x16xf32, #tpu.memory_space<vmem>>, vector<16xf32>,
      %swap3A_696 = arith.constant 15 : i32
      %swap3A_697 = arith.index_cast %swap3A_696 : i32 to index
      %swap3A_698 = arith.constant 0 : index
      %swap3A_699 = tpu.vector_load %arg11[%swap3A_697, %swap3A_698] {strides = array<i32>} : memref<16x16xf32, #tpu.memory_space<vmem>>, vector<16xf32>,
      tpu.vector_store %arg11[%swap3A_697, %swap3A_698], %add3A_635 {strides = array<i32>} : memref<16x16xf32, #tpu.memory_space<vmem>>, vector<16xf32>,
      %broadcast_in_dim3A_700 = arith.constant 0.000000e+00 : f32
      %broadcast_in_dim3A_701 = vector.broadcast %broadcast_in_dim3A_700 : f32 to vector<16xf32>
      %broadcast_in_dim3A_702 = arith.constant 0 : i32
      %broadcast_in_dim3A_703 = vector.broadcast %broadcast_in_dim3A_702 : i32 to vector<16xi32>
      %gather3A_704 = tpu.vector_load_idx %arg11[%iota3A, %broadcast_in_dim3A_703] : memref<16x16xf32, #tpu.memory_space<vmem>>[vector<16xi32>, vector<16xi32>], vector<16xf32>,
      %add3A_705 = arith.addf %broadcast_in_dim3A_701, %gather3A_704 : vector<16xf32>
      %broadcast_in_dim3A_706 = arith.constant 1 : i32
      %broadcast_in_dim3A_707 = vector.broadcast %broadcast_in_dim3A_706 : i32 to vector<16xi32>
      %gather3A_708 = tpu.vector_load_idx %arg11[%iota3A, %broadcast_in_dim3A_707] : memref<16x16xf32, #tpu.memory_space<vmem>>[vector<16xi32>, vector<16xi32>], vector<16xf32>,
      %add3A_709 = arith.addf %add3A_705, %gather3A_708 : vector<16xf32>
      %broadcast_in_dim3A_710 = arith.constant 2 : i32
      %broadcast_in_dim3A_711 = vector.broadcast %broadcast_in_dim3A_710 : i32 to vector<16xi32>
      %gather3A_712 = tpu.vector_load_idx %arg11[%iota3A, %broadcast_in_dim3A_711] : memref<16x16xf32, #tpu.memory_space<vmem>>[vector<16xi32>, vector<16xi32>], vector<16xf32>,
      %add3A_713 = arith.addf %add3A_709, %gather3A_712 : vector<16xf32>
      %broadcast_in_dim3A_714 = arith.constant 3 : i32
      %broadcast_in_dim3A_715 = vector.broadcast %broadcast_in_dim3A_714 : i32 to vector<16xi32>
      %gather3A_716 = tpu.vector_load_idx %arg11[%iota3A, %broadcast_in_dim3A_715] : memref<16x16xf32, #tpu.memory_space<vmem>>[vector<16xi32>, vector<16xi32>], vector<16xf32>,
      %add3A_717 = arith.addf %add3A_713, %gather3A_716 : vector<16xf32>
      %broadcast_in_dim3A_718 = arith.constant 4 : i32
      %broadcast_in_dim3A_719 = vector.broadcast %broadcast_in_dim3A_718 : i32 to vector<16xi32>
      %gather3A_720 = tpu.vector_load_idx %arg11[%iota3A, %broadcast_in_dim3A_719] : memref<16x16xf32, #tpu.memory_space<vmem>>[vector<16xi32>, vector<16xi32>], vector<16xf32>,
      %add3A_721 = arith.addf %add3A_717, %gather3A_720 : vector<16xf32>
      %broadcast_in_dim3A_722 = arith.constant 5 : i32
      %broadcast_in_dim3A_723 = vector.broadcast %broadcast_in_dim3A_722 : i32 to vector<16xi32>
      %gather3A_724 = tpu.vector_load_idx %arg11[%iota3A, %broadcast_in_dim3A_723] : memref<16x16xf32, #tpu.memory_space<vmem>>[vector<16xi32>, vector<16xi32>], vector<16xf32>,
      %add3A_725 = arith.addf %add3A_721, %gather3A_724 : vector<16xf32>
      %broadcast_in_dim3A_726 = arith.constant 6 : i32
      %broadcast_in_dim3A_727 = vector.broadcast %broadcast_in_dim3A_726 : i32 to vector<16xi32>
      %gather3A_728 = tpu.vector_load_idx %arg11[%iota3A, %broadcast_in_dim3A_727] : memref<16x16xf32, #tpu.memory_space<vmem>>[vector<16xi32>, vector<16xi32>], vector<16xf32>,
      %add3A_729 = arith.addf %add3A_725, %gather3A_728 : vector<16xf32>
      %broadcast_in_dim3A_730 = arith.constant 7 : i32
      %broadcast_in_dim3A_731 = vector.broadcast %broadcast_in_dim3A_730 : i32 to vector<16xi32>
      %gather3A_732 = tpu.vector_load_idx %arg11[%iota3A, %broadcast_in_dim3A_731] : memref<16x16xf32, #tpu.memory_space<vmem>>[vector<16xi32>, vector<16xi32>], vector<16xf32>,
      %add3A_733 = arith.addf %add3A_729, %gather3A_732 : vector<16xf32>
      %broadcast_in_dim3A_734 = arith.constant 8 : i32
      %broadcast_in_dim3A_735 = vector.broadcast %broadcast_in_dim3A_734 : i32 to vector<16xi32>
      %gather3A_736 = tpu.vector_load_idx %arg11[%iota3A, %broadcast_in_dim3A_735] : memref<16x16xf32, #tpu.memory_space<vmem>>[vector<16xi32>, vector<16xi32>], vector<16xf32>,
      %add3A_737 = arith.addf %add3A_733, %gather3A_736 : vector<16xf32>
      %broadcast_in_dim3A_738 = arith.constant 9 : i32
      %broadcast_in_dim3A_739 = vector.broadcast %broadcast_in_dim3A_738 : i32 to vector<16xi32>
      %gather3A_740 = tpu.vector_load_idx %arg11[%iota3A, %broadcast_in_dim3A_739] : memref<16x16xf32, #tpu.memory_space<vmem>>[vector<16xi32>, vector<16xi32>], vector<16xf32>,
      %add3A_741 = arith.addf %add3A_737, %gather3A_740 : vector<16xf32>
      %broadcast_in_dim3A_742 = arith.constant 10 : i32
      %broadcast_in_dim3A_743 = vector.broadcast %broadcast_in_dim3A_742 : i32 to vector<16xi32>
      %gather3A_744 = tpu.vector_load_idx %arg11[%iota3A, %broadcast_in_dim3A_743] : memref<16x16xf32, #tpu.memory_space<vmem>>[vector<16xi32>, vector<16xi32>], vector<16xf32>,
      %add3A_745 = arith.addf %add3A_741, %gather3A_744 : vector<16xf32>
      %broadcast_in_dim3A_746 = arith.constant 11 : i32
      %broadcast_in_dim3A_747 = vector.broadcast %broadcast_in_dim3A_746 : i32 to vector<16xi32>
      %gather3A_748 = tpu.vector_load_idx %arg11[%iota3A, %broadcast_in_dim3A_747] : memref<16x16xf32, #tpu.memory_space<vmem>>[vector<16xi32>, vector<16xi32>], vector<16xf32>,
      %add3A_749 = arith.addf %add3A_745, %gather3A_748 : vector<16xf32>
      %broadcast_in_dim3A_750 = arith.constant 12 : i32
      %broadcast_in_dim3A_751 = vector.broadcast %broadcast_in_dim3A_750 : i32 to vector<16xi32>
      %gather3A_752 = tpu.vector_load_idx %arg11[%iota3A, %broadcast_in_dim3A_751] : memref<16x16xf32, #tpu.memory_space<vmem>>[vector<16xi32>, vector<16xi32>], vector<16xf32>,
      %add3A_753 = arith.addf %add3A_749, %gather3A_752 : vector<16xf32>
      %broadcast_in_dim3A_754 = arith.constant 13 : i32
      %broadcast_in_dim3A_755 = vector.broadcast %broadcast_in_dim3A_754 : i32 to vector<16xi32>
      %gather3A_756 = tpu.vector_load_idx %arg11[%iota3A, %broadcast_in_dim3A_755] : memref<16x16xf32, #tpu.memory_space<vmem>>[vector<16xi32>, vector<16xi32>], vector<16xf32>,
      %add3A_757 = arith.addf %add3A_753, %gather3A_756 : vector<16xf32>
      %broadcast_in_dim3A_758 = arith.constant 14 : i32
      %broadcast_in_dim3A_759 = vector.broadcast %broadcast_in_dim3A_758 : i32 to vector<16xi32>
      %gather3A_760 = tpu.vector_load_idx %arg11[%iota3A, %broadcast_in_dim3A_759] : memref<16x16xf32, #tpu.memory_space<vmem>>[vector<16xi32>, vector<16xi32>], vector<16xf32>,
      %add3A_761 = arith.addf %add3A_757, %gather3A_760 : vector<16xf32>
      %broadcast_in_dim3A_762 = arith.constant 15 : i32
      %broadcast_in_dim3A_763 = vector.broadcast %broadcast_in_dim3A_762 : i32 to vector<16xi32>
      %gather3A_764 = tpu.vector_load_idx %arg11[%iota3A, %broadcast_in_dim3A_763] : memref<16x16xf32, #tpu.memory_space<vmem>>[vector<16xi32>, vector<16xi32>], vector<16xf32>,
      %add3A_765 = arith.addf %add3A_761, %gather3A_764 : vector<16xf32>
      %mul3A_766 = arith.constant 5.000000e-03 : f32
      %mul3A_767 = vector.broadcast %mul3A_766 : f32 to vector<16xf32>
      %mul3A_768 = arith.mulf %add3A_765, %mul3A_767 : vector<16xf32>
      %swap3A_769 = arith.index_cast %add3A_556 : i32 to index
      %swap3A_770 = arith.constant 64 : index
      %swap3A_771 = tpu.vector_load %arg12[%swap3A_769, %swap3A_770] {strides = array<i32>} : memref<32x80xf32, #tpu.memory_space<vmem>>, vector<16xf32>,
      tpu.vector_store %arg12[%swap3A_769, %swap3A_770], %mul3A_768 {strides = array<i32>} : memref<32x80xf32, #tpu.memory_space<vmem>>, vector<16xf32>,
      %dma_wait3A_772 = arith.constant 1 : i32
      %dma_wait3A_773 = arith.constant 0 : i32
      %dma_wait3A_774 = arith.constant 0 : i32
      %dma_wait3A_775 = tpu.memref_slice %arg10[%dma_wait3A_772, %dma_wait3A_773, %dma_wait3A_774] : memref<2x200x64xf32, #tpu.memory_space<vmem>> -> memref<1x200x64xf32, #tpu.memory_space<vmem>>
      %dma_wait3A_776 = tpu.memref_squeeze %dma_wait3A_775 : memref<1x200x64xf32, #tpu.memory_space<vmem>> -> memref<200x64xf32, #tpu.memory_space<vmem>>
      %dma_wait3A_777 = arith.constant 0 : i32
      %dma_wait3A_778 = arith.constant 0 : i32
      %dma_wait3A_779 = tpu.memref_slice %arg2[%dma_wait3A_777, %dma_wait3A_778] : memref<1000000x64xf32, #tpu.memory_space<hbm>> -> memref<200x64xf32, #tpu.memory_space<hbm>>
      %dma_wait3A_780 = arith.constant 0 : i32
      %dma_wait3A_781 = arith.constant 0 : i32
      %dma_wait3A_782 = tpu.memref_slice %arg10[%dma_wait3A_772, %dma_wait3A_780, %dma_wait3A_781] : memref<2x200x64xf32, #tpu.memory_space<vmem>> -> memref<1x200x64xf32, #tpu.memory_space<vmem>>
      %dma_wait3A_783 = tpu.memref_squeeze %dma_wait3A_782 : memref<1x200x64xf32, #tpu.memory_space<vmem>> -> memref<200x64xf32, #tpu.memory_space<vmem>>
      %dma_wait3A_784 = arith.constant 0 : i32
      %dma_wait3A_785 = arith.constant 0 : i32
      %dma_wait3A_786 = tpu.memref_slice %arg2[%dma_wait3A_784, %dma_wait3A_785] : memref<1000000x64xf32, #tpu.memory_space<hbm>> -> memref<200x64xf32, #tpu.memory_space<hbm>>
      tpu.wait_dma2 semaphore(%arg14 : memref<!tpu.dma_semaphore, #tpu.memory_space<semaphore_mem>>) src(%dma_wait3A_786 : memref<200x64xf32, #tpu.memory_space<hbm>>) dst(%dma_wait3A_783 : memref<200x64xf32, #tpu.memory_space<vmem>>)
      %broadcast_in_dim3A_787 = arith.constant 0.000000e+00 : f32
      %broadcast_in_dim3A_788 = vector.broadcast %broadcast_in_dim3A_787 : f32 to vector<16xf32>
      %parallel_loop3A_789 = arith.constant 0 : i32
      %parallel_loop3A_790 = arith.constant 200 : i32
      %parallel_loop3A_791 = arith.constant 1 : i32
      %parallel_loop3A_792:4 = scf.for %parallel_loop3A_824 = %parallel_loop3A_789 to %parallel_loop3A_790 step %parallel_loop3A_791 iter_args(%parallel_loop3A_825 = %broadcast_in_dim3A_788, %parallel_loop3A_826 = %broadcast_in_dim3A_788, %parallel_loop3A_827 = %broadcast_in_dim3A_788, %parallel_loop3A_828 = %broadcast_in_dim3A_788) -> (vector<16xf32>, vector<16xf32>, vector<16xf32>, vector<16xf32>)  : i32 {
        %parallel_loop3A_829 = arith.constant 1 : i32
        %parallel_loop3A_830 = arith.index_cast %parallel_loop3A_829 : i32 to index
        %parallel_loop3A_831 = arith.index_cast %parallel_loop3A_824 : i32 to index
        %parallel_loop3A_832 = arith.constant 0 : index
        %parallel_loop3A_833 = tpu.vector_load %arg10[%parallel_loop3A_830, %parallel_loop3A_831, %parallel_loop3A_832] {strides = array<i32>} : memref<2x200x64xf32, #tpu.memory_space<vmem>>, vector<16xf32>,
        %parallel_loop3A_834 = arith.addf %parallel_loop3A_825, %parallel_loop3A_833 : vector<16xf32>
        %parallel_loop3A_835 = arith.constant 1 : i32
        %parallel_loop3A_836 = arith.index_cast %parallel_loop3A_835 : i32 to index
        %parallel_loop3A_837 = arith.index_cast %parallel_loop3A_824 : i32 to index
        %parallel_loop3A_838 = arith.constant 16 : index
        %parallel_loop3A_839 = tpu.vector_load %arg10[%parallel_loop3A_836, %parallel_loop3A_837, %parallel_loop3A_838] {strides = array<i32>} : memref<2x200x64xf32, #tpu.memory_space<vmem>>, vector<16xf32>,
        %parallel_loop3A_840 = arith.addf %parallel_loop3A_826, %parallel_loop3A_839 : vector<16xf32>
        %parallel_loop3A_841 = arith.constant 1 : i32
        %parallel_loop3A_842 = arith.index_cast %parallel_loop3A_841 : i32 to index
        %parallel_loop3A_843 = arith.index_cast %parallel_loop3A_824 : i32 to index
        %parallel_loop3A_844 = arith.constant 32 : index
        %parallel_loop3A_845 = tpu.vector_load %arg10[%parallel_loop3A_842, %parallel_loop3A_843, %parallel_loop3A_844] {strides = array<i32>} : memref<2x200x64xf32, #tpu.memory_space<vmem>>, vector<16xf32>,
        %parallel_loop3A_846 = arith.addf %parallel_loop3A_827, %parallel_loop3A_845 : vector<16xf32>
        %parallel_loop3A_847 = arith.constant 1 : i32
        %parallel_loop3A_848 = arith.index_cast %parallel_loop3A_847 : i32 to index
        %parallel_loop3A_849 = arith.index_cast %parallel_loop3A_824 : i32 to index
        %parallel_loop3A_850 = arith.constant 48 : index
        %parallel_loop3A_851 = tpu.vector_load %arg10[%parallel_loop3A_848, %parallel_loop3A_849, %parallel_loop3A_850] {strides = array<i32>} : memref<2x200x64xf32, #tpu.memory_space<vmem>>, vector<16xf32>,
        %parallel_loop3A_852 = arith.addf %parallel_loop3A_828, %parallel_loop3A_851 : vector<16xf32>
        scf.yield %parallel_loop3A_834, %parallel_loop3A_840, %parallel_loop3A_846, %parallel_loop3A_852 : vector<16xf32>, vector<16xf32>, vector<16xf32>, vector<16xf32>
      } {sc.loop_unroll_factor = 8 : i64, sc.parallel_access}
      %mul3A_793 = arith.constant 5.000000e-03 : f32
      %mul3A_794 = vector.broadcast %mul3A_793 : f32 to vector<16xf32>
      %mul3A_795 = arith.mulf %parallel_loop3A_792#0, %mul3A_794 : vector<16xf32>
      %swap3A_796 = arith.index_cast %add3A_556 : i32 to index
      %swap3A_797 = arith.constant 0 : index
      %swap3A_798 = tpu.vector_load %arg12[%swap3A_796, %swap3A_797] {strides = array<i32>} : memref<32x80xf32, #tpu.memory_space<vmem>>, vector<16xf32>,
      tpu.vector_store %arg12[%swap3A_796, %swap3A_797], %mul3A_795 {strides = array<i32>} : memref<32x80xf32, #tpu.memory_space<vmem>>, vector<16xf32>,
      %mul3A_799 = arith.constant 5.000000e-03 : f32
      %mul3A_800 = vector.broadcast %mul3A_799 : f32 to vector<16xf32>
      %mul3A_801 = arith.mulf %parallel_loop3A_792#1, %mul3A_800 : vector<16xf32>
      %swap3A_802 = arith.index_cast %add3A_556 : i32 to index
      %swap3A_803 = arith.constant 16 : index
      %swap3A_804 = tpu.vector_load %arg12[%swap3A_802, %swap3A_803] {strides = array<i32>} : memref<32x80xf32, #tpu.memory_space<vmem>>, vector<16xf32>,
      tpu.vector_store %arg12[%swap3A_802, %swap3A_803], %mul3A_801 {strides = array<i32>} : memref<32x80xf32, #tpu.memory_space<vmem>>, vector<16xf32>,
      %mul3A_805 = arith.constant 5.000000e-03 : f32
      %mul3A_806 = vector.broadcast %mul3A_805 : f32 to vector<16xf32>
      %mul3A_807 = arith.mulf %parallel_loop3A_792#2, %mul3A_806 : vector<16xf32>
      %swap3A_808 = arith.index_cast %add3A_556 : i32 to index
      %swap3A_809 = arith.constant 32 : index
      %swap3A_810 = tpu.vector_load %arg12[%swap3A_808, %swap3A_809] {strides = array<i32>} : memref<32x80xf32, #tpu.memory_space<vmem>>, vector<16xf32>,
      tpu.vector_store %arg12[%swap3A_808, %swap3A_809], %mul3A_807 {strides = array<i32>} : memref<32x80xf32, #tpu.memory_space<vmem>>, vector<16xf32>,
      %mul3A_811 = arith.constant 5.000000e-03 : f32
      %mul3A_812 = vector.broadcast %mul3A_811 : f32 to vector<16xf32>
      %mul3A_813 = arith.mulf %parallel_loop3A_792#3, %mul3A_812 : vector<16xf32>
      %swap3A_814 = arith.index_cast %add3A_556 : i32 to index
      %swap3A_815 = arith.constant 48 : index
      %swap3A_816 = tpu.vector_load %arg12[%swap3A_814, %swap3A_815] {strides = array<i32>} : memref<32x80xf32, #tpu.memory_space<vmem>>, vector<16xf32>,
      tpu.vector_store %arg12[%swap3A_814, %swap3A_815], %mul3A_813 {strides = array<i32>} : memref<32x80xf32, #tpu.memory_space<vmem>>, vector<16xf32>,
      %add3A_817 = arith.constant 2 : i32
      %add3A_818 = arith.addi %add3A_556, %add3A_817 : i32
      %lt3A_819 = arith.constant 32 : i32
      %lt3A_820 = arith.cmpi slt, %add3A_818, %lt3A_819 : i32
      %convert_element_type3A_821 = arith.extui %lt3A_820 : i1 to i32
      %cond3A_822 = arith.constant 0 : i32
      %cond3A_823 = arith.cmpi ne, %convert_element_type3A_821, %cond3A_822 : i32
      scf.if %cond3A_823 {
        %add3A_824 = arith.constant 2 : i32
        %add3A_825 = arith.addi %add3A_556, %add3A_824 : i32
        %mul3A_826 = arith.constant 200 : i32
        %mul3A_827 = arith.muli %add3A_825, %mul3A_826 : i32
        %parallel_loop3A_828 = arith.constant 0 : i32
        %parallel_loop3A_829 = arith.constant 192 : i32
        %parallel_loop3A_830 = arith.constant 16 : i32
        scf.for %parallel_loop3A_955 = %parallel_loop3A_828 to %parallel_loop3A_829 step %parallel_loop3A_830  : i32 {
          %parallel_loop3A_956 = arith.addi %mul3A_827, %parallel_loop3A_955 : i32
          %parallel_loop3A_957 = arith.index_cast %parallel_loop3A_956 : i32 to index
          %parallel_loop3A_958 = tpu.vector_load %arg7[%parallel_loop3A_957] {strides = array<i32>} : memref<6416xi32, #tpu.memory_space<vmem>>, vector<16xi32>,
          %parallel_loop3A_959 = vector.extract_strided_slice %parallel_loop3A_958 {offsets = [0], sizes = [1], strides = [1]} : vector<16xi32> to vector<1xi32>
          %parallel_loop3A_960 = vector.extract %parallel_loop3A_959[0] : i32 from vector<1xi32>
          %parallel_loop3A_961 = arith.constant 0 : i32
          %parallel_loop3A_962 = arith.addi %parallel_loop3A_955, %parallel_loop3A_961 : i32
          %parallel_loop3A_963 = arith.constant 1 : i32
          %parallel_loop3A_964 = arith.constant 0 : i32
          %parallel_loop3A_965 = tpu.memref_slice %arg10[%parallel_loop3A_963, %parallel_loop3A_962, %parallel_loop3A_964] : memref<2x200x64xf32, #tpu.memory_space<vmem>> -> memref<1x1x64xf32, #tpu.memory_space<vmem>>
          %parallel_loop3A_966 = tpu.memref_squeeze %parallel_loop3A_965 : memref<1x1x64xf32, #tpu.memory_space<vmem>> -> memref<1x64xf32, #tpu.memory_space<vmem>>
          %parallel_loop3A_967 = arith.constant 0 : i32
          %parallel_loop3A_968 = tpu.memref_slice %arg2[%parallel_loop3A_960, %parallel_loop3A_967] : memref<1000000x64xf32, #tpu.memory_space<hbm>> -> memref<1x64xf32, #tpu.memory_space<hbm>>
          %parallel_loop3A_969 = arith.constant 0 : i32
          %parallel_loop3A_970 = tpu.memref_slice %arg10[%parallel_loop3A_963, %parallel_loop3A_962, %parallel_loop3A_969] : memref<2x200x64xf32, #tpu.memory_space<vmem>> -> memref<1x1x64xf32, #tpu.memory_space<vmem>>
          %parallel_loop3A_971 = tpu.memref_squeeze %parallel_loop3A_970 : memref<1x1x64xf32, #tpu.memory_space<vmem>> -> memref<1x64xf32, #tpu.memory_space<vmem>>
          %parallel_loop3A_972 = arith.constant 0 : i32
          %parallel_loop3A_973 = tpu.memref_slice %arg2[%parallel_loop3A_960, %parallel_loop3A_972] : memref<1000000x64xf32, #tpu.memory_space<hbm>> -> memref<1x64xf32, #tpu.memory_space<hbm>>
          tpu.enqueue_dma source(%parallel_loop3A_973 : memref<1x64xf32, #tpu.memory_space<hbm>>) target(%parallel_loop3A_971 : memref<1x64xf32, #tpu.memory_space<vmem>>) target_semaphore(%arg14 : memref<!tpu.dma_semaphore, #tpu.memory_space<semaphore_mem>>)
          %parallel_loop3A_974 = vector.extract_strided_slice %parallel_loop3A_958 {offsets = [1], sizes = [1], strides = [1]} : vector<16xi32> to vector<1xi32>
          %parallel_loop3A_975 = vector.extract %parallel_loop3A_974[0] : i32 from vector<1xi32>
          %parallel_loop3A_976 = arith.constant 1 : i32
          %parallel_loop3A_977 = arith.addi %parallel_loop3A_955, %parallel_loop3A_976 : i32
          %parallel_loop3A_978 = arith.constant 1 : i32
          %parallel_loop3A_979 = arith.constant 0 : i32
          %parallel_loop3A_980 = tpu.memref_slice %arg10[%parallel_loop3A_978, %parallel_loop3A_977, %parallel_loop3A_979] : memref<2x200x64xf32, #tpu.memory_space<vmem>> -> memref<1x1x64xf32, #tpu.memory_space<vmem>>
          %parallel_loop3A_981 = tpu.memref_squeeze %parallel_loop3A_980 : memref<1x1x64xf32, #tpu.memory_space<vmem>> -> memref<1x64xf32, #tpu.memory_space<vmem>>
          %parallel_loop3A_982 = arith.constant 0 : i32
          %parallel_loop3A_983 = tpu.memref_slice %arg2[%parallel_loop3A_975, %parallel_loop3A_982] : memref<1000000x64xf32, #tpu.memory_space<hbm>> -> memref<1x64xf32, #tpu.memory_space<hbm>>
          %parallel_loop3A_984 = arith.constant 0 : i32
          %parallel_loop3A_985 = tpu.memref_slice %arg10[%parallel_loop3A_978, %parallel_loop3A_977, %parallel_loop3A_984] : memref<2x200x64xf32, #tpu.memory_space<vmem>> -> memref<1x1x64xf32, #tpu.memory_space<vmem>>
          %parallel_loop3A_986 = tpu.memref_squeeze %parallel_loop3A_985 : memref<1x1x64xf32, #tpu.memory_space<vmem>> -> memref<1x64xf32, #tpu.memory_space<vmem>>
          %parallel_loop3A_987 = arith.constant 0 : i32
          %parallel_loop3A_988 = tpu.memref_slice %arg2[%parallel_loop3A_975, %parallel_loop3A_987] : memref<1000000x64xf32, #tpu.memory_space<hbm>> -> memref<1x64xf32, #tpu.memory_space<hbm>>
          tpu.enqueue_dma source(%parallel_loop3A_988 : memref<1x64xf32, #tpu.memory_space<hbm>>) target(%parallel_loop3A_986 : memref<1x64xf32, #tpu.memory_space<vmem>>) target_semaphore(%arg14 : memref<!tpu.dma_semaphore, #tpu.memory_space<semaphore_mem>>)
          %parallel_loop3A_989 = vector.extract_strided_slice %parallel_loop3A_958 {offsets = [2], sizes = [1], strides = [1]} : vector<16xi32> to vector<1xi32>
          %parallel_loop3A_990 = vector.extract %parallel_loop3A_989[0] : i32 from vector<1xi32>
          %parallel_loop3A_991 = arith.constant 2 : i32
          %parallel_loop3A_992 = arith.addi %parallel_loop3A_955, %parallel_loop3A_991 : i32
          %parallel_loop3A_993 = arith.constant 1 : i32
          %parallel_loop3A_994 = arith.constant 0 : i32
          %parallel_loop3A_995 = tpu.memref_slice %arg10[%parallel_loop3A_993, %parallel_loop3A_992, %parallel_loop3A_994] : memref<2x200x64xf32, #tpu.memory_space<vmem>> -> memref<1x1x64xf32, #tpu.memory_space<vmem>>
          %parallel_loop3A_996 = tpu.memref_squeeze %parallel_loop3A_995 : memref<1x1x64xf32, #tpu.memory_space<vmem>> -> memref<1x64xf32, #tpu.memory_space<vmem>>
          %parallel_loop3A_997 = arith.constant 0 : i32
          %parallel_loop3A_998 = tpu.memref_slice %arg2[%parallel_loop3A_990, %parallel_loop3A_997] : memref<1000000x64xf32, #tpu.memory_space<hbm>> -> memref<1x64xf32, #tpu.memory_space<hbm>>
          %parallel_loop3A_999 = arith.constant 0 : i32
          %parallel_loop3A_1000 = tpu.memref_slice %arg10[%parallel_loop3A_993, %parallel_loop3A_992, %parallel_loop3A_999] : memref<2x200x64xf32, #tpu.memory_space<vmem>> -> memref<1x1x64xf32, #tpu.memory_space<vmem>>
          %parallel_loop3A_1001 = tpu.memref_squeeze %parallel_loop3A_1000 : memref<1x1x64xf32, #tpu.memory_space<vmem>> -> memref<1x64xf32, #tpu.memory_space<vmem>>
          %parallel_loop3A_1002 = arith.constant 0 : i32
          %parallel_loop3A_1003 = tpu.memref_slice %arg2[%parallel_loop3A_990, %parallel_loop3A_1002] : memref<1000000x64xf32, #tpu.memory_space<hbm>> -> memref<1x64xf32, #tpu.memory_space<hbm>>
          tpu.enqueue_dma source(%parallel_loop3A_1003 : memref<1x64xf32, #tpu.memory_space<hbm>>) target(%parallel_loop3A_1001 : memref<1x64xf32, #tpu.memory_space<vmem>>) target_semaphore(%arg14 : memref<!tpu.dma_semaphore, #tpu.memory_space<semaphore_mem>>)
          %parallel_loop3A_1004 = vector.extract_strided_slice %parallel_loop3A_958 {offsets = [3], sizes = [1], strides = [1]} : vector<16xi32> to vector<1xi32>
          %parallel_loop3A_1005 = vector.extract %parallel_loop3A_1004[0] : i32 from vector<1xi32>
          %parallel_loop3A_1006 = arith.constant 3 : i32
          %parallel_loop3A_1007 = arith.addi %parallel_loop3A_955, %parallel_loop3A_1006 : i32
          %parallel_loop3A_1008 = arith.constant 1 : i32
          %parallel_loop3A_1009 = arith.constant 0 : i32
          %parallel_loop3A_1010 = tpu.memref_slice %arg10[%parallel_loop3A_1008, %parallel_loop3A_1007, %parallel_loop3A_1009] : memref<2x200x64xf32, #tpu.memory_space<vmem>> -> memref<1x1x64xf32, #tpu.memory_space<vmem>>
          %parallel_loop3A_1011 = tpu.memref_squeeze %parallel_loop3A_1010 : memref<1x1x64xf32, #tpu.memory_space<vmem>> -> memref<1x64xf32, #tpu.memory_space<vmem>>
          %parallel_loop3A_1012 = arith.constant 0 : i32
          %parallel_loop3A_1013 = tpu.memref_slice %arg2[%parallel_loop3A_1005, %parallel_loop3A_1012] : memref<1000000x64xf32, #tpu.memory_space<hbm>> -> memref<1x64xf32, #tpu.memory_space<hbm>>
          %parallel_loop3A_1014 = arith.constant 0 : i32
          %parallel_loop3A_1015 = tpu.memref_slice %arg10[%parallel_loop3A_1008, %parallel_loop3A_1007, %parallel_loop3A_1014] : memref<2x200x64xf32, #tpu.memory_space<vmem>> -> memref<1x1x64xf32, #tpu.memory_space<vmem>>
          %parallel_loop3A_1016 = tpu.memref_squeeze %parallel_loop3A_1015 : memref<1x1x64xf32, #tpu.memory_space<vmem>> -> memref<1x64xf32, #tpu.memory_space<vmem>>
          %parallel_loop3A_1017 = arith.constant 0 : i32
          %parallel_loop3A_1018 = tpu.memref_slice %arg2[%parallel_loop3A_1005, %parallel_loop3A_1017] : memref<1000000x64xf32, #tpu.memory_space<hbm>> -> memref<1x64xf32, #tpu.memory_space<hbm>>
          tpu.enqueue_dma source(%parallel_loop3A_1018 : memref<1x64xf32, #tpu.memory_space<hbm>>) target(%parallel_loop3A_1016 : memref<1x64xf32, #tpu.memory_space<vmem>>) target_semaphore(%arg14 : memref<!tpu.dma_semaphore, #tpu.memory_space<semaphore_mem>>)
          %parallel_loop3A_1019 = vector.extract_strided_slice %parallel_loop3A_958 {offsets = [4], sizes = [1], strides = [1]} : vector<16xi32> to vector<1xi32>
          %parallel_loop3A_1020 = vector.extract %parallel_loop3A_1019[0] : i32 from vector<1xi32>
          %parallel_loop3A_1021 = arith.constant 4 : i32
          %parallel_loop3A_1022 = arith.addi %parallel_loop3A_955, %parallel_loop3A_1021 : i32
          %parallel_loop3A_1023 = arith.constant 1 : i32
          %parallel_loop3A_1024 = arith.constant 0 : i32
          %parallel_loop3A_1025 = tpu.memref_slice %arg10[%parallel_loop3A_1023, %parallel_loop3A_1022, %parallel_loop3A_1024] : memref<2x200x64xf32, #tpu.memory_space<vmem>> -> memref<1x1x64xf32, #tpu.memory_space<vmem>>
          %parallel_loop3A_1026 = tpu.memref_squeeze %parallel_loop3A_1025 : memref<1x1x64xf32, #tpu.memory_space<vmem>> -> memref<1x64xf32, #tpu.memory_space<vmem>>
          %parallel_loop3A_1027 = arith.constant 0 : i32
          %parallel_loop3A_1028 = tpu.memref_slice %arg2[%parallel_loop3A_1020, %parallel_loop3A_1027] : memref<1000000x64xf32, #tpu.memory_space<hbm>> -> memref<1x64xf32, #tpu.memory_space<hbm>>
          %parallel_loop3A_1029 = arith.constant 0 : i32
          %parallel_loop3A_1030 = tpu.memref_slice %arg10[%parallel_loop3A_1023, %parallel_loop3A_1022, %parallel_loop3A_1029] : memref<2x200x64xf32, #tpu.memory_space<vmem>> -> memref<1x1x64xf32, #tpu.memory_space<vmem>>
          %parallel_loop3A_1031 = tpu.memref_squeeze %parallel_loop3A_1030 : memref<1x1x64xf32, #tpu.memory_space<vmem>> -> memref<1x64xf32, #tpu.memory_space<vmem>>
          %parallel_loop3A_1032 = arith.constant 0 : i32
          %parallel_loop3A_1033 = tpu.memref_slice %arg2[%parallel_loop3A_1020, %parallel_loop3A_1032] : memref<1000000x64xf32, #tpu.memory_space<hbm>> -> memref<1x64xf32, #tpu.memory_space<hbm>>
          tpu.enqueue_dma source(%parallel_loop3A_1033 : memref<1x64xf32, #tpu.memory_space<hbm>>) target(%parallel_loop3A_1031 : memref<1x64xf32, #tpu.memory_space<vmem>>) target_semaphore(%arg14 : memref<!tpu.dma_semaphore, #tpu.memory_space<semaphore_mem>>)
          %parallel_loop3A_1034 = vector.extract_strided_slice %parallel_loop3A_958 {offsets = [5], sizes = [1], strides = [1]} : vector<16xi32> to vector<1xi32>
          %parallel_loop3A_1035 = vector.extract %parallel_loop3A_1034[0] : i32 from vector<1xi32>
          %parallel_loop3A_1036 = arith.constant 5 : i32
          %parallel_loop3A_1037 = arith.addi %parallel_loop3A_955, %parallel_loop3A_1036 : i32
          %parallel_loop3A_1038 = arith.constant 1 : i32
          %parallel_loop3A_1039 = arith.constant 0 : i32
          %parallel_loop3A_1040 = tpu.memref_slice %arg10[%parallel_loop3A_1038, %parallel_loop3A_1037, %parallel_loop3A_1039] : memref<2x200x64xf32, #tpu.memory_space<vmem>> -> memref<1x1x64xf32, #tpu.memory_space<vmem>>
          %parallel_loop3A_1041 = tpu.memref_squeeze %parallel_loop3A_1040 : memref<1x1x64xf32, #tpu.memory_space<vmem>> -> memref<1x64xf32, #tpu.memory_space<vmem>>
          %parallel_loop3A_1042 = arith.constant 0 : i32
          %parallel_loop3A_1043 = tpu.memref_slice %arg2[%parallel_loop3A_1035, %parallel_loop3A_1042] : memref<1000000x64xf32, #tpu.memory_space<hbm>> -> memref<1x64xf32, #tpu.memory_space<hbm>>
          %parallel_loop3A_1044 = arith.constant 0 : i32
          %parallel_loop3A_1045 = tpu.memref_slice %arg10[%parallel_loop3A_1038, %parallel_loop3A_1037, %parallel_loop3A_1044] : memref<2x200x64xf32, #tpu.memory_space<vmem>> -> memref<1x1x64xf32, #tpu.memory_space<vmem>>
          %parallel_loop3A_1046 = tpu.memref_squeeze %parallel_loop3A_1045 : memref<1x1x64xf32, #tpu.memory_space<vmem>> -> memref<1x64xf32, #tpu.memory_space<vmem>>
          %parallel_loop3A_1047 = arith.constant 0 : i32
          %parallel_loop3A_1048 = tpu.memref_slice %arg2[%parallel_loop3A_1035, %parallel_loop3A_1047] : memref<1000000x64xf32, #tpu.memory_space<hbm>> -> memref<1x64xf32, #tpu.memory_space<hbm>>
          tpu.enqueue_dma source(%parallel_loop3A_1048 : memref<1x64xf32, #tpu.memory_space<hbm>>) target(%parallel_loop3A_1046 : memref<1x64xf32, #tpu.memory_space<vmem>>) target_semaphore(%arg14 : memref<!tpu.dma_semaphore, #tpu.memory_space<semaphore_mem>>)
          %parallel_loop3A_1049 = vector.extract_strided_slice %parallel_loop3A_958 {offsets = [6], sizes = [1], strides = [1]} : vector<16xi32> to vector<1xi32>
          %parallel_loop3A_1050 = vector.extract %parallel_loop3A_1049[0] : i32 from vector<1xi32>
          %parallel_loop3A_1051 = arith.constant 6 : i32
          %parallel_loop3A_1052 = arith.addi %parallel_loop3A_955, %parallel_loop3A_1051 : i32
          %parallel_loop3A_1053 = arith.constant 1 : i32
          %parallel_loop3A_1054 = arith.constant 0 : i32
          %parallel_loop3A_1055 = tpu.memref_slice %arg10[%parallel_loop3A_1053, %parallel_loop3A_1052, %parallel_loop3A_1054] : memref<2x200x64xf32, #tpu.memory_space<vmem>> -> memref<1x1x64xf32, #tpu.memory_space<vmem>>
          %parallel_loop3A_1056 = tpu.memref_squeeze %parallel_loop3A_1055 : memref<1x1x64xf32, #tpu.memory_space<vmem>> -> memref<1x64xf32, #tpu.memory_space<vmem>>
          %parallel_loop3A_1057 = arith.constant 0 : i32
          %parallel_loop3A_1058 = tpu.memref_slice %arg2[%parallel_loop3A_1050, %parallel_loop3A_1057] : memref<1000000x64xf32, #tpu.memory_space<hbm>> -> memref<1x64xf32, #tpu.memory_space<hbm>>
          %parallel_loop3A_1059 = arith.constant 0 : i32
          %parallel_loop3A_1060 = tpu.memref_slice %arg10[%parallel_loop3A_1053, %parallel_loop3A_1052, %parallel_loop3A_1059] : memref<2x200x64xf32, #tpu.memory_space<vmem>> -> memref<1x1x64xf32, #tpu.memory_space<vmem>>
          %parallel_loop3A_1061 = tpu.memref_squeeze %parallel_loop3A_1060 : memref<1x1x64xf32, #tpu.memory_space<vmem>> -> memref<1x64xf32, #tpu.memory_space<vmem>>
          %parallel_loop3A_1062 = arith.constant 0 : i32
          %parallel_loop3A_1063 = tpu.memref_slice %arg2[%parallel_loop3A_1050, %parallel_loop3A_1062] : memref<1000000x64xf32, #tpu.memory_space<hbm>> -> memref<1x64xf32, #tpu.memory_space<hbm>>
          tpu.enqueue_dma source(%parallel_loop3A_1063 : memref<1x64xf32, #tpu.memory_space<hbm>>) target(%parallel_loop3A_1061 : memref<1x64xf32, #tpu.memory_space<vmem>>) target_semaphore(%arg14 : memref<!tpu.dma_semaphore, #tpu.memory_space<semaphore_mem>>)
          %parallel_loop3A_1064 = vector.extract_strided_slice %parallel_loop3A_958 {offsets = [7], sizes = [1], strides = [1]} : vector<16xi32> to vector<1xi32>
          %parallel_loop3A_1065 = vector.extract %parallel_loop3A_1064[0] : i32 from vector<1xi32>
          %parallel_loop3A_1066 = arith.constant 7 : i32
          %parallel_loop3A_1067 = arith.addi %parallel_loop3A_955, %parallel_loop3A_1066 : i32
          %parallel_loop3A_1068 = arith.constant 1 : i32
          %parallel_loop3A_1069 = arith.constant 0 : i32
          %parallel_loop3A_1070 = tpu.memref_slice %arg10[%parallel_loop3A_1068, %parallel_loop3A_1067, %parallel_loop3A_1069] : memref<2x200x64xf32, #tpu.memory_space<vmem>> -> memref<1x1x64xf32, #tpu.memory_space<vmem>>
          %parallel_loop3A_1071 = tpu.memref_squeeze %parallel_loop3A_1070 : memref<1x1x64xf32, #tpu.memory_space<vmem>> -> memref<1x64xf32, #tpu.memory_space<vmem>>
          %parallel_loop3A_1072 = arith.constant 0 : i32
          %parallel_loop3A_1073 = tpu.memref_slice %arg2[%parallel_loop3A_1065, %parallel_loop3A_1072] : memref<1000000x64xf32, #tpu.memory_space<hbm>> -> memref<1x64xf32, #tpu.memory_space<hbm>>
          %parallel_loop3A_1074 = arith.constant 0 : i32
          %parallel_loop3A_1075 = tpu.memref_slice %arg10[%parallel_loop3A_1068, %parallel_loop3A_1067, %parallel_loop3A_1074] : memref<2x200x64xf32, #tpu.memory_space<vmem>> -> memref<1x1x64xf32, #tpu.memory_space<vmem>>
          %parallel_loop3A_1076 = tpu.memref_squeeze %parallel_loop3A_1075 : memref<1x1x64xf32, #tpu.memory_space<vmem>> -> memref<1x64xf32, #tpu.memory_space<vmem>>
          %parallel_loop3A_1077 = arith.constant 0 : i32
          %parallel_loop3A_1078 = tpu.memref_slice %arg2[%parallel_loop3A_1065, %parallel_loop3A_1077] : memref<1000000x64xf32, #tpu.memory_space<hbm>> -> memref<1x64xf32, #tpu.memory_space<hbm>>
          tpu.enqueue_dma source(%parallel_loop3A_1078 : memref<1x64xf32, #tpu.memory_space<hbm>>) target(%parallel_loop3A_1076 : memref<1x64xf32, #tpu.memory_space<vmem>>) target_semaphore(%arg14 : memref<!tpu.dma_semaphore, #tpu.memory_space<semaphore_mem>>)
          %parallel_loop3A_1079 = vector.extract_strided_slice %parallel_loop3A_958 {offsets = [8], sizes = [1], strides = [1]} : vector<16xi32> to vector<1xi32>
          %parallel_loop3A_1080 = vector.extract %parallel_loop3A_1079[0] : i32 from vector<1xi32>
          %parallel_loop3A_1081 = arith.constant 8 : i32
          %parallel_loop3A_1082 = arith.addi %parallel_loop3A_955, %parallel_loop3A_1081 : i32
          %parallel_loop3A_1083 = arith.constant 1 : i32
          %parallel_loop3A_1084 = arith.constant 0 : i32
          %parallel_loop3A_1085 = tpu.memref_slice %arg10[%parallel_loop3A_1083, %parallel_loop3A_1082, %parallel_loop3A_1084] : memref<2x200x64xf32, #tpu.memory_space<vmem>> -> memref<1x1x64xf32, #tpu.memory_space<vmem>>
          %parallel_loop3A_1086 = tpu.memref_squeeze %parallel_loop3A_1085 : memref<1x1x64xf32, #tpu.memory_space<vmem>> -> memref<1x64xf32, #tpu.memory_space<vmem>>
          %parallel_loop3A_1087 = arith.constant 0 : i32
          %parallel_loop3A_1088 = tpu.memref_slice %arg2[%parallel_loop3A_1080, %parallel_loop3A_1087] : memref<1000000x64xf32, #tpu.memory_space<hbm>> -> memref<1x64xf32, #tpu.memory_space<hbm>>
          %parallel_loop3A_1089 = arith.constant 0 : i32
          %parallel_loop3A_1090 = tpu.memref_slice %arg10[%parallel_loop3A_1083, %parallel_loop3A_1082, %parallel_loop3A_1089] : memref<2x200x64xf32, #tpu.memory_space<vmem>> -> memref<1x1x64xf32, #tpu.memory_space<vmem>>
          %parallel_loop3A_1091 = tpu.memref_squeeze %parallel_loop3A_1090 : memref<1x1x64xf32, #tpu.memory_space<vmem>> -> memref<1x64xf32, #tpu.memory_space<vmem>>
          %parallel_loop3A_1092 = arith.constant 0 : i32
          %parallel_loop3A_1093 = tpu.memref_slice %arg2[%parallel_loop3A_1080, %parallel_loop3A_1092] : memref<1000000x64xf32, #tpu.memory_space<hbm>> -> memref<1x64xf32, #tpu.memory_space<hbm>>
          tpu.enqueue_dma source(%parallel_loop3A_1093 : memref<1x64xf32, #tpu.memory_space<hbm>>) target(%parallel_loop3A_1091 : memref<1x64xf32, #tpu.memory_space<vmem>>) target_semaphore(%arg14 : memref<!tpu.dma_semaphore, #tpu.memory_space<semaphore_mem>>)
          %parallel_loop3A_1094 = vector.extract_strided_slice %parallel_loop3A_958 {offsets = [9], sizes = [1], strides = [1]} : vector<16xi32> to vector<1xi32>
          %parallel_loop3A_1095 = vector.extract %parallel_loop3A_1094[0] : i32 from vector<1xi32>
          %parallel_loop3A_1096 = arith.constant 9 : i32
          %parallel_loop3A_1097 = arith.addi %parallel_loop3A_955, %parallel_loop3A_1096 : i32
          %parallel_loop3A_1098 = arith.constant 1 : i32
          %parallel_loop3A_1099 = arith.constant 0 : i32
          %parallel_loop3A_1100 = tpu.memref_slice %arg10[%parallel_loop3A_1098, %parallel_loop3A_1097, %parallel_loop3A_1099] : memref<2x200x64xf32, #tpu.memory_space<vmem>> -> memref<1x1x64xf32, #tpu.memory_space<vmem>>
          %parallel_loop3A_1101 = tpu.memref_squeeze %parallel_loop3A_1100 : memref<1x1x64xf32, #tpu.memory_space<vmem>> -> memref<1x64xf32, #tpu.memory_space<vmem>>
          %parallel_loop3A_1102 = arith.constant 0 : i32
          %parallel_loop3A_1103 = tpu.memref_slice %arg2[%parallel_loop3A_1095, %parallel_loop3A_1102] : memref<1000000x64xf32, #tpu.memory_space<hbm>> -> memref<1x64xf32, #tpu.memory_space<hbm>>
          %parallel_loop3A_1104 = arith.constant 0 : i32
          %parallel_loop3A_1105 = tpu.memref_slice %arg10[%parallel_loop3A_1098, %parallel_loop3A_1097, %parallel_loop3A_1104] : memref<2x200x64xf32, #tpu.memory_space<vmem>> -> memref<1x1x64xf32, #tpu.memory_space<vmem>>
          %parallel_loop3A_1106 = tpu.memref_squeeze %parallel_loop3A_1105 : memref<1x1x64xf32, #tpu.memory_space<vmem>> -> memref<1x64xf32, #tpu.memory_space<vmem>>
          %parallel_loop3A_1107 = arith.constant 0 : i32
          %parallel_loop3A_1108 = tpu.memref_slice %arg2[%parallel_loop3A_1095, %parallel_loop3A_1107] : memref<1000000x64xf32, #tpu.memory_space<hbm>> -> memref<1x64xf32, #tpu.memory_space<hbm>>
          tpu.enqueue_dma source(%parallel_loop3A_1108 : memref<1x64xf32, #tpu.memory_space<hbm>>) target(%parallel_loop3A_1106 : memref<1x64xf32, #tpu.memory_space<vmem>>) target_semaphore(%arg14 : memref<!tpu.dma_semaphore, #tpu.memory_space<semaphore_mem>>)
          %parallel_loop3A_1109 = vector.extract_strided_slice %parallel_loop3A_958 {offsets = [10], sizes = [1], strides = [1]} : vector<16xi32> to vector<1xi32>
          %parallel_loop3A_1110 = vector.extract %parallel_loop3A_1109[0] : i32 from vector<1xi32>
          %parallel_loop3A_1111 = arith.constant 10 : i32
          %parallel_loop3A_1112 = arith.addi %parallel_loop3A_955, %parallel_loop3A_1111 : i32
          %parallel_loop3A_1113 = arith.constant 1 : i32
          %parallel_loop3A_1114 = arith.constant 0 : i32
          %parallel_loop3A_1115 = tpu.memref_slice %arg10[%parallel_loop3A_1113, %parallel_loop3A_1112, %parallel_loop3A_1114] : memref<2x200x64xf32, #tpu.memory_space<vmem>> -> memref<1x1x64xf32, #tpu.memory_space<vmem>>
          %parallel_loop3A_1116 = tpu.memref_squeeze %parallel_loop3A_1115 : memref<1x1x64xf32, #tpu.memory_space<vmem>> -> memref<1x64xf32, #tpu.memory_space<vmem>>
          %parallel_loop3A_1117 = arith.constant 0 : i32
          %parallel_loop3A_1118 = tpu.memref_slice %arg2[%parallel_loop3A_1110, %parallel_loop3A_1117] : memref<1000000x64xf32, #tpu.memory_space<hbm>> -> memref<1x64xf32, #tpu.memory_space<hbm>>
          %parallel_loop3A_1119 = arith.constant 0 : i32
          %parallel_loop3A_1120 = tpu.memref_slice %arg10[%parallel_loop3A_1113, %parallel_loop3A_1112, %parallel_loop3A_1119] : memref<2x200x64xf32, #tpu.memory_space<vmem>> -> memref<1x1x64xf32, #tpu.memory_space<vmem>>
          %parallel_loop3A_1121 = tpu.memref_squeeze %parallel_loop3A_1120 : memref<1x1x64xf32, #tpu.memory_space<vmem>> -> memref<1x64xf32, #tpu.memory_space<vmem>>
          %parallel_loop3A_1122 = arith.constant 0 : i32
          %parallel_loop3A_1123 = tpu.memref_slice %arg2[%parallel_loop3A_1110, %parallel_loop3A_1122] : memref<1000000x64xf32, #tpu.memory_space<hbm>> -> memref<1x64xf32, #tpu.memory_space<hbm>>
          tpu.enqueue_dma source(%parallel_loop3A_1123 : memref<1x64xf32, #tpu.memory_space<hbm>>) target(%parallel_loop3A_1121 : memref<1x64xf32, #tpu.memory_space<vmem>>) target_semaphore(%arg14 : memref<!tpu.dma_semaphore, #tpu.memory_space<semaphore_mem>>)
          %parallel_loop3A_1124 = vector.extract_strided_slice %parallel_loop3A_958 {offsets = [11], sizes = [1], strides = [1]} : vector<16xi32> to vector<1xi32>
          %parallel_loop3A_1125 = vector.extract %parallel_loop3A_1124[0] : i32 from vector<1xi32>
          %parallel_loop3A_1126 = arith.constant 11 : i32
          %parallel_loop3A_1127 = arith.addi %parallel_loop3A_955, %parallel_loop3A_1126 : i32
          %parallel_loop3A_1128 = arith.constant 1 : i32
          %parallel_loop3A_1129 = arith.constant 0 : i32
          %parallel_loop3A_1130 = tpu.memref_slice %arg10[%parallel_loop3A_1128, %parallel_loop3A_1127, %parallel_loop3A_1129] : memref<2x200x64xf32, #tpu.memory_space<vmem>> -> memref<1x1x64xf32, #tpu.memory_space<vmem>>
          %parallel_loop3A_1131 = tpu.memref_squeeze %parallel_loop3A_1130 : memref<1x1x64xf32, #tpu.memory_space<vmem>> -> memref<1x64xf32, #tpu.memory_space<vmem>>
          %parallel_loop3A_1132 = arith.constant 0 : i32
          %parallel_loop3A_1133 = tpu.memref_slice %arg2[%parallel_loop3A_1125, %parallel_loop3A_1132] : memref<1000000x64xf32, #tpu.memory_space<hbm>> -> memref<1x64xf32, #tpu.memory_space<hbm>>
          %parallel_loop3A_1134 = arith.constant 0 : i32
          %parallel_loop3A_1135 = tpu.memref_slice %arg10[%parallel_loop3A_1128, %parallel_loop3A_1127, %parallel_loop3A_1134] : memref<2x200x64xf32, #tpu.memory_space<vmem>> -> memref<1x1x64xf32, #tpu.memory_space<vmem>>
          %parallel_loop3A_1136 = tpu.memref_squeeze %parallel_loop3A_1135 : memref<1x1x64xf32, #tpu.memory_space<vmem>> -> memref<1x64xf32, #tpu.memory_space<vmem>>
          %parallel_loop3A_1137 = arith.constant 0 : i32
          %parallel_loop3A_1138 = tpu.memref_slice %arg2[%parallel_loop3A_1125, %parallel_loop3A_1137] : memref<1000000x64xf32, #tpu.memory_space<hbm>> -> memref<1x64xf32, #tpu.memory_space<hbm>>
          tpu.enqueue_dma source(%parallel_loop3A_1138 : memref<1x64xf32, #tpu.memory_space<hbm>>) target(%parallel_loop3A_1136 : memref<1x64xf32, #tpu.memory_space<vmem>>) target_semaphore(%arg14 : memref<!tpu.dma_semaphore, #tpu.memory_space<semaphore_mem>>)
          %parallel_loop3A_1139 = vector.extract_strided_slice %parallel_loop3A_958 {offsets = [12], sizes = [1], strides = [1]} : vector<16xi32> to vector<1xi32>
          %parallel_loop3A_1140 = vector.extract %parallel_loop3A_1139[0] : i32 from vector<1xi32>
          %parallel_loop3A_1141 = arith.constant 12 : i32
          %parallel_loop3A_1142 = arith.addi %parallel_loop3A_955, %parallel_loop3A_1141 : i32
          %parallel_loop3A_1143 = arith.constant 1 : i32
          %parallel_loop3A_1144 = arith.constant 0 : i32
          %parallel_loop3A_1145 = tpu.memref_slice %arg10[%parallel_loop3A_1143, %parallel_loop3A_1142, %parallel_loop3A_1144] : memref<2x200x64xf32, #tpu.memory_space<vmem>> -> memref<1x1x64xf32, #tpu.memory_space<vmem>>
          %parallel_loop3A_1146 = tpu.memref_squeeze %parallel_loop3A_1145 : memref<1x1x64xf32, #tpu.memory_space<vmem>> -> memref<1x64xf32, #tpu.memory_space<vmem>>
          %parallel_loop3A_1147 = arith.constant 0 : i32
          %parallel_loop3A_1148 = tpu.memref_slice %arg2[%parallel_loop3A_1140, %parallel_loop3A_1147] : memref<1000000x64xf32, #tpu.memory_space<hbm>> -> memref<1x64xf32, #tpu.memory_space<hbm>>
          %parallel_loop3A_1149 = arith.constant 0 : i32
          %parallel_loop3A_1150 = tpu.memref_slice %arg10[%parallel_loop3A_1143, %parallel_loop3A_1142, %parallel_loop3A_1149] : memref<2x200x64xf32, #tpu.memory_space<vmem>> -> memref<1x1x64xf32, #tpu.memory_space<vmem>>
          %parallel_loop3A_1151 = tpu.memref_squeeze %parallel_loop3A_1150 : memref<1x1x64xf32, #tpu.memory_space<vmem>> -> memref<1x64xf32, #tpu.memory_space<vmem>>
          %parallel_loop3A_1152 = arith.constant 0 : i32
          %parallel_loop3A_1153 = tpu.memref_slice %arg2[%parallel_loop3A_1140, %parallel_loop3A_1152] : memref<1000000x64xf32, #tpu.memory_space<hbm>> -> memref<1x64xf32, #tpu.memory_space<hbm>>
          tpu.enqueue_dma source(%parallel_loop3A_1153 : memref<1x64xf32, #tpu.memory_space<hbm>>) target(%parallel_loop3A_1151 : memref<1x64xf32, #tpu.memory_space<vmem>>) target_semaphore(%arg14 : memref<!tpu.dma_semaphore, #tpu.memory_space<semaphore_mem>>)
          %parallel_loop3A_1154 = vector.extract_strided_slice %parallel_loop3A_958 {offsets = [13], sizes = [1], strides = [1]} : vector<16xi32> to vector<1xi32>
          %parallel_loop3A_1155 = vector.extract %parallel_loop3A_1154[0] : i32 from vector<1xi32>
          %parallel_loop3A_1156 = arith.constant 13 : i32
          %parallel_loop3A_1157 = arith.addi %parallel_loop3A_955, %parallel_loop3A_1156 : i32
          %parallel_loop3A_1158 = arith.constant 1 : i32
          %parallel_loop3A_1159 = arith.constant 0 : i32
          %parallel_loop3A_1160 = tpu.memref_slice %arg10[%parallel_loop3A_1158, %parallel_loop3A_1157, %parallel_loop3A_1159] : memref<2x200x64xf32, #tpu.memory_space<vmem>> -> memref<1x1x64xf32, #tpu.memory_space<vmem>>
          %parallel_loop3A_1161 = tpu.memref_squeeze %parallel_loop3A_1160 : memref<1x1x64xf32, #tpu.memory_space<vmem>> -> memref<1x64xf32, #tpu.memory_space<vmem>>
          %parallel_loop3A_1162 = arith.constant 0 : i32
          %parallel_loop3A_1163 = tpu.memref_slice %arg2[%parallel_loop3A_1155, %parallel_loop3A_1162] : memref<1000000x64xf32, #tpu.memory_space<hbm>> -> memref<1x64xf32, #tpu.memory_space<hbm>>
          %parallel_loop3A_1164 = arith.constant 0 : i32
          %parallel_loop3A_1165 = tpu.memref_slice %arg10[%parallel_loop3A_1158, %parallel_loop3A_1157, %parallel_loop3A_1164] : memref<2x200x64xf32, #tpu.memory_space<vmem>> -> memref<1x1x64xf32, #tpu.memory_space<vmem>>
          %parallel_loop3A_1166 = tpu.memref_squeeze %parallel_loop3A_1165 : memref<1x1x64xf32, #tpu.memory_space<vmem>> -> memref<1x64xf32, #tpu.memory_space<vmem>>
          %parallel_loop3A_1167 = arith.constant 0 : i32
          %parallel_loop3A_1168 = tpu.memref_slice %arg2[%parallel_loop3A_1155, %parallel_loop3A_1167] : memref<1000000x64xf32, #tpu.memory_space<hbm>> -> memref<1x64xf32, #tpu.memory_space<hbm>>
          tpu.enqueue_dma source(%parallel_loop3A_1168 : memref<1x64xf32, #tpu.memory_space<hbm>>) target(%parallel_loop3A_1166 : memref<1x64xf32, #tpu.memory_space<vmem>>) target_semaphore(%arg14 : memref<!tpu.dma_semaphore, #tpu.memory_space<semaphore_mem>>)
          %parallel_loop3A_1169 = vector.extract_strided_slice %parallel_loop3A_958 {offsets = [14], sizes = [1], strides = [1]} : vector<16xi32> to vector<1xi32>
          %parallel_loop3A_1170 = vector.extract %parallel_loop3A_1169[0] : i32 from vector<1xi32>
          %parallel_loop3A_1171 = arith.constant 14 : i32
          %parallel_loop3A_1172 = arith.addi %parallel_loop3A_955, %parallel_loop3A_1171 : i32
          %parallel_loop3A_1173 = arith.constant 1 : i32
          %parallel_loop3A_1174 = arith.constant 0 : i32
          %parallel_loop3A_1175 = tpu.memref_slice %arg10[%parallel_loop3A_1173, %parallel_loop3A_1172, %parallel_loop3A_1174] : memref<2x200x64xf32, #tpu.memory_space<vmem>> -> memref<1x1x64xf32, #tpu.memory_space<vmem>>
          %parallel_loop3A_1176 = tpu.memref_squeeze %parallel_loop3A_1175 : memref<1x1x64xf32, #tpu.memory_space<vmem>> -> memref<1x64xf32, #tpu.memory_space<vmem>>
          %parallel_loop3A_1177 = arith.constant 0 : i32
          %parallel_loop3A_1178 = tpu.memref_slice %arg2[%parallel_loop3A_1170, %parallel_loop3A_1177] : memref<1000000x64xf32, #tpu.memory_space<hbm>> -> memref<1x64xf32, #tpu.memory_space<hbm>>
          %parallel_loop3A_1179 = arith.constant 0 : i32
          %parallel_loop3A_1180 = tpu.memref_slice %arg10[%parallel_loop3A_1173, %parallel_loop3A_1172, %parallel_loop3A_1179] : memref<2x200x64xf32, #tpu.memory_space<vmem>> -> memref<1x1x64xf32, #tpu.memory_space<vmem>>
          %parallel_loop3A_1181 = tpu.memref_squeeze %parallel_loop3A_1180 : memref<1x1x64xf32, #tpu.memory_space<vmem>> -> memref<1x64xf32, #tpu.memory_space<vmem>>
          %parallel_loop3A_1182 = arith.constant 0 : i32
          %parallel_loop3A_1183 = tpu.memref_slice %arg2[%parallel_loop3A_1170, %parallel_loop3A_1182] : memref<1000000x64xf32, #tpu.memory_space<hbm>> -> memref<1x64xf32, #tpu.memory_space<hbm>>
          tpu.enqueue_dma source(%parallel_loop3A_1183 : memref<1x64xf32, #tpu.memory_space<hbm>>) target(%parallel_loop3A_1181 : memref<1x64xf32, #tpu.memory_space<vmem>>) target_semaphore(%arg14 : memref<!tpu.dma_semaphore, #tpu.memory_space<semaphore_mem>>)
          %parallel_loop3A_1184 = vector.extract_strided_slice %parallel_loop3A_958 {offsets = [15], sizes = [1], strides = [1]} : vector<16xi32> to vector<1xi32>
          %parallel_loop3A_1185 = vector.extract %parallel_loop3A_1184[0] : i32 from vector<1xi32>
          %parallel_loop3A_1186 = arith.constant 15 : i32
          %parallel_loop3A_1187 = arith.addi %parallel_loop3A_955, %parallel_loop3A_1186 : i32
          %parallel_loop3A_1188 = arith.constant 1 : i32
          %parallel_loop3A_1189 = arith.constant 0 : i32
          %parallel_loop3A_1190 = tpu.memref_slice %arg10[%parallel_loop3A_1188, %parallel_loop3A_1187, %parallel_loop3A_1189] : memref<2x200x64xf32, #tpu.memory_space<vmem>> -> memref<1x1x64xf32, #tpu.memory_space<vmem>>
          %parallel_loop3A_1191 = tpu.memref_squeeze %parallel_loop3A_1190 : memref<1x1x64xf32, #tpu.memory_space<vmem>> -> memref<1x64xf32, #tpu.memory_space<vmem>>
          %parallel_loop3A_1192 = arith.constant 0 : i32
          %parallel_loop3A_1193 = tpu.memref_slice %arg2[%parallel_loop3A_1185, %parallel_loop3A_1192] : memref<1000000x64xf32, #tpu.memory_space<hbm>> -> memref<1x64xf32, #tpu.memory_space<hbm>>
          %parallel_loop3A_1194 = arith.constant 0 : i32
          %parallel_loop3A_1195 = tpu.memref_slice %arg10[%parallel_loop3A_1188, %parallel_loop3A_1187, %parallel_loop3A_1194] : memref<2x200x64xf32, #tpu.memory_space<vmem>> -> memref<1x1x64xf32, #tpu.memory_space<vmem>>
          %parallel_loop3A_1196 = tpu.memref_squeeze %parallel_loop3A_1195 : memref<1x1x64xf32, #tpu.memory_space<vmem>> -> memref<1x64xf32, #tpu.memory_space<vmem>>
          %parallel_loop3A_1197 = arith.constant 0 : i32
          %parallel_loop3A_1198 = tpu.memref_slice %arg2[%parallel_loop3A_1185, %parallel_loop3A_1197] : memref<1000000x64xf32, #tpu.memory_space<hbm>> -> memref<1x64xf32, #tpu.memory_space<hbm>>
          tpu.enqueue_dma source(%parallel_loop3A_1198 : memref<1x64xf32, #tpu.memory_space<hbm>>) target(%parallel_loop3A_1196 : memref<1x64xf32, #tpu.memory_space<vmem>>) target_semaphore(%arg14 : memref<!tpu.dma_semaphore, #tpu.memory_space<semaphore_mem>>)
        } {sc.loop_unroll_factor = 1 : i64, sc.parallel_access}
        %add3A_831 = arith.constant 192 : i32
        %add3A_832 = arith.addi %mul3A_827, %add3A_831 : i32
        %get3A_833 = arith.index_cast %add3A_832 : i32 to index
        %get3A_834 = tpu.vector_load %arg7[%get3A_833] {strides = array<i32>} : memref<6416xi32, #tpu.memory_space<vmem>>, vector<16xi32>,
        %slice3A_835 = vector.extract_strided_slice %get3A_834 {offsets = [0], sizes = [1], strides = [1]} : vector<16xi32> to vector<1xi32>
        %squeeze3A_836 = vector.extract %slice3A_835[0] : i32 from vector<1xi32>
        %dma_start3A_837 = arith.constant 1 : i32
        %dma_start3A_838 = arith.constant 192 : i32
        %dma_start3A_839 = arith.constant 0 : i32
        %dma_start3A_840 = tpu.memref_slice %arg10[%dma_start3A_837, %dma_start3A_838, %dma_start3A_839] : memref<2x200x64xf32, #tpu.memory_space<vmem>> -> memref<1x1x64xf32, #tpu.memory_space<vmem>>
        %dma_start3A_841 = tpu.memref_squeeze %dma_start3A_840 : memref<1x1x64xf32, #tpu.memory_space<vmem>> -> memref<1x64xf32, #tpu.memory_space<vmem>>
        %dma_start3A_842 = arith.constant 0 : i32
        %dma_start3A_843 = tpu.memref_slice %arg2[%squeeze3A_836, %dma_start3A_842] : memref<1000000x64xf32, #tpu.memory_space<hbm>> -> memref<1x64xf32, #tpu.memory_space<hbm>>
        %dma_start3A_844 = arith.constant 192 : i32
        %dma_start3A_845 = arith.constant 0 : i32
        %dma_start3A_846 = tpu.memref_slice %arg10[%dma_start3A_837, %dma_start3A_844, %dma_start3A_845] : memref<2x200x64xf32, #tpu.memory_space<vmem>> -> memref<1x1x64xf32, #tpu.memory_space<vmem>>
        %dma_start3A_847 = tpu.memref_squeeze %dma_start3A_846 : memref<1x1x64xf32, #tpu.memory_space<vmem>> -> memref<1x64xf32, #tpu.memory_space<vmem>>
        %dma_start3A_848 = arith.constant 0 : i32
        %dma_start3A_849 = tpu.memref_slice %arg2[%squeeze3A_836, %dma_start3A_848] : memref<1000000x64xf32, #tpu.memory_space<hbm>> -> memref<1x64xf32, #tpu.memory_space<hbm>>
        tpu.enqueue_dma source(%dma_start3A_849 : memref<1x64xf32, #tpu.memory_space<hbm>>) target(%dma_start3A_847 : memref<1x64xf32, #tpu.memory_space<vmem>>) target_semaphore(%arg14 : memref<!tpu.dma_semaphore, #tpu.memory_space<semaphore_mem>>)
        %slice3A_850 = vector.extract_strided_slice %get3A_834 {offsets = [1], sizes = [1], strides = [1]} : vector<16xi32> to vector<1xi32>
        %squeeze3A_851 = vector.extract %slice3A_850[0] : i32 from vector<1xi32>
        %dma_start3A_852 = arith.constant 1 : i32
        %dma_start3A_853 = arith.constant 193 : i32
        %dma_start3A_854 = arith.constant 0 : i32
        %dma_start3A_855 = tpu.memref_slice %arg10[%dma_start3A_852, %dma_start3A_853, %dma_start3A_854] : memref<2x200x64xf32, #tpu.memory_space<vmem>> -> memref<1x1x64xf32, #tpu.memory_space<vmem>>
        %dma_start3A_856 = tpu.memref_squeeze %dma_start3A_855 : memref<1x1x64xf32, #tpu.memory_space<vmem>> -> memref<1x64xf32, #tpu.memory_space<vmem>>
        %dma_start3A_857 = arith.constant 0 : i32
        %dma_start3A_858 = tpu.memref_slice %arg2[%squeeze3A_851, %dma_start3A_857] : memref<1000000x64xf32, #tpu.memory_space<hbm>> -> memref<1x64xf32, #tpu.memory_space<hbm>>
        %dma_start3A_859 = arith.constant 193 : i32
        %dma_start3A_860 = arith.constant 0 : i32
        %dma_start3A_861 = tpu.memref_slice %arg10[%dma_start3A_852, %dma_start3A_859, %dma_start3A_860] : memref<2x200x64xf32, #tpu.memory_space<vmem>> -> memref<1x1x64xf32, #tpu.memory_space<vmem>>
        %dma_start3A_862 = tpu.memref_squeeze %dma_start3A_861 : memref<1x1x64xf32, #tpu.memory_space<vmem>> -> memref<1x64xf32, #tpu.memory_space<vmem>>
        %dma_start3A_863 = arith.constant 0 : i32
        %dma_start3A_864 = tpu.memref_slice %arg2[%squeeze3A_851, %dma_start3A_863] : memref<1000000x64xf32, #tpu.memory_space<hbm>> -> memref<1x64xf32, #tpu.memory_space<hbm>>
        tpu.enqueue_dma source(%dma_start3A_864 : memref<1x64xf32, #tpu.memory_space<hbm>>) target(%dma_start3A_862 : memref<1x64xf32, #tpu.memory_space<vmem>>) target_semaphore(%arg14 : memref<!tpu.dma_semaphore, #tpu.memory_space<semaphore_mem>>)
        %slice3A_865 = vector.extract_strided_slice %get3A_834 {offsets = [2], sizes = [1], strides = [1]} : vector<16xi32> to vector<1xi32>
        %squeeze3A_866 = vector.extract %slice3A_865[0] : i32 from vector<1xi32>
        %dma_start3A_867 = arith.constant 1 : i32
        %dma_start3A_868 = arith.constant 194 : i32
        %dma_start3A_869 = arith.constant 0 : i32
        %dma_start3A_870 = tpu.memref_slice %arg10[%dma_start3A_867, %dma_start3A_868, %dma_start3A_869] : memref<2x200x64xf32, #tpu.memory_space<vmem>> -> memref<1x1x64xf32, #tpu.memory_space<vmem>>
        %dma_start3A_871 = tpu.memref_squeeze %dma_start3A_870 : memref<1x1x64xf32, #tpu.memory_space<vmem>> -> memref<1x64xf32, #tpu.memory_space<vmem>>
        %dma_start3A_872 = arith.constant 0 : i32
        %dma_start3A_873 = tpu.memref_slice %arg2[%squeeze3A_866, %dma_start3A_872] : memref<1000000x64xf32, #tpu.memory_space<hbm>> -> memref<1x64xf32, #tpu.memory_space<hbm>>
        %dma_start3A_874 = arith.constant 194 : i32
        %dma_start3A_875 = arith.constant 0 : i32
        %dma_start3A_876 = tpu.memref_slice %arg10[%dma_start3A_867, %dma_start3A_874, %dma_start3A_875] : memref<2x200x64xf32, #tpu.memory_space<vmem>> -> memref<1x1x64xf32, #tpu.memory_space<vmem>>
        %dma_start3A_877 = tpu.memref_squeeze %dma_start3A_876 : memref<1x1x64xf32, #tpu.memory_space<vmem>> -> memref<1x64xf32, #tpu.memory_space<vmem>>
        %dma_start3A_878 = arith.constant 0 : i32
        %dma_start3A_879 = tpu.memref_slice %arg2[%squeeze3A_866, %dma_start3A_878] : memref<1000000x64xf32, #tpu.memory_space<hbm>> -> memref<1x64xf32, #tpu.memory_space<hbm>>
        tpu.enqueue_dma source(%dma_start3A_879 : memref<1x64xf32, #tpu.memory_space<hbm>>) target(%dma_start3A_877 : memref<1x64xf32, #tpu.memory_space<vmem>>) target_semaphore(%arg14 : memref<!tpu.dma_semaphore, #tpu.memory_space<semaphore_mem>>)
        %slice3A_880 = vector.extract_strided_slice %get3A_834 {offsets = [3], sizes = [1], strides = [1]} : vector<16xi32> to vector<1xi32>
        %squeeze3A_881 = vector.extract %slice3A_880[0] : i32 from vector<1xi32>
        %dma_start3A_882 = arith.constant 1 : i32
        %dma_start3A_883 = arith.constant 195 : i32
        %dma_start3A_884 = arith.constant 0 : i32
        %dma_start3A_885 = tpu.memref_slice %arg10[%dma_start3A_882, %dma_start3A_883, %dma_start3A_884] : memref<2x200x64xf32, #tpu.memory_space<vmem>> -> memref<1x1x64xf32, #tpu.memory_space<vmem>>
        %dma_start3A_886 = tpu.memref_squeeze %dma_start3A_885 : memref<1x1x64xf32, #tpu.memory_space<vmem>> -> memref<1x64xf32, #tpu.memory_space<vmem>>
        %dma_start3A_887 = arith.constant 0 : i32
        %dma_start3A_888 = tpu.memref_slice %arg2[%squeeze3A_881, %dma_start3A_887] : memref<1000000x64xf32, #tpu.memory_space<hbm>> -> memref<1x64xf32, #tpu.memory_space<hbm>>
        %dma_start3A_889 = arith.constant 195 : i32
        %dma_start3A_890 = arith.constant 0 : i32
        %dma_start3A_891 = tpu.memref_slice %arg10[%dma_start3A_882, %dma_start3A_889, %dma_start3A_890] : memref<2x200x64xf32, #tpu.memory_space<vmem>> -> memref<1x1x64xf32, #tpu.memory_space<vmem>>
        %dma_start3A_892 = tpu.memref_squeeze %dma_start3A_891 : memref<1x1x64xf32, #tpu.memory_space<vmem>> -> memref<1x64xf32, #tpu.memory_space<vmem>>
        %dma_start3A_893 = arith.constant 0 : i32
        %dma_start3A_894 = tpu.memref_slice %arg2[%squeeze3A_881, %dma_start3A_893] : memref<1000000x64xf32, #tpu.memory_space<hbm>> -> memref<1x64xf32, #tpu.memory_space<hbm>>
        tpu.enqueue_dma source(%dma_start3A_894 : memref<1x64xf32, #tpu.memory_space<hbm>>) target(%dma_start3A_892 : memref<1x64xf32, #tpu.memory_space<vmem>>) target_semaphore(%arg14 : memref<!tpu.dma_semaphore, #tpu.memory_space<semaphore_mem>>)
        %slice3A_895 = vector.extract_strided_slice %get3A_834 {offsets = [4], sizes = [1], strides = [1]} : vector<16xi32> to vector<1xi32>
        %squeeze3A_896 = vector.extract %slice3A_895[0] : i32 from vector<1xi32>
        %dma_start3A_897 = arith.constant 1 : i32
        %dma_start3A_898 = arith.constant 196 : i32
        %dma_start3A_899 = arith.constant 0 : i32
        %dma_start3A_900 = tpu.memref_slice %arg10[%dma_start3A_897, %dma_start3A_898, %dma_start3A_899] : memref<2x200x64xf32, #tpu.memory_space<vmem>> -> memref<1x1x64xf32, #tpu.memory_space<vmem>>
        %dma_start3A_901 = tpu.memref_squeeze %dma_start3A_900 : memref<1x1x64xf32, #tpu.memory_space<vmem>> -> memref<1x64xf32, #tpu.memory_space<vmem>>
        %dma_start3A_902 = arith.constant 0 : i32
        %dma_start3A_903 = tpu.memref_slice %arg2[%squeeze3A_896, %dma_start3A_902] : memref<1000000x64xf32, #tpu.memory_space<hbm>> -> memref<1x64xf32, #tpu.memory_space<hbm>>
        %dma_start3A_904 = arith.constant 196 : i32
        %dma_start3A_905 = arith.constant 0 : i32
        %dma_start3A_906 = tpu.memref_slice %arg10[%dma_start3A_897, %dma_start3A_904, %dma_start3A_905] : memref<2x200x64xf32, #tpu.memory_space<vmem>> -> memref<1x1x64xf32, #tpu.memory_space<vmem>>
        %dma_start3A_907 = tpu.memref_squeeze %dma_start3A_906 : memref<1x1x64xf32, #tpu.memory_space<vmem>> -> memref<1x64xf32, #tpu.memory_space<vmem>>
        %dma_start3A_908 = arith.constant 0 : i32
        %dma_start3A_909 = tpu.memref_slice %arg2[%squeeze3A_896, %dma_start3A_908] : memref<1000000x64xf32, #tpu.memory_space<hbm>> -> memref<1x64xf32, #tpu.memory_space<hbm>>
        tpu.enqueue_dma source(%dma_start3A_909 : memref<1x64xf32, #tpu.memory_space<hbm>>) target(%dma_start3A_907 : memref<1x64xf32, #tpu.memory_space<vmem>>) target_semaphore(%arg14 : memref<!tpu.dma_semaphore, #tpu.memory_space<semaphore_mem>>)
        %slice3A_910 = vector.extract_strided_slice %get3A_834 {offsets = [5], sizes = [1], strides = [1]} : vector<16xi32> to vector<1xi32>
        %squeeze3A_911 = vector.extract %slice3A_910[0] : i32 from vector<1xi32>
        %dma_start3A_912 = arith.constant 1 : i32
        %dma_start3A_913 = arith.constant 197 : i32
        %dma_start3A_914 = arith.constant 0 : i32
        %dma_start3A_915 = tpu.memref_slice %arg10[%dma_start3A_912, %dma_start3A_913, %dma_start3A_914] : memref<2x200x64xf32, #tpu.memory_space<vmem>> -> memref<1x1x64xf32, #tpu.memory_space<vmem>>
        %dma_start3A_916 = tpu.memref_squeeze %dma_start3A_915 : memref<1x1x64xf32, #tpu.memory_space<vmem>> -> memref<1x64xf32, #tpu.memory_space<vmem>>
        %dma_start3A_917 = arith.constant 0 : i32
        %dma_start3A_918 = tpu.memref_slice %arg2[%squeeze3A_911, %dma_start3A_917] : memref<1000000x64xf32, #tpu.memory_space<hbm>> -> memref<1x64xf32, #tpu.memory_space<hbm>>
        %dma_start3A_919 = arith.constant 197 : i32
        %dma_start3A_920 = arith.constant 0 : i32
        %dma_start3A_921 = tpu.memref_slice %arg10[%dma_start3A_912, %dma_start3A_919, %dma_start3A_920] : memref<2x200x64xf32, #tpu.memory_space<vmem>> -> memref<1x1x64xf32, #tpu.memory_space<vmem>>
        %dma_start3A_922 = tpu.memref_squeeze %dma_start3A_921 : memref<1x1x64xf32, #tpu.memory_space<vmem>> -> memref<1x64xf32, #tpu.memory_space<vmem>>
        %dma_start3A_923 = arith.constant 0 : i32
        %dma_start3A_924 = tpu.memref_slice %arg2[%squeeze3A_911, %dma_start3A_923] : memref<1000000x64xf32, #tpu.memory_space<hbm>> -> memref<1x64xf32, #tpu.memory_space<hbm>>
        tpu.enqueue_dma source(%dma_start3A_924 : memref<1x64xf32, #tpu.memory_space<hbm>>) target(%dma_start3A_922 : memref<1x64xf32, #tpu.memory_space<vmem>>) target_semaphore(%arg14 : memref<!tpu.dma_semaphore, #tpu.memory_space<semaphore_mem>>)
        %slice3A_925 = vector.extract_strided_slice %get3A_834 {offsets = [6], sizes = [1], strides = [1]} : vector<16xi32> to vector<1xi32>
        %squeeze3A_926 = vector.extract %slice3A_925[0] : i32 from vector<1xi32>
        %dma_start3A_927 = arith.constant 1 : i32
        %dma_start3A_928 = arith.constant 198 : i32
        %dma_start3A_929 = arith.constant 0 : i32
        %dma_start3A_930 = tpu.memref_slice %arg10[%dma_start3A_927, %dma_start3A_928, %dma_start3A_929] : memref<2x200x64xf32, #tpu.memory_space<vmem>> -> memref<1x1x64xf32, #tpu.memory_space<vmem>>
        %dma_start3A_931 = tpu.memref_squeeze %dma_start3A_930 : memref<1x1x64xf32, #tpu.memory_space<vmem>> -> memref<1x64xf32, #tpu.memory_space<vmem>>
        %dma_start3A_932 = arith.constant 0 : i32
        %dma_start3A_933 = tpu.memref_slice %arg2[%squeeze3A_926, %dma_start3A_932] : memref<1000000x64xf32, #tpu.memory_space<hbm>> -> memref<1x64xf32, #tpu.memory_space<hbm>>
        %dma_start3A_934 = arith.constant 198 : i32
        %dma_start3A_935 = arith.constant 0 : i32
        %dma_start3A_936 = tpu.memref_slice %arg10[%dma_start3A_927, %dma_start3A_934, %dma_start3A_935] : memref<2x200x64xf32, #tpu.memory_space<vmem>> -> memref<1x1x64xf32, #tpu.memory_space<vmem>>
        %dma_start3A_937 = tpu.memref_squeeze %dma_start3A_936 : memref<1x1x64xf32, #tpu.memory_space<vmem>> -> memref<1x64xf32, #tpu.memory_space<vmem>>
        %dma_start3A_938 = arith.constant 0 : i32
        %dma_start3A_939 = tpu.memref_slice %arg2[%squeeze3A_926, %dma_start3A_938] : memref<1000000x64xf32, #tpu.memory_space<hbm>> -> memref<1x64xf32, #tpu.memory_space<hbm>>
        tpu.enqueue_dma source(%dma_start3A_939 : memref<1x64xf32, #tpu.memory_space<hbm>>) target(%dma_start3A_937 : memref<1x64xf32, #tpu.memory_space<vmem>>) target_semaphore(%arg14 : memref<!tpu.dma_semaphore, #tpu.memory_space<semaphore_mem>>)
        %slice3A_940 = vector.extract_strided_slice %get3A_834 {offsets = [7], sizes = [1], strides = [1]} : vector<16xi32> to vector<1xi32>
        %squeeze3A_941 = vector.extract %slice3A_940[0] : i32 from vector<1xi32>
        %dma_start3A_942 = arith.constant 1 : i32
        %dma_start3A_943 = arith.constant 199 : i32
        %dma_start3A_944 = arith.constant 0 : i32
        %dma_start3A_945 = tpu.memref_slice %arg10[%dma_start3A_942, %dma_start3A_943, %dma_start3A_944] : memref<2x200x64xf32, #tpu.memory_space<vmem>> -> memref<1x1x64xf32, #tpu.memory_space<vmem>>
        %dma_start3A_946 = tpu.memref_squeeze %dma_start3A_945 : memref<1x1x64xf32, #tpu.memory_space<vmem>> -> memref<1x64xf32, #tpu.memory_space<vmem>>
        %dma_start3A_947 = arith.constant 0 : i32
        %dma_start3A_948 = tpu.memref_slice %arg2[%squeeze3A_941, %dma_start3A_947] : memref<1000000x64xf32, #tpu.memory_space<hbm>> -> memref<1x64xf32, #tpu.memory_space<hbm>>
        %dma_start3A_949 = arith.constant 199 : i32
        %dma_start3A_950 = arith.constant 0 : i32
        %dma_start3A_951 = tpu.memref_slice %arg10[%dma_start3A_942, %dma_start3A_949, %dma_start3A_950] : memref<2x200x64xf32, #tpu.memory_space<vmem>> -> memref<1x1x64xf32, #tpu.memory_space<vmem>>
        %dma_start3A_952 = tpu.memref_squeeze %dma_start3A_951 : memref<1x1x64xf32, #tpu.memory_space<vmem>> -> memref<1x64xf32, #tpu.memory_space<vmem>>
        %dma_start3A_953 = arith.constant 0 : i32
        %dma_start3A_954 = tpu.memref_slice %arg2[%squeeze3A_941, %dma_start3A_953] : memref<1000000x64xf32, #tpu.memory_space<hbm>> -> memref<1x64xf32, #tpu.memory_space<hbm>>
        tpu.enqueue_dma source(%dma_start3A_954 : memref<1x64xf32, #tpu.memory_space<hbm>>) target(%dma_start3A_952 : memref<1x64xf32, #tpu.memory_space<vmem>>) target_semaphore(%arg14 : memref<!tpu.dma_semaphore, #tpu.memory_space<semaphore_mem>>)
      } else {
      }
    }
    %scan3A_283 = arith.constant 16 : i32
    %mul3A_284 = arith.constant 32 : i32
    %mul3A_285 = arith.muli %add3A, %mul3A_284 : i32
    "tpu.region"() ({
      %run_scoped3A = tpu.sem_alloc : memref<!tpu.dma_semaphore, #tpu.memory_space<semaphore_mem>>
      %dma_start3A_286 = arith.constant 0 : i32
      %dma_start3A_287 = tpu.memref_slice %arg6[%mul3A_285, %dma_start3A_286] : memref<1024x80xf32, #tpu.memory_space<hbm>> -> memref<32x80xf32, #tpu.memory_space<hbm>>
      %dma_start3A_288 = arith.constant 0 : i32
      %dma_start3A_289 = tpu.memref_slice %arg6[%mul3A_285, %dma_start3A_288] : memref<1024x80xf32, #tpu.memory_space<hbm>> -> memref<32x80xf32, #tpu.memory_space<hbm>>
      tpu.enqueue_dma source(%arg12 : memref<32x80xf32, #tpu.memory_space<vmem>>) target(%dma_start3A_289 : memref<32x80xf32, #tpu.memory_space<hbm>>) target_semaphore(%run_scoped3A : memref<!tpu.dma_semaphore, #tpu.memory_space<semaphore_mem>>)
      %dma_wait3A_290 = arith.constant 0 : i32
      %dma_wait3A_291 = tpu.memref_slice %arg6[%mul3A_285, %dma_wait3A_290] : memref<1024x80xf32, #tpu.memory_space<hbm>> -> memref<32x80xf32, #tpu.memory_space<hbm>>
      %dma_wait3A_292 = arith.constant 0 : i32
      %dma_wait3A_293 = tpu.memref_slice %arg6[%mul3A_285, %dma_wait3A_292] : memref<1024x80xf32, #tpu.memory_space<hbm>> -> memref<32x80xf32, #tpu.memory_space<hbm>>
      tpu.wait_dma2 semaphore(%run_scoped3A : memref<!tpu.dma_semaphore, #tpu.memory_space<semaphore_mem>>) src(%arg12 : memref<32x80xf32, #tpu.memory_space<vmem>>) dst(%dma_wait3A_293 : memref<32x80xf32, #tpu.memory_space<hbm>>)
      tpu.yield
    }) : () -> ()
    return
  }
}

</mosaic_0001>

<sc_bundles>
// kernel: _pooled.3.cloned.1.call-start
scs
__scs_entry_jumppad:
0x0: {  	(pc) =	sbr.rel $0x88, $3  }
0x1: {  	(tag) =	ssettag $0x0;
	lr =	simm.s32 $0x1  }
0x2: {  	[smem:$0x3F9D] =	sst lr;
	_ =	strace $0xD0000000  }
0x3: {  	_ = 	snop  }
0x4: {  	_ = 	snop  }
0x5: {  	_ = 	snop  }
0x6: {  	_ = 	snop  }
0x7: {  	_ = 	snop  }
__scs_overlays_trampoline_lowered:
0x8: {  	[smem:$0x3FAC] =	sst s0  }
0x9: {  	[smem:$0x3FAD] =	sst s1  }
0xa: {  	[smem:$0x3FAE] =	sst s2  }
0xb: {  	[smem:$0x3FAF] =	sst s3  }
0xc: {  	[smem:$0x3FB0] =	sst s4  }
0xd: {  	[smem:$0x3FB1] =	sst s5  }
0xe: {  	[smem:$0x3FB2] =	sst s6  }
0xf: {  	[smem:$0x3FB3] =	sst s7  }
0x10: {  	[smem:$0x3FB4] =	sst s8  }
0x11: {  	[smem:$0x3FB5] =	sst s9;
	s0 =	simm.s32 @!p0 $0x0  }
0x12: {  	s1 =	sld [smem:$0x3F9B];
	s0 =	simm.s32 @p0 $0x1  }
0x13: {  	[smem:$0x3FB6] =	sst s0;
	s0 =	simm.s32 @!p1 $0x0  }
0x14: {  	s2 =	sld [smem:$0x3F9A];
	s0 =	simm.s32 @p1 $0x1  }
0x15: {  	[smem:$0x3FB7] =	sst s0;
	s0 =	simm.s32 @!p2 $0x0  }
0x16: {  	s3 =	sld [smem:$0x3FDB];
	s0 =	simm.s32 @p2 $0x1  }
0x17: {  	s4 =	simm.s32 $0x1BF5;
	[smem:$0x3FB9] =	sst s0  }
0x18: {  	s0 =	sld [smem:$0x3F9C];
	_ =	swait.ge [sflag:s4], $0x0  }
0x19: {  	s7 =	sld [smem:$0x3F9D]  }
0x1a: {  	s8 =	sadd.s32 $0xFFFFE003, lr  }
0x1b: {  	s9 =	sadd.s32 $0xFFFFFEF7, lr;
	s5 =	simm.s32 $0xFFFFFFFF;
	p2 =	slt.u32 s8, $0xFFFFF086  }
0x1c: {  	p1 =	slt.u32 s9, $0xF7A;
	s5 =	simm.s32 @!p2 $0x0  }
0x1d: {  	s5 =	simm.s32 @p1 $0x1;
	p0 =	seq.s32 s7, s2  }
0x1e: {  	s7 =	smul.u32 @!p0 $0xF7A, s2;
	p2 =	seq.s32 @!p0 s5, $0x0  }
0x1f: {  	s9 =	smul.u32 $0xF7A, s1;
	s8 =	simm.s32 @!p0 $0x1BF5;
	p2 =	por !p2, p0  }
0x20: {  	[sflag:s8] =	ssyncset.s32 @!p0 $0xFFFFF086;
	s6 =	sadd.s32 @!p0 s3, s7;
	s7 =	simm.s32 @!p0 $0x108  }
0x21: {  	s3 =	sadd.s32 s3, s9;
	s6 =	sadd.s32 @!p0 $0x88, s6;
	s7 =	simm.s32 @p2 $0x1082  }
0x22: {  	[simem:s7], [sflag:s8] =	dma.local @!p0 [hbm:s6], $0xF7A  }
0x23: {  	s9 =	sor.u32 $0xD0000000, s2;
	s6 =	simm.s32 $0x108;
	_ =	swait.ge @!p0 [sflag:s8], $0x0  }
0x24: {  	s3 =	sadd.s32 $0x88, s3;
	s6 =	simm.s32 @!p1 $0x1082;
	[sflag:s4] =	ssyncset.s32 $0xFFFFF086  }
0x25: {  	[simem:s6], [sflag:s4] =	dma.local [hbm:s3], $0xF7A  }
0x26: {  	[smem:$0x3F9D] =	sst s1;
	(tag) =	ssettag s2;
	_ =	strace s9  }
0x27: {  	s1 =	sld [smem:$0x3FAD]  }
0x28: {  	s2 =	sld [smem:$0x3FAE]  }
0x29: {  	s4 =	sld [smem:$0x3FB0]  }
0x2a: {  	p0 =	seq.s32 s5, $0x0;
	s5 =	sld [smem:$0x3FB1]  }
0x2b: {  	s6 =	sld [smem:$0x3FB2]  }
0x2c: {  	s7 =	sld [smem:$0x3FB3]  }
0x2d: {  	s3 =	simm.s32 $0x108;
	s8 =	sld [smem:$0x3FB4]  }
0x2e: {  	s3 =	simm.s32 @!p0 $0x1082;
	s9 =	sld [smem:$0x3FB5]  }
0x2f: {  	lr =	sadd.s32 s0, s3;
	s0 =	sld [smem:$0x3FAC]  }
0x30: {  	s3 =	sld [smem:$0x3FAF]  }
0x31: {  	[smem:$0x3FB8] =	sst s10  }
0x32: {  	s10 =	sld [smem:$0x3FB6];
	_ =	sdelay $0x3  }
0x33: {  	p0 =	seq.s32 s10, $0x1;
	s10 =	sld [smem:$0x3FB8];
	_ =	sdelay $0x3  }
0x34: {  	[smem:$0x3FB8] =	sst s10  }
0x35: {  	s10 =	sld [smem:$0x3FB7];
	_ =	sdelay $0x3  }
0x36: {  	p1 =	seq.s32 s10, $0x1;
	s10 =	sld [smem:$0x3FB8];
	_ =	sdelay $0x3  }
0x37: {  	[smem:$0x3FB8] =	sst s10  }
0x38: {  	s10 =	sld [smem:$0x3FB9]  }
0x39: {  	_ = 	snop;
	(pc) =	sbr.ind lr, $3  }
0x3a: {  	_ = 	snop  }
0x3b: {  	_ = 	snop  }
0x3c: {  	p2 =	seq.s32 s10, $0x1;
	s10 =	sld [smem:$0x3FB8]  }
0x3d: {  	_ =	shalt  }
0x3e: {  	_ =	shalt  }
0x3f: {  	_ =	shalt  }
0x40: {  	_ =	shalt  }
0x41: {  	_ =	shalt  }
0x42: {  	_ =	shalt  }
0x43: {  	_ =	shalt  }
0x44: {  	_ =	shalt  }
0x45: {  	_ =	shalt  }
0x46: {  	_ =	shalt  }
0x47: {  	_ =	shalt  }
0x48: {  	_ =	shalt  }
0x49: {  	_ =	shalt  }
0x4a: {  	_ =	shalt  }
0x4b: {  	_ =	shalt  }
0x4c: {  	_ =	shalt  }
0x4d: {  	_ =	shalt  }
0x4e: {  	_ =	shalt  }
0x4f: {  	_ =	shalt  }
0x50: {  	_ =	shalt  }
0x51: {  	_ =	shalt  }
0x52: {  	_ =	shalt  }
0x53: {  	_ =	shalt  }
0x54: {  	_ =	shalt  }
0x55: {  	_ =	shalt  }
0x56: {  	_ =	shalt  }
0x57: {  	_ =	shalt  }
0x58: {  	_ =	shalt  }
0x59: {  	_ =	shalt  }
0x5a: {  	_ =	shalt  }
0x5b: {  	_ =	shalt  }
0x5c: {  	_ =	shalt  }
0x5d: {  	_ =	shalt  }
0x5e: {  	_ =	shalt  }
0x5f: {  	_ =	shalt  }
0x60: {  	_ =	shalt  }
0x61: {  	_ =	shalt  }
0x62: {  	_ =	shalt  }
0x63: {  	_ =	shalt  }
0x64: {  	_ =	shalt  }
0x65: {  	_ =	shalt  }
0x66: {  	_ =	shalt  }
0x67: {  	_ =	shalt  }
0x68: {  	_ =	shalt  }
0x69: {  	_ =	shalt  }
0x6a: {  	_ =	shalt  }
0x6b: {  	_ =	shalt  }
0x6c: {  	_ =	shalt  }
0x6d: {  	_ =	shalt  }
0x6e: {  	_ =	shalt  }
0x6f: {  	_ =	shalt  }
0x70: {  	_ =	shalt  }
0x71: {  	_ =	shalt  }
0x72: {  	_ =	shalt  }
0x73: {  	_ =	shalt  }
0x74: {  	_ =	shalt  }
0x75: {  	_ =	shalt  }
0x76: {  	_ =	shalt  }
0x77: {  	_ =	shalt  }
0x78: {  	_ =	shalt  }
0x79: {  	_ =	shalt  }
0x7a: {  	_ =	shalt  }
0x7b: {  	_ =	shalt  }
0x7c: {  	_ =	shalt  }
0x7d: {  	_ =	shalt  }
0x7e: {  	_ =	shalt  }
0x7f: {  	_ =	shalt  }
0x80: {  	_ =	shalt  }
0x81: {  	_ =	shalt  }
0x82: {  	_ =	shalt  }
0x83: {  	_ =	shalt  }
0x84: {  	_ =	shalt  }
0x85: {  	_ =	shalt  }
0x86: {  	_ =	shalt  }
0x87: {  	_ =	shalt  }
.Lfunc_end0:
.L_simem_size_0:
called_computation_lowered:
.L_overlay_start_0:
0x88: {  	s2 =	sld [smem:$0x3FD9]  }
0x89: {  	s3 =	sld [smem:$0x3FFE];
	_ =	sdelay $0x1  }
0x8a: {  	s1 =	srdreg.scid  }
0x8b: {  	s0 =	sand.u32 $0x1, s1  }
0x8c: {  	s17 =	sshll.u32 s0, $0xA;
	s2 =	sadd.s32 s3, s2  }
0x8d: {  	s2 =	sadd.s32 s2, s17  }
0x8e: {  	[smem:$0x3FC4] =	sst s2  }
0x8f: {  	_ = 	snop  }
0x90: {  	s2 =	sld [smem:$0x3FC9]  }
0x91: {  	s18 =	sld [smem:$0x3FC8]  }
0x92: {  	s4 =	sld [smem:$0x3FC6];
	(tm) =	ssettm $0x1  }
0x93: {  	s5 =	sld [smem:$0x3FFB];
	_ =	sdelay $0x3  }
0x94: {  	_ =	strace s5  }
0x95: {  	s5 =	sld [smem:$0x3FFC];
	_ =	sdelay $0x3  }
0x96: {  	_ =	strace s5  }
0x97: {  	s5 =	sld [smem:$0x3FFD];
	_ =	sdelay $0x3  }
0x98: {  	_ =	strace s5  }
0x99: {  	_ =	strace $0x8FFFFFFF  }
0x9a: {  	s19 =	sld [smem:$0x3FDB];
	_ =	sdelay $0x1  }
0x9b: {  	s6 =	simm.s32 $_scs_section_size  }
0x9c: {  	s7 =	simm.s32 $_size__tile_overlayer_lowered;
	s8 =	simm.s32 $_tile_overlayer_lowered  }
0x9d: {  	s22 =	simm.s32 $0x1BFF;
	s21 =	sshll.u32 s8, $0x1;
	s5 =	sadd.s32 s6, s19  }
0x9e: {  	s9 =	simm.s32 $0x0;
	s20 =	sshll.u32 s7, $0x1;
	s7 =	sadd.s32 s21, s5  }
0x9f: {  	[timem:s9], [sflag:s22] =	dma.local [hbm:s7], s20  }
0xa0: {  	_ =	swait.ge [sflag:s22], s20  }
0xa1: {  	s6 =	ssub.s32 $0x0, s20;
	[sflag:s22] =	ssyncset.done $0x0  }
0xa2: {  	[sflag:s22] =	ssyncadd.s32 s6;
	_ =	sdelay $0x1  }
0xa3: {  	s23 =	simm.s32 $0x1B8B  }
0xa4: {  	_ =	swait.ge [sflag:s23], $0x1  }
0xa5: {  	[sflag:s23] =	ssyncset.done $0x0  }
0xa6: {  	s25 =	simm.s32 $0x1B8E;
	s24 =	sld [smem:$0x3FFE];
	[sflag:s23] =	ssyncadd.s32 $0xFFFFFFFF  }
0xa7: {  	s26 =	simm.s32 $execute0_lowered;
	[smem:$0x3FD2] =	sst s25  }
0xa8: {  	s7 =	sshll.u32 s26, $0x1;
	_ =	strace $0x80000046;
	[dreg:$0x1] =	wrdreg $0xFFFFFFFF  }
0xa9: {  	s28 =	simm.s32 $_size_execute0_lowered;
	s5 =	sadd.s32 s5, s7;
	[dreg:$0x0] =	wrdreg $0x0  }
0xaa: {  	s7 =	sshll.u32 s28, $0x1;
	[dreg:$0x2] =	wrdreg s5  }
0xab: {  	[dreg:$0x3] =	wrdreg s7  }
0xac: {  	[dreg:$0x4] =	wrdreg $0xC0  }
0xad: {  	_ =	task [dreg:s9], $0x5FFFF  }
0xae: {  	[dreg:$0x1] =	wrdreg $0xFFFFFFFF  }
0xaf: {  	[dreg:$0x0] =	wrdreg $0x60  }
0xb0: {  	[dreg:$0x2] =	wrdreg s24  }
0xb1: {  	[dreg:$0x3] =	wrdreg s4  }
0xb2: {  	[dreg:$0x4] =	wrdreg s2  }
0xb3: {  	[dreg:$0x5] =	wrdreg s18  }
0xb4: {  	[dreg:$0x6] =	wrdreg $0x9  }
0xb5: {  	_ =	task.clear_ibuf [dreg:s9], $0x7FFFF;
	_ =	strace $0x90000046  }
0xb6: {  	s29 =	simm.s32 $0x9;
	_ =	strace $0x80000048  }
0xb7: {  	_ =	swait.ge [sflag:s29], $0x1  }
0xb8: {  	[sflag:s29] =	ssyncadd.s32 $0xFFFFFFFF  }
0xb9: {  	_ =	strace $0x90000048  }
0xba: {  	_ =	sfence  }
0xbb: {  	s30 =	sld [smem:$0x0];
	_ =	sdelay $0x2  }
0xbc: {  	s31 =	sshll.u32 s1, $0xD;
	s1 =	sshrl.u32 s1, $0x2  }
0xbd: {  	s3 =	sand.u32 $0x4000, s31;
	s1 =	sadd.s32 s1, s30  }
0xbe: {  	s0 =	sor.u32 s3, s0;
	s1 =	sshll.u32 s1, $0x11  }
0xbf: {  	s0 =	sor.u32 s1, s0  }
0xc0: {  	s0 =	sadd.s32 $0x8F2B, s0  }
0xc1: {  	[sflag:s0] =	ssyncadd.remote.s32 $0x1  }
0xc2: {  	_ =	sfence.sel $0xFFFF  }
0xc3: {  	[dreg:$0x0] =	wrdreg $0xFFFFFFFF;
	(pc) =	sbr.abs _section_cstart, $3  }
0xc4: {  	[dreg:$0x1] =	wrdreg $0xFFFFFFFF  }
0xc5: {  	_ =	task.clear_ibuf [dreg:s9], $0x2FFFF;
	_ =	strace $0x9FFFFFFF  }
0xc6: {  	(tm) =	ssettm $0x7FFFFFFF  }
0xc7: {  	_ =	shalt  }
tec
execute0_lowered:
.L_overlay_start_1:
0x0: {  	(tag) =	ssettag $0x1  }
0x1: {  	s0 =	rddreg [dreg:$0x0]  }
0x2: {  	s1 =	rddreg [dreg:$0x2]  }
0x3: {  	s2 =	rddreg [dreg:$0x3];
	s3 =	simm.s32 $0x0  }
0x4: {  	s4 =	srdreg.scid;
	s5 =	stileid.u32;
	s10 =	simm.s32 $0x3300  }
0x5: {  	s28 =	simm.s32 $0x13A80;
	s4 =	sand.u32 $0x1, s4;
	s5 =	sshll.u32 s5, $0x1  }
0x6: {  	v0 =	vlaneseq.u32;
	s29 =	simm.s32 $0x13B00;
	s30 =	simm.s32 $0x1;
	s5 =	sor.u32 s4, s5  }
0x7: {  	[smem:$0x7FF] =	sst s3;
	v0 =	vmul.u32 $0x80, v0;
	s6 =	sshll.u32 s5, $0x9;
	s5 =	smul.u32 $0x320, s5  }
0x8: {  	vm0 =	vmmov $0xff;
	_ =	strace $0x80000047;
	s7 =	ssub.s32 $0x2, s4;
	s4 =	sadd.s32 $0x400, s0  }
.Ltmp0:
0x9: {  	s24 =	sshrl.u32 s7, $0x1;
	v1 =	vor.u32 $0x1, v0;
	v4 =	vor.u32 $0x3, v0;
	v5 =	vor.u32 $0x4, v0;
	s1 =	sadd.s32 s1, s5;
	(pc) =	sbr.rel .LBB2_1-.Ltmp0, $4  }
0xa: {  	v6 =	vor.u32 $0x5, v0;
	v7 =	vor.u32 $0x6, v0;
	v8 =	vor.u32 $0x7, v0;
	s0 =	sadd.s32 s6, s0;
	s25 =	sadd.s32 s2, s5;
	[dreg:$0x5] =	wrdreg s1  }
0xb: {  	v9 =	vor.u32 $0x8, v0;
	v10 =	vor.u32 $0x9, v0;
	v11 =	vor.u32 $0xA, v0;
	s6 =	ssub.s32 s7, s24;
	s0 =	sadd.s32 $0xF42800, s0;
	[dreg:$0x6] =	wrdreg s25  }
0xc: {  	s31 =	simm.s32 $0x2;
	v12 =	vor.u32 $0xB, v0;
	v13 =	vor.u32 $0xC, v0;
	[tilespmem:$0x1FFE0] =	vst v1;
	v1 =	vor.u32 $0x2, v0;
	s26 =	smax.u32 s6, $0x1;
	[dreg:$0x7] =	wrdreg s0  }
0xd: {  	v14 =	vor.u32 $0xD, v0;
	v15 =	vor.u32 $0xE, v0;
	v16 =	vor.u32 $0xF, v0;
	[tilespmem:$0x1FFF0] =	vst v1;
	s2 =	simm.s32 $0x0;
	[dreg:$0x8] =	wrdreg s26;
	s26 =	simm.s32 $0x13A00  }
.LBB2_22:
0xe: {  	s0 =	rddreg [dreg:$0x7];
	s1 =	simm.s32 $0x14300;
	s24 =	simm.s32 $0x4  }
0xf: {  	[hbm4b:s0+s3] =	stream.linear.scatter [tilespmem:s1], [sflag:$0x4], $0x1000, $0x38;
	[tilespmem:$0x15300] =	vst v63  }
0x10: {  	_ =	swait.ge [sflag:s24], $0x1000  }
0x11: {  	s2 =	rddreg [dreg:$0x9]  }
0x12: {  	s25 =	rddreg [dreg:$0x8];
	s2 =	sadd.s32 $0x1, s2  }
0x13: {  	p0 =	sne.s32 s2, s25  }
.Ltmp1:
0x14: {  	_ = 	snop;
	(pc) =	sbr.rel @!p0 .LBB2_23-.Ltmp1, $3  }
0x15: {  	_ =	sdelay $0x1  }
0x16: {  	[sflag:s24] =	ssyncset.done $0x0  }
0x17: {  	[sflag:s24] =	ssyncadd.s32 $0xFFFFF000  }
.LBB2_1:
0x18: {  	v1 =	vimm.s32 $0x0  }
0x19: {  	[dreg:$0x9] =	wrdreg s2;
	[tilespmem:$0x1900] =	vst v1  }
0x1a: {  	s0 =	rddreg [dreg:$0x5];
	[tilespmem:$0x3280] =	vst v1  }
0x1b: {  	[tilespmem:s3], [sflag:$0x3] =	stream.linear.gather [hbm4b:s0+s3], $0x1900, $0x38;
	[tilespmem:$0x15300] =	vst v63  }
0x1c: {  	s19 =	rddreg [dreg:$0x6];
	s1 =	simm.s32 $0x1980  }
0x1d: {  	[tilespmem:s1], [sflag:$0x3] =	stream.linear.gather [hbm4b:s19+s3], $0x1900, $0x38;
	[tilespmem:$0x15300] =	vst v63  }
0x1e: {  	s20 =	rddreg [dreg:$0x1];
	s21 =	simm.s32 $0x3  }
0x1f: {  	[tilespmem:s10], [sflag:$0x3] =	stream.linear.gather [hbm4b:s20+s3], $0x4000, $0x38;
	[tilespmem:$0x15300] =	vst v63  }
0x20: {  	_ =	swait.ge [sflag:s21], $0x1900  }
0x21: {  	[sflag:s21] =	ssyncset.done $0x0  }
0x22: {  	[sflag:s21] =	ssyncadd.s32 $0xFFFFE700  }
0x23: {  	_ =	swait.ge [sflag:s21], $0x1900  }
0x24: {  	[sflag:s21] =	ssyncset.done $0x0  }
0x25: {  	[sflag:s21] =	ssyncadd.s32 $0xFFFFE700  }
0x26: {  	_ =	swait.ge [sflag:s21], $0x4000  }
0x27: {  	[sflag:s21] =	ssyncset.done $0x0  }
0x28: {  	[sflag:s21] =	ssyncadd.s32 $0xFFFFC000  }
0x29: {  	v17 =	vld [tilespmem:s3+$0x0];
	_ =	sdelay $0x4  }
0x2a: {  	v17 =	vshll.u32 v17, $0x4  }
0x2b: {  	(v2sf) =	vpush v17, $0x0  }
0x2c: {  	(v2sf) =	vpush v17, $0x1  }
0x2d: {  	(v2sf) =	vpush v17, $0x2;
	_ =	sdelay $0x1  }
0x2e: {  	(v2sf) =	vpush v17, $0x3  }
0x2f: {  	(v2sf) =	vpush v17, $0x4;
	_ =	sdelay $0x1  }
0x30: {  	(v2sf) =	vpush v17, $0x5  }
0x31: {  	(v2sf) =	vpush v17, $0x6;
	_ =	sdelay $0x5  }
0x32: {  	s2 =	simm.s32 $0x0;
	s22 =	simm.s32 $0x7480;
	(v2sf) =	vpush v17, $0x7  }
0x33: {  	s5 =	simm.s32 $0x7500;
	s6 =	simm.s32 $0x7580;
	s9 =	spop (v2sf)  }
0x34: {  	s7 =	simm.s32 $0x7380;
	s9 =	sand.u32 $0x1FFFFFF0, s9;
	s12 =	spop (v2sf)  }
0x35: {  	s11 =	simm.s32 $0x7300;
	s9 =	sadd.s32 s4, s9;
	s13 =	spop (v2sf)  }
0x36: {  	(v2sf) =	vpush v17, $0x8;
	[tilespmem:s11], [sflag:$0x1] =	stream.linear.gather [hbm4b:s9+s3], $0x80, $0x38;
	[tilespmem:$0x15300] =	vst v63  }
0x37: {  	s8 =	simm.s32 $0x7400;
	s12 =	sand.u32 $0x1FFFFFF0, s12;
	s25 =	spop (v2sf)  }
0x38: {  	s0 =	simm.s32 $0x7A80;
	s23 =	sadd.s32 s4, s12;
	s12 =	spop (v2sf)  }
0x39: {  	[tilespmem:s7], [sflag:$0x1] =	stream.linear.gather [hbm4b:s23+s3], $0x80, $0x38;
	[tilespmem:$0x15300] =	vst v63  }
0x3a: {  	s1 =	simm.s32 $0x7980;
	s24 =	sand.u32 $0x1FFFFFF0, s13;
	s15 =	spop (v2sf)  }
0x3b: {  	s9 =	sadd.s32 s4, s24;
	s11 =	sand.u32 $0x1FFFFFF0, s25;
	(v2sf) =	vpush v17, $0x9;
	s18 =	spop (v2sf)  }
0x3c: {  	(v2sf) =	vpush v17, $0xA;
	[tilespmem:s8], [sflag:$0x1] =	stream.linear.gather [hbm4b:s9+s3], $0x80, $0x38;
	[tilespmem:$0x15300] =	vst v63  }
0x3d: {  	s24 =	simm.s32 $0x7680;
	s13 =	sadd.s32 s4, s11;
	s14 =	sand.u32 $0x1FFFFFF0, s12;
	(v2sf) =	vpush v17, $0xB  }
0x3e: {  	[tilespmem:s22], [sflag:$0x1] =	stream.linear.gather [hbm4b:s13+s3], $0x80, $0x38;
	[tilespmem:$0x15300] =	vst v63  }
0x3f: {  	s7 =	simm.s32 $0x7900;
	s16 =	sadd.s32 s4, s14;
	s17 =	sand.u32 $0x1FFFFFF0, s15;
	(v2sf) =	vpush v17, $0xC  }
0x40: {  	[tilespmem:s5], [sflag:$0x1] =	stream.linear.gather [hbm4b:s16+s3], $0x80, $0x38;
	[tilespmem:$0x15300] =	vst v63  }
0x41: {  	s19 =	sadd.s32 s4, s17;
	s20 =	sand.u32 $0x1FFFFFF0, s18;
	s21 =	spop (v2sf);
	(v2sf) =	vpush v17, $0xD  }
0x42: {  	[tilespmem:s6], [sflag:$0x1] =	stream.linear.gather [hbm4b:s19+s3], $0x80, $0x38;
	[tilespmem:$0x15300] =	vst v63  }
0x43: {  	s23 =	sand.u32 $0x1FFFFFF0, s21;
	s22 =	simm.s32 $0x7600;
	(v2sf) =	vpush v17, $0xE;
	s5 =	sadd.s32 s4, s20  }
0x44: {  	[tilespmem:s22], [sflag:$0x1] =	stream.linear.gather [hbm4b:s5+s3], $0x80, $0x38;
	[tilespmem:$0x15300] =	vst v63  }
0x45: {  	s8 =	simm.s32 $0x7880;
	s6 =	sadd.s32 s4, s23;
	s25 =	spop (v2sf);
	(v2sf) =	vpush v17, $0xF  }
0x46: {  	[tilespmem:s24], [sflag:$0x1] =	stream.linear.gather [hbm4b:s6+s3], $0x80, $0x38;
	[tilespmem:$0x15300] =	vst v63  }
0x47: {  	s5 =	simm.s32 $0x7A80;
	s9 =	sand.u32 $0x1FFFFFF0, s25;
	s6 =	simm.s32 $0x10  }
.LBB2_2:
0x48: {  	v17 =	vld [tilespmem:s6+$0x0];
	s11 =	sadd.s32 $0xFFFFFC80, s0;
	s9 =	sadd.s32 s4, s9;
	s12 =	sadd.s32 $0xFFFFFD80, s0  }
0x49: {  	[tilespmem:s11], [sflag:$0x1] =	stream.linear.gather [hbm4b:s9+s3], $0x80, $0x38;
	[tilespmem:$0x15300] =	vst v63  }
0x4a: {  	s2 =	sadd.s32 $0x10, s2;
	s9 =	sadd.s32 $0xFFFFFD00, s0;
	s11 =	spop (v2sf)  }
0x4b: {  	p0 =	slt.u32 s2, $0xB0;
	s11 =	sand.u32 $0x1FFFFFF0, s11;
	s13 =	spop (v2sf)  }
0x4c: {  	s11 =	sadd.s32 s4, s11;
	s13 =	sand.u32 $0x1FFFFFF0, s13;
	s14 =	spop (v2sf)  }
0x4d: {  	v17 =	vshll.u32 v17, $0x4;
	[tilespmem:s9], [sflag:$0x1] =	stream.linear.gather [hbm4b:s11+s3], $0x80, $0x38;
	[tilespmem:$0x15300] =	vst v63  }
0x4e: {  	s9 =	sadd.s32 s4, s13;
	s11 =	sand.u32 $0x1FFFFFF0, s14;
	(v2sf) =	vpush v17, $0x0;
	s13 =	spop (v2sf)  }
0x4f: {  	(v2sf) =	vpush v17, $0x1;
	[tilespmem:s12], [sflag:$0x1] =	stream.linear.gather [hbm4b:s9+s3], $0x80, $0x38;
	[tilespmem:$0x15300] =	vst v63  }
0x50: {  	s9 =	sadd.s32 s4, s11;
	s11 =	sand.u32 $0x1FFFFFF0, s13;
	(v2sf) =	vpush v17, $0x2;
	s12 =	spop (v2sf)  }
0x51: {  	[tilespmem:s8], [sflag:$0x1] =	stream.linear.gather [hbm4b:s9+s3], $0x80, $0x38;
	[tilespmem:$0x15300] =	vst v63  }
0x52: {  	s8 =	sadd.s32 s4, s11;
	s9 =	sand.u32 $0x1FFFFFF0, s12;
	(v2sf) =	vpush v17, $0x3;
	s11 =	spop (v2sf)  }
0x53: {  	[tilespmem:s7], [sflag:$0x1] =	stream.linear.gather [hbm4b:s8+s3], $0x80, $0x38;
	[tilespmem:$0x15300] =	vst v63  }
0x54: {  	s7 =	sadd.s32 s4, s9;
	s8 =	sand.u32 $0x1FFFFFF0, s11;
	(v2sf) =	vpush v17, $0x4;
	s9 =	spop (v2sf)  }
0x55: {  	[tilespmem:s1], [sflag:$0x1] =	stream.linear.gather [hbm4b:s7+s3], $0x80, $0x38;
	[tilespmem:$0x15300] =	vst v63  }
0x56: {  	s1 =	sadd.s32 $0xFFFFFF80, s0;
	s7 =	sadd.s32 s4, s8;
	s8 =	sand.u32 $0x1FFFFFF0, s9;
	(v2sf) =	vpush v17, $0x5  }
0x57: {  	[tilespmem:s1], [sflag:$0x1] =	stream.linear.gather [hbm4b:s7+s3], $0x80, $0x38;
	[tilespmem:$0x15300] =	vst v63  }
0x58: {  	s0 =	sadd.s32 $0x800, s0;
	s1 =	sadd.s32 s4, s8;
	(v2sf) =	vpush v17, $0x6  }
0x59: {  	[tilespmem:s5], [sflag:$0x1] =	stream.linear.gather [hbm4b:s1+s3], $0x80, $0x38;
	[tilespmem:$0x15300] =	vst v63  }
0x5a: {  	s6 =	sadd.s32 $0x10, s6;
	s1 =	sadd.s32 $0xFFFFFF00, s0;
	s5 =	smov.u32 s0;
	(v2sf) =	vpush v17, $0x7  }
0x5b: {  	s9 =	sadd.s32 $0xFFFFFB80, s0;
	s8 =	sadd.s32 $0xFFFFFE00, s0;
	s7 =	sadd.s32 $0xFFFFFE80, s0  }
0x5c: {  	s11 =	sadd.s32 $0xFFFFFA00, s0;
	s12 =	sadd.s32 $0xFFFFFA80, s0;
	s13 =	sadd.s32 $0xFFFFFB00, s0;
	(v2sf) =	vpush v17, $0x8  }
0x5d: {  	s14 =	sadd.s32 $0xFFFFF900, s0;
	s15 =	sadd.s32 $0xFFFFF980, s0;
	s16 =	spop (v2sf)  }
0x5e: {  	s17 =	sadd.s32 $0xFFFFF880, s0;
	s16 =	sand.u32 $0x1FFFFFF0, s16;
	s18 =	spop (v2sf)  }
0x5f: {  	s16 =	sadd.s32 s4, s16;
	s18 =	sand.u32 $0x1FFFFFF0, s18;
	s19 =	spop (v2sf)  }
0x60: {  	[tilespmem:s17], [sflag:$0x1] =	stream.linear.gather [hbm4b:s16+s3], $0x80, $0x38;
	[tilespmem:$0x15300] =	vst v63  }
0x61: {  	s16 =	sadd.s32 s4, s18;
	s17 =	sand.u32 $0x1FFFFFF0, s19;
	s18 =	spop (v2sf)  }
0x62: {  	[tilespmem:s14], [sflag:$0x1] =	stream.linear.gather [hbm4b:s16+s3], $0x80, $0x38;
	(v2sf) =	vpush v17, $0x9;
	[tilespmem:$0x15300] =	vst v63  }
0x63: {  	s14 =	sadd.s32 s4, s17;
	s16 =	sand.u32 $0x1FFFFFF0, s18;
	s17 =	spop (v2sf);
	(v2sf) =	vpush v17, $0xA  }
0x64: {  	[tilespmem:s15], [sflag:$0x1] =	stream.linear.gather [hbm4b:s14+s3], $0x80, $0x38;
	(v2sf) =	vpush v17, $0xB;
	[tilespmem:$0x15300] =	vst v63  }
0x65: {  	s14 =	sadd.s32 s4, s16;
	s15 =	sand.u32 $0x1FFFFFF0, s17;
	s16 =	spop (v2sf)  }
0x66: {  	[tilespmem:s11], [sflag:$0x1] =	stream.linear.gather [hbm4b:s14+s3], $0x80, $0x38;
	(v2sf) =	vpush v17, $0xC;
	[tilespmem:$0x15300] =	vst v63  }
0x67: {  	s11 =	sadd.s32 s4, s15;
	s14 =	sand.u32 $0x1FFFFFF0, s16;
	s15 =	spop (v2sf)  }
0x68: {  	[tilespmem:s12], [sflag:$0x1] =	stream.linear.gather [hbm4b:s11+s3], $0x80, $0x38;
	(v2sf) =	vpush v17, $0xD;
	[tilespmem:$0x15300] =	vst v63  }
0x69: {  	s11 =	sadd.s32 s4, s14;
	s12 =	sand.u32 $0x1FFFFFF0, s15;
	s14 =	spop (v2sf)  }
0x6a: {  	[tilespmem:s13], [sflag:$0x1] =	stream.linear.gather [hbm4b:s11+s3], $0x80, $0x38;
	[tilespmem:$0x15300] =	vst v63  }
.Ltmp2:
0x6b: {  	(v2sf) =	vpush v17, $0xE;
	(pc) =	sbr.rel @p0 .LBB2_2-.Ltmp2, $4  }
0x6c: {  	s11 =	sadd.s32 s4, s12;
	s12 =	sand.u32 $0x1FFFFFF0, s14;
	s13 =	spop (v2sf)  }
0x6d: {  	[tilespmem:s9], [sflag:$0x1] =	stream.linear.gather [hbm4b:s11+s3], $0x80, $0x38;
	(v2sf) =	vpush v17, $0xF;
	[tilespmem:$0x15300] =	vst v63  }
0x6e: {  	s12 =	sadd.s32 s4, s12;
	s11 =	sadd.s32 $0xFFFFFC00, s0;
	s9 =	sand.u32 $0x1FFFFFF0, s13  }
0x6f: {  	[tilespmem:s11], [sflag:$0x1] =	stream.linear.gather [hbm4b:s12+s3], $0x80, $0x38;
	[tilespmem:$0x15300] =	vst v63  }
0x70: {  	s2 =	sadd.s32 $0xFFFFFC80, s0;
	s6 =	sadd.s32 s4, s9  }
0x71: {  	[tilespmem:s2], [sflag:$0x1] =	stream.linear.gather [hbm4b:s6+s3], $0x80, $0x38;
	[tilespmem:$0x15300] =	vst v63  }
0x72: {  	s20 =	sadd.s32 $0xFFFFFD80, s0;
	s21 =	spop (v2sf)  }
0x73: {  	s22 =	sadd.s32 $0xFFFFFD00, s0;
	s6 =	sand.u32 $0x1FFFFFF0, s21;
	s11 =	spop (v2sf)  }
0x74: {  	s6 =	sadd.s32 s4, s6;
	s11 =	sand.u32 $0x1FFFFFF0, s11;
	s12 =	spop (v2sf)  }
0x75: {  	[tilespmem:s22], [sflag:$0x1] =	stream.linear.gather [hbm4b:s6+s3], $0x80, $0x38;
	[tilespmem:$0x15300] =	vst v63  }
0x76: {  	s23 =	sadd.s32 s4, s11;
	s24 =	sand.u32 $0x1FFFFFF0, s12;
	s25 =	spop (v2sf)  }
0x77: {  	[tilespmem:s20], [sflag:$0x1] =	stream.linear.gather [hbm4b:s23+s3], $0x80, $0x38;
	[tilespmem:$0x15300] =	vst v63  }
0x78: {  	s6 =	sadd.s32 s4, s24;
	s9 =	sand.u32 $0x1FFFFFF0, s25;
	s11 =	spop (v2sf)  }
0x79: {  	[tilespmem:s8], [sflag:$0x1] =	stream.linear.gather [hbm4b:s6+s3], $0x80, $0x38;
	[tilespmem:$0x15300] =	vst v63  }
0x7a: {  	s12 =	sadd.s32 s4, s9;
	s13 =	sand.u32 $0x1FFFFFF0, s11;
	s14 =	spop (v2sf)  }
0x7b: {  	[tilespmem:s7], [sflag:$0x1] =	stream.linear.gather [hbm4b:s12+s3], $0x80, $0x38;
	[tilespmem:$0x15300] =	vst v63  }
0x7c: {  	s15 =	sadd.s32 s4, s13;
	s16 =	sand.u32 $0x1FFFFFF0, s14;
	s17 =	spop (v2sf)  }
0x7d: {  	[tilespmem:s1], [sflag:$0x1] =	stream.linear.gather [hbm4b:s15+s3], $0x80, $0x38;
	[tilespmem:$0x15300] =	vst v63  }
0x7e: {  	s18 =	sadd.s32 $0xFFFFFF80, s0;
	s19 =	sadd.s32 s4, s16;
	s20 =	sand.u32 $0x1FFFFFF0, s17  }
0x7f: {  	[tilespmem:s18], [sflag:$0x1] =	stream.linear.gather [hbm4b:s19+s3], $0x80, $0x38;
	[tilespmem:$0x15300] =	vst v63  }
0x80: {  	s21 =	sadd.s32 s4, s20  }
0x81: {  	[tilespmem:s5], [sflag:$0x1] =	stream.linear.gather [hbm4b:s21+s3], $0x80, $0x38;
	[tilespmem:$0x15300] =	vst v63  }
0x82: {  	v17 =	vld [tilespmem:$0xC0];
	_ =	sdelay $0x4  }
0x83: {  	v17 =	vshll.u32 v17, $0x4  }
0x84: {  	(v2sf) =	vpush v17, $0x0;
	_ =	sdelay $0x1  }
0x85: {  	(v2sf) =	vpush v17, $0x1;
	_ =	sdelay $0x1  }
0x86: {  	(v2sf) =	vpush v17, $0x2;
	_ =	sdelay $0x2  }
0x87: {  	(v2sf) =	vpush v17, $0x3;
	_ =	sdelay $0x7  }
0x88: {  	s22 =	spop (v2sf);
	(v2sf) =	vpush v17, $0x4;
	_ =	sdelay $0x1  }
0x89: {  	s24 =	spop (v2sf);
	(v2sf) =	vpush v17, $0x5  }
0x8a: {  	s0 =	sand.u32 $0x1FFFFFF0, s22  }
0x8b: {  	s23 =	simm.s32 $0xD300;
	s0 =	sadd.s32 s4, s0;
	s1 =	spop (v2sf)  }
0x8c: {  	(v2sf) =	vpush v17, $0x6;
	[tilespmem:s23], [sflag:$0x1] =	stream.linear.gather [hbm4b:s0+s3], $0x80, $0x38;
	[tilespmem:$0x15300] =	vst v63  }
0x8d: {  	s0 =	sand.u32 $0x1FFFFFF0, s24  }
0x8e: {  	s25 =	simm.s32 $0xD380;
	s5 =	spop (v2sf);
	s0 =	sadd.s32 s4, s0  }
0x8f: {  	(v2sf) =	vpush v17, $0x7;
	[tilespmem:s25], [sflag:$0x1] =	stream.linear.gather [hbm4b:s0+s3], $0x80, $0x38;
	[tilespmem:$0x15300] =	vst v63  }
0x90: {  	s0 =	sand.u32 $0x1FFFFFF0, s1  }
0x91: {  	s2 =	simm.s32 $0xD400;
	s0 =	sadd.s32 s4, s0  }
0x92: {  	[tilespmem:s2], [sflag:$0x1] =	stream.linear.gather [hbm4b:s0+s3], $0x80, $0x38;
	[tilespmem:$0x15300] =	vst v63  }
0x93: {  	s0 =	sand.u32 $0x1FFFFFF0, s5  }
0x94: {  	s6 =	simm.s32 $0xD480;
	s0 =	sadd.s32 s4, s0  }
0x95: {  	[tilespmem:s6], [sflag:$0x1] =	stream.linear.gather [hbm4b:s0+s3], $0x80, $0x38;
	[tilespmem:$0x15300] =	vst v63  }
0x96: {  	s7 =	spop (v2sf)  }
0x97: {  	s0 =	sand.u32 $0x1FFFFFF0, s7  }
0x98: {  	s8 =	simm.s32 $0xD500;
	s9 =	spop (v2sf);
	s0 =	sadd.s32 s4, s0  }
0x99: {  	[tilespmem:s8], [sflag:$0x1] =	stream.linear.gather [hbm4b:s0+s3], $0x80, $0x38;
	[tilespmem:$0x15300] =	vst v63  }
0x9a: {  	s0 =	sand.u32 $0x1FFFFFF0, s9  }
0x9b: {  	s11 =	simm.s32 $0xD580;
	s12 =	spop (v2sf);
	s0 =	sadd.s32 s4, s0  }
0x9c: {  	[tilespmem:s11], [sflag:$0x1] =	stream.linear.gather [hbm4b:s0+s3], $0x80, $0x38;
	[tilespmem:$0x15300] =	vst v63  }
0x9d: {  	s0 =	sand.u32 $0x1FFFFFF0, s12  }
0x9e: {  	s13 =	simm.s32 $0xD600;
	s14 =	spop (v2sf);
	s0 =	sadd.s32 s4, s0  }
0x9f: {  	[tilespmem:s13], [sflag:$0x1] =	stream.linear.gather [hbm4b:s0+s3], $0x80, $0x38;
	[tilespmem:$0x15300] =	vst v63  }
0xa0: {  	s0 =	sand.u32 $0x1FFFFFF0, s14  }
0xa1: {  	s15 =	simm.s32 $0xD680;
	s16 =	simm.s32 $0xC8;
	s0 =	sadd.s32 s4, s0  }
0xa2: {  	[tilespmem:s15], [sflag:$0x1] =	stream.linear.gather [hbm4b:s0+s3], $0x80, $0x38;
	[tilespmem:$0x15300] =	vst v63  }
0xa3: {  	v17 =	vld [tilespmem:s16+$0x0];
	_ =	sdelay $0x4  }
0xa4: {  	v17 =	vshll.u32 v17, $0x4  }
0xa5: {  	(v2sf) =	vpush v17, $0x0  }
0xa6: {  	(v2sf) =	vpush v17, $0x1  }
0xa7: {  	(v2sf) =	vpush v17, $0x2;
	_ =	sdelay $0x1  }
0xa8: {  	(v2sf) =	vpush v17, $0x3  }
0xa9: {  	(v2sf) =	vpush v17, $0x4;
	_ =	sdelay $0x1  }
0xaa: {  	(v2sf) =	vpush v17, $0x5  }
0xab: {  	(v2sf) =	vpush v17, $0x6;
	_ =	sdelay $0x5  }
0xac: {  	s17 =	simm.s32 $0xD880;
	s18 =	simm.s32 $0xD780;
	(v2sf) =	vpush v17, $0x7  }
0xad: {  	s19 =	simm.s32 $0xD800;
	s21 =	simm.s32 $0xD700;
	s20 =	spop (v2sf)  }
0xae: {  	s1 =	simm.s32 $0xDD80;
	s9 =	sand.u32 $0x1FFFFFF0, s20;
	s22 =	spop (v2sf)  }
0xaf: {  	s2 =	simm.s32 $0x0;
	s9 =	sadd.s32 s4, s9;
	s13 =	spop (v2sf)  }
0xb0: {  	(v2sf) =	vpush v17, $0x8;
	[tilespmem:s21], [sflag:$0x2] =	stream.linear.gather [hbm4b:s9+s3], $0x80, $0x38;
	[tilespmem:$0x15300] =	vst v63  }
0xb1: {  	s5 =	simm.s32 $0xD900;
	s12 =	sand.u32 $0x1FFFFFF0, s22;
	s25 =	spop (v2sf)  }
0xb2: {  	s6 =	simm.s32 $0xD980;
	s23 =	sadd.s32 s4, s12;
	s12 =	spop (v2sf)  }
0xb3: {  	[tilespmem:s18], [sflag:$0x2] =	stream.linear.gather [hbm4b:s23+s3], $0x80, $0x38;
	[tilespmem:$0x15300] =	vst v63  }
0xb4: {  	s7 =	simm.s32 $0xDD00;
	s24 =	sand.u32 $0x1FFFFFF0, s13;
	s15 =	spop (v2sf)  }
0xb5: {  	s9 =	sadd.s32 s4, s24;
	s11 =	sand.u32 $0x1FFFFFF0, s25;
	(v2sf) =	vpush v17, $0x9;
	s18 =	spop (v2sf)  }
0xb6: {  	(v2sf) =	vpush v17, $0xA;
	[tilespmem:s19], [sflag:$0x2] =	stream.linear.gather [hbm4b:s9+s3], $0x80, $0x38;
	[tilespmem:$0x15300] =	vst v63  }
0xb7: {  	s8 =	simm.s32 $0xDC80;
	s13 =	sadd.s32 s4, s11;
	s14 =	sand.u32 $0x1FFFFFF0, s12;
	(v2sf) =	vpush v17, $0xB  }
0xb8: {  	[tilespmem:s17], [sflag:$0x2] =	stream.linear.gather [hbm4b:s13+s3], $0x80, $0x38;
	[tilespmem:$0x15300] =	vst v63  }
0xb9: {  	s0 =	simm.s32 $0xDE80;
	s16 =	sadd.s32 s4, s14;
	(v2sf) =	vpush v17, $0xC;
	s17 =	sand.u32 $0x1FFFFFF0, s15  }
0xba: {  	[tilespmem:s5], [sflag:$0x2] =	stream.linear.gather [hbm4b:s16+s3], $0x80, $0x38;
	[tilespmem:$0x15300] =	vst v63  }
0xbb: {  	s20 =	sand.u32 $0x1FFFFFF0, s18;
	s21 =	spop (v2sf);
	(v2sf) =	vpush v17, $0xD;
	s19 =	sadd.s32 s4, s17  }
0xbc: {  	[tilespmem:s6], [sflag:$0x2] =	stream.linear.gather [hbm4b:s19+s3], $0x80, $0x38;
	[tilespmem:$0x15300] =	vst v63  }
0xbd: {  	s22 =	simm.s32 $0xDA00;
	s23 =	sand.u32 $0x1FFFFFF0, s21;
	(v2sf) =	vpush v17, $0xE;
	s5 =	sadd.s32 s4, s20  }
0xbe: {  	[tilespmem:s22], [sflag:$0x2] =	stream.linear.gather [hbm4b:s5+s3], $0x80, $0x38;
	[tilespmem:$0x15300] =	vst v63  }
0xbf: {  	s24 =	simm.s32 $0xDA80;
	s6 =	sadd.s32 s4, s23;
	s25 =	spop (v2sf);
	(v2sf) =	vpush v17, $0xF  }
0xc0: {  	[tilespmem:s24], [sflag:$0x2] =	stream.linear.gather [hbm4b:s6+s3], $0x80, $0x38;
	[tilespmem:$0x15300] =	vst v63  }
0xc1: {  	s5 =	simm.s32 $0xDE80;
	s9 =	sand.u32 $0x1FFFFFF0, s25;
	s6 =	simm.s32 $0xD8  }
.LBB2_4:
0xc2: {  	v17 =	vld [tilespmem:s6+$0x0];
	s11 =	sadd.s32 $0xFFFFFC80, s0;
	s9 =	sadd.s32 s4, s9;
	s12 =	sadd.s32 $0xFFFFFD80, s0  }
0xc3: {  	[tilespmem:s11], [sflag:$0x2] =	stream.linear.gather [hbm4b:s9+s3], $0x80, $0x38;
	[tilespmem:$0x15300] =	vst v63  }
0xc4: {  	s2 =	sadd.s32 $0x10, s2;
	s9 =	sadd.s32 $0xFFFFFD00, s0;
	s11 =	spop (v2sf)  }
0xc5: {  	p0 =	slt.u32 s2, $0xB0;
	s11 =	sand.u32 $0x1FFFFFF0, s11;
	s13 =	spop (v2sf)  }
0xc6: {  	s11 =	sadd.s32 s4, s11;
	s13 =	sand.u32 $0x1FFFFFF0, s13;
	s14 =	spop (v2sf)  }
0xc7: {  	v17 =	vshll.u32 v17, $0x4;
	[tilespmem:s9], [sflag:$0x2] =	stream.linear.gather [hbm4b:s11+s3], $0x80, $0x38;
	[tilespmem:$0x15300] =	vst v63  }
0xc8: {  	s9 =	sadd.s32 s4, s13;
	s11 =	sand.u32 $0x1FFFFFF0, s14;
	(v2sf) =	vpush v17, $0x0;
	s13 =	spop (v2sf)  }
0xc9: {  	(v2sf) =	vpush v17, $0x1;
	[tilespmem:s12], [sflag:$0x2] =	stream.linear.gather [hbm4b:s9+s3], $0x80, $0x38;
	[tilespmem:$0x15300] =	vst v63  }
0xca: {  	s9 =	sadd.s32 s4, s11;
	s11 =	sand.u32 $0x1FFFFFF0, s13;
	(v2sf) =	vpush v17, $0x2;
	s12 =	spop (v2sf)  }
0xcb: {  	[tilespmem:s8], [sflag:$0x2] =	stream.linear.gather [hbm4b:s9+s3], $0x80, $0x38;
	[tilespmem:$0x15300] =	vst v63  }
0xcc: {  	s8 =	sadd.s32 s4, s11;
	s9 =	sand.u32 $0x1FFFFFF0, s12;
	(v2sf) =	vpush v17, $0x3;
	s11 =	spop (v2sf)  }
0xcd: {  	[tilespmem:s7], [sflag:$0x2] =	stream.linear.gather [hbm4b:s8+s3], $0x80, $0x38;
	[tilespmem:$0x15300] =	vst v63  }
0xce: {  	s7 =	sadd.s32 s4, s9;
	s8 =	sand.u32 $0x1FFFFFF0, s11;
	(v2sf) =	vpush v17, $0x4;
	s9 =	spop (v2sf)  }
0xcf: {  	[tilespmem:s1], [sflag:$0x2] =	stream.linear.gather [hbm4b:s7+s3], $0x80, $0x38;
	[tilespmem:$0x15300] =	vst v63  }
0xd0: {  	s1 =	sadd.s32 $0xFFFFFF80, s0;
	s7 =	sadd.s32 s4, s8;
	s8 =	sand.u32 $0x1FFFFFF0, s9;
	(v2sf) =	vpush v17, $0x5  }
0xd1: {  	[tilespmem:s1], [sflag:$0x2] =	stream.linear.gather [hbm4b:s7+s3], $0x80, $0x38;
	[tilespmem:$0x15300] =	vst v63  }
0xd2: {  	s0 =	sadd.s32 $0x800, s0;
	s1 =	sadd.s32 s4, s8;
	(v2sf) =	vpush v17, $0x6  }
0xd3: {  	[tilespmem:s5], [sflag:$0x2] =	stream.linear.gather [hbm4b:s1+s3], $0x80, $0x38;
	[tilespmem:$0x15300] =	vst v63  }
0xd4: {  	s6 =	sadd.s32 $0x10, s6;
	s1 =	sadd.s32 $0xFFFFFF00, s0;
	s5 =	smov.u32 s0;
	(v2sf) =	vpush v17, $0x7  }
0xd5: {  	s9 =	sadd.s32 $0xFFFFFB80, s0;
	s8 =	sadd.s32 $0xFFFFFE00, s0;
	s7 =	sadd.s32 $0xFFFFFE80, s0  }
0xd6: {  	s11 =	sadd.s32 $0xFFFFFA00, s0;
	s12 =	sadd.s32 $0xFFFFFA80, s0;
	s13 =	sadd.s32 $0xFFFFFB00, s0;
	(v2sf) =	vpush v17, $0x8  }
0xd7: {  	s14 =	sadd.s32 $0xFFFFF900, s0;
	s15 =	sadd.s32 $0xFFFFF980, s0;
	s16 =	spop (v2sf)  }
0xd8: {  	s17 =	sadd.s32 $0xFFFFF880, s0;
	s16 =	sand.u32 $0x1FFFFFF0, s16;
	s18 =	spop (v2sf)  }
0xd9: {  	s16 =	sadd.s32 s4, s16;
	s18 =	sand.u32 $0x1FFFFFF0, s18;
	s19 =	spop (v2sf)  }
0xda: {  	[tilespmem:s17], [sflag:$0x2] =	stream.linear.gather [hbm4b:s16+s3], $0x80, $0x38;
	[tilespmem:$0x15300] =	vst v63  }
0xdb: {  	s16 =	sadd.s32 s4, s18;
	s17 =	sand.u32 $0x1FFFFFF0, s19;
	s18 =	spop (v2sf)  }
0xdc: {  	[tilespmem:s14], [sflag:$0x2] =	stream.linear.gather [hbm4b:s16+s3], $0x80, $0x38;
	(v2sf) =	vpush v17, $0x9;
	[tilespmem:$0x15300] =	vst v63  }
0xdd: {  	s14 =	sadd.s32 s4, s17;
	s16 =	sand.u32 $0x1FFFFFF0, s18;
	s17 =	spop (v2sf);
	(v2sf) =	vpush v17, $0xA  }
0xde: {  	[tilespmem:s15], [sflag:$0x2] =	stream.linear.gather [hbm4b:s14+s3], $0x80, $0x38;
	(v2sf) =	vpush v17, $0xB;
	[tilespmem:$0x15300] =	vst v63  }
0xdf: {  	s14 =	sadd.s32 s4, s16;
	s15 =	sand.u32 $0x1FFFFFF0, s17;
	s16 =	spop (v2sf)  }
0xe0: {  	[tilespmem:s11], [sflag:$0x2] =	stream.linear.gather [hbm4b:s14+s3], $0x80, $0x38;
	(v2sf) =	vpush v17, $0xC;
	[tilespmem:$0x15300] =	vst v63  }
0xe1: {  	s11 =	sadd.s32 s4, s15;
	s14 =	sand.u32 $0x1FFFFFF0, s16;
	s15 =	spop (v2sf)  }
0xe2: {  	[tilespmem:s12], [sflag:$0x2] =	stream.linear.gather [hbm4b:s11+s3], $0x80, $0x38;
	(v2sf) =	vpush v17, $0xD;
	[tilespmem:$0x15300] =	vst v63  }
0xe3: {  	s11 =	sadd.s32 s4, s14;
	s12 =	sand.u32 $0x1FFFFFF0, s15;
	s14 =	spop (v2sf)  }
0xe4: {  	[tilespmem:s13], [sflag:$0x2] =	stream.linear.gather [hbm4b:s11+s3], $0x80, $0x38;
	[tilespmem:$0x15300] =	vst v63  }
.Ltmp3:
0xe5: {  	(v2sf) =	vpush v17, $0xE;
	(pc) =	sbr.rel @p0 .LBB2_4-.Ltmp3, $4  }
0xe6: {  	s11 =	sadd.s32 s4, s12;
	s12 =	sand.u32 $0x1FFFFFF0, s14;
	s13 =	spop (v2sf)  }
0xe7: {  	[tilespmem:s9], [sflag:$0x2] =	stream.linear.gather [hbm4b:s11+s3], $0x80, $0x38;
	(v2sf) =	vpush v17, $0xF;
	[tilespmem:$0x15300] =	vst v63  }
0xe8: {  	s12 =	sadd.s32 s4, s12;
	s11 =	sadd.s32 $0xFFFFFC00, s0;
	s9 =	sand.u32 $0x1FFFFFF0, s13  }
0xe9: {  	[tilespmem:s11], [sflag:$0x2] =	stream.linear.gather [hbm4b:s12+s3], $0x80, $0x38;
	[tilespmem:$0x15300] =	vst v63  }
0xea: {  	s2 =	sadd.s32 $0xFFFFFC80, s0;
	s6 =	sadd.s32 s4, s9  }
0xeb: {  	[tilespmem:s2], [sflag:$0x2] =	stream.linear.gather [hbm4b:s6+s3], $0x80, $0x38;
	[tilespmem:$0x15300] =	vst v63  }
0xec: {  	s25 =	sadd.s32 $0xFFFFFD80, s0;
	s12 =	spop (v2sf)  }
0xed: {  	s13 =	sadd.s32 $0xFFFFFD00, s0;
	s6 =	sand.u32 $0x1FFFFFF0, s12;
	s11 =	spop (v2sf)  }
0xee: {  	s6 =	sadd.s32 s4, s6;
	s11 =	sand.u32 $0x1FFFFFF0, s11;
	s12 =	spop (v2sf)  }
0xef: {  	[tilespmem:s13], [sflag:$0x2] =	stream.linear.gather [hbm4b:s6+s3], $0x80, $0x38;
	[tilespmem:$0x15300] =	vst v63  }
0xf0: {  	s14 =	sadd.s32 s4, s11;
	s15 =	sand.u32 $0x1FFFFFF0, s12;
	s16 =	spop (v2sf)  }
0xf1: {  	[tilespmem:s25], [sflag:$0x2] =	stream.linear.gather [hbm4b:s14+s3], $0x80, $0x38;
	[tilespmem:$0x15300] =	vst v63  }
0xf2: {  	s17 =	sadd.s32 s4, s15;
	s18 =	sand.u32 $0x1FFFFFF0, s16;
	s19 =	spop (v2sf)  }
0xf3: {  	[tilespmem:s8], [sflag:$0x2] =	stream.linear.gather [hbm4b:s17+s3], $0x80, $0x38;
	[tilespmem:$0x15300] =	vst v63  }
0xf4: {  	s20 =	sadd.s32 s4, s18;
	s21 =	sand.u32 $0x1FFFFFF0, s19;
	s22 =	spop (v2sf)  }
0xf5: {  	[tilespmem:s7], [sflag:$0x2] =	stream.linear.gather [hbm4b:s20+s3], $0x80, $0x38;
	[tilespmem:$0x15300] =	vst v63  }
0xf6: {  	s23 =	sadd.s32 s4, s21;
	s24 =	sand.u32 $0x1FFFFFF0, s22;
	s25 =	spop (v2sf)  }
0xf7: {  	[tilespmem:s1], [sflag:$0x2] =	stream.linear.gather [hbm4b:s23+s3], $0x80, $0x38;
	[tilespmem:$0x15300] =	vst v63  }
0xf8: {  	s2 =	sadd.s32 $0xFFFFFF80, s0;
	s8 =	sadd.s32 s4, s24;
	s9 =	sand.u32 $0x1FFFFFF0, s25  }
0xf9: {  	[tilespmem:s2], [sflag:$0x2] =	stream.linear.gather [hbm4b:s8+s3], $0x80, $0x38;
	[tilespmem:$0x15300] =	vst v63  }
0xfa: {  	s11 =	sadd.s32 s4, s9  }
0xfb: {  	[tilespmem:s5], [sflag:$0x2] =	stream.linear.gather [hbm4b:s11+s3], $0x80, $0x38;
	[tilespmem:$0x15300] =	vst v63  }
0xfc: {  	v17 =	vld [tilespmem:$0x188];
	_ =	sdelay $0x4  }
0xfd: {  	v17 =	vshll.u32 v17, $0x4  }
0xfe: {  	(v2sf) =	vpush v17, $0x0;
	_ =	sdelay $0x1  }
0xff: {  	(v2sf) =	vpush v17, $0x1;
	_ =	sdelay $0x1  }
0x100: {  	(v2sf) =	vpush v17, $0x2;
	_ =	sdelay $0x2  }
0x101: {  	(v2sf) =	vpush v17, $0x3;
	_ =	sdelay $0x7  }
0x102: {  	s12 =	spop (v2sf);
	(v2sf) =	vpush v17, $0x4;
	_ =	sdelay $0x1  }
0x103: {  	s14 =	spop (v2sf);
	(v2sf) =	vpush v17, $0x5  }
0x104: {  	s13 =	simm.s32 $0x13700;
	s0 =	sand.u32 $0x1FFFFFF0, s12  }
0x105: {  	s9 =	simm.s32 $0x0;
	s0 =	sadd.s32 s4, s0;
	s16 =	spop (v2sf)  }
0x106: {  	(v2sf) =	vpush v17, $0x6;
	[tilespmem:s13], [sflag:$0x2] =	stream.linear.gather [hbm4b:s0+s9], $0x80, $0x38;
	[tilespmem:$0x15300] =	vst v63  }
0x107: {  	s0 =	sand.u32 $0x1FFFFFF0, s14  }
0x108: {  	s15 =	simm.s32 $0x13780;
	s18 =	spop (v2sf);
	s0 =	sadd.s32 s4, s0  }
0x109: {  	(v2sf) =	vpush v17, $0x7;
	[tilespmem:s15], [sflag:$0x2] =	stream.linear.gather [hbm4b:s0+s9], $0x80, $0x38;
	[tilespmem:$0x15300] =	vst v63  }
0x10a: {  	s0 =	sand.u32 $0x1FFFFFF0, s16  }
0x10b: {  	s17 =	simm.s32 $0x13800;
	s0 =	sadd.s32 s4, s0  }
0x10c: {  	[tilespmem:s17], [sflag:$0x2] =	stream.linear.gather [hbm4b:s0+s9], $0x80, $0x38;
	[tilespmem:$0x15300] =	vst v63  }
0x10d: {  	s0 =	sand.u32 $0x1FFFFFF0, s18  }
0x10e: {  	s19 =	simm.s32 $0x13880;
	s0 =	sadd.s32 s4, s0  }
0x10f: {  	[tilespmem:s19], [sflag:$0x2] =	stream.linear.gather [hbm4b:s0+s9], $0x80, $0x38;
	[tilespmem:$0x15300] =	vst v63  }
0x110: {  	s20 =	spop (v2sf)  }
0x111: {  	s0 =	sand.u32 $0x1FFFFFF0, s20  }
0x112: {  	s21 =	simm.s32 $0x13900;
	s22 =	spop (v2sf);
	s0 =	sadd.s32 s4, s0  }
0x113: {  	[tilespmem:s21], [sflag:$0x2] =	stream.linear.gather [hbm4b:s0+s9], $0x80, $0x38;
	[tilespmem:$0x15300] =	vst v63  }
0x114: {  	s0 =	sand.u32 $0x1FFFFFF0, s22  }
0x115: {  	s23 =	simm.s32 $0x13980;
	s24 =	spop (v2sf);
	s0 =	sadd.s32 s4, s0  }
0x116: {  	[tilespmem:s23], [sflag:$0x2] =	stream.linear.gather [hbm4b:s0+s9], $0x80, $0x38;
	[tilespmem:$0x15300] =	vst v63  }
0x117: {  	s0 =	sand.u32 $0x1FFFFFF0, s24  }
0x118: {  	s25 =	spop (v2sf);
	s0 =	sadd.s32 s4, s0  }
0x119: {  	[tilespmem:s26], [sflag:$0x2] =	stream.linear.gather [hbm4b:s0+s9], $0x80, $0x38;
	[tilespmem:$0x15300] =	vst v63  }
0x11a: {  	s0 =	sand.u32 $0x1FFFFFF0, s25  }
0x11b: {  	s6 =	simm.s32 $0x1A48;
	s0 =	sadd.s32 s4, s0  }
0x11c: {  	[tilespmem:s28], [sflag:$0x2] =	stream.linear.gather [hbm4b:s0+s9], $0x80, $0x38;
	[tilespmem:$0x15300] =	vst v63  }
0x11d: {  	s7 =	simm.s32 $0x258;
	s5 =	simm.s32 $0x190;
	s0 =	simm.s32 $0x1980  }
.LBB2_6:
0x11e: {  	v17 =	vld [tilespmem:s0+$0x0];
	_ =	sdelay $0x4  }
0x11f: {  	v18 =	vshll.u32 v17, $0x3  }
0x120: {  	v17 =	vand.u32 $0x7F, v17;
	v18 =	vand.u32 $0xFFFFFC00, v18  }
0x121: {  	v17 =	vor.u32 v17, v18  }
0x122: {  	v18 =	vadd.s32 $0x2380, v17  }
0x123: {  	v19 =	vor.u32 $0x80, v17  }
0x124: {  	s2 =	sadd.s32 $0x10, s0;
	v20 =	vor.u32 $0x100, v17  }
0x125: {  	v28 =	vld [tilespmem:s2+$0x0];
	v21 =	vor.u32 $0x180, v17  }
0x126: {  	v23 =	vor.u32 $0x200, v17;
	v22 =	vld.idx.msk [tilespmem:v17+s10+$0x0], $0xffff  }
0x127: {  	v26 =	vor.u32 $0x380, v17;
	v24 =	vld.idx.msk [tilespmem:v18+s10+$0x0], $0xffff  }
0x128: {  	v27 =	vadd.s32 $0x2000, v17;
	v25 =	vld.idx.msk [tilespmem:v19+s10+$0x0], $0xffff  }
0x129: {  	v29 =	vadd.s32 $0x2080, v17;
	v20 =	vld.idx.msk [tilespmem:v20+s10+$0x0], $0xffff  }
0x12a: {  	v18 =	vor.u32 $0x280, v17;
	v21 =	vld.idx.msk [tilespmem:v21+s10+$0x0], $0xffff  }
0x12b: {  	v19 =	vor.u32 $0x300, v17;
	v30 =	vld.idx.msk [tilespmem:v23+s10+$0x0], $0xffff  }
0x12c: {  	v23 =	vadd.s32 $0x2100, v17;
	v26 =	vld.idx.msk [tilespmem:v26+s10+$0x0], $0xffff  }
0x12d: {  	v32 =	vadd.s32 $0x2180, v17;
	v27 =	vld.idx.msk [tilespmem:v27+s10+$0x0], $0xffff  }
0x12e: {  	v34 =	vadd.s32 $0x2200, v17;
	v35 =	vadd.s32 $0x2280, v17;
	v36 =	vadd.s32 $0x2300, v17;
	v44 =	vld.idx.msk [tilespmem:v29+s10+$0x0], $0xffff  }
0x12f: {  	v17 =	vshll.u32 v28, $0x3;
	v28 =	vand.u32 $0x7F, v28;
	v31 =	vld.idx.msk [tilespmem:v18+s10+$0x0], $0xffff;
	v18 =	vimm.f32 $0.0e+00  }
0x130: {  	v37 =	vand.u32 $0xFFFFFC00, v17;
	v33 =	vld.idx.msk [tilespmem:v19+s10+$0x0], $0xffff;
	v19 =	vadd.f32 v22, v18;
	v17 =	vadd.f32 v24, v18  }
0x131: {  	v22 =	vadd.f32 v25, v18;
	v24 =	vor.u32 v28, v37;
	v25 =	vld.idx.msk [tilespmem:v23+s10+$0x0], $0xffff;
	v23 =	vadd.f32 v20, v18  }
0x132: {  	v51 =	vld.idx.msk [tilespmem:v32+s10+$0x0], $0xffff;
	v20 =	vadd.f32 v21, v18;
	v21 =	vadd.f32 v30, v18;
	v28 =	vadd.s32 $0x2380, v24  }
0x133: {  	v52 =	vld.idx.msk [tilespmem:v34+s10+$0x0], $0xffff;
	v30 =	vor.u32 $0x80, v24;
	v43 =	vor.u32 $0x100, v24;
	v53 =	vor.u32 $0x180, v24  }
0x134: {  	v34 =	vld.idx.msk [tilespmem:v35+s10+$0x0], $0xffff;
	v50 =	vor.u32 $0x200, v24;
	v48 =	vor.u32 $0x280, v24;
	v49 =	vor.u32 $0x300, v24  }
0x135: {  	v35 =	vld.idx.msk [tilespmem:v36+s10+$0x0], $0xffff;
	v47 =	vor.u32 $0x380, v24;
	v46 =	vadd.s32 $0x2000, v24;
	v45 =	vadd.s32 $0x2080, v24  }
0x136: {  	v42 =	vadd.s32 $0x2100, v24;
	v40 =	vadd.s32 $0x2180, v24;
	v39 =	vadd.s32 $0x2200, v24;
	v38 =	vld.idx.msk [tilespmem:v24+s10+$0x0], $0xffff  }
0x137: {  	v37 =	vadd.s32 $0x2280, v24;
	v31 =	vadd.f32 v31, v18;
	v29 =	vadd.f32 v33, v18;
	v32 =	vld.idx.msk [tilespmem:v28+s10+$0x0], $0xffff  }
0x138: {  	v36 =	vadd.s32 $0x2300, v24;
	v24 =	vadd.f32 v25, v18;
	v25 =	vadd.f32 v52, v18;
	v41 =	vld.idx.msk [tilespmem:v30+s10+$0x0], $0xffff  }
0x139: {  	v30 =	vadd.f32 v26, v18;
	v26 =	vadd.f32 v27, v18;
	v43 =	vld.idx.msk [tilespmem:v43+s10+$0x0], $0xffff  }
0x13a: {  	s8 =	smul.u32 $0x190, s9;
	s1 =	simm.s32 $0x10;
	s2 =	sadd.s32 $0x10, s2;
	v33 =	vimm.f32 $0.0e+00;
	v27 =	vadd.f32 v44, v18;
	v44 =	vld.idx.msk [tilespmem:v53+s10+$0x0], $0xffff;
	v28 =	vadd.f32 v51, v18  }
.LBB2_7:
0x13b: {  	v51 =	vld [tilespmem:s2+$0x0];
	s1 =	sadd.s32 $0x10, s1;
	v18 =	vadd.f32 v34, v18;
	v33 =	vadd.f32 v35, v33  }
0x13c: {  	v19 =	vadd.f32 v38, v19;
	p0 =	slt.u32 s1, $0xB0;
	v34 =	vld.idx.msk [tilespmem:v50+s10+$0x0], $0xffff  }
0x13d: {  	v17 =	vadd.f32 v32, v17;
	v52 =	vld.idx.msk [tilespmem:v48+s10+$0x0], $0xffff  }
0x13e: {  	v22 =	vadd.f32 v41, v22;
	v41 =	vld.idx.msk [tilespmem:v49+s10+$0x0], $0xffff  }
0x13f: {  	v23 =	vadd.f32 v43, v23;
	v43 =	vld.idx.msk [tilespmem:v47+s10+$0x0], $0xffff  }
0x140: {  	v20 =	vadd.f32 v44, v20;
	v32 =	vshll.u32 v51, $0x3;
	v44 =	vld.idx.msk [tilespmem:v46+s10+$0x0], $0xffff  }
0x141: {  	v35 =	vand.u32 $0x7F, v51;
	v32 =	vand.u32 $0xFFFFFC00, v32;
	v51 =	vld.idx.msk [tilespmem:v45+s10+$0x0], $0xffff  }
0x142: {  	v21 =	vadd.f32 v34, v21;
	v32 =	vor.u32 v35, v32;
	v53 =	vld.idx.msk [tilespmem:v42+s10+$0x0], $0xffff  }
0x143: {  	v54 =	vor.u32 $0x80, v32;
	v55 =	vor.u32 $0x100, v32;
	v56 =	vadd.s32 $0x2380, v32;
	v57 =	vld.idx.msk [tilespmem:v40+s10+$0x0], $0xffff  }
0x144: {  	v58 =	vor.u32 $0x180, v32;
	v50 =	vor.u32 $0x200, v32;
	v48 =	vor.u32 $0x280, v32;
	v59 =	vld.idx.msk [tilespmem:v39+s10+$0x0], $0xffff  }
0x145: {  	v49 =	vor.u32 $0x300, v32;
	v47 =	vor.u32 $0x380, v32;
	v46 =	vadd.s32 $0x2000, v32;
	v34 =	vld.idx.msk [tilespmem:v37+s10+$0x0], $0xffff  }
0x146: {  	v45 =	vadd.s32 $0x2080, v32;
	v42 =	vadd.s32 $0x2100, v32;
	v40 =	vadd.s32 $0x2180, v32;
	v35 =	vld.idx.msk [tilespmem:v36+s10+$0x0], $0xffff  }
.Ltmp4:
0x147: {  	v39 =	vadd.s32 $0x2200, v32;
	v37 =	vadd.s32 $0x2280, v32;
	v36 =	vadd.s32 $0x2300, v32;
	v38 =	vld.idx.msk [tilespmem:v32+s10+$0x0], $0xffff;
	(pc) =	sbr.rel @p0 .LBB2_7-.Ltmp4, $4  }
0x148: {  	v31 =	vadd.f32 v52, v31;
	v29 =	vadd.f32 v41, v29;
	v32 =	vld.idx.msk [tilespmem:v56+s10+$0x0], $0xffff  }
0x149: {  	v30 =	vadd.f32 v43, v30;
	v26 =	vadd.f32 v44, v26;
	v41 =	vld.idx.msk [tilespmem:v54+s10+$0x0], $0xffff  }
0x14a: {  	v27 =	vadd.f32 v51, v27;
	v24 =	vadd.f32 v53, v24;
	v43 =	vld.idx.msk [tilespmem:v55+s10+$0x0], $0xffff  }
0x14b: {  	s2 =	sadd.s32 $0x10, s2;
	v28 =	vadd.f32 v57, v28;
	v25 =	vadd.f32 v59, v25;
	v44 =	vld.idx.msk [tilespmem:v58+s10+$0x0], $0xffff  }
0x14c: {  	_ =	sdelay $0x1  }
0x14d: {  	v51 =	vld [tilespmem:s8+$0x1A40];
	_ =	sdelay $0x1  }
0x14e: {  	v50 =	vld.idx.msk [tilespmem:v50+s10+$0x0], $0xffff  }
0x14f: {  	v48 =	vld.idx.msk [tilespmem:v48+s10+$0x0], $0xffff  }
0x150: {  	v49 =	vld.idx.msk [tilespmem:v49+s10+$0x0], $0xffff  }
0x151: {  	v47 =	vld.idx.msk [tilespmem:v47+s10+$0x0], $0xffff;
	v51 =	vnsel vm0, $0x3E8, v51  }
0x152: {  	v46 =	vld.idx.msk [tilespmem:v46+s10+$0x0], $0xffff;
	v52 =	vshll.u32 v51, $0x3  }
0x153: {  	v45 =	vld.idx.msk [tilespmem:v45+s10+$0x0], $0xffff;
	v51 =	vand.u32 $0x7F, v51;
	v52 =	vand.u32 $0xFFFFFC00, v52  }
0x154: {  	v42 =	vld.idx.msk [tilespmem:v42+s10+$0x0], $0xffff;
	v51 =	vor.u32 v51, v52  }
0x155: {  	v40 =	vld.idx.msk [tilespmem:v40+s10+$0x0], $0xffff;
	v52 =	vor.u32 $0x80, v51  }
0x156: {  	v39 =	vld.idx.msk [tilespmem:v39+s10+$0x0], $0xffff;
	v53 =	vor.u32 $0x100, v51  }
0x157: {  	v37 =	vld.idx.msk [tilespmem:v37+s10+$0x0], $0xffff;
	v54 =	vor.u32 $0x180, v51  }
0x158: {  	v36 =	vld.idx.msk [tilespmem:v36+s10+$0x0], $0xffff;
	v55 =	vor.u32 $0x200, v51  }
0x159: {  	v57 =	vor.u32 $0x280, v51;
	v56 =	vld.idx.msk [tilespmem:v51+s10+$0x0], $0xffff  }
0x15a: {  	v58 =	vor.u32 $0x300, v51;
	v52 =	vld.idx.msk [tilespmem:v52+s10+$0x0], $0xffff  }
0x15b: {  	v59 =	vor.u32 $0x380, v51;
	v53 =	vld.idx.msk [tilespmem:v53+s10+$0x0], $0xffff  }
0x15c: {  	v60 =	vadd.s32 $0x2000, v51;
	v54 =	vld.idx.msk [tilespmem:v54+s10+$0x0], $0xffff  }
0x15d: {  	v61 =	vadd.s32 $0x2080, v51;
	v55 =	vld.idx.msk [tilespmem:v55+s10+$0x0], $0xffff  }
0x15e: {  	v62 =	vadd.s32 $0x2100, v51;
	v57 =	vld.idx.msk [tilespmem:v57+s10+$0x0], $0xffff  }
0x15f: {  	v63 =	vadd.s32 $0x2180, v51;
	v58 =	vld.idx.msk [tilespmem:v58+s10+$0x0], $0xffff  }
0x160: {  	v1 =	vadd.s32 $0x2200, v51;
	v59 =	vld.idx.msk [tilespmem:v59+s10+$0x0], $0xffff  }
0x161: {  	v2 =	vadd.s32 $0x2280, v51;
	v60 =	vld.idx.msk [tilespmem:v60+s10+$0x0], $0xffff  }
0x162: {  	v3 =	vadd.s32 $0x2300, v51;
	v61 =	vld.idx.msk [tilespmem:v61+s10+$0x0], $0xffff  }
0x163: {  	v51 =	vadd.s32 $0x2380, v51;
	v62 =	vld.idx.msk [tilespmem:v62+s10+$0x0], $0xffff  }
0x164: {  	v18 =	vadd.f32 v34, v18;
	v19 =	vadd.f32 v38, v19;
	v63 =	vld.idx.msk [tilespmem:v63+s10+$0x0], $0xffff  }
0x165: {  	v33 =	vadd.f32 v35, v33;
	v22 =	vadd.f32 v41, v22;
	v1 =	vld.idx.msk [tilespmem:v1+s10+$0x0], $0xffff  }
0x166: {  	v23 =	vadd.f32 v43, v23;
	v2 =	vld.idx.msk [tilespmem:v2+s10+$0x0], $0xffff;
	v19 =	vadd.f32 v56, v19  }
0x167: {  	v20 =	vadd.f32 v44, v20;
	v3 =	vld.idx.msk [tilespmem:v3+s10+$0x0], $0xffff;
	v22 =	vadd.f32 v52, v22  }
0x168: {  	v21 =	vadd.f32 v50, v21;
	v56 =	vld.idx.msk [tilespmem:v51+s10+$0x0], $0xffff;
	v23 =	vadd.f32 v53, v23;
	[tilespmem:$0x13B00] =	vst v19  }
0x169: {  	v18 =	vadd.f32 v37, v18;
	v20 =	vadd.f32 v54, v20;
	[tilespmem:$0x13B80] =	vst v22  }
0x16a: {  	v21 =	vadd.f32 v55, v21;
	v19 =	vadd.f32 v48, v31;
	[tilespmem:$0x13C00] =	vst v23  }
0x16b: {  	v2 =	vadd.f32 v2, v18;
	v22 =	vadd.f32 v49, v29;
	[tilespmem:$0x13C80] =	vst v20  }
0x16c: {  	[tilespmem:$0x13D00] =	vst v21;
	v21 =	vadd.f32 v45, v27;
	v19 =	vadd.f32 v57, v19  }
0x16d: {  	v23 =	vadd.f32 v47, v30;
	[tilespmem:$0x14180] =	vst v2;
	v22 =	vadd.f32 v58, v22  }
0x16e: {  	v20 =	vadd.f32 v46, v26;
	v21 =	vadd.f32 v61, v21;
	[tilespmem:$0x13D80] =	vst v19  }
0x16f: {  	v23 =	vadd.f32 v59, v23;
	v19 =	vadd.f32 v42, v24;
	[tilespmem:$0x13E00] =	vst v22  }
0x170: {  	v20 =	vadd.f32 v60, v20;
	[tilespmem:$0x13F80] =	vst v21;
	v21 =	vadd.f32 v36, v33  }
0x171: {  	[tilespmem:$0x13E80] =	vst v23;
	v23 =	vadd.f32 v39, v25;
	v19 =	vadd.f32 v62, v19  }
0x172: {  	v2 =	vld [tilespmem:$0x1FFE0];
	v22 =	vadd.f32 v40, v28;
	[tilespmem:$0x13F00] =	vst v20;
	v3 =	vadd.f32 v3, v21  }
0x173: {  	v17 =	vadd.f32 v32, v17;
	v1 =	vadd.f32 v1, v23;
	[tilespmem:$0x14000] =	vst v19  }
0x174: {  	v20 =	vadd.f32 v63, v22;
	[tilespmem:$0x14200] =	vst v3;
	v3 =	vld [tilespmem:$0x1FFF0]  }
0x175: {  	[tilespmem:$0x14100] =	vst v1;
	v1 =	vadd.f32 v56, v17  }
0x176: {  	[tilespmem:$0x14080] =	vst v20  }
0x177: {  	[tilespmem:$0x14280] =	vst v1  }
0x178: {  	v1 =	vld.idx.msk [tilespmem:v0+s29+$0x0], $0xffff;
	_ =	sdelay $0x1  }
0x179: {  	v2 =	vld.idx.msk [tilespmem:v2+s29+$0x0], $0xffff;
	_ =	sdelay $0x1  }
0x17a: {  	v3 =	vld.idx.msk [tilespmem:v3+s29+$0x0], $0xffff  }
0x17b: {  	v1 =	vadd.f32 $0.0e+00, v1  }
0x17c: {  	v17 =	vld.idx.msk [tilespmem:v4+s29+$0x0], $0xffff  }
0x17d: {  	v1 =	vadd.f32 v2, v1  }
0x17e: {  	v2 =	vld.idx.msk [tilespmem:v5+s29+$0x0], $0xffff  }
0x17f: {  	v1 =	vadd.f32 v3, v1  }
0x180: {  	v3 =	vld.idx.msk [tilespmem:v6+s29+$0x0], $0xffff  }
0x181: {  	v1 =	vadd.f32 v17, v1  }
0x182: {  	v17 =	vld.idx.msk [tilespmem:v7+s29+$0x0], $0xffff  }
0x183: {  	v1 =	vadd.f32 v2, v1  }
0x184: {  	v2 =	vld.idx.msk [tilespmem:v8+s29+$0x0], $0xffff  }
0x185: {  	v1 =	vadd.f32 v3, v1  }
0x186: {  	v3 =	vld.idx.msk [tilespmem:v9+s29+$0x0], $0xffff  }
0x187: {  	v1 =	vadd.f32 v17, v1  }
0x188: {  	v17 =	vld.idx.msk [tilespmem:v10+s29+$0x0], $0xffff  }
0x189: {  	v1 =	vadd.f32 v2, v1  }
0x18a: {  	v2 =	vld.idx.msk [tilespmem:v11+s29+$0x0], $0xffff  }
0x18b: {  	v1 =	vadd.f32 v3, v1  }
0x18c: {  	v3 =	vld.idx.msk [tilespmem:v12+s29+$0x0], $0xffff  }
0x18d: {  	v1 =	vadd.f32 v17, v1  }
0x18e: {  	v17 =	vld.idx.msk [tilespmem:v13+s29+$0x0], $0xffff  }
0x18f: {  	v1 =	vadd.f32 v2, v1  }
0x190: {  	v2 =	vld.idx.msk [tilespmem:v14+s29+$0x0], $0xffff  }
0x191: {  	v1 =	vadd.f32 v3, v1  }
0x192: {  	v3 =	vld.idx.msk [tilespmem:v15+s29+$0x0], $0xffff  }
0x193: {  	v1 =	vadd.f32 v17, v1  }
0x194: {  	v17 =	vld.idx.msk [tilespmem:v16+s29+$0x0], $0xffff  }
0x195: {  	v1 =	vadd.f32 v2, v1;
	_ =	sdelay $0x1  }
0x196: {  	v1 =	vadd.f32 v3, v1;
	_ =	sdelay $0x1  }
0x197: {  	v1 =	vadd.f32 v17, v1;
	_ =	sdelay $0x1  }
0x198: {  	s1 =	sshll.u32 s9, $0x8;
	v1 =	vmul.f32 $4.999999890e-03, v1  }
0x199: {  	s2 =	sand.u32 $0x3FFFFF00, s1  }
0x19a: {  	[tilespmem:s2+$0x14340] =	vst v1  }
0x19b: {  	_ =	swait.ge [sflag:s30], $0x6400  }
0x19c: {  	[sflag:s30] =	ssyncset.done $0x0  }
0x19d: {  	s11 =	simm.s32 $0x7500;
	[sflag:s30] =	ssyncadd.s32 $0xFFFF9C00  }
0x19e: {  	v17 =	vld [tilespmem:s11+$0x180]  }
0x19f: {  	v18 =	vld [tilespmem:s11+$0x190]  }
0x1a0: {  	v19 =	vld [tilespmem:s11+$0x100]  }
0x1a1: {  	v20 =	vld [tilespmem:s11+$0x110]  }
0x1a2: {  	v1 =	vld [tilespmem:s11+$0x80]  }
0x1a3: {  	v2 =	vld [tilespmem:s11+$0x90]  }
0x1a4: {  	v3 =	vld [tilespmem:s11+$0x0]  }
0x1a5: {  	v24 =	vld [tilespmem:s11+$0x10]  }
0x1a6: {  	v22 =	vld [tilespmem:s11+$0xFFFFFF80]  }
0x1a7: {  	v23 =	vld [tilespmem:s11+$0xFFFFFF90]  }
0x1a8: {  	v21 =	vld [tilespmem:s11+$0xFFFFFF00]  }
0x1a9: {  	v25 =	vld [tilespmem:s11+$0xFFFFFF10]  }
0x1aa: {  	v26 =	vld [tilespmem:s11+$0xFFFFFE80]  }
0x1ab: {  	v27 =	vld [tilespmem:s11+$0xFFFFFE90]  }
0x1ac: {  	v28 =	vld [tilespmem:s11+$0xFFFFFE00]  }
0x1ad: {  	v29 =	vld [tilespmem:s11+$0xFFFFFE10]  }
0x1ae: {  	v30 =	vld [tilespmem:s11+$0xFFFFFE20]  }
0x1af: {  	v31 =	vld [tilespmem:s11+$0xFFFFFE30]  }
0x1b0: {  	v58 =	vld [tilespmem:s11+$0xFFFFFEA0]  }
0x1b1: {  	v59 =	vld [tilespmem:s11+$0xFFFFFEB0]  }
0x1b2: {  	v60 =	vimm.f32 $0.0e+00;
	v61 =	vld [tilespmem:s11+$0xFFFFFF20]  }
0x1b3: {  	v62 =	vld [tilespmem:s11+$0xFFFFFF30];
	v28 =	vadd.f32 v28, v60;
	v29 =	vadd.f32 v29, v60  }
0x1b4: {  	v63 =	vld [tilespmem:s11+$0xFFFFFFA0];
	v30 =	vadd.f32 v30, v60;
	v31 =	vadd.f32 v31, v60  }
0x1b5: {  	v26 =	vadd.f32 v26, v28;
	v27 =	vadd.f32 v27, v29;
	v28 =	vld [tilespmem:s11+$0xFFFFFFB0]  }
0x1b6: {  	v29 =	vadd.f32 v58, v30;
	v30 =	vadd.f32 v59, v31;
	v31 =	vld [tilespmem:s11+$0x20]  }
0x1b7: {  	v26 =	vadd.f32 v21, v26;
	v25 =	vadd.f32 v25, v27;
	v27 =	vld [tilespmem:s11+$0x30]  }
0x1b8: {  	v29 =	vadd.f32 v61, v29;
	v30 =	vadd.f32 v62, v30;
	v21 =	vld [tilespmem:s11+$0xA0]  }
0x1b9: {  	v26 =	vadd.f32 v22, v26;
	v25 =	vadd.f32 v23, v25;
	v23 =	vld [tilespmem:s11+$0xB0]  }
0x1ba: {  	v29 =	vadd.f32 v63, v29;
	v22 =	vld [tilespmem:s11+$0x120];
	v30 =	vadd.f32 v28, v30  }
0x1bb: {  	v3 =	vadd.f32 v3, v26;
	v26 =	vadd.f32 v24, v25;
	v25 =	vld [tilespmem:s11+$0x130]  }
0x1bc: {  	v28 =	vadd.f32 v31, v29;
	v24 =	vld [tilespmem:s11+$0x1A0];
	v27 =	vadd.f32 v27, v30  }
0x1bd: {  	s1 =	simm.s32 $0x0;
	v30 =	vadd.f32 v1, v3;
	v29 =	vadd.f32 v2, v26;
	v26 =	vld [tilespmem:s11+$0x1B0];
	s11 =	simm.s32 $0x7900  }
.LBB2_9:
0x1be: {  	v1 =	vld [tilespmem:s11+$0x180];
	v2 =	vadd.f32 v21, v28;
	v3 =	vadd.f32 v23, v27  }
0x1bf: {  	v21 =	vld [tilespmem:s11+$0x190];
	v23 =	vadd.f32 v19, v30;
	v27 =	vadd.f32 v20, v29  }
0x1c0: {  	v19 =	vld [tilespmem:s11+$0x100];
	v2 =	vadd.f32 v22, v2;
	v3 =	vadd.f32 v25, v3  }
0x1c1: {  	v20 =	vld [tilespmem:s11+$0x110];
	v22 =	vadd.f32 v17, v23;
	v23 =	vadd.f32 v18, v27  }
0x1c2: {  	v29 =	vld [tilespmem:s11+$0x80];
	v2 =	vadd.f32 v24, v2;
	v3 =	vadd.f32 v26, v3  }
0x1c3: {  	v26 =	vld [tilespmem:s11+$0x90];
	v17 =	vmov v1  }
0x1c4: {  	v1 =	vld [tilespmem:s11+$0x0];
	v18 =	vmov v21  }
0x1c5: {  	v24 =	vld [tilespmem:s11+$0x10]  }
0x1c6: {  	v25 =	vld [tilespmem:s11+$0xFFFFFF80]  }
0x1c7: {  	v27 =	vld [tilespmem:s11+$0xFFFFFF90]  }
0x1c8: {  	v21 =	vld [tilespmem:s11+$0xFFFFFF00]  }
0x1c9: {  	v28 =	vld [tilespmem:s11+$0xFFFFFF10]  }
0x1ca: {  	v30 =	vld [tilespmem:s11+$0xFFFFFE80]  }
0x1cb: {  	v31 =	vld [tilespmem:s11+$0xFFFFFE90]  }
0x1cc: {  	v32 =	vld [tilespmem:s11+$0xFFFFFE00]  }
0x1cd: {  	v33 =	vld [tilespmem:s11+$0xFFFFFE10]  }
0x1ce: {  	v34 =	vld [tilespmem:s11+$0xFFFFFE20]  }
0x1cf: {  	s1 =	sadd.s32 $0x8, s1;
	v35 =	vld [tilespmem:s11+$0xFFFFFE30]  }
0x1d0: {  	p0 =	slt.u32 s1, $0xC0;
	v36 =	vld [tilespmem:s11+$0xFFFFFEA0]  }
0x1d1: {  	v37 =	vld [tilespmem:s11+$0xFFFFFEB0]  }
0x1d2: {  	v38 =	vld [tilespmem:s11+$0xFFFFFF20]  }
0x1d3: {  	v22 =	vadd.f32 v32, v22;
	v23 =	vadd.f32 v33, v23;
	v32 =	vld [tilespmem:s11+$0xFFFFFF30]  }
0x1d4: {  	v2 =	vadd.f32 v34, v2;
	v3 =	vadd.f32 v35, v3;
	v33 =	vld [tilespmem:s11+$0xFFFFFFA0]  }
0x1d5: {  	v22 =	vadd.f32 v30, v22;
	v23 =	vadd.f32 v31, v23;
	v30 =	vld [tilespmem:s11+$0xFFFFFFB0]  }
0x1d6: {  	v2 =	vadd.f32 v36, v2;
	v3 =	vadd.f32 v37, v3;
	v31 =	vld [tilespmem:s11+$0x20]  }
0x1d7: {  	v22 =	vadd.f32 v21, v22;
	v23 =	vadd.f32 v28, v23;
	v34 =	vld [tilespmem:s11+$0x30]  }
0x1d8: {  	v2 =	vadd.f32 v38, v2;
	v3 =	vadd.f32 v32, v3;
	v21 =	vld [tilespmem:s11+$0xA0]  }
.Ltmp5:
0x1d9: {  	v25 =	vadd.f32 v25, v22;
	v27 =	vadd.f32 v27, v23;
	v23 =	vld [tilespmem:s11+$0xB0];
	(pc) =	sbr.rel @p0 .LBB2_9-.Ltmp5, $4  }
0x1da: {  	v2 =	vadd.f32 v33, v2;
	v3 =	vadd.f32 v30, v3;
	v22 =	vld [tilespmem:s11+$0x120]  }
0x1db: {  	v1 =	vadd.f32 v1, v25;
	v32 =	vadd.f32 v24, v27;
	v25 =	vld [tilespmem:s11+$0x130]  }
0x1dc: {  	v28 =	vadd.f32 v31, v2;
	v27 =	vadd.f32 v34, v3;
	v24 =	vld [tilespmem:s11+$0x1A0]  }
0x1dd: {  	v30 =	vadd.f32 v29, v1;
	v29 =	vadd.f32 v26, v32;
	v26 =	vld [tilespmem:s11+$0x1B0];
	s11 =	sadd.s32 $0x400, s11  }
0x1de: {  	_ = 	snop  }
0x1df: {  	v1 =	vadd.f32 v21, v28;
	v2 =	vadd.f32 v19, v30  }
0x1e0: {  	v3 =	vadd.f32 v23, v27;
	v19 =	vadd.f32 v20, v29  }
0x1e1: {  	v1 =	vadd.f32 v22, v1;
	v2 =	vadd.f32 v17, v2  }
0x1e2: {  	v3 =	vadd.f32 v25, v3;
	v17 =	vadd.f32 v18, v19  }
0x1e3: {  	p0 =	seq.s32 s9, $0xF;
	v1 =	vadd.f32 v24, v1;
	v2 =	vmul.f32 $4.999999890e-03, v2  }
.Ltmp6:
0x1e4: {  	v3 =	vadd.f32 v26, v3;
	v17 =	vmul.f32 $4.999999890e-03, v17;
	(pc) =	sbr.rel @p0 .LBB2_14-.Ltmp6, $4  }
0x1e5: {  	v1 =	vmul.f32 $4.999999890e-03, v1;
	[tilespmem:s2+$0x14300] =	vst v2  }
0x1e6: {  	[tilespmem:s2+$0x14310] =	vst v17;
	v2 =	vmul.f32 $4.999999890e-03, v3  }
0x1e7: {  	[tilespmem:s2+$0x14320] =	vst v1  }
0x1e8: {  	[tilespmem:s2+$0x14330] =	vst v2  }
0x1e9: {  	v1 =	vld [tilespmem:s5+$0x0];
	_ =	sdelay $0x4  }
0x1ea: {  	v1 =	vshll.u32 v1, $0x4  }
0x1eb: {  	(v2sf) =	vpush v1, $0x0  }
0x1ec: {  	(v2sf) =	vpush v1, $0x1  }
0x1ed: {  	(v2sf) =	vpush v1, $0x2;
	_ =	sdelay $0x1  }
0x1ee: {  	(v2sf) =	vpush v1, $0x3  }
0x1ef: {  	(v2sf) =	vpush v1, $0x4;
	_ =	sdelay $0x1  }
0x1f0: {  	(v2sf) =	vpush v1, $0x5  }
0x1f1: {  	(v2sf) =	vpush v1, $0x6;
	_ =	sdelay $0x5  }
0x1f2: {  	s2 =	simm.s32 $0x7A80;
	s11 =	simm.s32 $0x0;
	(v2sf) =	vpush v1, $0x7  }
0x1f3: {  	s1 =	simm.s32 $0x7480;
	s12 =	simm.s32 $0x7500;
	s16 =	spop (v2sf)  }
0x1f4: {  	s17 =	simm.s32 $0x7300;
	s16 =	sand.u32 $0x1FFFFFF0, s16;
	s18 =	spop (v2sf)  }
0x1f5: {  	s16 =	sadd.s32 s4, s16;
	s18 =	sand.u32 $0x1FFFFFF0, s18;
	s19 =	spop (v2sf)  }
0x1f6: {  	(v2sf) =	vpush v1, $0x8;
	[tilespmem:s17], [sflag:$0x1] =	stream.linear.gather [hbm4b:s16+s3], $0x80, $0x38;
	[tilespmem:$0x15300] =	vst v63  }
0x1f7: {  	s17 =	sadd.s32 s4, s18;
	s18 =	sand.u32 $0x1FFFFFF0, s19;
	s19 =	spop (v2sf)  }
0x1f8: {  	s13 =	simm.s32 $0x7580;
	s14 =	simm.s32 $0x7380;
	s22 =	spop (v2sf)  }
0x1f9: {  	[tilespmem:s14], [sflag:$0x1] =	stream.linear.gather [hbm4b:s17+s3], $0x80, $0x38;
	[tilespmem:$0x15300] =	vst v63  }
0x1fa: {  	s15 =	simm.s32 $0x7400;
	s21 =	sand.u32 $0x1FFFFFF0, s19;
	s25 =	spop (v2sf)  }
0x1fb: {  	s20 =	sadd.s32 s4, s18;
	(v2sf) =	vpush v1, $0x9;
	s23 =	sadd.s32 s4, s21;
	s18 =	spop (v2sf)  }
0x1fc: {  	(v2sf) =	vpush v1, $0xA;
	[tilespmem:s15], [sflag:$0x1] =	stream.linear.gather [hbm4b:s20+s3], $0x80, $0x38;
	[tilespmem:$0x15300] =	vst v63  }
0x1fd: {  	s24 =	sand.u32 $0x1FFFFFF0, s22;
	s22 =	simm.s32 $0x7600;
	s17 =	sand.u32 $0x1FFFFFF0, s25;
	(v2sf) =	vpush v1, $0xB  }
0x1fe: {  	[tilespmem:s1], [sflag:$0x1] =	stream.linear.gather [hbm4b:s23+s3], $0x80, $0x38;
	[tilespmem:$0x15300] =	vst v63  }
0x1ff: {  	s14 =	simm.s32 $0x7900;
	s15 =	sadd.s32 s4, s24;
	s19 =	sadd.s32 s4, s17;
	(v2sf) =	vpush v1, $0xC  }
0x200: {  	[tilespmem:s12], [sflag:$0x1] =	stream.linear.gather [hbm4b:s15+s3], $0x80, $0x38;
	[tilespmem:$0x15300] =	vst v63  }
0x201: {  	s20 =	sand.u32 $0x1FFFFFF0, s18;
	s21 =	spop (v2sf);
	s24 =	simm.s32 $0x7680;
	(v2sf) =	vpush v1, $0xD  }
0x202: {  	[tilespmem:s13], [sflag:$0x1] =	stream.linear.gather [hbm4b:s19+s3], $0x80, $0x38;
	[tilespmem:$0x15300] =	vst v63  }
0x203: {  	s23 =	sand.u32 $0x1FFFFFF0, s21;
	s1 =	simm.s32 $0x7A80;
	(v2sf) =	vpush v1, $0xE;
	s12 =	sadd.s32 s4, s20  }
0x204: {  	[tilespmem:s22], [sflag:$0x1] =	stream.linear.gather [hbm4b:s12+s3], $0x80, $0x38;
	[tilespmem:$0x15300] =	vst v63  }
0x205: {  	s15 =	simm.s32 $0x7880;
	s13 =	sadd.s32 s4, s23;
	s25 =	spop (v2sf);
	(v2sf) =	vpush v1, $0xF  }
0x206: {  	[tilespmem:s24], [sflag:$0x1] =	stream.linear.gather [hbm4b:s13+s3], $0x80, $0x38;
	[tilespmem:$0x15300] =	vst v63  }
0x207: {  	s12 =	simm.s32 $0x7980;
	s16 =	sand.u32 $0x1FFFFFF0, s25;
	s13 =	sadd.s32 $0x10, s5  }
.LBB2_12:
0x208: {  	v1 =	vld [tilespmem:s13+$0x0];
	s17 =	sadd.s32 $0xFFFFFC80, s2;
	s16 =	sadd.s32 s4, s16;
	s18 =	sadd.s32 $0xFFFFFD80, s2  }
0x209: {  	[tilespmem:s17], [sflag:$0x1] =	stream.linear.gather [hbm4b:s16+s3], $0x80, $0x38;
	[tilespmem:$0x15300] =	vst v63  }
0x20a: {  	s11 =	sadd.s32 $0x10, s11;
	s16 =	sadd.s32 $0xFFFFFD00, s2;
	s17 =	spop (v2sf)  }
0x20b: {  	p1 =	slt.u32 s11, $0xB0;
	s17 =	sand.u32 $0x1FFFFFF0, s17;
	s19 =	spop (v2sf)  }
0x20c: {  	s17 =	sadd.s32 s4, s17;
	s19 =	sand.u32 $0x1FFFFFF0, s19;
	s20 =	spop (v2sf)  }
0x20d: {  	v1 =	vshll.u32 v1, $0x4;
	[tilespmem:s16], [sflag:$0x1] =	stream.linear.gather [hbm4b:s17+s3], $0x80, $0x38;
	[tilespmem:$0x15300] =	vst v63  }
0x20e: {  	s16 =	sadd.s32 s4, s19;
	s17 =	sand.u32 $0x1FFFFFF0, s20;
	(v2sf) =	vpush v1, $0x0;
	s19 =	spop (v2sf)  }
0x20f: {  	(v2sf) =	vpush v1, $0x1;
	[tilespmem:s18], [sflag:$0x1] =	stream.linear.gather [hbm4b:s16+s3], $0x80, $0x38;
	[tilespmem:$0x15300] =	vst v63  }
0x210: {  	s16 =	sadd.s32 s4, s17;
	s17 =	sand.u32 $0x1FFFFFF0, s19;
	(v2sf) =	vpush v1, $0x2;
	s18 =	spop (v2sf)  }
0x211: {  	[tilespmem:s15], [sflag:$0x1] =	stream.linear.gather [hbm4b:s16+s3], $0x80, $0x38;
	[tilespmem:$0x15300] =	vst v63  }
0x212: {  	s15 =	sadd.s32 s4, s17;
	s16 =	sand.u32 $0x1FFFFFF0, s18;
	(v2sf) =	vpush v1, $0x3;
	s17 =	spop (v2sf)  }
0x213: {  	[tilespmem:s14], [sflag:$0x1] =	stream.linear.gather [hbm4b:s15+s3], $0x80, $0x38;
	[tilespmem:$0x15300] =	vst v63  }
0x214: {  	s14 =	sadd.s32 s4, s16;
	s15 =	sand.u32 $0x1FFFFFF0, s17;
	(v2sf) =	vpush v1, $0x4;
	s16 =	spop (v2sf)  }
0x215: {  	[tilespmem:s12], [sflag:$0x1] =	stream.linear.gather [hbm4b:s14+s3], $0x80, $0x38;
	[tilespmem:$0x15300] =	vst v63  }
0x216: {  	s12 =	sadd.s32 $0xFFFFFF80, s2;
	s14 =	sadd.s32 s4, s15;
	s15 =	sand.u32 $0x1FFFFFF0, s16;
	(v2sf) =	vpush v1, $0x5  }
0x217: {  	[tilespmem:s12], [sflag:$0x1] =	stream.linear.gather [hbm4b:s14+s3], $0x80, $0x38;
	[tilespmem:$0x15300] =	vst v63  }
0x218: {  	s2 =	sadd.s32 $0x800, s2;
	s12 =	sadd.s32 s4, s15;
	(v2sf) =	vpush v1, $0x6  }
0x219: {  	[tilespmem:s1], [sflag:$0x1] =	stream.linear.gather [hbm4b:s12+s3], $0x80, $0x38;
	[tilespmem:$0x15300] =	vst v63  }
0x21a: {  	s13 =	sadd.s32 $0x10, s13;
	s12 =	sadd.s32 $0xFFFFFF00, s2;
	s1 =	smov.u32 s2;
	(v2sf) =	vpush v1, $0x7  }
0x21b: {  	s16 =	sadd.s32 $0xFFFFFB80, s2;
	s15 =	sadd.s32 $0xFFFFFE00, s2;
	s14 =	sadd.s32 $0xFFFFFE80, s2  }
0x21c: {  	s17 =	sadd.s32 $0xFFFFFA00, s2;
	s18 =	sadd.s32 $0xFFFFFA80, s2;
	s19 =	sadd.s32 $0xFFFFFB00, s2;
	(v2sf) =	vpush v1, $0x8  }
0x21d: {  	s20 =	sadd.s32 $0xFFFFF900, s2;
	s21 =	sadd.s32 $0xFFFFF980, s2;
	s22 =	spop (v2sf)  }
0x21e: {  	s23 =	sadd.s32 $0xFFFFF880, s2;
	s22 =	sand.u32 $0x1FFFFFF0, s22;
	s24 =	spop (v2sf)  }
0x21f: {  	s22 =	sadd.s32 s4, s22;
	s24 =	sand.u32 $0x1FFFFFF0, s24;
	s25 =	spop (v2sf)  }
0x220: {  	[tilespmem:s23], [sflag:$0x1] =	stream.linear.gather [hbm4b:s22+s3], $0x80, $0x38;
	[tilespmem:$0x15300] =	vst v63  }
0x221: {  	s22 =	sadd.s32 s4, s24;
	s23 =	sand.u32 $0x1FFFFFF0, s25;
	s24 =	spop (v2sf)  }
0x222: {  	[tilespmem:s20], [sflag:$0x1] =	stream.linear.gather [hbm4b:s22+s3], $0x80, $0x38;
	(v2sf) =	vpush v1, $0x9;
	[tilespmem:$0x15300] =	vst v63  }
0x223: {  	s20 =	sadd.s32 s4, s23;
	s22 =	sand.u32 $0x1FFFFFF0, s24;
	s23 =	spop (v2sf);
	(v2sf) =	vpush v1, $0xA  }
0x224: {  	[tilespmem:s21], [sflag:$0x1] =	stream.linear.gather [hbm4b:s20+s3], $0x80, $0x38;
	(v2sf) =	vpush v1, $0xB;
	[tilespmem:$0x15300] =	vst v63  }
0x225: {  	s20 =	sadd.s32 s4, s22;
	s21 =	sand.u32 $0x1FFFFFF0, s23;
	s22 =	spop (v2sf)  }
0x226: {  	[tilespmem:s17], [sflag:$0x1] =	stream.linear.gather [hbm4b:s20+s3], $0x80, $0x38;
	(v2sf) =	vpush v1, $0xC;
	[tilespmem:$0x15300] =	vst v63  }
0x227: {  	s17 =	sadd.s32 s4, s21;
	s20 =	sand.u32 $0x1FFFFFF0, s22;
	s21 =	spop (v2sf)  }
0x228: {  	[tilespmem:s18], [sflag:$0x1] =	stream.linear.gather [hbm4b:s17+s3], $0x80, $0x38;
	(v2sf) =	vpush v1, $0xD;
	[tilespmem:$0x15300] =	vst v63  }
0x229: {  	s17 =	sadd.s32 s4, s20;
	s18 =	sand.u32 $0x1FFFFFF0, s21;
	s20 =	spop (v2sf)  }
0x22a: {  	[tilespmem:s19], [sflag:$0x1] =	stream.linear.gather [hbm4b:s17+s3], $0x80, $0x38;
	[tilespmem:$0x15300] =	vst v63  }
.Ltmp7:
0x22b: {  	(v2sf) =	vpush v1, $0xE;
	(pc) =	sbr.rel @p1 .LBB2_12-.Ltmp7, $4  }
0x22c: {  	s17 =	sadd.s32 s4, s18;
	s18 =	sand.u32 $0x1FFFFFF0, s20;
	s19 =	spop (v2sf)  }
0x22d: {  	[tilespmem:s16], [sflag:$0x1] =	stream.linear.gather [hbm4b:s17+s3], $0x80, $0x38;
	(v2sf) =	vpush v1, $0xF;
	[tilespmem:$0x15300] =	vst v63  }
0x22e: {  	s18 =	sadd.s32 s4, s18;
	s17 =	sadd.s32 $0xFFFFFC00, s2;
	s16 =	sand.u32 $0x1FFFFFF0, s19  }
0x22f: {  	[tilespmem:s17], [sflag:$0x1] =	stream.linear.gather [hbm4b:s18+s3], $0x80, $0x38;
	[tilespmem:$0x15300] =	vst v63  }
0x230: {  	s11 =	sadd.s32 $0xFFFFFC80, s2;
	s13 =	sadd.s32 s4, s16  }
0x231: {  	[tilespmem:s11], [sflag:$0x1] =	stream.linear.gather [hbm4b:s13+s3], $0x80, $0x38;
	[tilespmem:$0x15300] =	vst v63  }
0x232: {  	s25 =	sadd.s32 $0xFFFFFD80, s2;
	s18 =	spop (v2sf)  }
0x233: {  	s19 =	sadd.s32 $0xFFFFFD00, s2;
	s13 =	sand.u32 $0x1FFFFFF0, s18;
	s17 =	spop (v2sf)  }
0x234: {  	s13 =	sadd.s32 s4, s13;
	s17 =	sand.u32 $0x1FFFFFF0, s17;
	s18 =	spop (v2sf)  }
0x235: {  	[tilespmem:s19], [sflag:$0x1] =	stream.linear.gather [hbm4b:s13+s3], $0x80, $0x38;
	[tilespmem:$0x15300] =	vst v63  }
0x236: {  	s20 =	sadd.s32 s4, s17;
	s21 =	sand.u32 $0x1FFFFFF0, s18;
	s22 =	spop (v2sf)  }
0x237: {  	[tilespmem:s25], [sflag:$0x1] =	stream.linear.gather [hbm4b:s20+s3], $0x80, $0x38;
	[tilespmem:$0x15300] =	vst v63  }
0x238: {  	s23 =	sadd.s32 s4, s21;
	s24 =	sand.u32 $0x1FFFFFF0, s22;
	s25 =	spop (v2sf)  }
0x239: {  	[tilespmem:s15], [sflag:$0x1] =	stream.linear.gather [hbm4b:s23+s3], $0x80, $0x38;
	[tilespmem:$0x15300] =	vst v63  }
0x23a: {  	s15 =	sadd.s32 s4, s24;
	s17 =	sand.u32 $0x1FFFFFF0, s25;
	s18 =	spop (v2sf)  }
0x23b: {  	[tilespmem:s14], [sflag:$0x1] =	stream.linear.gather [hbm4b:s15+s3], $0x80, $0x38;
	[tilespmem:$0x15300] =	vst v63  }
0x23c: {  	s19 =	sadd.s32 s4, s17;
	s20 =	sand.u32 $0x1FFFFFF0, s18;
	s21 =	spop (v2sf)  }
0x23d: {  	[tilespmem:s12], [sflag:$0x1] =	stream.linear.gather [hbm4b:s19+s3], $0x80, $0x38;
	[tilespmem:$0x15300] =	vst v63  }
0x23e: {  	s22 =	sadd.s32 $0xFFFFFF80, s2;
	s23 =	sadd.s32 s4, s20;
	s24 =	sand.u32 $0x1FFFFFF0, s21  }
0x23f: {  	[tilespmem:s22], [sflag:$0x1] =	stream.linear.gather [hbm4b:s23+s3], $0x80, $0x38;
	[tilespmem:$0x15300] =	vst v63  }
0x240: {  	s25 =	sadd.s32 s4, s24  }
0x241: {  	[tilespmem:s1], [sflag:$0x1] =	stream.linear.gather [hbm4b:s25+s3], $0x80, $0x38;
	[tilespmem:$0x15300] =	vst v63  }
0x242: {  	v1 =	vld [tilespmem:s8+$0x250];
	_ =	sdelay $0x4  }
0x243: {  	v1 =	vshll.u32 v1, $0x4  }
0x244: {  	(v2sf) =	vpush v1, $0x0;
	_ =	sdelay $0x1  }
0x245: {  	(v2sf) =	vpush v1, $0x1;
	_ =	sdelay $0x1  }
0x246: {  	(v2sf) =	vpush v1, $0x2;
	_ =	sdelay $0x2  }
0x247: {  	(v2sf) =	vpush v1, $0x3;
	_ =	sdelay $0x7  }
0x248: {  	s2 =	spop (v2sf);
	(v2sf) =	vpush v1, $0x4;
	_ =	sdelay $0x1  }
0x249: {  	s12 =	spop (v2sf);
	(v2sf) =	vpush v1, $0x5  }
0x24a: {  	s1 =	sand.u32 $0x1FFFFFF0, s2  }
0x24b: {  	s11 =	simm.s32 $0xD300;
	s1 =	sadd.s32 s4, s1;
	s14 =	spop (v2sf)  }
0x24c: {  	(v2sf) =	vpush v1, $0x6;
	[tilespmem:s11], [sflag:$0x1] =	stream.linear.gather [hbm4b:s1+s3], $0x80, $0x38;
	[tilespmem:$0x15300] =	vst v63  }
0x24d: {  	s1 =	sand.u32 $0x1FFFFFF0, s12  }
0x24e: {  	s13 =	simm.s32 $0xD380;
	s16 =	spop (v2sf);
	s1 =	sadd.s32 s4, s1  }
0x24f: {  	(v2sf) =	vpush v1, $0x7;
	[tilespmem:s13], [sflag:$0x1] =	stream.linear.gather [hbm4b:s1+s3], $0x80, $0x38;
	[tilespmem:$0x15300] =	vst v63  }
0x250: {  	s1 =	sand.u32 $0x1FFFFFF0, s14  }
0x251: {  	s15 =	simm.s32 $0xD400;
	s1 =	sadd.s32 s4, s1  }
0x252: {  	[tilespmem:s15], [sflag:$0x1] =	stream.linear.gather [hbm4b:s1+s3], $0x80, $0x38;
	[tilespmem:$0x15300] =	vst v63  }
0x253: {  	s1 =	sand.u32 $0x1FFFFFF0, s16  }
0x254: {  	s17 =	simm.s32 $0xD480;
	s1 =	sadd.s32 s4, s1  }
0x255: {  	[tilespmem:s17], [sflag:$0x1] =	stream.linear.gather [hbm4b:s1+s3], $0x80, $0x38;
	[tilespmem:$0x15300] =	vst v63  }
0x256: {  	s18 =	spop (v2sf)  }
0x257: {  	s1 =	sand.u32 $0x1FFFFFF0, s18  }
0x258: {  	s19 =	simm.s32 $0xD500;
	s20 =	spop (v2sf);
	s1 =	sadd.s32 s4, s1  }
0x259: {  	[tilespmem:s19], [sflag:$0x1] =	stream.linear.gather [hbm4b:s1+s3], $0x80, $0x38;
	[tilespmem:$0x15300] =	vst v63  }
0x25a: {  	s1 =	sand.u32 $0x1FFFFFF0, s20  }
0x25b: {  	s21 =	simm.s32 $0xD580;
	s22 =	spop (v2sf);
	s1 =	sadd.s32 s4, s1  }
0x25c: {  	[tilespmem:s21], [sflag:$0x1] =	stream.linear.gather [hbm4b:s1+s3], $0x80, $0x38;
	[tilespmem:$0x15300] =	vst v63  }
0x25d: {  	s1 =	sand.u32 $0x1FFFFFF0, s22  }
0x25e: {  	s23 =	simm.s32 $0xD600;
	s24 =	spop (v2sf);
	s1 =	sadd.s32 s4, s1  }
0x25f: {  	[tilespmem:s23], [sflag:$0x1] =	stream.linear.gather [hbm4b:s1+s3], $0x80, $0x38;
	[tilespmem:$0x15300] =	vst v63  }
0x260: {  	s1 =	sand.u32 $0x1FFFFFF0, s24  }
0x261: {  	s25 =	simm.s32 $0xD680;
	s1 =	sadd.s32 s4, s1  }
0x262: {  	[tilespmem:s25], [sflag:$0x1] =	stream.linear.gather [hbm4b:s1+s3], $0x80, $0x38;
	[tilespmem:$0x15300] =	vst v63  }
.LBB2_14:
0x263: {  	v1 =	vld [tilespmem:s6+$0x0];
	_ =	sdelay $0x4  }
0x264: {  	v2 =	vshll.u32 v1, $0x3  }
0x265: {  	v1 =	vand.u32 $0x7F, v1;
	v2 =	vand.u32 $0xFFFFFC00, v2  }
0x266: {  	v1 =	vor.u32 v1, v2  }
0x267: {  	v2 =	vadd.s32 $0x2380, v1  }
0x268: {  	v3 =	vor.u32 $0x80, v1  }
0x269: {  	s12 =	sadd.s32 $0x10, s6;
	v17 =	vor.u32 $0x100, v1  }
0x26a: {  	v26 =	vld [tilespmem:s12+$0x0];
	v18 =	vor.u32 $0x180, v1  }
0x26b: {  	v20 =	vor.u32 $0x200, v1;
	v19 =	vld.idx.msk [tilespmem:v1+s10+$0x0], $0xffff  }
0x26c: {  	v21 =	vor.u32 $0x280, v1;
	v2 =	vld.idx.msk [tilespmem:v2+s10+$0x0], $0xffff  }
0x26d: {  	v22 =	vor.u32 $0x300, v1;
	v3 =	vld.idx.msk [tilespmem:v3+s10+$0x0], $0xffff  }
0x26e: {  	v27 =	vadd.s32 $0x2080, v1;
	v23 =	vld.idx.msk [tilespmem:v17+s10+$0x0], $0xffff  }
0x26f: {  	v17 =	vor.u32 $0x380, v1;
	v24 =	vld.idx.msk [tilespmem:v18+s10+$0x0], $0xffff  }
0x270: {  	v25 =	vadd.s32 $0x2000, v1;
	v28 =	vld.idx.msk [tilespmem:v20+s10+$0x0], $0xffff  }
0x271: {  	v31 =	vadd.s32 $0x2200, v1;
	v29 =	vld.idx.msk [tilespmem:v21+s10+$0x0], $0xffff  }
0x272: {  	v20 =	vadd.s32 $0x2100, v1;
	v30 =	vld.idx.msk [tilespmem:v22+s10+$0x0], $0xffff  }
0x273: {  	v32 =	vadd.s32 $0x2280, v1;
	v21 =	vadd.s32 $0x2180, v1;
	v27 =	vld.idx.msk [tilespmem:v27+s10+$0x0], $0xffff  }
0x274: {  	v18 =	vimm.f32 $0.0e+00;
	v1 =	vadd.s32 $0x2300, v1;
	v33 =	vld.idx.msk [tilespmem:v17+s10+$0x0], $0xffff;
	v17 =	vshll.u32 v26, $0x3  }
0x275: {  	v25 =	vld.idx.msk [tilespmem:v25+s10+$0x0], $0xffff;
	v19 =	vadd.f32 v19, v18;
	v26 =	vand.u32 $0x7F, v26;
	v34 =	vand.u32 $0xFFFFFC00, v17  }
0x276: {  	v52 =	vld.idx.msk [tilespmem:v31+s10+$0x0], $0xffff;
	v22 =	vadd.f32 v3, v18;
	v17 =	vadd.f32 v2, v18;
	v2 =	vor.u32 v26, v34  }
0x277: {  	v3 =	vld.idx.msk [tilespmem:v20+s10+$0x0], $0xffff;
	v23 =	vadd.f32 v23, v18;
	v20 =	vadd.f32 v24, v18;
	v24 =	vadd.s32 $0x2380, v2  }
0x278: {  	v51 =	vld.idx.msk [tilespmem:v21+s10+$0x0], $0xffff;
	v21 =	vadd.f32 v28, v18;
	v31 =	vadd.f32 v29, v18;
	v26 =	vor.u32 $0x80, v2  }
0x279: {  	v35 =	vld.idx.msk [tilespmem:v1+s10+$0x0], $0xffff;
	v29 =	vadd.f32 v30, v18;
	v27 =	vadd.f32 v27, v18;
	v28 =	vor.u32 $0x100, v2  }
0x27a: {  	v34 =	vld.idx.msk [tilespmem:v32+s10+$0x0], $0xffff;
	v46 =	vor.u32 $0x180, v2;
	v50 =	vor.u32 $0x200, v2;
	v48 =	vor.u32 $0x280, v2  }
0x27b: {  	s1 =	sshll.u32 s9, $0x1;
	v49 =	vor.u32 $0x300, v2;
	v47 =	vor.u32 $0x380, v2;
	v44 =	vadd.s32 $0x2000, v2;
	v37 =	vld.idx.msk [tilespmem:v2+s10+$0x0], $0xffff  }
0x27c: {  	s2 =	sor.u32 $0x1, s1;
	v45 =	vadd.s32 $0x2080, v2;
	v41 =	vadd.s32 $0x2100, v2;
	v39 =	vadd.s32 $0x2180, v2;
	v32 =	vld.idx.msk [tilespmem:v24+s10+$0x0], $0xffff  }
0x27d: {  	s1 =	smul.u32 $0x320, s2;
	v40 =	vadd.s32 $0x2200, v2;
	v38 =	vadd.s32 $0x2280, v2;
	v30 =	vadd.f32 v33, v18;
	v42 =	vld.idx.msk [tilespmem:v26+s10+$0x0], $0xffff  }
0x27e: {  	v36 =	vadd.s32 $0x2300, v2;
	v26 =	vadd.f32 v25, v18;
	v43 =	vld.idx.msk [tilespmem:v28+s10+$0x0], $0xffff;
	v24 =	vadd.f32 v3, v18  }
0x27f: {  	s11 =	simm.s32 $0x10;
	s12 =	sadd.s32 $0x10, s12;
	s1 =	sshra.s32 s1, $0x2;
	v33 =	vimm.f32 $0.0e+00;
	v46 =	vld.idx.msk [tilespmem:v46+s10+$0x0], $0xffff;
	v28 =	vadd.f32 v51, v18;
	v25 =	vadd.f32 v52, v18  }
.LBB2_15:
0x280: {  	v1 =	vld [tilespmem:s12+$0x0];
	s11 =	sadd.s32 $0x10, s11;
	v18 =	vadd.f32 v34, v18;
	v33 =	vadd.f32 v35, v33  }
0x281: {  	v19 =	vadd.f32 v37, v19;
	p1 =	slt.u32 s11, $0xB0;
	v2 =	vld.idx.msk [tilespmem:v50+s10+$0x0], $0xffff  }
0x282: {  	v17 =	vadd.f32 v32, v17;
	v3 =	vld.idx.msk [tilespmem:v48+s10+$0x0], $0xffff  }
0x283: {  	v22 =	vadd.f32 v42, v22;
	v42 =	vld.idx.msk [tilespmem:v49+s10+$0x0], $0xffff  }
0x284: {  	v23 =	vadd.f32 v43, v23;
	v43 =	vld.idx.msk [tilespmem:v47+s10+$0x0], $0xffff  }
0x285: {  	v20 =	vadd.f32 v46, v20;
	v32 =	vshll.u32 v1, $0x3;
	v46 =	vld.idx.msk [tilespmem:v44+s10+$0x0], $0xffff  }
0x286: {  	v1 =	vand.u32 $0x7F, v1;
	v32 =	vand.u32 $0xFFFFFC00, v32;
	v51 =	vld.idx.msk [tilespmem:v45+s10+$0x0], $0xffff  }
0x287: {  	v21 =	vadd.f32 v2, v21;
	v1 =	vor.u32 v1, v32;
	v2 =	vld.idx.msk [tilespmem:v41+s10+$0x0], $0xffff  }
0x288: {  	v52 =	vor.u32 $0x80, v1;
	v53 =	vor.u32 $0x100, v1;
	v32 =	vadd.s32 $0x2380, v1;
	v54 =	vld.idx.msk [tilespmem:v39+s10+$0x0], $0xffff  }
0x289: {  	v55 =	vor.u32 $0x180, v1;
	v50 =	vor.u32 $0x200, v1;
	v48 =	vor.u32 $0x280, v1;
	v56 =	vld.idx.msk [tilespmem:v40+s10+$0x0], $0xffff  }
0x28a: {  	v49 =	vor.u32 $0x300, v1;
	v47 =	vor.u32 $0x380, v1;
	v44 =	vadd.s32 $0x2000, v1;
	v34 =	vld.idx.msk [tilespmem:v38+s10+$0x0], $0xffff  }
0x28b: {  	v45 =	vadd.s32 $0x2080, v1;
	v41 =	vadd.s32 $0x2100, v1;
	v39 =	vadd.s32 $0x2180, v1;
	v35 =	vld.idx.msk [tilespmem:v36+s10+$0x0], $0xffff  }
.Ltmp8:
0x28c: {  	v40 =	vadd.s32 $0x2200, v1;
	v38 =	vadd.s32 $0x2280, v1;
	v36 =	vadd.s32 $0x2300, v1;
	v37 =	vld.idx.msk [tilespmem:v1+s10+$0x0], $0xffff;
	(pc) =	sbr.rel @p1 .LBB2_15-.Ltmp8, $4  }
0x28d: {  	v31 =	vadd.f32 v3, v31;
	v29 =	vadd.f32 v42, v29;
	v32 =	vld.idx.msk [tilespmem:v32+s10+$0x0], $0xffff  }
0x28e: {  	v30 =	vadd.f32 v43, v30;
	v26 =	vadd.f32 v46, v26;
	v42 =	vld.idx.msk [tilespmem:v52+s10+$0x0], $0xffff  }
0x28f: {  	v27 =	vadd.f32 v51, v27;
	v24 =	vadd.f32 v2, v24;
	v43 =	vld.idx.msk [tilespmem:v53+s10+$0x0], $0xffff  }
0x290: {  	s12 =	sadd.s32 $0x10, s12;
	v28 =	vadd.f32 v54, v28;
	v25 =	vadd.f32 v56, v25;
	v46 =	vld.idx.msk [tilespmem:v55+s10+$0x0], $0xffff  }
0x291: {  	_ =	sdelay $0x1  }
0x292: {  	v1 =	vld [tilespmem:s1+$0x1A40];
	_ =	sdelay $0x1  }
0x293: {  	v2 =	vld.idx.msk [tilespmem:v50+s10+$0x0], $0xffff  }
0x294: {  	v3 =	vld.idx.msk [tilespmem:v48+s10+$0x0], $0xffff  }
0x295: {  	v48 =	vld.idx.msk [tilespmem:v49+s10+$0x0], $0xffff  }
0x296: {  	v47 =	vld.idx.msk [tilespmem:v47+s10+$0x0], $0xffff;
	v1 =	vnsel vm0, $0x3E8, v1  }
0x297: {  	v44 =	vld.idx.msk [tilespmem:v44+s10+$0x0], $0xffff;
	v59 =	vshll.u32 v1, $0x3  }
0x298: {  	v45 =	vld.idx.msk [tilespmem:v45+s10+$0x0], $0xffff;
	v1 =	vand.u32 $0x7F, v1;
	v49 =	vand.u32 $0xFFFFFC00, v59  }
0x299: {  	v41 =	vld.idx.msk [tilespmem:v41+s10+$0x0], $0xffff;
	v1 =	vor.u32 v1, v49  }
0x29a: {  	v39 =	vld.idx.msk [tilespmem:v39+s10+$0x0], $0xffff;
	v49 =	vor.u32 $0x80, v1  }
0x29b: {  	v40 =	vld.idx.msk [tilespmem:v40+s10+$0x0], $0xffff;
	v60 =	vor.u32 $0x100, v1  }
0x29c: {  	v38 =	vld.idx.msk [tilespmem:v38+s10+$0x0], $0xffff;
	v51 =	vor.u32 $0x180, v1  }
0x29d: {  	v36 =	vld.idx.msk [tilespmem:v36+s10+$0x0], $0xffff;
	v52 =	vor.u32 $0x200, v1  }
0x29e: {  	v54 =	vor.u32 $0x280, v1;
	v53 =	vld.idx.msk [tilespmem:v1+s10+$0x0], $0xffff  }
0x29f: {  	v55 =	vor.u32 $0x300, v1;
	v49 =	vld.idx.msk [tilespmem:v49+s10+$0x0], $0xffff  }
0x2a0: {  	v56 =	vor.u32 $0x380, v1;
	v50 =	vld.idx.msk [tilespmem:v60+s10+$0x0], $0xffff  }
0x2a1: {  	v57 =	vadd.s32 $0x2000, v1;
	v51 =	vld.idx.msk [tilespmem:v51+s10+$0x0], $0xffff  }
0x2a2: {  	v58 =	vadd.s32 $0x2080, v1;
	v52 =	vld.idx.msk [tilespmem:v52+s10+$0x0], $0xffff  }
0x2a3: {  	v59 =	vadd.s32 $0x2100, v1;
	v54 =	vld.idx.msk [tilespmem:v54+s10+$0x0], $0xffff  }
0x2a4: {  	v61 =	vadd.s32 $0x2200, v1;
	v55 =	vld.idx.msk [tilespmem:v55+s10+$0x0], $0xffff  }
0x2a5: {  	v62 =	vadd.s32 $0x2280, v1;
	v56 =	vld.idx.msk [tilespmem:v56+s10+$0x0], $0xffff  }
0x2a6: {  	v63 =	vadd.s32 $0x2300, v1;
	v57 =	vld.idx.msk [tilespmem:v57+s10+$0x0], $0xffff  }
0x2a7: {  	v60 =	vadd.s32 $0x2180, v1;
	v58 =	vld.idx.msk [tilespmem:v58+s10+$0x0], $0xffff  }
0x2a8: {  	v18 =	vadd.f32 v34, v18;
	v59 =	vld.idx.msk [tilespmem:v59+s10+$0x0], $0xffff;
	v1 =	vadd.s32 $0x2380, v1  }
0x2a9: {  	v19 =	vadd.f32 v37, v19;
	v33 =	vadd.f32 v35, v33;
	v61 =	vld.idx.msk [tilespmem:v61+s10+$0x0], $0xffff  }
0x2aa: {  	v22 =	vadd.f32 v42, v22;
	v23 =	vadd.f32 v43, v23;
	v42 =	vld.idx.msk [tilespmem:v62+s10+$0x0], $0xffff  }
0x2ab: {  	v2 =	vadd.f32 v2, v21;
	v19 =	vadd.f32 v53, v19;
	v53 =	vld.idx.msk [tilespmem:v63+s10+$0x0], $0xffff  }
0x2ac: {  	v3 =	vadd.f32 v3, v31;
	v60 =	vld.idx.msk [tilespmem:v60+s10+$0x0], $0xffff;
	v22 =	vadd.f32 v49, v22  }
0x2ad: {  	v20 =	vadd.f32 v46, v20;
	v1 =	vld.idx.msk [tilespmem:v1+s10+$0x0], $0xffff;
	v2 =	vadd.f32 v52, v2;
	[tilespmem:$0x13B00] =	vst v19  }
0x2ae: {  	v21 =	vadd.f32 v50, v23;
	v3 =	vadd.f32 v54, v3;
	[tilespmem:$0x13B80] =	vst v22  }
0x2af: {  	v19 =	vadd.f32 v51, v20;
	[tilespmem:$0x13D00] =	vst v2;
	v2 =	vadd.f32 v45, v27  }
0x2b0: {  	v20 =	vadd.f32 v48, v29;
	[tilespmem:$0x13C00] =	vst v21;
	v21 =	vadd.f32 v47, v30  }
0x2b1: {  	[tilespmem:$0x13D80] =	vst v3;
	v3 =	vadd.f32 v41, v24;
	v2 =	vadd.f32 v58, v2  }
0x2b2: {  	[tilespmem:$0x13C80] =	vst v19;
	v19 =	vadd.f32 v44, v26;
	v20 =	vadd.f32 v55, v20  }
0x2b3: {  	v21 =	vadd.f32 v56, v21;
	[tilespmem:$0x13F80] =	vst v2;
	v2 =	vadd.f32 v36, v33  }
0x2b4: {  	v18 =	vadd.f32 v38, v18;
	v3 =	vadd.f32 v59, v3;
	[tilespmem:$0x13E00] =	vst v20  }
0x2b5: {  	v19 =	vadd.f32 v57, v19;
	[tilespmem:$0x13E80] =	vst v21;
	v2 =	vadd.f32 v53, v2  }
0x2b6: {  	v20 =	vadd.f32 v39, v28;
	v21 =	vadd.f32 v40, v25;
	[tilespmem:$0x14000] =	vst v3  }
0x2b7: {  	v3 =	vadd.f32 v32, v17;
	v17 =	vadd.f32 v42, v18;
	[tilespmem:$0x14200] =	vst v2;
	v2 =	vld [tilespmem:$0x1FFE0]  }
0x2b8: {  	[tilespmem:$0x13F00] =	vst v19;
	v19 =	vadd.f32 v60, v20  }
0x2b9: {  	v20 =	vadd.f32 v61, v21;
	v1 =	vadd.f32 v1, v3;
	[tilespmem:$0x14180] =	vst v17;
	v3 =	vld [tilespmem:$0x1FFF0]  }
0x2ba: {  	[tilespmem:$0x14080] =	vst v19  }
0x2bb: {  	[tilespmem:$0x14100] =	vst v20  }
0x2bc: {  	[tilespmem:$0x14280] =	vst v1  }
0x2bd: {  	v1 =	vld.idx.msk [tilespmem:v0+s29+$0x0], $0xffff;
	_ =	sdelay $0x1  }
0x2be: {  	v2 =	vld.idx.msk [tilespmem:v2+s29+$0x0], $0xffff;
	_ =	sdelay $0x1  }
0x2bf: {  	v3 =	vld.idx.msk [tilespmem:v3+s29+$0x0], $0xffff  }
0x2c0: {  	v1 =	vadd.f32 $0.0e+00, v1  }
0x2c1: {  	v17 =	vld.idx.msk [tilespmem:v4+s29+$0x0], $0xffff  }
0x2c2: {  	v1 =	vadd.f32 v2, v1  }
0x2c3: {  	v2 =	vld.idx.msk [tilespmem:v5+s29+$0x0], $0xffff  }
0x2c4: {  	v1 =	vadd.f32 v3, v1  }
0x2c5: {  	v3 =	vld.idx.msk [tilespmem:v6+s29+$0x0], $0xffff  }
0x2c6: {  	v1 =	vadd.f32 v17, v1  }
0x2c7: {  	v17 =	vld.idx.msk [tilespmem:v7+s29+$0x0], $0xffff  }
0x2c8: {  	v1 =	vadd.f32 v2, v1  }
0x2c9: {  	v2 =	vld.idx.msk [tilespmem:v8+s29+$0x0], $0xffff  }
0x2ca: {  	v1 =	vadd.f32 v3, v1  }
0x2cb: {  	v3 =	vld.idx.msk [tilespmem:v9+s29+$0x0], $0xffff  }
0x2cc: {  	v1 =	vadd.f32 v17, v1  }
0x2cd: {  	v17 =	vld.idx.msk [tilespmem:v10+s29+$0x0], $0xffff  }
0x2ce: {  	v1 =	vadd.f32 v2, v1  }
0x2cf: {  	v2 =	vld.idx.msk [tilespmem:v11+s29+$0x0], $0xffff  }
0x2d0: {  	v1 =	vadd.f32 v3, v1  }
0x2d1: {  	v3 =	vld.idx.msk [tilespmem:v12+s29+$0x0], $0xffff  }
0x2d2: {  	v1 =	vadd.f32 v17, v1  }
0x2d3: {  	v17 =	vld.idx.msk [tilespmem:v13+s29+$0x0], $0xffff  }
0x2d4: {  	v1 =	vadd.f32 v2, v1  }
0x2d5: {  	v2 =	vld.idx.msk [tilespmem:v14+s29+$0x0], $0xffff  }
0x2d6: {  	v1 =	vadd.f32 v3, v1  }
0x2d7: {  	v3 =	vld.idx.msk [tilespmem:v15+s29+$0x0], $0xffff  }
0x2d8: {  	v1 =	vadd.f32 v17, v1  }
0x2d9: {  	v17 =	vld.idx.msk [tilespmem:v16+s29+$0x0], $0xffff  }
0x2da: {  	v1 =	vadd.f32 v2, v1;
	_ =	sdelay $0x1  }
0x2db: {  	v1 =	vadd.f32 v3, v1;
	_ =	sdelay $0x1  }
0x2dc: {  	v1 =	vadd.f32 v17, v1;
	_ =	sdelay $0x1  }
0x2dd: {  	s25 =	sshll.u32 s2, $0x7;
	v1 =	vmul.f32 $4.999999890e-03, v1  }
0x2de: {  	s2 =	sand.u32 $0x3FFFFF80, s25  }
0x2df: {  	[tilespmem:s2+$0x14340] =	vst v1  }
0x2e0: {  	_ =	swait.ge [sflag:s31], $0x6400  }
0x2e1: {  	[sflag:s31] =	ssyncset.done $0x0  }
0x2e2: {  	s11 =	simm.s32 $0xD700;
	[sflag:s31] =	ssyncadd.s32 $0xFFFF9C00  }
0x2e3: {  	v17 =	vld [tilespmem:s11+$0x380]  }
0x2e4: {  	v18 =	vld [tilespmem:s11+$0x390]  }
0x2e5: {  	v19 =	vld [tilespmem:s11+$0x300]  }
0x2e6: {  	v20 =	vld [tilespmem:s11+$0x310]  }
0x2e7: {  	v1 =	vld [tilespmem:s11+$0x280]  }
0x2e8: {  	v2 =	vld [tilespmem:s11+$0x290]  }
0x2e9: {  	v3 =	vld [tilespmem:s11+$0x200]  }
0x2ea: {  	v24 =	vld [tilespmem:s11+$0x210]  }
0x2eb: {  	v22 =	vld [tilespmem:s11+$0x180]  }
0x2ec: {  	v23 =	vld [tilespmem:s11+$0x190]  }
0x2ed: {  	v21 =	vld [tilespmem:s11+$0x100]  }
0x2ee: {  	v25 =	vld [tilespmem:s11+$0x110]  }
0x2ef: {  	v26 =	vld [tilespmem:s11+$0x80]  }
0x2f0: {  	v27 =	vld [tilespmem:s11+$0x90]  }
0x2f1: {  	v28 =	vld [tilespmem:s11+$0x0]  }
0x2f2: {  	v29 =	vld [tilespmem:s11+$0x10]  }
0x2f3: {  	v30 =	vld [tilespmem:s11+$0x20]  }
0x2f4: {  	v31 =	vld [tilespmem:s11+$0x30]  }
0x2f5: {  	v58 =	vld [tilespmem:s11+$0xA0]  }
0x2f6: {  	v59 =	vld [tilespmem:s11+$0xB0]  }
0x2f7: {  	v60 =	vimm.f32 $0.0e+00;
	v61 =	vld [tilespmem:s11+$0x120]  }
0x2f8: {  	v62 =	vld [tilespmem:s11+$0x130];
	v28 =	vadd.f32 v28, v60;
	v29 =	vadd.f32 v29, v60  }
0x2f9: {  	v63 =	vld [tilespmem:s11+$0x1A0];
	v30 =	vadd.f32 v30, v60;
	v31 =	vadd.f32 v31, v60  }
0x2fa: {  	v26 =	vadd.f32 v26, v28;
	v27 =	vadd.f32 v27, v29;
	v28 =	vld [tilespmem:s11+$0x1B0]  }
0x2fb: {  	v29 =	vadd.f32 v58, v30;
	v30 =	vadd.f32 v59, v31;
	v31 =	vld [tilespmem:s11+$0x220]  }
0x2fc: {  	v26 =	vadd.f32 v21, v26;
	v25 =	vadd.f32 v25, v27;
	v27 =	vld [tilespmem:s11+$0x230]  }
0x2fd: {  	v29 =	vadd.f32 v61, v29;
	v30 =	vadd.f32 v62, v30;
	v21 =	vld [tilespmem:s11+$0x2A0]  }
0x2fe: {  	v26 =	vadd.f32 v22, v26;
	v25 =	vadd.f32 v23, v25;
	v23 =	vld [tilespmem:s11+$0x2B0]  }
0x2ff: {  	v29 =	vadd.f32 v63, v29;
	v22 =	vld [tilespmem:s11+$0x320];
	v30 =	vadd.f32 v28, v30  }
0x300: {  	v3 =	vadd.f32 v3, v26;
	v26 =	vadd.f32 v24, v25;
	v25 =	vld [tilespmem:s11+$0x330]  }
0x301: {  	v28 =	vadd.f32 v31, v29;
	v24 =	vld [tilespmem:s11+$0x3A0];
	v27 =	vadd.f32 v27, v30  }
0x302: {  	s1 =	simm.s32 $0x0;
	v30 =	vadd.f32 v1, v3;
	v29 =	vadd.f32 v2, v26;
	v26 =	vld [tilespmem:s11+$0x3B0];
	s11 =	simm.s32 $0xDB00  }
.LBB2_17:
0x303: {  	v1 =	vld [tilespmem:s11+$0x380];
	v2 =	vadd.f32 v21, v28;
	v3 =	vadd.f32 v23, v27  }
0x304: {  	v21 =	vld [tilespmem:s11+$0x390];
	v23 =	vadd.f32 v19, v30;
	v27 =	vadd.f32 v20, v29  }
0x305: {  	v19 =	vld [tilespmem:s11+$0x300];
	v2 =	vadd.f32 v22, v2;
	v3 =	vadd.f32 v25, v3  }
0x306: {  	v20 =	vld [tilespmem:s11+$0x310];
	v22 =	vadd.f32 v17, v23;
	v23 =	vadd.f32 v18, v27  }
0x307: {  	v29 =	vld [tilespmem:s11+$0x280];
	v2 =	vadd.f32 v24, v2;
	v3 =	vadd.f32 v26, v3  }
0x308: {  	v26 =	vld [tilespmem:s11+$0x290];
	v17 =	vmov v1  }
0x309: {  	v1 =	vld [tilespmem:s11+$0x200];
	v18 =	vmov v21  }
0x30a: {  	v24 =	vld [tilespmem:s11+$0x210]  }
0x30b: {  	v25 =	vld [tilespmem:s11+$0x180]  }
0x30c: {  	v27 =	vld [tilespmem:s11+$0x190]  }
0x30d: {  	v21 =	vld [tilespmem:s11+$0x100]  }
0x30e: {  	v28 =	vld [tilespmem:s11+$0x110]  }
0x30f: {  	v30 =	vld [tilespmem:s11+$0x80]  }
0x310: {  	v31 =	vld [tilespmem:s11+$0x90]  }
0x311: {  	v32 =	vld [tilespmem:s11+$0x0]  }
0x312: {  	v33 =	vld [tilespmem:s11+$0x10]  }
0x313: {  	v34 =	vld [tilespmem:s11+$0x20]  }
0x314: {  	s1 =	sadd.s32 $0x8, s1;
	v35 =	vld [tilespmem:s11+$0x30]  }
0x315: {  	p1 =	slt.u32 s1, $0xC0;
	v36 =	vld [tilespmem:s11+$0xA0]  }
0x316: {  	v37 =	vld [tilespmem:s11+$0xB0]  }
0x317: {  	v38 =	vld [tilespmem:s11+$0x120]  }
0x318: {  	v22 =	vadd.f32 v32, v22;
	v23 =	vadd.f32 v33, v23;
	v32 =	vld [tilespmem:s11+$0x130]  }
0x319: {  	v2 =	vadd.f32 v34, v2;
	v3 =	vadd.f32 v35, v3;
	v33 =	vld [tilespmem:s11+$0x1A0]  }
0x31a: {  	v22 =	vadd.f32 v30, v22;
	v23 =	vadd.f32 v31, v23;
	v30 =	vld [tilespmem:s11+$0x1B0]  }
0x31b: {  	v2 =	vadd.f32 v36, v2;
	v3 =	vadd.f32 v37, v3;
	v31 =	vld [tilespmem:s11+$0x220]  }
0x31c: {  	v22 =	vadd.f32 v21, v22;
	v23 =	vadd.f32 v28, v23;
	v34 =	vld [tilespmem:s11+$0x230]  }
0x31d: {  	v2 =	vadd.f32 v38, v2;
	v3 =	vadd.f32 v32, v3;
	v21 =	vld [tilespmem:s11+$0x2A0]  }
.Ltmp9:
0x31e: {  	v25 =	vadd.f32 v25, v22;
	v27 =	vadd.f32 v27, v23;
	v23 =	vld [tilespmem:s11+$0x2B0];
	(pc) =	sbr.rel @p1 .LBB2_17-.Ltmp9, $4  }
0x31f: {  	v2 =	vadd.f32 v33, v2;
	v3 =	vadd.f32 v30, v3;
	v22 =	vld [tilespmem:s11+$0x320]  }
0x320: {  	v1 =	vadd.f32 v1, v25;
	v32 =	vadd.f32 v24, v27;
	v25 =	vld [tilespmem:s11+$0x330]  }
0x321: {  	v28 =	vadd.f32 v31, v2;
	v27 =	vadd.f32 v34, v3;
	v24 =	vld [tilespmem:s11+$0x3A0]  }
0x322: {  	v30 =	vadd.f32 v29, v1;
	v29 =	vadd.f32 v26, v32;
	v26 =	vld [tilespmem:s11+$0x3B0];
	s11 =	sadd.s32 $0x400, s11  }
0x323: {  	_ = 	snop  }
0x324: {  	v1 =	vadd.f32 v21, v28;
	v2 =	vadd.f32 v19, v30  }
0x325: {  	v3 =	vadd.f32 v23, v27;
	v19 =	vadd.f32 v20, v29  }
0x326: {  	v1 =	vadd.f32 v22, v1;
	v2 =	vadd.f32 v17, v2  }
0x327: {  	v3 =	vadd.f32 v25, v3;
	v17 =	vadd.f32 v18, v19  }
0x328: {  	v1 =	vadd.f32 v24, v1;
	v2 =	vmul.f32 $4.999999890e-03, v2  }
.Ltmp10:
0x329: {  	v3 =	vadd.f32 v26, v3;
	v17 =	vmul.f32 $4.999999890e-03, v17;
	(pc) =	sbr.rel @p0 .LBB2_22-.Ltmp10, $4  }
0x32a: {  	v1 =	vmul.f32 $4.999999890e-03, v1;
	[tilespmem:s2+$0x14300] =	vst v2  }
0x32b: {  	[tilespmem:s2+$0x14310] =	vst v17;
	v2 =	vmul.f32 $4.999999890e-03, v3  }
0x32c: {  	[tilespmem:s2+$0x14320] =	vst v1  }
0x32d: {  	[tilespmem:s2+$0x14330] =	vst v2  }
0x32e: {  	v1 =	vld [tilespmem:s7+$0x0];
	_ =	sdelay $0x4  }
0x32f: {  	v1 =	vshll.u32 v1, $0x4  }
0x330: {  	(v2sf) =	vpush v1, $0x0  }
0x331: {  	(v2sf) =	vpush v1, $0x1  }
0x332: {  	(v2sf) =	vpush v1, $0x2;
	_ =	sdelay $0x1  }
0x333: {  	(v2sf) =	vpush v1, $0x3  }
0x334: {  	(v2sf) =	vpush v1, $0x4;
	_ =	sdelay $0x1  }
0x335: {  	(v2sf) =	vpush v1, $0x5  }
0x336: {  	(v2sf) =	vpush v1, $0x6;
	_ =	sdelay $0x5  }
0x337: {  	s2 =	simm.s32 $0xDE80;
	s11 =	simm.s32 $0x0;
	(v2sf) =	vpush v1, $0x7  }
0x338: {  	s1 =	simm.s32 $0xD880;
	s12 =	simm.s32 $0xD900;
	s16 =	spop (v2sf)  }
0x339: {  	s17 =	simm.s32 $0xD700;
	s16 =	sand.u32 $0x1FFFFFF0, s16;
	s18 =	spop (v2sf)  }
0x33a: {  	s16 =	sadd.s32 s4, s16;
	s18 =	sand.u32 $0x1FFFFFF0, s18;
	s19 =	spop (v2sf)  }
0x33b: {  	(v2sf) =	vpush v1, $0x8;
	[tilespmem:s17], [sflag:$0x2] =	stream.linear.gather [hbm4b:s16+s3], $0x80, $0x38;
	[tilespmem:$0x15300] =	vst v63  }
0x33c: {  	s17 =	sadd.s32 s4, s18;
	s18 =	sand.u32 $0x1FFFFFF0, s19;
	s19 =	spop (v2sf)  }
0x33d: {  	s13 =	simm.s32 $0xD980;
	s14 =	simm.s32 $0xD780;
	s22 =	spop (v2sf)  }
0x33e: {  	[tilespmem:s14], [sflag:$0x2] =	stream.linear.gather [hbm4b:s17+s3], $0x80, $0x38;
	[tilespmem:$0x15300] =	vst v63  }
0x33f: {  	s15 =	simm.s32 $0xD800;
	s21 =	sand.u32 $0x1FFFFFF0, s19;
	s25 =	spop (v2sf)  }
0x340: {  	s20 =	sadd.s32 s4, s18;
	(v2sf) =	vpush v1, $0x9;
	s23 =	sadd.s32 s4, s21;
	s18 =	spop (v2sf)  }
0x341: {  	(v2sf) =	vpush v1, $0xA;
	[tilespmem:s15], [sflag:$0x2] =	stream.linear.gather [hbm4b:s20+s3], $0x80, $0x38;
	[tilespmem:$0x15300] =	vst v63  }
0x342: {  	s24 =	sand.u32 $0x1FFFFFF0, s22;
	s22 =	simm.s32 $0xDA00;
	s17 =	sand.u32 $0x1FFFFFF0, s25;
	(v2sf) =	vpush v1, $0xB  }
0x343: {  	[tilespmem:s1], [sflag:$0x2] =	stream.linear.gather [hbm4b:s23+s3], $0x80, $0x38;
	[tilespmem:$0x15300] =	vst v63  }
0x344: {  	s14 =	simm.s32 $0xDD00;
	s15 =	sadd.s32 s4, s24;
	s19 =	sadd.s32 s4, s17;
	(v2sf) =	vpush v1, $0xC  }
0x345: {  	[tilespmem:s12], [sflag:$0x2] =	stream.linear.gather [hbm4b:s15+s3], $0x80, $0x38;
	[tilespmem:$0x15300] =	vst v63  }
0x346: {  	s20 =	sand.u32 $0x1FFFFFF0, s18;
	s21 =	spop (v2sf);
	s24 =	simm.s32 $0xDA80;
	(v2sf) =	vpush v1, $0xD  }
0x347: {  	[tilespmem:s13], [sflag:$0x2] =	stream.linear.gather [hbm4b:s19+s3], $0x80, $0x38;
	[tilespmem:$0x15300] =	vst v63  }
0x348: {  	s23 =	sand.u32 $0x1FFFFFF0, s21;
	s1 =	simm.s32 $0xDE80;
	(v2sf) =	vpush v1, $0xE;
	s12 =	sadd.s32 s4, s20  }
0x349: {  	[tilespmem:s22], [sflag:$0x2] =	stream.linear.gather [hbm4b:s12+s3], $0x80, $0x38;
	[tilespmem:$0x15300] =	vst v63  }
0x34a: {  	s15 =	simm.s32 $0xDC80;
	s13 =	sadd.s32 s4, s23;
	s25 =	spop (v2sf);
	(v2sf) =	vpush v1, $0xF  }
0x34b: {  	[tilespmem:s24], [sflag:$0x2] =	stream.linear.gather [hbm4b:s13+s3], $0x80, $0x38;
	[tilespmem:$0x15300] =	vst v63  }
0x34c: {  	s12 =	simm.s32 $0xDD80;
	s16 =	sand.u32 $0x1FFFFFF0, s25;
	s13 =	sadd.s32 $0x10, s7  }
.LBB2_20:
0x34d: {  	v1 =	vld [tilespmem:s13+$0x0];
	s17 =	sadd.s32 $0xFFFFFC80, s2;
	s16 =	sadd.s32 s4, s16;
	s18 =	sadd.s32 $0xFFFFFD80, s2  }
0x34e: {  	[tilespmem:s17], [sflag:$0x2] =	stream.linear.gather [hbm4b:s16+s3], $0x80, $0x38;
	[tilespmem:$0x15300] =	vst v63  }
0x34f: {  	s11 =	sadd.s32 $0x10, s11;
	s16 =	sadd.s32 $0xFFFFFD00, s2;
	s17 =	spop (v2sf)  }
0x350: {  	p0 =	slt.u32 s11, $0xB0;
	s17 =	sand.u32 $0x1FFFFFF0, s17;
	s19 =	spop (v2sf)  }
0x351: {  	s17 =	sadd.s32 s4, s17;
	s19 =	sand.u32 $0x1FFFFFF0, s19;
	s20 =	spop (v2sf)  }
0x352: {  	v1 =	vshll.u32 v1, $0x4;
	[tilespmem:s16], [sflag:$0x2] =	stream.linear.gather [hbm4b:s17+s3], $0x80, $0x38;
	[tilespmem:$0x15300] =	vst v63  }
0x353: {  	s16 =	sadd.s32 s4, s19;
	s17 =	sand.u32 $0x1FFFFFF0, s20;
	(v2sf) =	vpush v1, $0x0;
	s19 =	spop (v2sf)  }
0x354: {  	(v2sf) =	vpush v1, $0x1;
	[tilespmem:s18], [sflag:$0x2] =	stream.linear.gather [hbm4b:s16+s3], $0x80, $0x38;
	[tilespmem:$0x15300] =	vst v63  }
0x355: {  	s16 =	sadd.s32 s4, s17;
	s17 =	sand.u32 $0x1FFFFFF0, s19;
	(v2sf) =	vpush v1, $0x2;
	s18 =	spop (v2sf)  }
0x356: {  	[tilespmem:s15], [sflag:$0x2] =	stream.linear.gather [hbm4b:s16+s3], $0x80, $0x38;
	[tilespmem:$0x15300] =	vst v63  }
0x357: {  	s15 =	sadd.s32 s4, s17;
	s16 =	sand.u32 $0x1FFFFFF0, s18;
	(v2sf) =	vpush v1, $0x3;
	s17 =	spop (v2sf)  }
0x358: {  	[tilespmem:s14], [sflag:$0x2] =	stream.linear.gather [hbm4b:s15+s3], $0x80, $0x38;
	[tilespmem:$0x15300] =	vst v63  }
0x359: {  	s14 =	sadd.s32 s4, s16;
	s15 =	sand.u32 $0x1FFFFFF0, s17;
	(v2sf) =	vpush v1, $0x4;
	s16 =	spop (v2sf)  }
0x35a: {  	[tilespmem:s12], [sflag:$0x2] =	stream.linear.gather [hbm4b:s14+s3], $0x80, $0x38;
	[tilespmem:$0x15300] =	vst v63  }
0x35b: {  	s12 =	sadd.s32 $0xFFFFFF80, s2;
	s14 =	sadd.s32 s4, s15;
	s15 =	sand.u32 $0x1FFFFFF0, s16;
	(v2sf) =	vpush v1, $0x5  }
0x35c: {  	[tilespmem:s12], [sflag:$0x2] =	stream.linear.gather [hbm4b:s14+s3], $0x80, $0x38;
	[tilespmem:$0x15300] =	vst v63  }
0x35d: {  	s2 =	sadd.s32 $0x800, s2;
	s12 =	sadd.s32 s4, s15;
	(v2sf) =	vpush v1, $0x6  }
0x35e: {  	[tilespmem:s1], [sflag:$0x2] =	stream.linear.gather [hbm4b:s12+s3], $0x80, $0x38;
	[tilespmem:$0x15300] =	vst v63  }
0x35f: {  	s13 =	sadd.s32 $0x10, s13;
	s12 =	sadd.s32 $0xFFFFFF00, s2;
	s1 =	smov.u32 s2;
	(v2sf) =	vpush v1, $0x7  }
0x360: {  	s16 =	sadd.s32 $0xFFFFFB80, s2;
	s15 =	sadd.s32 $0xFFFFFE00, s2;
	s14 =	sadd.s32 $0xFFFFFE80, s2  }
0x361: {  	s17 =	sadd.s32 $0xFFFFFA00, s2;
	s18 =	sadd.s32 $0xFFFFFA80, s2;
	s19 =	sadd.s32 $0xFFFFFB00, s2;
	(v2sf) =	vpush v1, $0x8  }
0x362: {  	s20 =	sadd.s32 $0xFFFFF900, s2;
	s21 =	sadd.s32 $0xFFFFF980, s2;
	s22 =	spop (v2sf)  }
0x363: {  	s23 =	sadd.s32 $0xFFFFF880, s2;
	s22 =	sand.u32 $0x1FFFFFF0, s22;
	s24 =	spop (v2sf)  }
0x364: {  	s22 =	sadd.s32 s4, s22;
	s24 =	sand.u32 $0x1FFFFFF0, s24;
	s25 =	spop (v2sf)  }
0x365: {  	[tilespmem:s23], [sflag:$0x2] =	stream.linear.gather [hbm4b:s22+s3], $0x80, $0x38;
	[tilespmem:$0x15300] =	vst v63  }
0x366: {  	s22 =	sadd.s32 s4, s24;
	s23 =	sand.u32 $0x1FFFFFF0, s25;
	s24 =	spop (v2sf)  }
0x367: {  	[tilespmem:s20], [sflag:$0x2] =	stream.linear.gather [hbm4b:s22+s3], $0x80, $0x38;
	(v2sf) =	vpush v1, $0x9;
	[tilespmem:$0x15300] =	vst v63  }
0x368: {  	s20 =	sadd.s32 s4, s23;
	s22 =	sand.u32 $0x1FFFFFF0, s24;
	s23 =	spop (v2sf);
	(v2sf) =	vpush v1, $0xA  }
0x369: {  	[tilespmem:s21], [sflag:$0x2] =	stream.linear.gather [hbm4b:s20+s3], $0x80, $0x38;
	(v2sf) =	vpush v1, $0xB;
	[tilespmem:$0x15300] =	vst v63  }
0x36a: {  	s20 =	sadd.s32 s4, s22;
	s21 =	sand.u32 $0x1FFFFFF0, s23;
	s22 =	spop (v2sf)  }
0x36b: {  	[tilespmem:s17], [sflag:$0x2] =	stream.linear.gather [hbm4b:s20+s3], $0x80, $0x38;
	(v2sf) =	vpush v1, $0xC;
	[tilespmem:$0x15300] =	vst v63  }
0x36c: {  	s17 =	sadd.s32 s4, s21;
	s20 =	sand.u32 $0x1FFFFFF0, s22;
	s21 =	spop (v2sf)  }
0x36d: {  	[tilespmem:s18], [sflag:$0x2] =	stream.linear.gather [hbm4b:s17+s3], $0x80, $0x38;
	(v2sf) =	vpush v1, $0xD;
	[tilespmem:$0x15300] =	vst v63  }
0x36e: {  	s17 =	sadd.s32 s4, s20;
	s18 =	sand.u32 $0x1FFFFFF0, s21;
	s20 =	spop (v2sf)  }
0x36f: {  	[tilespmem:s19], [sflag:$0x2] =	stream.linear.gather [hbm4b:s17+s3], $0x80, $0x38;
	[tilespmem:$0x15300] =	vst v63  }
.Ltmp11:
0x370: {  	(v2sf) =	vpush v1, $0xE;
	(pc) =	sbr.rel @p0 .LBB2_20-.Ltmp11, $4  }
0x371: {  	s17 =	sadd.s32 s4, s18;
	s18 =	sand.u32 $0x1FFFFFF0, s20;
	s19 =	spop (v2sf)  }
0x372: {  	[tilespmem:s16], [sflag:$0x2] =	stream.linear.gather [hbm4b:s17+s3], $0x80, $0x38;
	(v2sf) =	vpush v1, $0xF;
	[tilespmem:$0x15300] =	vst v63  }
0x373: {  	s18 =	sadd.s32 s4, s18;
	s17 =	sadd.s32 $0xFFFFFC00, s2;
	s16 =	sand.u32 $0x1FFFFFF0, s19  }
0x374: {  	[tilespmem:s17], [sflag:$0x2] =	stream.linear.gather [hbm4b:s18+s3], $0x80, $0x38;
	[tilespmem:$0x15300] =	vst v63  }
0x375: {  	s11 =	sadd.s32 $0xFFFFFC80, s2;
	s13 =	sadd.s32 s4, s16  }
0x376: {  	[tilespmem:s11], [sflag:$0x2] =	stream.linear.gather [hbm4b:s13+s3], $0x80, $0x38;
	[tilespmem:$0x15300] =	vst v63  }
0x377: {  	s25 =	sadd.s32 $0xFFFFFD80, s2;
	s18 =	spop (v2sf)  }
0x378: {  	s19 =	sadd.s32 $0xFFFFFD00, s2;
	s13 =	sand.u32 $0x1FFFFFF0, s18;
	s17 =	spop (v2sf)  }
0x379: {  	s13 =	sadd.s32 s4, s13;
	s17 =	sand.u32 $0x1FFFFFF0, s17;
	s18 =	spop (v2sf)  }
0x37a: {  	[tilespmem:s19], [sflag:$0x2] =	stream.linear.gather [hbm4b:s13+s3], $0x80, $0x38;
	[tilespmem:$0x15300] =	vst v63  }
0x37b: {  	s20 =	sadd.s32 s4, s17;
	s21 =	sand.u32 $0x1FFFFFF0, s18;
	s22 =	spop (v2sf)  }
0x37c: {  	[tilespmem:s25], [sflag:$0x2] =	stream.linear.gather [hbm4b:s20+s3], $0x80, $0x38;
	[tilespmem:$0x15300] =	vst v63  }
0x37d: {  	s23 =	sadd.s32 s4, s21;
	s24 =	sand.u32 $0x1FFFFFF0, s22;
	s25 =	spop (v2sf)  }
0x37e: {  	[tilespmem:s15], [sflag:$0x2] =	stream.linear.gather [hbm4b:s23+s3], $0x80, $0x38;
	[tilespmem:$0x15300] =	vst v63  }
0x37f: {  	s17 =	sadd.s32 s4, s24;
	s18 =	sand.u32 $0x1FFFFFF0, s25;
	s19 =	spop (v2sf)  }
0x380: {  	[tilespmem:s14], [sflag:$0x2] =	stream.linear.gather [hbm4b:s17+s3], $0x80, $0x38;
	[tilespmem:$0x15300] =	vst v63  }
0x381: {  	s20 =	sadd.s32 s4, s18;
	s21 =	sand.u32 $0x1FFFFFF0, s19;
	s22 =	spop (v2sf)  }
0x382: {  	[tilespmem:s12], [sflag:$0x2] =	stream.linear.gather [hbm4b:s20+s3], $0x80, $0x38;
	[tilespmem:$0x15300] =	vst v63  }
0x383: {  	s23 =	sadd.s32 $0xFFFFFF80, s2;
	s24 =	sadd.s32 s4, s21;
	s25 =	sand.u32 $0x1FFFFFF0, s22  }
0x384: {  	[tilespmem:s23], [sflag:$0x2] =	stream.linear.gather [hbm4b:s24+s3], $0x80, $0x38;
	[tilespmem:$0x15300] =	vst v63  }
0x385: {  	s11 =	sadd.s32 s4, s25  }
0x386: {  	[tilespmem:s1], [sflag:$0x2] =	stream.linear.gather [hbm4b:s11+s3], $0x80, $0x38;
	[tilespmem:$0x15300] =	vst v63  }
0x387: {  	v1 =	vld [tilespmem:s8+$0x318];
	_ =	sdelay $0x4  }
0x388: {  	v1 =	vshll.u32 v1, $0x4  }
0x389: {  	(v2sf) =	vpush v1, $0x0;
	_ =	sdelay $0x1  }
0x38a: {  	(v2sf) =	vpush v1, $0x1;
	_ =	sdelay $0x1  }
0x38b: {  	(v2sf) =	vpush v1, $0x2;
	_ =	sdelay $0x2  }
0x38c: {  	(v2sf) =	vpush v1, $0x3;
	_ =	sdelay $0x7  }
0x38d: {  	s12 =	spop (v2sf);
	(v2sf) =	vpush v1, $0x4;
	_ =	sdelay $0x1  }
0x38e: {  	s14 =	spop (v2sf);
	(v2sf) =	vpush v1, $0x5  }
0x38f: {  	s1 =	sand.u32 $0x1FFFFFF0, s12  }
0x390: {  	s13 =	simm.s32 $0x13700;
	s1 =	sadd.s32 s4, s1;
	s16 =	spop (v2sf)  }
0x391: {  	(v2sf) =	vpush v1, $0x6;
	[tilespmem:s13], [sflag:$0x2] =	stream.linear.gather [hbm4b:s1+s3], $0x80, $0x38;
	[tilespmem:$0x15300] =	vst v63  }
0x392: {  	s1 =	sand.u32 $0x1FFFFFF0, s14  }
0x393: {  	s15 =	simm.s32 $0x13780;
	s18 =	spop (v2sf);
	s1 =	sadd.s32 s4, s1  }
0x394: {  	(v2sf) =	vpush v1, $0x7;
	[tilespmem:s15], [sflag:$0x2] =	stream.linear.gather [hbm4b:s1+s3], $0x80, $0x38;
	[tilespmem:$0x15300] =	vst v63  }
0x395: {  	s1 =	sand.u32 $0x1FFFFFF0, s16  }
0x396: {  	s17 =	simm.s32 $0x13800;
	s1 =	sadd.s32 s4, s1  }
0x397: {  	[tilespmem:s17], [sflag:$0x2] =	stream.linear.gather [hbm4b:s1+s3], $0x80, $0x38;
	[tilespmem:$0x15300] =	vst v63  }
0x398: {  	s1 =	sand.u32 $0x1FFFFFF0, s18  }
0x399: {  	s19 =	simm.s32 $0x13880;
	s1 =	sadd.s32 s4, s1  }
0x39a: {  	[tilespmem:s19], [sflag:$0x2] =	stream.linear.gather [hbm4b:s1+s3], $0x80, $0x38;
	[tilespmem:$0x15300] =	vst v63  }
0x39b: {  	s20 =	spop (v2sf)  }
0x39c: {  	s1 =	sand.u32 $0x1FFFFFF0, s20  }
0x39d: {  	s21 =	simm.s32 $0x13900;
	s22 =	spop (v2sf);
	s1 =	sadd.s32 s4, s1  }
0x39e: {  	[tilespmem:s21], [sflag:$0x2] =	stream.linear.gather [hbm4b:s1+s3], $0x80, $0x38;
	[tilespmem:$0x15300] =	vst v63  }
0x39f: {  	s1 =	sand.u32 $0x1FFFFFF0, s22  }
0x3a0: {  	s23 =	simm.s32 $0x13980;
	s24 =	spop (v2sf);
	s1 =	sadd.s32 s4, s1  }
0x3a1: {  	[tilespmem:s23], [sflag:$0x2] =	stream.linear.gather [hbm4b:s1+s3], $0x80, $0x38;
	[tilespmem:$0x15300] =	vst v63  }
0x3a2: {  	s9 =	sadd.s32 $0x1, s9;
	s1 =	sand.u32 $0x1FFFFFF0, s24  }
.Ltmp12:
0x3a3: {  	s25 =	spop (v2sf);
	s1 =	sadd.s32 s4, s1;
	(pc) =	sbr.rel .LBB2_6-.Ltmp12, $4  }
0x3a4: {  	[tilespmem:s26], [sflag:$0x2] =	stream.linear.gather [hbm4b:s1+s3], $0x80, $0x38;
	[tilespmem:$0x15300] =	vst v63  }
0x3a5: {  	s0 =	sadd.s32 $0x190, s0;
	s5 =	sadd.s32 $0x190, s5;
	s1 =	sand.u32 $0x1FFFFFF0, s25  }
0x3a6: {  	s6 =	sadd.s32 $0x190, s6;
	s7 =	sadd.s32 $0x190, s7;
	s1 =	sadd.s32 s4, s1  }
0x3a7: {  	[tilespmem:s28], [sflag:$0x2] =	stream.linear.gather [hbm4b:s1+s3], $0x80, $0x38;
	[tilespmem:$0x15300] =	vst v63  }
.LBB2_23:
0x3a8: {  	_ =	sfence.sel $0x180000  }
0x3a9: {  	[bflag:$0x0] =	sbarrier.arrive $0xFFFF  }
0x3aa: {  	_ =	strace $0x90000047  }
0x3ab: {  	s0 =	stileid.u32;
	[bflag:$0x2] =	sbarrier.arrive $0xFFFF  }
0x3ac: {  	p0 =	sne.s32 s0, $0x0;
	s0 =	rddreg [dreg:$0x4]  }
0x3ad: {  	s0 =	sadd.s32 @!p0 $0x100000, s0  }
0x3ae: {  	[sflag:s0] =	ssyncadd.tile.s32 @!p0 $0x1;
	_ =	shalt  }
.Lfunc_end2:
_tile_overlayer_lowered:
.L_overlay_start_2:
0x3af: {  	(tag) =	ssettag $0x2  }
0x3b0: {  	s0 =	rddreg [dreg:$0x0];
	s2 =	stileid.u32  }
0x3b1: {  	s1 =	rddreg [dreg:$0x1];
	p0 =	sne.s32 s2, $0x0  }
0x3b2: {  	s3 =	rddreg [dreg:$0x2];
	[bflag:$0x3] =	sbarrier.arrive $0xFFFF;
	s2 =	simm.s32 @!p0 $0x1C04  }
0x3b3: {  	[timem:s3], [sflag:s2] =	dma.local @!p0 [hbm:s0], s1  }
0x3b4: {  	s0 =	simm.s32 @!p0 $0x4  }
0x3b5: {  	_ =	swait.ge @!p0 [sflag:s0], s1  }
0x3b6: {  	s1 =	ssub.s32 @!p0 $0x0, s1;
	[sflag:s0] =	ssyncset.done @!p0 $0x0  }
0x3b7: {  	[sflag:s0] =	ssyncadd.s32 @!p0 s1  }
0x3b8: {  	[bflag:$0x3] =	sbarrier.arrive $0xFFFF  }
0x3b9: {  	_ =	shalt  }

</sc_bundles>
